<compile_context>
chip_gen: v7x
topology: tpu7x:2x2x1
jax: 0.10.2.dev20260603
libtpu: 0.0.44.dev20260713+nightly
codegen_flags: <defaults>
</compile_context>

<pallas_src>
import functools

import jax
import jax.numpy as jnp
from jax.experimental import pallas as pl
from jax.experimental.pallas import tpu as pltpu

_B = 8
_K = 20
_EPS = 1e-5
_TP = 256



def _dist_body(ha_ref, hr_ref, sqa_ref, sqr_ref, d2_ref, *, p, tp):
    t = pl.program_id(1)
    ha = ha_ref[0]
    hr = hr_ref[0]
    prod = jax.lax.dot_general(hr.astype(jnp.bfloat16), ha.astype(jnp.bfloat16),
                               (((1,), (1,)), ((), ())),
                               preferred_element_type=jnp.float32)
    d2 = sqr_ref[0] + sqa_ref[0] - 2.0 * prod
    row_g = t * tp + jax.lax.broadcasted_iota(jnp.int32, (tp, 1), 0)
    col = jax.lax.broadcasted_iota(jnp.int32, (tp, p), 1)
    d2_ref[0] = jnp.where(col == row_g, jnp.inf, d2)


def _dist(h3, sq):
    b, p, cin = h3.shape
    tp = min(_TP, p)
    tpb = p // tp
    return pl.pallas_call(
        functools.partial(_dist_body, p=p, tp=tp),
        grid=(b, tpb),
        in_specs=[
            pl.BlockSpec((1, p, cin), lambda i, t: (i, 0, 0)),
            pl.BlockSpec((1, tp, cin), lambda i, t: (i, t, 0)),
            pl.BlockSpec((1, 1, p), lambda i, t: (i, 0, 0)),
            pl.BlockSpec((1, tp, 1), lambda i, t: (i, t, 0)),
        ],
        out_specs=pl.BlockSpec((1, tp, p), lambda i, t: (i, t, 0)),
        out_shape=jax.ShapeDtypeStruct((b, p, p), jnp.float32),
    )(h3, h3, sq.reshape(b, 1, p), sq.reshape(b, p, 1))


def _h1_body(ha_ref, hr_ref, idx_ref, w1_ref, b1_ref, h1_ref, *, p, tp, k):
    ha = ha_ref[0]
    hr = hr_ref[0]
    w1 = w1_ref[...]
    b1 = b1_ref[...]
    cout = w1.shape[1]
    col = jax.lax.broadcasted_iota(jnp.int32, (tp, p), 1)
    for j in range(k):
        ids = idx_ref[0][:, j:j + 1]
        oh = (col == ids).astype(jnp.float32)
        xj = jax.lax.dot_general(oh, ha, (((1,), (0,)), ((), ())),
                                 preferred_element_type=jnp.float32,
                                 precision=jax.lax.Precision.HIGHEST)
        tmp = jnp.concatenate([hr, xj - hr], axis=1)
        h1 = jax.lax.dot_general(tmp, w1, (((1,), (0,)), ((), ())),
                                 preferred_element_type=jnp.float32) + b1
        h1_ref[0, :, j * cout:(j + 1) * cout] = h1


def _h1(h3, idx, W1, b1):
    b, p, cin = h3.shape
    cout = W1.shape[1]
    tp = min(_TP, p)
    return pl.pallas_call(
        functools.partial(_h1_body, p=p, tp=tp, k=_K),
        grid=(b, p // tp),
        in_specs=[
            pl.BlockSpec((1, p, cin), lambda i, t: (i, 0, 0)),
            pl.BlockSpec((1, tp, cin), lambda i, t: (i, t, 0)),
            pl.BlockSpec((1, tp, _K), lambda i, t: (i, t, 0)),
            pl.BlockSpec((2 * cin, cout), lambda i, t: (0, 0)),
            pl.BlockSpec((1, cout), lambda i, t: (0, 0)),
        ],
        out_specs=pl.BlockSpec((1, tp, _K * cout), lambda i, t: (i, t, 0)),
        out_shape=jax.ShapeDtypeStruct((b, p, _K * cout), jnp.float32),
    )(h3, h3, idx, W1, b1.reshape(1, -1))



def _e2_body(h1_ref, m1_ref, v1_ref, g1_ref, be1_ref, w2_ref, b2_ref,
             mx_ref, mn_ref, h2_ref, *, tp, k, cout):
    m1 = m1_ref[...]
    sd1 = jnp.sqrt(v1_ref[...] + _EPS)
    g1 = g1_ref[...]
    be1 = be1_ref[...]
    w2 = w2_ref[...]
    b2 = b2_ref[...]
    cout2 = w2.shape[1]
    mx = jnp.full((tp, cout2), -jnp.inf, jnp.float32)
    mn = jnp.full((tp, cout2), jnp.inf, jnp.float32)
    for j in range(k):
        h1 = h1_ref[0, :, j * cout:(j + 1) * cout]
        r = jnp.maximum((h1 - m1) / sd1 * g1 + be1, 0.0)
        h2 = jax.lax.dot_general(r, w2, (((1,), (0,)), ((), ())),
                                 preferred_element_type=jnp.float32) + b2
        mx = jnp.maximum(mx, h2)
        mn = jnp.minimum(mn, h2)
        h2_ref[0, :, j * cout2:(j + 1) * cout2] = h2
    mx_ref[...] = mx
    mn_ref[...] = mn


def _e2(h1e, m1, v1, g1, be1, W2, b2):
    b, p, kc = h1e.shape
    cout = kc // _K
    cout2 = W2.shape[1]
    tp = min(_TP, p)
    tpb = p // tp
    n = b * p
    return pl.pallas_call(
        functools.partial(_e2_body, tp=tp, k=_K, cout=cout),
        grid=(b, tpb),
        in_specs=[
            pl.BlockSpec((1, tp, kc), lambda i, t: (i, t, 0)),
            pl.BlockSpec((1, cout), lambda i, t: (0, 0)),
            pl.BlockSpec((1, cout), lambda i, t: (0, 0)),
            pl.BlockSpec((1, cout), lambda i, t: (0, 0)),
            pl.BlockSpec((1, cout), lambda i, t: (0, 0)),
            pl.BlockSpec((cout, cout2), lambda i, t: (0, 0)),
            pl.BlockSpec((1, cout2), lambda i, t: (0, 0)),
        ],
        out_specs=[
            pl.BlockSpec((tp, cout2), lambda i, t: (i * tpb + t, 0)),
            pl.BlockSpec((tp, cout2), lambda i, t: (i * tpb + t, 0)),
            pl.BlockSpec((1, tp, _K * cout2), lambda i, t: (i, t, 0)),
        ],
        out_shape=[
            jax.ShapeDtypeStruct((n, cout2), jnp.float32),
            jax.ShapeDtypeStruct((n, cout2), jnp.float32),
            jax.ShapeDtypeStruct((b, p, _K * cout2), jnp.float32),
        ],
        compiler_params=pltpu.CompilerParams(
            dimension_semantics=("arbitrary", "arbitrary")),
    )(h1e, m1, v1, g1.reshape(1, -1), be1.reshape(1, -1), W2, b2.reshape(1, -1))



def _fin_body(mx_ref, mn_ref, m_ref, v_ref, g_ref, be_ref, o_ref):
    g = g_ref[...]
    o = jnp.where(g >= 0.0, mx_ref[...], mn_ref[...])
    o_ref[...] = (o - m_ref[...]) / jnp.sqrt(v_ref[...] + _EPS) * g + be_ref[...]


def _finish(mx, mn, m2, v2, g2, be2):
    n, c = mx.shape
    tp = 512
    return pl.pallas_call(
        _fin_body,
        grid=(n // tp,),
        in_specs=[
            pl.BlockSpec((tp, c), lambda i: (i, 0)),
            pl.BlockSpec((tp, c), lambda i: (i, 0)),
            pl.BlockSpec((1, c), lambda i: (0, 0)),
            pl.BlockSpec((1, c), lambda i: (0, 0)),
            pl.BlockSpec((1, c), lambda i: (0, 0)),
            pl.BlockSpec((1, c), lambda i: (0, 0)),
        ],
        out_specs=pl.BlockSpec((tp, c), lambda i: (i, 0)),
        out_shape=jax.ShapeDtypeStruct((n, c), jnp.float32),
    )(mx, mn, m2, v2, g2.reshape(1, -1), be2.reshape(1, -1))



def _mlp_body(h_ref, m_ref, v_ref, g_ref, be_ref, w_ref, b_ref,
              o_ref, s1_ref, s2_ref, *, bn, act):
    x = h_ref[...]
    if bn:
        x = (x - m_ref[...]) / jnp.sqrt(v_ref[...] + _EPS) * g_ref[...] + be_ref[...]
    y = jax.lax.dot_general(x, w_ref[...], (((1,), (0,)), ((), ())),
                            preferred_element_type=jnp.float32) + b_ref[...]
    if act:
        y = jnp.where(y >= 0.0, y, 0.01 * y)
    o_ref[...] = y

    @pl.when(pl.program_id(0) == 0)
    def _():
        s1_ref[...] = jnp.zeros_like(s1_ref)
        s2_ref[...] = jnp.zeros_like(s2_ref)

    s1_ref[...] += jnp.sum(y, axis=0, keepdims=True)
    s2_ref[...] += jnp.sum(y * y, axis=0, keepdims=True)


def _mlp_stage(h, m, v, g, be, W, bb, *, bn=True):
    n, cin = h.shape
    cout = W.shape[1]
    tp = 512
    return pl.pallas_call(
        functools.partial(_mlp_body, bn=bn, act=True),
        grid=(n // tp,),
        in_specs=[
            pl.BlockSpec((tp, cin), lambda i: (i, 0)),
            pl.BlockSpec((1, cin), lambda i: (0, 0)),
            pl.BlockSpec((1, cin), lambda i: (0, 0)),
            pl.BlockSpec((1, cin), lambda i: (0, 0)),
            pl.BlockSpec((1, cin), lambda i: (0, 0)),
            pl.BlockSpec((cin, cout), lambda i: (0, 0)),
            pl.BlockSpec((1, cout), lambda i: (0, 0)),
        ],
        out_specs=[
            pl.BlockSpec((tp, cout), lambda i: (i, 0)),
            pl.BlockSpec((1, cout), lambda i: (0, 0)),
            pl.BlockSpec((1, cout), lambda i: (0, 0)),
        ],
        out_shape=[
            jax.ShapeDtypeStruct((n, cout), jnp.float32),
            jax.ShapeDtypeStruct((1, cout), jnp.float32),
            jax.ShapeDtypeStruct((1, cout), jnp.float32),
        ],
        compiler_params=pltpu.CompilerParams(
            dimension_semantics=("arbitrary",)),
    )(h, m, v, g.reshape(1, -1), be.reshape(1, -1), W, bb.reshape(1, -1))


def _mlp_final_body(h_ref, m_ref, v_ref, g_ref, be_ref, w_ref, b_ref, o_ref):
    x = (h_ref[...] - m_ref[...]) / jnp.sqrt(v_ref[...] + _EPS) * g_ref[...] + be_ref[...]
    o_ref[...] = jax.lax.dot_general(x, w_ref[...], (((1,), (0,)), ((), ())),
                                     preferred_element_type=jnp.float32) + b_ref[...]


def _mlp_final(h, m, v, g, be, W, bb):
    n, cin = h.shape
    cout = W.shape[1]
    tp = 512
    return pl.pallas_call(
        _mlp_final_body,
        grid=(n // tp,),
        in_specs=[
            pl.BlockSpec((tp, cin), lambda i: (i, 0)),
            pl.BlockSpec((1, cin), lambda i: (0, 0)),
            pl.BlockSpec((1, cin), lambda i: (0, 0)),
            pl.BlockSpec((1, cin), lambda i: (0, 0)),
            pl.BlockSpec((1, cin), lambda i: (0, 0)),
            pl.BlockSpec((cin, cout), lambda i: (0, 0)),
            pl.BlockSpec((1, cout), lambda i: (0, 0)),
        ],
        out_specs=pl.BlockSpec((tp, cout), lambda i: (i, 0)),
        out_shape=jax.ShapeDtypeStruct((n, cout), jnp.float32),
    )(h, m, v, g.reshape(1, -1), be.reshape(1, -1), W, bb.reshape(1, -1))


def _mv(s1, s2, n):
    m = s1 / n
    v = s2 / n - m * m
    return m, v



def kernel(x, batch,
           c1_W1, c1_b1, c1_g1, c1_be1, c1_W2, c1_b2, c1_g2, c1_be2,
           c2_W1, c2_b1, c2_g1, c2_be1, c2_W2, c2_b2, c2_g2, c2_be2,
           c3_W1, c3_b1, c3_g1, c3_be1, c3_W2, c3_b2, c3_g2, c3_be2,
           c4_W1, c4_b1, c4_g1, c4_be1, c4_W2, c4_b2, c4_g2, c4_be2,
           W5, b5, g5, be5,
           m1_W, m1_b, m1_g, m1_be,
           m2_W, m2_b, m2_g, m2_be,
           m3_W, m3_b):
    n = x.shape[0]
    p = n // _B
    nk = float(n * _K)
    layers = [
        (c1_W1, c1_b1, c1_g1, c1_be1, c1_W2, c1_b2, c1_g2, c1_be2),
        (c2_W1, c2_b1, c2_g1, c2_be1, c2_W2, c2_b2, c2_g2, c2_be2),
        (c3_W1, c3_b1, c3_g1, c3_be1, c3_W2, c3_b2, c3_g2, c3_be2),
        (c4_W1, c4_b1, c4_g1, c4_be1, c4_W2, c4_b2, c4_g2, c4_be2),
    ]
    h = x
    feats = []
    for (W1, b1, g1, be1, W2, b2, g2, be2) in layers:
        h3 = h.reshape(_B, p, h.shape[1])
        sq = jnp.sum(h3 * h3, axis=-1)
        d2 = _dist(h3, sq)
        _, idx = jax.lax.top_k(-d2, _K)
        h1e = _h1(h3, idx, W1, b1)
        h1f = h1e.reshape(n * _K, W1.shape[1])
        m1 = jnp.mean(h1f, axis=0).reshape(1, -1)
        v1 = jnp.var(h1f, axis=0).reshape(1, -1)
        mx, mn, h2e = _e2(h1e, m1, v1, g1, be1, W2, b2)
        h2f = h2e.reshape(n * _K, W2.shape[1])
        m2 = jnp.mean(h2f, axis=0).reshape(1, -1)
        v2 = jnp.var(h2f, axis=0).reshape(1, -1)
        h = _finish(mx, mn, m2, v2, g2, be2)
        feats.append(h)
    xcat = jnp.concatenate(feats, axis=1)
    zz = jnp.zeros((1, xcat.shape[1]), jnp.float32)
    h5, s1, s2 = _mlp_stage(xcat, zz, zz, jnp.zeros((320,)), jnp.zeros((320,)),
                            W5, b5, bn=False)
    m, v = _mv(s1, s2, float(n))
    h6, s1, s2 = _mlp_stage(h5, m, v, g5, be5, m1_W, m1_b)
    m, v = _mv(s1, s2, float(n))
    h7, s1, s2 = _mlp_stage(h6, m, v, m1_g, m1_be, m2_W, m2_b)
    m, v = _mv(s1, s2, float(n))
    return _mlp_final(h7, m, v, m2_g, m2_be, m3_W, m3_b)

# --- scband reference (transcript-rebuilt; emitter-appended) ---
"""Pipeline reference for scband-dgcnn-73950746902596 (READ-ONLY COPY).

The authoritative reference and input builder live on the scoring server;
editing this copy changes nothing except your own understanding.
"""

import jax, jax.numpy as jnp
import numpy as np

B, P, K = 8, 2048, 20
N = B * P


def _knn(x, b, p, k, batch):
    d = x.shape[1]
    xr = x.reshape(b, p, d)
    sq = jnp.sum(xr * xr, axis=-1)
    d2 = sq[:, :, None] + sq[:, None, :] - 2.0 * jnp.einsum('bpd,bqd->bpq', xr, xr)
    d2 = jnp.where(jnp.eye(p, dtype=bool)[None, :, :], jnp.inf, d2)
    _, idx = jax.lax.top_k(-d2, k)
    offs = (batch.reshape(b, p)[:, 0].astype(idx.dtype) * p)[:, None, None]
    return (idx + offs).reshape(b * p, k)


def _bn(h, g, b):
    m = jnp.mean(h, axis=0)
    v = jnp.var(h, axis=0)
    return (h - m) / jnp.sqrt(v + 1e-5) * g + b


def _edge_conv(x, idx, W1, b1, g1, be1, W2, b2, g2, be2):
    n, k = idx.shape
    x_j = x[idx]
    x_i = jnp.broadcast_to(x[:, None, :], x_j.shape)
    tmp = jnp.concatenate([x_i, x_j - x_i], axis=-1).reshape(n * k, -1)
    h = tmp @ W1 + b1
    h = _bn(h, g1, be1)
    h = jax.nn.relu(h)
    h = h @ W2 + b2
    h = _bn(h, g2, be2)
    return jnp.max(h.reshape(n, k, -1), axis=1)


def _forward(p, batch):
    h = p['x']
    feats = []
    for c in ['c1', 'c2', 'c3', 'c4']:
        idx = _knn(h, B, P, K, batch)
        h = _edge_conv(h, idx, p[c + '_W1'], p[c + '_b1'], p[c + '_g1'], p[c + '_be1'],
                       p[c + '_W2'], p[c + '_b2'], p[c + '_g2'], p[c + '_be2'])
        feats.append(h)
    xcat = jnp.concatenate(feats, axis=1)
    h = _bn(jax.nn.leaky_relu(xcat @ p['W5'] + p['b5'], 0.01), p['g5'], p['be5'])
    h = _bn(jax.nn.leaky_relu(h @ p['m1_W'] + p['m1_b'], 0.01), p['m1_g'], p['m1_be'])
    h = _bn(jax.nn.leaky_relu(h @ p['m2_W'] + p['m2_b'], 0.01), p['m2_g'], p['m2_be'])
    return h @ p['m3_W'] + p['m3_b']


def setup_inputs(seed=0):
    key = jax.random.key(seed)
    ks = jax.random.split(key, 16)
    inp = {}
    inp['x'] = jax.random.normal(ks[0], (N, 3), dtype=jnp.float32)
    inp['batch'] = jnp.repeat(jnp.arange(B, dtype=jnp.int32), P)

    def conv_p(k, cin, cout, pref):
        k1, k2 = jax.random.split(k)
        inp[pref + '_W1'] = jax.random.normal(k1, (2 * cin, cout), dtype=jnp.float32) / np.sqrt(2 * cin)
        inp[pref + '_b1'] = jnp.zeros((cout,), jnp.float32)
        inp[pref + '_g1'] = jnp.ones((cout,), jnp.float32)
        inp[pref + '_be1'] = jnp.zeros((cout,), jnp.float32)
        inp[pref + '_W2'] = jax.random.normal(k2, (cout, cout), dtype=jnp.float32) / np.sqrt(cout)
        inp[pref + '_b2'] = jnp.zeros((cout,), jnp.float32)
        inp[pref + '_g2'] = jnp.ones((cout,), jnp.float32)
        inp[pref + '_be2'] = jnp.zeros((cout,), jnp.float32)

    conv_p(ks[1], 3, 64, 'c1')
    conv_p(ks[2], 64, 64, 'c2')
    conv_p(ks[3], 64, 64, 'c3')
    conv_p(ks[4], 64, 128, 'c4')
    inp['W5'] = jax.random.normal(ks[5], (320, 1024), dtype=jnp.float32) / np.sqrt(320)
    inp['b5'] = jnp.zeros((1024,), jnp.float32)
    inp['g5'] = jnp.ones((1024,), jnp.float32)
    inp['be5'] = jnp.zeros((1024,), jnp.float32)
    inp['m1_W'] = jax.random.normal(ks[6], (1024, 512), dtype=jnp.float32) / np.sqrt(1024)
    inp['m1_b'] = jnp.zeros((512,), jnp.float32)
    inp['m1_g'] = jnp.ones((512,), jnp.float32)
    inp['m1_be'] = jnp.zeros((512,), jnp.float32)
    inp['m2_W'] = jax.random.normal(ks[7], (512, 256), dtype=jnp.float32) / np.sqrt(512)
    inp['m2_b'] = jnp.zeros((256,), jnp.float32)
    inp['m2_g'] = jnp.ones((256,), jnp.float32)
    inp['m2_be'] = jnp.zeros((256,), jnp.float32)
    inp['m3_W'] = jax.random.normal(ks[8], (256, 40), dtype=jnp.float32) / np.sqrt(256)
    inp['m3_b'] = jnp.zeros((40,), jnp.float32)
    return inp


def reference(x, batch,
              c1_W1, c1_b1, c1_g1, c1_be1, c1_W2, c1_b2, c1_g2, c1_be2,
              c2_W1, c2_b1, c2_g1, c2_be1, c2_W2, c2_b2, c2_g2, c2_be2,
              c3_W1, c3_b1, c3_g1, c3_be1, c3_W2, c3_b2, c3_g2, c3_be2,
              c4_W1, c4_b1, c4_g1, c4_be1, c4_W2, c4_b2, c4_g2, c4_be2,
              W5, b5, g5, be5,
              m1_W, m1_b, m1_g, m1_be,
              m2_W, m2_b, m2_g, m2_be,
              m3_W, m3_b):
    p = dict(locals())
    batch = p.pop('batch')
    return _forward(p, batch)

if __name__ == "__main__":
    import jax
    _d = setup_inputs()
    print(jax.jit(kernel)(*tuple(_d.values())))

</pallas_src>

<mosaic_0001>
module attributes {stable_mosaic.version = 14 : i64} {
  func.func @_dist_body(%arg0: i32, %arg1: i32, %arg2: memref<1x2048x3xf32, #tpu.memory_space<vmem>>, %arg3: memref<1x256x3xf32, #tpu.memory_space<vmem>>, %arg4: memref<1x1x2048xf32, #tpu.memory_space<vmem>>, %arg5: memref<1x256x1xf32, #tpu.memory_space<vmem>>, %arg6: memref<1x256x2048xf32, #tpu.memory_space<vmem>>) attributes {dimension_semantics = [#tpu.dimension_semantics<arbitrary>, #tpu.dimension_semantics<arbitrary>], iteration_bounds = array<i64: 8, 8>, scalar_prefetch = 0 : i64, scratch_operands = 0 : i64, tpu.core_type = #tpu.core_type<tc>, window_params = [{transform_indices = @transform_0, window_bounds = array<i64: 1, 2048, 3>}, {transform_indices = @transform_1, window_bounds = array<i64: 1, 256, 3>}, {transform_indices = @transform_2, window_bounds = array<i64: 1, 1, 2048>}, {transform_indices = @transform_3, window_bounds = array<i64: 1, 256, 1>}, {transform_indices = @transform_4, window_bounds = array<i64: 1, 256, 2048>}]} {
    %get3A = arith.constant 0 : index
    %get3A_0 = arith.constant 0 : index
    %get3A_1 = arith.constant 0 : index
    %get3A_2 = vector.load %arg2[%get3A, %get3A_0, %get3A_1] : memref<1x2048x3xf32, #tpu.memory_space<vmem>>, vector<1x2048x3xf32>
    %get3A_3 = vector.shape_cast %get3A_2 : vector<1x2048x3xf32> to vector<2048x3xf32>
    %get3A_4 = arith.constant 0 : index
    %get3A_5 = arith.constant 0 : index
    %get3A_6 = arith.constant 0 : index
    %get3A_7 = vector.load %arg3[%get3A_4, %get3A_5, %get3A_6] : memref<1x256x3xf32, #tpu.memory_space<vmem>>, vector<1x256x3xf32>
    %get3A_8 = vector.shape_cast %get3A_7 : vector<1x256x3xf32> to vector<256x3xf32>
    %convert_element_type3A = arith.truncf %get3A_8 : vector<256x3xf32> to vector<256x3xbf16>
    %convert_element_type3A_9 = arith.truncf %get3A_3 : vector<2048x3xf32> to vector<2048x3xbf16>
    %dot_general3A = arith.constant dense<0.000000e+00> : vector<256x2048xf32>
    %dot_general3A_10 = tpu.matmul %convert_element_type3A, %convert_element_type3A_9, %dot_general3A {dimension_numbers = #tpu.dot_dimension_numbers<[1], [1], [0], [0], [0, 0, 1, 0], [], []>, transpose_lhs_hint = false} : vector<256x3xbf16>, vector<2048x3xbf16>, vector<256x2048xf32> -> vector<256x2048xf32>
    %get3A_11 = arith.constant 0 : index
    %get3A_12 = arith.constant 0 : index
    %get3A_13 = arith.constant 0 : index
    %get3A_14 = vector.load %arg5[%get3A_11, %get3A_12, %get3A_13] : memref<1x256x1xf32, #tpu.memory_space<vmem>>, vector<1x256x1xf32>
    %get3A_15 = vector.shape_cast %get3A_14 : vector<1x256x1xf32> to vector<256x1xf32>
    %get3A_16 = arith.constant 0 : index
    %get3A_17 = arith.constant 0 : index
    %get3A_18 = arith.constant 0 : index
    %get3A_19 = vector.load %arg4[%get3A_16, %get3A_17, %get3A_18] : memref<1x1x2048xf32, #tpu.memory_space<vmem>>, vector<1x1x2048xf32>
    %get3A_20 = vector.shape_cast %get3A_19 : vector<1x1x2048xf32> to vector<1x2048xf32>
    %add3A = vector.broadcast %get3A_15 : vector<256x1xf32> to vector<256x2048xf32>
    %add3A_21 = vector.broadcast %get3A_20 : vector<1x2048xf32> to vector<256x2048xf32>
    %add3A_22 = arith.addf %add3A, %add3A_21 : vector<256x2048xf32>
    %mul3A = arith.constant 2.000000e+00 : f32
    %mul3A_23 = vector.broadcast %mul3A : f32 to vector<256x2048xf32>
    %mul3A_24 = arith.mulf %mul3A_23, %dot_general3A_10 : vector<256x2048xf32>
    %sub3A = arith.subf %add3A_22, %mul3A_24 : vector<256x2048xf32>
    %mul3A_25 = arith.constant 256 : i32
    %mul3A_26 = arith.muli %arg1, %mul3A_25 : i32
    %iota3A = tpu.iota {dimensions = array<i32: 0>} : vector<256x1xi32>
    %add3A_27 = vector.broadcast %mul3A_26 : i32 to vector<256x1xi32>
    %add3A_28 = arith.addi %add3A_27, %iota3A : vector<256x1xi32>
    %iota3A_29 = tpu.iota {dimensions = array<i32: 1>} : vector<256x2048xi32>
    %eq3A = vector.broadcast %add3A_28 : vector<256x1xi32> to vector<256x2048xi32>
    %eq3A_30 = arith.cmpi eq, %iota3A_29, %eq3A : vector<256x2048xi32>
    %jit3A = arith.constant 0x7F800000 : f32
    %broadcast_in_dim3A = vector.broadcast %jit3A : f32 to vector<256x2048xf32>
    %select_n3A = arith.select %eq3A_30, %broadcast_in_dim3A, %sub3A : vector<256x2048xi1>, vector<256x2048xf32>
    %swap3A = arith.constant 0 : index
    %swap3A_31 = arith.constant 0 : index
    %swap3A_32 = arith.constant 0 : index
    %swap3A_33 = vector.load %arg6[%swap3A, %swap3A_31, %swap3A_32] : memref<1x256x2048xf32, #tpu.memory_space<vmem>>, vector<1x256x2048xf32>
    %swap3A_34 = vector.shape_cast %swap3A_33 : vector<1x256x2048xf32> to vector<256x2048xf32>
    %swap3A_35 = vector.shape_cast %select_n3A : vector<256x2048xf32> to vector<1x256x2048xf32>
    tpu.vector_store %arg6[%swap3A, %swap3A_31, %swap3A_32], %swap3A_35 {strides = array<i32>} : memref<1x256x2048xf32, #tpu.memory_space<vmem>>, vector<1x256x2048xf32>,
    return
  }
  func.func @transform_0(%arg0: i32, %arg1: i32) -> (i32, i32, i32) {
    %c0_i32 = arith.constant 0 : i32
    %c0_i32_0 = arith.constant 0 : i32
    %c0_i32_1 = arith.constant 0 : i32
    return %arg0, %c0_i32, %c0_i32_0 : i32, i32, i32
  }
  func.func @transform_1(%arg0: i32, %arg1: i32) -> (i32, i32, i32) {
    %c0_i32 = arith.constant 0 : i32
    %c0_i32_0 = arith.constant 0 : i32
    return %arg0, %arg1, %c0_i32 : i32, i32, i32
  }
  func.func @transform_2(%arg0: i32, %arg1: i32) -> (i32, i32, i32) {
    %c0_i32 = arith.constant 0 : i32
    %c0_i32_0 = arith.constant 0 : i32
    %c0_i32_1 = arith.constant 0 : i32
    return %arg0, %c0_i32, %c0_i32_0 : i32, i32, i32
  }
  func.func @transform_3(%arg0: i32, %arg1: i32) -> (i32, i32, i32) {
    %c0_i32 = arith.constant 0 : i32
    %c0_i32_0 = arith.constant 0 : i32
    return %arg0, %arg1, %c0_i32 : i32, i32, i32
  }
  func.func @transform_4(%arg0: i32, %arg1: i32) -> (i32, i32, i32) {
    %c0_i32 = arith.constant 0 : i32
    %c0_i32_0 = arith.constant 0 : i32
    return %arg0, %arg1, %c0_i32 : i32, i32, i32
  }
}

module attributes {stable_mosaic.version = 14 : i64} {
  func.func @_h1_body(%arg0: i32, %arg1: i32, %arg2: memref<1x2048x3xf32, #tpu.memory_space<vmem>>, %arg3: memref<1x256x3xf32, #tpu.memory_space<vmem>>, %arg4: memref<1x256x20xi32, #tpu.memory_space<vmem>>, %arg5: memref<6x64xf32, #tpu.memory_space<vmem>>, %arg6: memref<1x64xf32, #tpu.memory_space<vmem>>, %arg7: memref<1x256x1280xf32, #tpu.memory_space<vmem>>) attributes {dimension_semantics = [#tpu.dimension_semantics<arbitrary>, #tpu.dimension_semantics<arbitrary>], iteration_bounds = array<i64: 8, 8>, scalar_prefetch = 0 : i64, scratch_operands = 0 : i64, tpu.core_type = #tpu.core_type<tc>, window_params = [{transform_indices = @transform_0, window_bounds = array<i64: 1, 2048, 3>}, {transform_indices = @transform_1, window_bounds = array<i64: 1, 256, 3>}, {transform_indices = @transform_2, window_bounds = array<i64: 1, 256, 20>}, {pipeline_mode = #tpu.pipeline_mode<synchronous>, transform_indices = @transform_3, window_bounds = array<i64: 6, 64>}, {pipeline_mode = #tpu.pipeline_mode<synchronous>, transform_indices = @transform_4, window_bounds = array<i64: 1, 64>}, {transform_indices = @transform_5, window_bounds = array<i64: 1, 256, 1280>}]} {
    %get3A = arith.constant 0 : index
    %get3A_0 = arith.constant 0 : index
    %get3A_1 = arith.constant 0 : index
    %get3A_2 = vector.load %arg2[%get3A, %get3A_0, %get3A_1] : memref<1x2048x3xf32, #tpu.memory_space<vmem>>, vector<1x2048x3xf32>
    %get3A_3 = vector.shape_cast %get3A_2 : vector<1x2048x3xf32> to vector<2048x3xf32>
    %get3A_4 = arith.constant 0 : index
    %get3A_5 = arith.constant 0 : index
    %get3A_6 = arith.constant 0 : index
    %get3A_7 = vector.load %arg3[%get3A_4, %get3A_5, %get3A_6] : memref<1x256x3xf32, #tpu.memory_space<vmem>>, vector<1x256x3xf32>
    %get3A_8 = vector.shape_cast %get3A_7 : vector<1x256x3xf32> to vector<256x3xf32>
    %get3A_9 = arith.constant 0 : index
    %get3A_10 = arith.constant 0 : index
    %get3A_11 = vector.load %arg5[%get3A_9, %get3A_10] : memref<6x64xf32, #tpu.memory_space<vmem>>, vector<6x64xf32>
    %get3A_12 = arith.constant 0 : index
    %get3A_13 = arith.constant 0 : index
    %get3A_14 = vector.load %arg6[%get3A_12, %get3A_13] : memref<1x64xf32, #tpu.memory_space<vmem>>, vector<1x64xf32>
    %iota3A = tpu.iota {dimensions = array<i32: 1>} : vector<256x2048xi32>
    %get3A_15 = arith.constant 0 : index
    %get3A_16 = arith.constant 0 : index
    %get3A_17 = arith.constant 0 : index
    %get3A_18 = vector.load %arg4[%get3A_15, %get3A_16, %get3A_17] : memref<1x256x20xi32, #tpu.memory_space<vmem>>, vector<1x256x20xi32>
    %get3A_19 = vector.shape_cast %get3A_18 : vector<1x256x20xi32> to vector<256x20xi32>
    %slice3A = vector.extract_strided_slice %get3A_19 {offsets = [0, 0], sizes = [256, 1], strides = [1, 1]} : vector<256x20xi32> to vector<256x1xi32>
    %eq3A = vector.broadcast %slice3A : vector<256x1xi32> to vector<256x2048xi32>
    %eq3A_20 = arith.cmpi eq, %iota3A, %eq3A : vector<256x2048xi32>
    %convert_element_type3A = arith.extui %eq3A_20 : vector<256x2048xi1> to vector<256x2048xi32>
    %convert_element_type3A_21 = arith.sitofp %convert_element_type3A : vector<256x2048xi32> to vector<256x2048xf32>
    %dot_general3A = arith.constant dense<0.000000e+00> : vector<256x3xf32>
    %dot_general3A_22 = tpu.matmul %convert_element_type3A_21, %get3A_3, %dot_general3A {dimension_numbers = #tpu.dot_dimension_numbers<[1], [0], [0], [1], [0, 0, 1, 1], [], []>, precision = #tpu.contract_precision<fp32>, transpose_lhs_hint = false} : vector<256x2048xf32>, vector<2048x3xf32>, vector<256x3xf32> -> vector<256x3xf32>
    %sub3A = arith.subf %dot_general3A_22, %get3A_8 : vector<256x3xf32>
    %concatenate3A = tpu.concatenate %get3A_8, %sub3A in 1 : vector<256x3xf32>, vector<256x3xf32> -> vector<256x6xf32>
    %dot_general3A_23 = arith.constant dense<0.000000e+00> : vector<256x64xf32>
    %dot_general3A_24 = tpu.matmul %concatenate3A, %get3A_11, %dot_general3A_23 {dimension_numbers = #tpu.dot_dimension_numbers<[1], [0], [0], [1], [0, 0, 1, 1], [], []>, transpose_lhs_hint = false} : vector<256x6xf32>, vector<6x64xf32>, vector<256x64xf32> -> vector<256x64xf32>
    %add3A = vector.broadcast %get3A_14 : vector<1x64xf32> to vector<256x64xf32>
    %add3A_25 = arith.addf %dot_general3A_24, %add3A : vector<256x64xf32>
    %swap3A = arith.constant 0 : index
    %swap3A_26 = arith.constant 0 : index
    %swap3A_27 = arith.constant 0 : index
    %swap3A_28 = vector.load %arg7[%swap3A, %swap3A_26, %swap3A_27] : memref<1x256x1280xf32, #tpu.memory_space<vmem>>, vector<1x256x64xf32>
    %swap3A_29 = vector.shape_cast %swap3A_28 : vector<1x256x64xf32> to vector<256x64xf32>
    %swap3A_30 = vector.shape_cast %add3A_25 : vector<256x64xf32> to vector<1x256x64xf32>
    tpu.vector_store %arg7[%swap3A, %swap3A_26, %swap3A_27], %swap3A_30 {strides = array<i32>} : memref<1x256x1280xf32, #tpu.memory_space<vmem>>, vector<1x256x64xf32>,
    %get3A_31 = arith.constant 0 : index
    %get3A_32 = arith.constant 0 : index
    %get3A_33 = arith.constant 0 : index
    %get3A_34 = vector.load %arg4[%get3A_31, %get3A_32, %get3A_33] : memref<1x256x20xi32, #tpu.memory_space<vmem>>, vector<1x256x20xi32>
    %get3A_35 = vector.shape_cast %get3A_34 : vector<1x256x20xi32> to vector<256x20xi32>
    %slice3A_36 = vector.extract_strided_slice %get3A_35 {offsets = [0, 1], sizes = [256, 1], strides = [1, 1]} : vector<256x20xi32> to vector<256x1xi32>
    %eq3A_37 = vector.broadcast %slice3A_36 : vector<256x1xi32> to vector<256x2048xi32>
    %eq3A_38 = arith.cmpi eq, %iota3A, %eq3A_37 : vector<256x2048xi32>
    %convert_element_type3A_39 = arith.extui %eq3A_38 : vector<256x2048xi1> to vector<256x2048xi32>
    %convert_element_type3A_40 = arith.sitofp %convert_element_type3A_39 : vector<256x2048xi32> to vector<256x2048xf32>
    %dot_general3A_41 = arith.constant dense<0.000000e+00> : vector<256x3xf32>
    %dot_general3A_42 = tpu.matmul %convert_element_type3A_40, %get3A_3, %dot_general3A_41 {dimension_numbers = #tpu.dot_dimension_numbers<[1], [0], [0], [1], [0, 0, 1, 1], [], []>, precision = #tpu.contract_precision<fp32>, transpose_lhs_hint = false} : vector<256x2048xf32>, vector<2048x3xf32>, vector<256x3xf32> -> vector<256x3xf32>
    %sub3A_43 = arith.subf %dot_general3A_42, %get3A_8 : vector<256x3xf32>
    %concatenate3A_44 = tpu.concatenate %get3A_8, %sub3A_43 in 1 : vector<256x3xf32>, vector<256x3xf32> -> vector<256x6xf32>
    %dot_general3A_45 = arith.constant dense<0.000000e+00> : vector<256x64xf32>
    %dot_general3A_46 = tpu.matmul %concatenate3A_44, %get3A_11, %dot_general3A_45 {dimension_numbers = #tpu.dot_dimension_numbers<[1], [0], [0], [1], [0, 0, 1, 1], [], []>, transpose_lhs_hint = false} : vector<256x6xf32>, vector<6x64xf32>, vector<256x64xf32> -> vector<256x64xf32>
    %add3A_47 = vector.broadcast %get3A_14 : vector<1x64xf32> to vector<256x64xf32>
    %add3A_48 = arith.addf %dot_general3A_46, %add3A_47 : vector<256x64xf32>
    %swap3A_49 = arith.constant 0 : index
    %swap3A_50 = arith.constant 0 : index
    %swap3A_51 = arith.constant 64 : index
    %swap3A_52 = vector.load %arg7[%swap3A_49, %swap3A_50, %swap3A_51] : memref<1x256x1280xf32, #tpu.memory_space<vmem>>, vector<1x256x64xf32>
    %swap3A_53 = vector.shape_cast %swap3A_52 : vector<1x256x64xf32> to vector<256x64xf32>
    %swap3A_54 = vector.shape_cast %add3A_48 : vector<256x64xf32> to vector<1x256x64xf32>
    tpu.vector_store %arg7[%swap3A_49, %swap3A_50, %swap3A_51], %swap3A_54 {strides = array<i32>} : memref<1x256x1280xf32, #tpu.memory_space<vmem>>, vector<1x256x64xf32>,
    %get3A_55 = arith.constant 0 : index
    %get3A_56 = arith.constant 0 : index
    %get3A_57 = arith.constant 0 : index
    %get3A_58 = vector.load %arg4[%get3A_55, %get3A_56, %get3A_57] : memref<1x256x20xi32, #tpu.memory_space<vmem>>, vector<1x256x20xi32>
    %get3A_59 = vector.shape_cast %get3A_58 : vector<1x256x20xi32> to vector<256x20xi32>
    %slice3A_60 = vector.extract_strided_slice %get3A_59 {offsets = [0, 2], sizes = [256, 1], strides = [1, 1]} : vector<256x20xi32> to vector<256x1xi32>
    %eq3A_61 = vector.broadcast %slice3A_60 : vector<256x1xi32> to vector<256x2048xi32>
    %eq3A_62 = arith.cmpi eq, %iota3A, %eq3A_61 : vector<256x2048xi32>
    %convert_element_type3A_63 = arith.extui %eq3A_62 : vector<256x2048xi1> to vector<256x2048xi32>
    %convert_element_type3A_64 = arith.sitofp %convert_element_type3A_63 : vector<256x2048xi32> to vector<256x2048xf32>
    %dot_general3A_65 = arith.constant dense<0.000000e+00> : vector<256x3xf32>
    %dot_general3A_66 = tpu.matmul %convert_element_type3A_64, %get3A_3, %dot_general3A_65 {dimension_numbers = #tpu.dot_dimension_numbers<[1], [0], [0], [1], [0, 0, 1, 1], [], []>, precision = #tpu.contract_precision<fp32>, transpose_lhs_hint = false} : vector<256x2048xf32>, vector<2048x3xf32>, vector<256x3xf32> -> vector<256x3xf32>
    %sub3A_67 = arith.subf %dot_general3A_66, %get3A_8 : vector<256x3xf32>
    %concatenate3A_68 = tpu.concatenate %get3A_8, %sub3A_67 in 1 : vector<256x3xf32>, vector<256x3xf32> -> vector<256x6xf32>
    %dot_general3A_69 = arith.constant dense<0.000000e+00> : vector<256x64xf32>
    %dot_general3A_70 = tpu.matmul %concatenate3A_68, %get3A_11, %dot_general3A_69 {dimension_numbers = #tpu.dot_dimension_numbers<[1], [0], [0], [1], [0, 0, 1, 1], [], []>, transpose_lhs_hint = false} : vector<256x6xf32>, vector<6x64xf32>, vector<256x64xf32> -> vector<256x64xf32>
    %add3A_71 = vector.broadcast %get3A_14 : vector<1x64xf32> to vector<256x64xf32>
    %add3A_72 = arith.addf %dot_general3A_70, %add3A_71 : vector<256x64xf32>
    %swap3A_73 = arith.constant 0 : index
    %swap3A_74 = arith.constant 0 : index
    %swap3A_75 = arith.constant 128 : index
    %swap3A_76 = vector.load %arg7[%swap3A_73, %swap3A_74, %swap3A_75] : memref<1x256x1280xf32, #tpu.memory_space<vmem>>, vector<1x256x64xf32>
    %swap3A_77 = vector.shape_cast %swap3A_76 : vector<1x256x64xf32> to vector<256x64xf32>
    %swap3A_78 = vector.shape_cast %add3A_72 : vector<256x64xf32> to vector<1x256x64xf32>
    tpu.vector_store %arg7[%swap3A_73, %swap3A_74, %swap3A_75], %swap3A_78 {strides = array<i32>} : memref<1x256x1280xf32, #tpu.memory_space<vmem>>, vector<1x256x64xf32>,
    %get3A_79 = arith.constant 0 : index
    %get3A_80 = arith.constant 0 : index
    %get3A_81 = arith.constant 0 : index
    %get3A_82 = vector.load %arg4[%get3A_79, %get3A_80, %get3A_81] : memref<1x256x20xi32, #tpu.memory_space<vmem>>, vector<1x256x20xi32>
    %get3A_83 = vector.shape_cast %get3A_82 : vector<1x256x20xi32> to vector<256x20xi32>
    %slice3A_84 = vector.extract_strided_slice %get3A_83 {offsets = [0, 3], sizes = [256, 1], strides = [1, 1]} : vector<256x20xi32> to vector<256x1xi32>
    %eq3A_85 = vector.broadcast %slice3A_84 : vector<256x1xi32> to vector<256x2048xi32>
    %eq3A_86 = arith.cmpi eq, %iota3A, %eq3A_85 : vector<256x2048xi32>
    %convert_element_type3A_87 = arith.extui %eq3A_86 : vector<256x2048xi1> to vector<256x2048xi32>
    %convert_element_type3A_88 = arith.sitofp %convert_element_type3A_87 : vector<256x2048xi32> to vector<256x2048xf32>
    %dot_general3A_89 = arith.constant dense<0.000000e+00> : vector<256x3xf32>
    %dot_general3A_90 = tpu.matmul %convert_element_type3A_88, %get3A_3, %dot_general3A_89 {dimension_numbers = #tpu.dot_dimension_numbers<[1], [0], [0], [1], [0, 0, 1, 1], [], []>, precision = #tpu.contract_precision<fp32>, transpose_lhs_hint = false} : vector<256x2048xf32>, vector<2048x3xf32>, vector<256x3xf32> -> vector<256x3xf32>
    %sub3A_91 = arith.subf %dot_general3A_90, %get3A_8 : vector<256x3xf32>
    %concatenate3A_92 = tpu.concatenate %get3A_8, %sub3A_91 in 1 : vector<256x3xf32>, vector<256x3xf32> -> vector<256x6xf32>
    %dot_general3A_93 = arith.constant dense<0.000000e+00> : vector<256x64xf32>
    %dot_general3A_94 = tpu.matmul %concatenate3A_92, %get3A_11, %dot_general3A_93 {dimension_numbers = #tpu.dot_dimension_numbers<[1], [0], [0], [1], [0, 0, 1, 1], [], []>, transpose_lhs_hint = false} : vector<256x6xf32>, vector<6x64xf32>, vector<256x64xf32> -> vector<256x64xf32>
    %add3A_95 = vector.broadcast %get3A_14 : vector<1x64xf32> to vector<256x64xf32>
    %add3A_96 = arith.addf %dot_general3A_94, %add3A_95 : vector<256x64xf32>
    %swap3A_97 = arith.constant 0 : index
    %swap3A_98 = arith.constant 0 : index
    %swap3A_99 = arith.constant 192 : index
    %swap3A_100 = vector.load %arg7[%swap3A_97, %swap3A_98, %swap3A_99] : memref<1x256x1280xf32, #tpu.memory_space<vmem>>, vector<1x256x64xf32>
    %swap3A_101 = vector.shape_cast %swap3A_100 : vector<1x256x64xf32> to vector<256x64xf32>
    %swap3A_102 = vector.shape_cast %add3A_96 : vector<256x64xf32> to vector<1x256x64xf32>
    tpu.vector_store %arg7[%swap3A_97, %swap3A_98, %swap3A_99], %swap3A_102 {strides = array<i32>} : memref<1x256x1280xf32, #tpu.memory_space<vmem>>, vector<1x256x64xf32>,
    %get3A_103 = arith.constant 0 : index
    %get3A_104 = arith.constant 0 : index
    %get3A_105 = arith.constant 0 : index
    %get3A_106 = vector.load %arg4[%get3A_103, %get3A_104, %get3A_105] : memref<1x256x20xi32, #tpu.memory_space<vmem>>, vector<1x256x20xi32>
    %get3A_107 = vector.shape_cast %get3A_106 : vector<1x256x20xi32> to vector<256x20xi32>
    %slice3A_108 = vector.extract_strided_slice %get3A_107 {offsets = [0, 4], sizes = [256, 1], strides = [1, 1]} : vector<256x20xi32> to vector<256x1xi32>
    %eq3A_109 = vector.broadcast %slice3A_108 : vector<256x1xi32> to vector<256x2048xi32>
    %eq3A_110 = arith.cmpi eq, %iota3A, %eq3A_109 : vector<256x2048xi32>
    %convert_element_type3A_111 = arith.extui %eq3A_110 : vector<256x2048xi1> to vector<256x2048xi32>
    %convert_element_type3A_112 = arith.sitofp %convert_element_type3A_111 : vector<256x2048xi32> to vector<256x2048xf32>
    %dot_general3A_113 = arith.constant dense<0.000000e+00> : vector<256x3xf32>
    %dot_general3A_114 = tpu.matmul %convert_element_type3A_112, %get3A_3, %dot_general3A_113 {dimension_numbers = #tpu.dot_dimension_numbers<[1], [0], [0], [1], [0, 0, 1, 1], [], []>, precision = #tpu.contract_precision<fp32>, transpose_lhs_hint = false} : vector<256x2048xf32>, vector<2048x3xf32>, vector<256x3xf32> -> vector<256x3xf32>
    %sub3A_115 = arith.subf %dot_general3A_114, %get3A_8 : vector<256x3xf32>
    %concatenate3A_116 = tpu.concatenate %get3A_8, %sub3A_115 in 1 : vector<256x3xf32>, vector<256x3xf32> -> vector<256x6xf32>
    %dot_general3A_117 = arith.constant dense<0.000000e+00> : vector<256x64xf32>
    %dot_general3A_118 = tpu.matmul %concatenate3A_116, %get3A_11, %dot_general3A_117 {dimension_numbers = #tpu.dot_dimension_numbers<[1], [0], [0], [1], [0, 0, 1, 1], [], []>, transpose_lhs_hint = false} : vector<256x6xf32>, vector<6x64xf32>, vector<256x64xf32> -> vector<256x64xf32>
    %add3A_119 = vector.broadcast %get3A_14 : vector<1x64xf32> to vector<256x64xf32>
    %add3A_120 = arith.addf %dot_general3A_118, %add3A_119 : vector<256x64xf32>
    %swap3A_121 = arith.constant 0 : index
    %swap3A_122 = arith.constant 0 : index
    %swap3A_123 = arith.constant 256 : index
    %swap3A_124 = vector.load %arg7[%swap3A_121, %swap3A_122, %swap3A_123] : memref<1x256x1280xf32, #tpu.memory_space<vmem>>, vector<1x256x64xf32>
    %swap3A_125 = vector.shape_cast %swap3A_124 : vector<1x256x64xf32> to vector<256x64xf32>
    %swap3A_126 = vector.shape_cast %add3A_120 : vector<256x64xf32> to vector<1x256x64xf32>
    tpu.vector_store %arg7[%swap3A_121, %swap3A_122, %swap3A_123], %swap3A_126 {strides = array<i32>} : memref<1x256x1280xf32, #tpu.memory_space<vmem>>, vector<1x256x64xf32>,
    %get3A_127 = arith.constant 0 : index
    %get3A_128 = arith.constant 0 : index
    %get3A_129 = arith.constant 0 : index
    %get3A_130 = vector.load %arg4[%get3A_127, %get3A_128, %get3A_129] : memref<1x256x20xi32, #tpu.memory_space<vmem>>, vector<1x256x20xi32>
    %get3A_131 = vector.shape_cast %get3A_130 : vector<1x256x20xi32> to vector<256x20xi32>
    %slice3A_132 = vector.extract_strided_slice %get3A_131 {offsets = [0, 5], sizes = [256, 1], strides = [1, 1]} : vector<256x20xi32> to vector<256x1xi32>
    %eq3A_133 = vector.broadcast %slice3A_132 : vector<256x1xi32> to vector<256x2048xi32>
    %eq3A_134 = arith.cmpi eq, %iota3A, %eq3A_133 : vector<256x2048xi32>
    %convert_element_type3A_135 = arith.extui %eq3A_134 : vector<256x2048xi1> to vector<256x2048xi32>
    %convert_element_type3A_136 = arith.sitofp %convert_element_type3A_135 : vector<256x2048xi32> to vector<256x2048xf32>
    %dot_general3A_137 = arith.constant dense<0.000000e+00> : vector<256x3xf32>
    %dot_general3A_138 = tpu.matmul %convert_element_type3A_136, %get3A_3, %dot_general3A_137 {dimension_numbers = #tpu.dot_dimension_numbers<[1], [0], [0], [1], [0, 0, 1, 1], [], []>, precision = #tpu.contract_precision<fp32>, transpose_lhs_hint = false} : vector<256x2048xf32>, vector<2048x3xf32>, vector<256x3xf32> -> vector<256x3xf32>
    %sub3A_139 = arith.subf %dot_general3A_138, %get3A_8 : vector<256x3xf32>
    %concatenate3A_140 = tpu.concatenate %get3A_8, %sub3A_139 in 1 : vector<256x3xf32>, vector<256x3xf32> -> vector<256x6xf32>
    %dot_general3A_141 = arith.constant dense<0.000000e+00> : vector<256x64xf32>
    %dot_general3A_142 = tpu.matmul %concatenate3A_140, %get3A_11, %dot_general3A_141 {dimension_numbers = #tpu.dot_dimension_numbers<[1], [0], [0], [1], [0, 0, 1, 1], [], []>, transpose_lhs_hint = false} : vector<256x6xf32>, vector<6x64xf32>, vector<256x64xf32> -> vector<256x64xf32>
    %add3A_143 = vector.broadcast %get3A_14 : vector<1x64xf32> to vector<256x64xf32>
    %add3A_144 = arith.addf %dot_general3A_142, %add3A_143 : vector<256x64xf32>
    %swap3A_145 = arith.constant 0 : index
    %swap3A_146 = arith.constant 0 : index
    %swap3A_147 = arith.constant 320 : index
    %swap3A_148 = vector.load %arg7[%swap3A_145, %swap3A_146, %swap3A_147] : memref<1x256x1280xf32, #tpu.memory_space<vmem>>, vector<1x256x64xf32>
    %swap3A_149 = vector.shape_cast %swap3A_148 : vector<1x256x64xf32> to vector<256x64xf32>
    %swap3A_150 = vector.shape_cast %add3A_144 : vector<256x64xf32> to vector<1x256x64xf32>
    tpu.vector_store %arg7[%swap3A_145, %swap3A_146, %swap3A_147], %swap3A_150 {strides = array<i32>} : memref<1x256x1280xf32, #tpu.memory_space<vmem>>, vector<1x256x64xf32>,
    %get3A_151 = arith.constant 0 : index
    %get3A_152 = arith.constant 0 : index
    %get3A_153 = arith.constant 0 : index
    %get3A_154 = vector.load %arg4[%get3A_151, %get3A_152, %get3A_153] : memref<1x256x20xi32, #tpu.memory_space<vmem>>, vector<1x256x20xi32>
    %get3A_155 = vector.shape_cast %get3A_154 : vector<1x256x20xi32> to vector<256x20xi32>
    %slice3A_156 = vector.extract_strided_slice %get3A_155 {offsets = [0, 6], sizes = [256, 1], strides = [1, 1]} : vector<256x20xi32> to vector<256x1xi32>
    %eq3A_157 = vector.broadcast %slice3A_156 : vector<256x1xi32> to vector<256x2048xi32>
    %eq3A_158 = arith.cmpi eq, %iota3A, %eq3A_157 : vector<256x2048xi32>
    %convert_element_type3A_159 = arith.extui %eq3A_158 : vector<256x2048xi1> to vector<256x2048xi32>
    %convert_element_type3A_160 = arith.sitofp %convert_element_type3A_159 : vector<256x2048xi32> to vector<256x2048xf32>
    %dot_general3A_161 = arith.constant dense<0.000000e+00> : vector<256x3xf32>
    %dot_general3A_162 = tpu.matmul %convert_element_type3A_160, %get3A_3, %dot_general3A_161 {dimension_numbers = #tpu.dot_dimension_numbers<[1], [0], [0], [1], [0, 0, 1, 1], [], []>, precision = #tpu.contract_precision<fp32>, transpose_lhs_hint = false} : vector<256x2048xf32>, vector<2048x3xf32>, vector<256x3xf32> -> vector<256x3xf32>
    %sub3A_163 = arith.subf %dot_general3A_162, %get3A_8 : vector<256x3xf32>
    %concatenate3A_164 = tpu.concatenate %get3A_8, %sub3A_163 in 1 : vector<256x3xf32>, vector<256x3xf32> -> vector<256x6xf32>
    %dot_general3A_165 = arith.constant dense<0.000000e+00> : vector<256x64xf32>
    %dot_general3A_166 = tpu.matmul %concatenate3A_164, %get3A_11, %dot_general3A_165 {dimension_numbers = #tpu.dot_dimension_numbers<[1], [0], [0], [1], [0, 0, 1, 1], [], []>, transpose_lhs_hint = false} : vector<256x6xf32>, vector<6x64xf32>, vector<256x64xf32> -> vector<256x64xf32>
    %add3A_167 = vector.broadcast %get3A_14 : vector<1x64xf32> to vector<256x64xf32>
    %add3A_168 = arith.addf %dot_general3A_166, %add3A_167 : vector<256x64xf32>
    %swap3A_169 = arith.constant 0 : index
    %swap3A_170 = arith.constant 0 : index
    %swap3A_171 = arith.constant 384 : index
    %swap3A_172 = vector.load %arg7[%swap3A_169, %swap3A_170, %swap3A_171] : memref<1x256x1280xf32, #tpu.memory_space<vmem>>, vector<1x256x64xf32>
    %swap3A_173 = vector.shape_cast %swap3A_172 : vector<1x256x64xf32> to vector<256x64xf32>
    %swap3A_174 = vector.shape_cast %add3A_168 : vector<256x64xf32> to vector<1x256x64xf32>
    tpu.vector_store %arg7[%swap3A_169, %swap3A_170, %swap3A_171], %swap3A_174 {strides = array<i32>} : memref<1x256x1280xf32, #tpu.memory_space<vmem>>, vector<1x256x64xf32>,
    %get3A_175 = arith.constant 0 : index
    %get3A_176 = arith.constant 0 : index
    %get3A_177 = arith.constant 0 : index
    %get3A_178 = vector.load %arg4[%get3A_175, %get3A_176, %get3A_177] : memref<1x256x20xi32, #tpu.memory_space<vmem>>, vector<1x256x20xi32>
    %get3A_179 = vector.shape_cast %get3A_178 : vector<1x256x20xi32> to vector<256x20xi32>
    %slice3A_180 = vector.extract_strided_slice %get3A_179 {offsets = [0, 7], sizes = [256, 1], strides = [1, 1]} : vector<256x20xi32> to vector<256x1xi32>
    %eq3A_181 = vector.broadcast %slice3A_180 : vector<256x1xi32> to vector<256x2048xi32>
    %eq3A_182 = arith.cmpi eq, %iota3A, %eq3A_181 : vector<256x2048xi32>
    %convert_element_type3A_183 = arith.extui %eq3A_182 : vector<256x2048xi1> to vector<256x2048xi32>
    %convert_element_type3A_184 = arith.sitofp %convert_element_type3A_183 : vector<256x2048xi32> to vector<256x2048xf32>
    %dot_general3A_185 = arith.constant dense<0.000000e+00> : vector<256x3xf32>
    %dot_general3A_186 = tpu.matmul %convert_element_type3A_184, %get3A_3, %dot_general3A_185 {dimension_numbers = #tpu.dot_dimension_numbers<[1], [0], [0], [1], [0, 0, 1, 1], [], []>, precision = #tpu.contract_precision<fp32>, transpose_lhs_hint = false} : vector<256x2048xf32>, vector<2048x3xf32>, vector<256x3xf32> -> vector<256x3xf32>
    %sub3A_187 = arith.subf %dot_general3A_186, %get3A_8 : vector<256x3xf32>
    %concatenate3A_188 = tpu.concatenate %get3A_8, %sub3A_187 in 1 : vector<256x3xf32>, vector<256x3xf32> -> vector<256x6xf32>
    %dot_general3A_189 = arith.constant dense<0.000000e+00> : vector<256x64xf32>
    %dot_general3A_190 = tpu.matmul %concatenate3A_188, %get3A_11, %dot_general3A_189 {dimension_numbers = #tpu.dot_dimension_numbers<[1], [0], [0], [1], [0, 0, 1, 1], [], []>, transpose_lhs_hint = false} : vector<256x6xf32>, vector<6x64xf32>, vector<256x64xf32> -> vector<256x64xf32>
    %add3A_191 = vector.broadcast %get3A_14 : vector<1x64xf32> to vector<256x64xf32>
    %add3A_192 = arith.addf %dot_general3A_190, %add3A_191 : vector<256x64xf32>
    %swap3A_193 = arith.constant 0 : index
    %swap3A_194 = arith.constant 0 : index
    %swap3A_195 = arith.constant 448 : index
    %swap3A_196 = vector.load %arg7[%swap3A_193, %swap3A_194, %swap3A_195] : memref<1x256x1280xf32, #tpu.memory_space<vmem>>, vector<1x256x64xf32>
    %swap3A_197 = vector.shape_cast %swap3A_196 : vector<1x256x64xf32> to vector<256x64xf32>
    %swap3A_198 = vector.shape_cast %add3A_192 : vector<256x64xf32> to vector<1x256x64xf32>
    tpu.vector_store %arg7[%swap3A_193, %swap3A_194, %swap3A_195], %swap3A_198 {strides = array<i32>} : memref<1x256x1280xf32, #tpu.memory_space<vmem>>, vector<1x256x64xf32>,
    %get3A_199 = arith.constant 0 : index
    %get3A_200 = arith.constant 0 : index
    %get3A_201 = arith.constant 0 : index
    %get3A_202 = vector.load %arg4[%get3A_199, %get3A_200, %get3A_201] : memref<1x256x20xi32, #tpu.memory_space<vmem>>, vector<1x256x20xi32>
    %get3A_203 = vector.shape_cast %get3A_202 : vector<1x256x20xi32> to vector<256x20xi32>
    %slice3A_204 = vector.extract_strided_slice %get3A_203 {offsets = [0, 8], sizes = [256, 1], strides = [1, 1]} : vector<256x20xi32> to vector<256x1xi32>
    %eq3A_205 = vector.broadcast %slice3A_204 : vector<256x1xi32> to vector<256x2048xi32>
    %eq3A_206 = arith.cmpi eq, %iota3A, %eq3A_205 : vector<256x2048xi32>
    %convert_element_type3A_207 = arith.extui %eq3A_206 : vector<256x2048xi1> to vector<256x2048xi32>
    %convert_element_type3A_208 = arith.sitofp %convert_element_type3A_207 : vector<256x2048xi32> to vector<256x2048xf32>
    %dot_general3A_209 = arith.constant dense<0.000000e+00> : vector<256x3xf32>
    %dot_general3A_210 = tpu.matmul %convert_element_type3A_208, %get3A_3, %dot_general3A_209 {dimension_numbers = #tpu.dot_dimension_numbers<[1], [0], [0], [1], [0, 0, 1, 1], [], []>, precision = #tpu.contract_precision<fp32>, transpose_lhs_hint = false} : vector<256x2048xf32>, vector<2048x3xf32>, vector<256x3xf32> -> vector<256x3xf32>
    %sub3A_211 = arith.subf %dot_general3A_210, %get3A_8 : vector<256x3xf32>
    %concatenate3A_212 = tpu.concatenate %get3A_8, %sub3A_211 in 1 : vector<256x3xf32>, vector<256x3xf32> -> vector<256x6xf32>
    %dot_general3A_213 = arith.constant dense<0.000000e+00> : vector<256x64xf32>
    %dot_general3A_214 = tpu.matmul %concatenate3A_212, %get3A_11, %dot_general3A_213 {dimension_numbers = #tpu.dot_dimension_numbers<[1], [0], [0], [1], [0, 0, 1, 1], [], []>, transpose_lhs_hint = false} : vector<256x6xf32>, vector<6x64xf32>, vector<256x64xf32> -> vector<256x64xf32>
    %add3A_215 = vector.broadcast %get3A_14 : vector<1x64xf32> to vector<256x64xf32>
    %add3A_216 = arith.addf %dot_general3A_214, %add3A_215 : vector<256x64xf32>
    %swap3A_217 = arith.constant 0 : index
    %swap3A_218 = arith.constant 0 : index
    %swap3A_219 = arith.constant 512 : index
    %swap3A_220 = vector.load %arg7[%swap3A_217, %swap3A_218, %swap3A_219] : memref<1x256x1280xf32, #tpu.memory_space<vmem>>, vector<1x256x64xf32>
    %swap3A_221 = vector.shape_cast %swap3A_220 : vector<1x256x64xf32> to vector<256x64xf32>
    %swap3A_222 = vector.shape_cast %add3A_216 : vector<256x64xf32> to vector<1x256x64xf32>
    tpu.vector_store %arg7[%swap3A_217, %swap3A_218, %swap3A_219], %swap3A_222 {strides = array<i32>} : memref<1x256x1280xf32, #tpu.memory_space<vmem>>, vector<1x256x64xf32>,
    %get3A_223 = arith.constant 0 : index
    %get3A_224 = arith.constant 0 : index
    %get3A_225 = arith.constant 0 : index
    %get3A_226 = vector.load %arg4[%get3A_223, %get3A_224, %get3A_225] : memref<1x256x20xi32, #tpu.memory_space<vmem>>, vector<1x256x20xi32>
    %get3A_227 = vector.shape_cast %get3A_226 : vector<1x256x20xi32> to vector<256x20xi32>
    %slice3A_228 = vector.extract_strided_slice %get3A_227 {offsets = [0, 9], sizes = [256, 1], strides = [1, 1]} : vector<256x20xi32> to vector<256x1xi32>
    %eq3A_229 = vector.broadcast %slice3A_228 : vector<256x1xi32> to vector<256x2048xi32>
    %eq3A_230 = arith.cmpi eq, %iota3A, %eq3A_229 : vector<256x2048xi32>
    %convert_element_type3A_231 = arith.extui %eq3A_230 : vector<256x2048xi1> to vector<256x2048xi32>
    %convert_element_type3A_232 = arith.sitofp %convert_element_type3A_231 : vector<256x2048xi32> to vector<256x2048xf32>
    %dot_general3A_233 = arith.constant dense<0.000000e+00> : vector<256x3xf32>
    %dot_general3A_234 = tpu.matmul %convert_element_type3A_232, %get3A_3, %dot_general3A_233 {dimension_numbers = #tpu.dot_dimension_numbers<[1], [0], [0], [1], [0, 0, 1, 1], [], []>, precision = #tpu.contract_precision<fp32>, transpose_lhs_hint = false} : vector<256x2048xf32>, vector<2048x3xf32>, vector<256x3xf32> -> vector<256x3xf32>
    %sub3A_235 = arith.subf %dot_general3A_234, %get3A_8 : vector<256x3xf32>
    %concatenate3A_236 = tpu.concatenate %get3A_8, %sub3A_235 in 1 : vector<256x3xf32>, vector<256x3xf32> -> vector<256x6xf32>
    %dot_general3A_237 = arith.constant dense<0.000000e+00> : vector<256x64xf32>
    %dot_general3A_238 = tpu.matmul %concatenate3A_236, %get3A_11, %dot_general3A_237 {dimension_numbers = #tpu.dot_dimension_numbers<[1], [0], [0], [1], [0, 0, 1, 1], [], []>, transpose_lhs_hint = false} : vector<256x6xf32>, vector<6x64xf32>, vector<256x64xf32> -> vector<256x64xf32>
    %add3A_239 = vector.broadcast %get3A_14 : vector<1x64xf32> to vector<256x64xf32>
    %add3A_240 = arith.addf %dot_general3A_238, %add3A_239 : vector<256x64xf32>
    %swap3A_241 = arith.constant 0 : index
    %swap3A_242 = arith.constant 0 : index
    %swap3A_243 = arith.constant 576 : index
    %swap3A_244 = vector.load %arg7[%swap3A_241, %swap3A_242, %swap3A_243] : memref<1x256x1280xf32, #tpu.memory_space<vmem>>, vector<1x256x64xf32>
    %swap3A_245 = vector.shape_cast %swap3A_244 : vector<1x256x64xf32> to vector<256x64xf32>
    %swap3A_246 = vector.shape_cast %add3A_240 : vector<256x64xf32> to vector<1x256x64xf32>
    tpu.vector_store %arg7[%swap3A_241, %swap3A_242, %swap3A_243], %swap3A_246 {strides = array<i32>} : memref<1x256x1280xf32, #tpu.memory_space<vmem>>, vector<1x256x64xf32>,
    %get3A_247 = arith.constant 0 : index
    %get3A_248 = arith.constant 0 : index
    %get3A_249 = arith.constant 0 : index
    %get3A_250 = vector.load %arg4[%get3A_247, %get3A_248, %get3A_249] : memref<1x256x20xi32, #tpu.memory_space<vmem>>, vector<1x256x20xi32>
    %get3A_251 = vector.shape_cast %get3A_250 : vector<1x256x20xi32> to vector<256x20xi32>
    %slice3A_252 = vector.extract_strided_slice %get3A_251 {offsets = [0, 10], sizes = [256, 1], strides = [1, 1]} : vector<256x20xi32> to vector<256x1xi32>
    %eq3A_253 = vector.broadcast %slice3A_252 : vector<256x1xi32> to vector<256x2048xi32>
    %eq3A_254 = arith.cmpi eq, %iota3A, %eq3A_253 : vector<256x2048xi32>
    %convert_element_type3A_255 = arith.extui %eq3A_254 : vector<256x2048xi1> to vector<256x2048xi32>
    %convert_element_type3A_256 = arith.sitofp %convert_element_type3A_255 : vector<256x2048xi32> to vector<256x2048xf32>
    %dot_general3A_257 = arith.constant dense<0.000000e+00> : vector<256x3xf32>
    %dot_general3A_258 = tpu.matmul %convert_element_type3A_256, %get3A_3, %dot_general3A_257 {dimension_numbers = #tpu.dot_dimension_numbers<[1], [0], [0], [1], [0, 0, 1, 1], [], []>, precision = #tpu.contract_precision<fp32>, transpose_lhs_hint = false} : vector<256x2048xf32>, vector<2048x3xf32>, vector<256x3xf32> -> vector<256x3xf32>
    %sub3A_259 = arith.subf %dot_general3A_258, %get3A_8 : vector<256x3xf32>
    %concatenate3A_260 = tpu.concatenate %get3A_8, %sub3A_259 in 1 : vector<256x3xf32>, vector<256x3xf32> -> vector<256x6xf32>
    %dot_general3A_261 = arith.constant dense<0.000000e+00> : vector<256x64xf32>
    %dot_general3A_262 = tpu.matmul %concatenate3A_260, %get3A_11, %dot_general3A_261 {dimension_numbers = #tpu.dot_dimension_numbers<[1], [0], [0], [1], [0, 0, 1, 1], [], []>, transpose_lhs_hint = false} : vector<256x6xf32>, vector<6x64xf32>, vector<256x64xf32> -> vector<256x64xf32>
    %add3A_263 = vector.broadcast %get3A_14 : vector<1x64xf32> to vector<256x64xf32>
    %add3A_264 = arith.addf %dot_general3A_262, %add3A_263 : vector<256x64xf32>
    %swap3A_265 = arith.constant 0 : index
    %swap3A_266 = arith.constant 0 : index
    %swap3A_267 = arith.constant 640 : index
    %swap3A_268 = vector.load %arg7[%swap3A_265, %swap3A_266, %swap3A_267] : memref<1x256x1280xf32, #tpu.memory_space<vmem>>, vector<1x256x64xf32>
    %swap3A_269 = vector.shape_cast %swap3A_268 : vector<1x256x64xf32> to vector<256x64xf32>
    %swap3A_270 = vector.shape_cast %add3A_264 : vector<256x64xf32> to vector<1x256x64xf32>
    tpu.vector_store %arg7[%swap3A_265, %swap3A_266, %swap3A_267], %swap3A_270 {strides = array<i32>} : memref<1x256x1280xf32, #tpu.memory_space<vmem>>, vector<1x256x64xf32>,
    %get3A_271 = arith.constant 0 : index
    %get3A_272 = arith.constant 0 : index
    %get3A_273 = arith.constant 0 : index
    %get3A_274 = vector.load %arg4[%get3A_271, %get3A_272, %get3A_273] : memref<1x256x20xi32, #tpu.memory_space<vmem>>, vector<1x256x20xi32>
    %get3A_275 = vector.shape_cast %get3A_274 : vector<1x256x20xi32> to vector<256x20xi32>
    %slice3A_276 = vector.extract_strided_slice %get3A_275 {offsets = [0, 11], sizes = [256, 1], strides = [1, 1]} : vector<256x20xi32> to vector<256x1xi32>
    %eq3A_277 = vector.broadcast %slice3A_276 : vector<256x1xi32> to vector<256x2048xi32>
    %eq3A_278 = arith.cmpi eq, %iota3A, %eq3A_277 : vector<256x2048xi32>
    %convert_element_type3A_279 = arith.extui %eq3A_278 : vector<256x2048xi1> to vector<256x2048xi32>
    %convert_element_type3A_280 = arith.sitofp %convert_element_type3A_279 : vector<256x2048xi32> to vector<256x2048xf32>
    %dot_general3A_281 = arith.constant dense<0.000000e+00> : vector<256x3xf32>
    %dot_general3A_282 = tpu.matmul %convert_element_type3A_280, %get3A_3, %dot_general3A_281 {dimension_numbers = #tpu.dot_dimension_numbers<[1], [0], [0], [1], [0, 0, 1, 1], [], []>, precision = #tpu.contract_precision<fp32>, transpose_lhs_hint = false} : vector<256x2048xf32>, vector<2048x3xf32>, vector<256x3xf32> -> vector<256x3xf32>
    %sub3A_283 = arith.subf %dot_general3A_282, %get3A_8 : vector<256x3xf32>
    %concatenate3A_284 = tpu.concatenate %get3A_8, %sub3A_283 in 1 : vector<256x3xf32>, vector<256x3xf32> -> vector<256x6xf32>
    %dot_general3A_285 = arith.constant dense<0.000000e+00> : vector<256x64xf32>
    %dot_general3A_286 = tpu.matmul %concatenate3A_284, %get3A_11, %dot_general3A_285 {dimension_numbers = #tpu.dot_dimension_numbers<[1], [0], [0], [1], [0, 0, 1, 1], [], []>, transpose_lhs_hint = false} : vector<256x6xf32>, vector<6x64xf32>, vector<256x64xf32> -> vector<256x64xf32>
    %add3A_287 = vector.broadcast %get3A_14 : vector<1x64xf32> to vector<256x64xf32>
    %add3A_288 = arith.addf %dot_general3A_286, %add3A_287 : vector<256x64xf32>
    %swap3A_289 = arith.constant 0 : index
    %swap3A_290 = arith.constant 0 : index
    %swap3A_291 = arith.constant 704 : index
    %swap3A_292 = vector.load %arg7[%swap3A_289, %swap3A_290, %swap3A_291] : memref<1x256x1280xf32, #tpu.memory_space<vmem>>, vector<1x256x64xf32>
    %swap3A_293 = vector.shape_cast %swap3A_292 : vector<1x256x64xf32> to vector<256x64xf32>
    %swap3A_294 = vector.shape_cast %add3A_288 : vector<256x64xf32> to vector<1x256x64xf32>
    tpu.vector_store %arg7[%swap3A_289, %swap3A_290, %swap3A_291], %swap3A_294 {strides = array<i32>} : memref<1x256x1280xf32, #tpu.memory_space<vmem>>, vector<1x256x64xf32>,
    %get3A_295 = arith.constant 0 : index
    %get3A_296 = arith.constant 0 : index
    %get3A_297 = arith.constant 0 : index
    %get3A_298 = vector.load %arg4[%get3A_295, %get3A_296, %get3A_297] : memref<1x256x20xi32, #tpu.memory_space<vmem>>, vector<1x256x20xi32>
    %get3A_299 = vector.shape_cast %get3A_298 : vector<1x256x20xi32> to vector<256x20xi32>
    %slice3A_300 = vector.extract_strided_slice %get3A_299 {offsets = [0, 12], sizes = [256, 1], strides = [1, 1]} : vector<256x20xi32> to vector<256x1xi32>
    %eq3A_301 = vector.broadcast %slice3A_300 : vector<256x1xi32> to vector<256x2048xi32>
    %eq3A_302 = arith.cmpi eq, %iota3A, %eq3A_301 : vector<256x2048xi32>
    %convert_element_type3A_303 = arith.extui %eq3A_302 : vector<256x2048xi1> to vector<256x2048xi32>
    %convert_element_type3A_304 = arith.sitofp %convert_element_type3A_303 : vector<256x2048xi32> to vector<256x2048xf32>
    %dot_general3A_305 = arith.constant dense<0.000000e+00> : vector<256x3xf32>
    %dot_general3A_306 = tpu.matmul %convert_element_type3A_304, %get3A_3, %dot_general3A_305 {dimension_numbers = #tpu.dot_dimension_numbers<[1], [0], [0], [1], [0, 0, 1, 1], [], []>, precision = #tpu.contract_precision<fp32>, transpose_lhs_hint = false} : vector<256x2048xf32>, vector<2048x3xf32>, vector<256x3xf32> -> vector<256x3xf32>
    %sub3A_307 = arith.subf %dot_general3A_306, %get3A_8 : vector<256x3xf32>
    %concatenate3A_308 = tpu.concatenate %get3A_8, %sub3A_307 in 1 : vector<256x3xf32>, vector<256x3xf32> -> vector<256x6xf32>
    %dot_general3A_309 = arith.constant dense<0.000000e+00> : vector<256x64xf32>
    %dot_general3A_310 = tpu.matmul %concatenate3A_308, %get3A_11, %dot_general3A_309 {dimension_numbers = #tpu.dot_dimension_numbers<[1], [0], [0], [1], [0, 0, 1, 1], [], []>, transpose_lhs_hint = false} : vector<256x6xf32>, vector<6x64xf32>, vector<256x64xf32> -> vector<256x64xf32>
    %add3A_311 = vector.broadcast %get3A_14 : vector<1x64xf32> to vector<256x64xf32>
    %add3A_312 = arith.addf %dot_general3A_310, %add3A_311 : vector<256x64xf32>
    %swap3A_313 = arith.constant 0 : index
    %swap3A_314 = arith.constant 0 : index
    %swap3A_315 = arith.constant 768 : index
    %swap3A_316 = vector.load %arg7[%swap3A_313, %swap3A_314, %swap3A_315] : memref<1x256x1280xf32, #tpu.memory_space<vmem>>, vector<1x256x64xf32>
    %swap3A_317 = vector.shape_cast %swap3A_316 : vector<1x256x64xf32> to vector<256x64xf32>
    %swap3A_318 = vector.shape_cast %add3A_312 : vector<256x64xf32> to vector<1x256x64xf32>
    tpu.vector_store %arg7[%swap3A_313, %swap3A_314, %swap3A_315], %swap3A_318 {strides = array<i32>} : memref<1x256x1280xf32, #tpu.memory_space<vmem>>, vector<1x256x64xf32>,
    %get3A_319 = arith.constant 0 : index
    %get3A_320 = arith.constant 0 : index
    %get3A_321 = arith.constant 0 : index
    %get3A_322 = vector.load %arg4[%get3A_319, %get3A_320, %get3A_321] : memref<1x256x20xi32, #tpu.memory_space<vmem>>, vector<1x256x20xi32>
    %get3A_323 = vector.shape_cast %get3A_322 : vector<1x256x20xi32> to vector<256x20xi32>
    %slice3A_324 = vector.extract_strided_slice %get3A_323 {offsets = [0, 13], sizes = [256, 1], strides = [1, 1]} : vector<256x20xi32> to vector<256x1xi32>
    %eq3A_325 = vector.broadcast %slice3A_324 : vector<256x1xi32> to vector<256x2048xi32>
    %eq3A_326 = arith.cmpi eq, %iota3A, %eq3A_325 : vector<256x2048xi32>
    %convert_element_type3A_327 = arith.extui %eq3A_326 : vector<256x2048xi1> to vector<256x2048xi32>
    %convert_element_type3A_328 = arith.sitofp %convert_element_type3A_327 : vector<256x2048xi32> to vector<256x2048xf32>
    %dot_general3A_329 = arith.constant dense<0.000000e+00> : vector<256x3xf32>
    %dot_general3A_330 = tpu.matmul %convert_element_type3A_328, %get3A_3, %dot_general3A_329 {dimension_numbers = #tpu.dot_dimension_numbers<[1], [0], [0], [1], [0, 0, 1, 1], [], []>, precision = #tpu.contract_precision<fp32>, transpose_lhs_hint = false} : vector<256x2048xf32>, vector<2048x3xf32>, vector<256x3xf32> -> vector<256x3xf32>
    %sub3A_331 = arith.subf %dot_general3A_330, %get3A_8 : vector<256x3xf32>
    %concatenate3A_332 = tpu.concatenate %get3A_8, %sub3A_331 in 1 : vector<256x3xf32>, vector<256x3xf32> -> vector<256x6xf32>
    %dot_general3A_333 = arith.constant dense<0.000000e+00> : vector<256x64xf32>
    %dot_general3A_334 = tpu.matmul %concatenate3A_332, %get3A_11, %dot_general3A_333 {dimension_numbers = #tpu.dot_dimension_numbers<[1], [0], [0], [1], [0, 0, 1, 1], [], []>, transpose_lhs_hint = false} : vector<256x6xf32>, vector<6x64xf32>, vector<256x64xf32> -> vector<256x64xf32>
    %add3A_335 = vector.broadcast %get3A_14 : vector<1x64xf32> to vector<256x64xf32>
    %add3A_336 = arith.addf %dot_general3A_334, %add3A_335 : vector<256x64xf32>
    %swap3A_337 = arith.constant 0 : index
    %swap3A_338 = arith.constant 0 : index
    %swap3A_339 = arith.constant 832 : index
    %swap3A_340 = vector.load %arg7[%swap3A_337, %swap3A_338, %swap3A_339] : memref<1x256x1280xf32, #tpu.memory_space<vmem>>, vector<1x256x64xf32>
    %swap3A_341 = vector.shape_cast %swap3A_340 : vector<1x256x64xf32> to vector<256x64xf32>
    %swap3A_342 = vector.shape_cast %add3A_336 : vector<256x64xf32> to vector<1x256x64xf32>
    tpu.vector_store %arg7[%swap3A_337, %swap3A_338, %swap3A_339], %swap3A_342 {strides = array<i32>} : memref<1x256x1280xf32, #tpu.memory_space<vmem>>, vector<1x256x64xf32>,
    %get3A_343 = arith.constant 0 : index
    %get3A_344 = arith.constant 0 : index
    %get3A_345 = arith.constant 0 : index
    %get3A_346 = vector.load %arg4[%get3A_343, %get3A_344, %get3A_345] : memref<1x256x20xi32, #tpu.memory_space<vmem>>, vector<1x256x20xi32>
    %get3A_347 = vector.shape_cast %get3A_346 : vector<1x256x20xi32> to vector<256x20xi32>
    %slice3A_348 = vector.extract_strided_slice %get3A_347 {offsets = [0, 14], sizes = [256, 1], strides = [1, 1]} : vector<256x20xi32> to vector<256x1xi32>
    %eq3A_349 = vector.broadcast %slice3A_348 : vector<256x1xi32> to vector<256x2048xi32>
    %eq3A_350 = arith.cmpi eq, %iota3A, %eq3A_349 : vector<256x2048xi32>
    %convert_element_type3A_351 = arith.extui %eq3A_350 : vector<256x2048xi1> to vector<256x2048xi32>
    %convert_element_type3A_352 = arith.sitofp %convert_element_type3A_351 : vector<256x2048xi32> to vector<256x2048xf32>
    %dot_general3A_353 = arith.constant dense<0.000000e+00> : vector<256x3xf32>
    %dot_general3A_354 = tpu.matmul %convert_element_type3A_352, %get3A_3, %dot_general3A_353 {dimension_numbers = #tpu.dot_dimension_numbers<[1], [0], [0], [1], [0, 0, 1, 1], [], []>, precision = #tpu.contract_precision<fp32>, transpose_lhs_hint = false} : vector<256x2048xf32>, vector<2048x3xf32>, vector<256x3xf32> -> vector<256x3xf32>
    %sub3A_355 = arith.subf %dot_general3A_354, %get3A_8 : vector<256x3xf32>
    %concatenate3A_356 = tpu.concatenate %get3A_8, %sub3A_355 in 1 : vector<256x3xf32>, vector<256x3xf32> -> vector<256x6xf32>
    %dot_general3A_357 = arith.constant dense<0.000000e+00> : vector<256x64xf32>
    %dot_general3A_358 = tpu.matmul %concatenate3A_356, %get3A_11, %dot_general3A_357 {dimension_numbers = #tpu.dot_dimension_numbers<[1], [0], [0], [1], [0, 0, 1, 1], [], []>, transpose_lhs_hint = false} : vector<256x6xf32>, vector<6x64xf32>, vector<256x64xf32> -> vector<256x64xf32>
    %add3A_359 = vector.broadcast %get3A_14 : vector<1x64xf32> to vector<256x64xf32>
    %add3A_360 = arith.addf %dot_general3A_358, %add3A_359 : vector<256x64xf32>
    %swap3A_361 = arith.constant 0 : index
    %swap3A_362 = arith.constant 0 : index
    %swap3A_363 = arith.constant 896 : index
    %swap3A_364 = vector.load %arg7[%swap3A_361, %swap3A_362, %swap3A_363] : memref<1x256x1280xf32, #tpu.memory_space<vmem>>, vector<1x256x64xf32>
    %swap3A_365 = vector.shape_cast %swap3A_364 : vector<1x256x64xf32> to vector<256x64xf32>
    %swap3A_366 = vector.shape_cast %add3A_360 : vector<256x64xf32> to vector<1x256x64xf32>
    tpu.vector_store %arg7[%swap3A_361, %swap3A_362, %swap3A_363], %swap3A_366 {strides = array<i32>} : memref<1x256x1280xf32, #tpu.memory_space<vmem>>, vector<1x256x64xf32>,
    %get3A_367 = arith.constant 0 : index
    %get3A_368 = arith.constant 0 : index
    %get3A_369 = arith.constant 0 : index
    %get3A_370 = vector.load %arg4[%get3A_367, %get3A_368, %get3A_369] : memref<1x256x20xi32, #tpu.memory_space<vmem>>, vector<1x256x20xi32>
    %get3A_371 = vector.shape_cast %get3A_370 : vector<1x256x20xi32> to vector<256x20xi32>
    %slice3A_372 = vector.extract_strided_slice %get3A_371 {offsets = [0, 15], sizes = [256, 1], strides = [1, 1]} : vector<256x20xi32> to vector<256x1xi32>
    %eq3A_373 = vector.broadcast %slice3A_372 : vector<256x1xi32> to vector<256x2048xi32>
    %eq3A_374 = arith.cmpi eq, %iota3A, %eq3A_373 : vector<256x2048xi32>
    %convert_element_type3A_375 = arith.extui %eq3A_374 : vector<256x2048xi1> to vector<256x2048xi32>
    %convert_element_type3A_376 = arith.sitofp %convert_element_type3A_375 : vector<256x2048xi32> to vector<256x2048xf32>
    %dot_general3A_377 = arith.constant dense<0.000000e+00> : vector<256x3xf32>
    %dot_general3A_378 = tpu.matmul %convert_element_type3A_376, %get3A_3, %dot_general3A_377 {dimension_numbers = #tpu.dot_dimension_numbers<[1], [0], [0], [1], [0, 0, 1, 1], [], []>, precision = #tpu.contract_precision<fp32>, transpose_lhs_hint = false} : vector<256x2048xf32>, vector<2048x3xf32>, vector<256x3xf32> -> vector<256x3xf32>
    %sub3A_379 = arith.subf %dot_general3A_378, %get3A_8 : vector<256x3xf32>
    %concatenate3A_380 = tpu.concatenate %get3A_8, %sub3A_379 in 1 : vector<256x3xf32>, vector<256x3xf32> -> vector<256x6xf32>
    %dot_general3A_381 = arith.constant dense<0.000000e+00> : vector<256x64xf32>
    %dot_general3A_382 = tpu.matmul %concatenate3A_380, %get3A_11, %dot_general3A_381 {dimension_numbers = #tpu.dot_dimension_numbers<[1], [0], [0], [1], [0, 0, 1, 1], [], []>, transpose_lhs_hint = false} : vector<256x6xf32>, vector<6x64xf32>, vector<256x64xf32> -> vector<256x64xf32>
    %add3A_383 = vector.broadcast %get3A_14 : vector<1x64xf32> to vector<256x64xf32>
    %add3A_384 = arith.addf %dot_general3A_382, %add3A_383 : vector<256x64xf32>
    %swap3A_385 = arith.constant 0 : index
    %swap3A_386 = arith.constant 0 : index
    %swap3A_387 = arith.constant 960 : index
    %swap3A_388 = vector.load %arg7[%swap3A_385, %swap3A_386, %swap3A_387] : memref<1x256x1280xf32, #tpu.memory_space<vmem>>, vector<1x256x64xf32>
    %swap3A_389 = vector.shape_cast %swap3A_388 : vector<1x256x64xf32> to vector<256x64xf32>
    %swap3A_390 = vector.shape_cast %add3A_384 : vector<256x64xf32> to vector<1x256x64xf32>
    tpu.vector_store %arg7[%swap3A_385, %swap3A_386, %swap3A_387], %swap3A_390 {strides = array<i32>} : memref<1x256x1280xf32, #tpu.memory_space<vmem>>, vector<1x256x64xf32>,
    %get3A_391 = arith.constant 0 : index
    %get3A_392 = arith.constant 0 : index
    %get3A_393 = arith.constant 0 : index
    %get3A_394 = vector.load %arg4[%get3A_391, %get3A_392, %get3A_393] : memref<1x256x20xi32, #tpu.memory_space<vmem>>, vector<1x256x20xi32>
    %get3A_395 = vector.shape_cast %get3A_394 : vector<1x256x20xi32> to vector<256x20xi32>
    %slice3A_396 = vector.extract_strided_slice %get3A_395 {offsets = [0, 16], sizes = [256, 1], strides = [1, 1]} : vector<256x20xi32> to vector<256x1xi32>
    %eq3A_397 = vector.broadcast %slice3A_396 : vector<256x1xi32> to vector<256x2048xi32>
    %eq3A_398 = arith.cmpi eq, %iota3A, %eq3A_397 : vector<256x2048xi32>
    %convert_element_type3A_399 = arith.extui %eq3A_398 : vector<256x2048xi1> to vector<256x2048xi32>
    %convert_element_type3A_400 = arith.sitofp %convert_element_type3A_399 : vector<256x2048xi32> to vector<256x2048xf32>
    %dot_general3A_401 = arith.constant dense<0.000000e+00> : vector<256x3xf32>
    %dot_general3A_402 = tpu.matmul %convert_element_type3A_400, %get3A_3, %dot_general3A_401 {dimension_numbers = #tpu.dot_dimension_numbers<[1], [0], [0], [1], [0, 0, 1, 1], [], []>, precision = #tpu.contract_precision<fp32>, transpose_lhs_hint = false} : vector<256x2048xf32>, vector<2048x3xf32>, vector<256x3xf32> -> vector<256x3xf32>
    %sub3A_403 = arith.subf %dot_general3A_402, %get3A_8 : vector<256x3xf32>
    %concatenate3A_404 = tpu.concatenate %get3A_8, %sub3A_403 in 1 : vector<256x3xf32>, vector<256x3xf32> -> vector<256x6xf32>
    %dot_general3A_405 = arith.constant dense<0.000000e+00> : vector<256x64xf32>
    %dot_general3A_406 = tpu.matmul %concatenate3A_404, %get3A_11, %dot_general3A_405 {dimension_numbers = #tpu.dot_dimension_numbers<[1], [0], [0], [1], [0, 0, 1, 1], [], []>, transpose_lhs_hint = false} : vector<256x6xf32>, vector<6x64xf32>, vector<256x64xf32> -> vector<256x64xf32>
    %add3A_407 = vector.broadcast %get3A_14 : vector<1x64xf32> to vector<256x64xf32>
    %add3A_408 = arith.addf %dot_general3A_406, %add3A_407 : vector<256x64xf32>
    %swap3A_409 = arith.constant 0 : index
    %swap3A_410 = arith.constant 0 : index
    %swap3A_411 = arith.constant 1024 : index
    %swap3A_412 = vector.load %arg7[%swap3A_409, %swap3A_410, %swap3A_411] : memref<1x256x1280xf32, #tpu.memory_space<vmem>>, vector<1x256x64xf32>
    %swap3A_413 = vector.shape_cast %swap3A_412 : vector<1x256x64xf32> to vector<256x64xf32>
    %swap3A_414 = vector.shape_cast %add3A_408 : vector<256x64xf32> to vector<1x256x64xf32>
    tpu.vector_store %arg7[%swap3A_409, %swap3A_410, %swap3A_411], %swap3A_414 {strides = array<i32>} : memref<1x256x1280xf32, #tpu.memory_space<vmem>>, vector<1x256x64xf32>,
    %get3A_415 = arith.constant 0 : index
    %get3A_416 = arith.constant 0 : index
    %get3A_417 = arith.constant 0 : index
    %get3A_418 = vector.load %arg4[%get3A_415, %get3A_416, %get3A_417] : memref<1x256x20xi32, #tpu.memory_space<vmem>>, vector<1x256x20xi32>
    %get3A_419 = vector.shape_cast %get3A_418 : vector<1x256x20xi32> to vector<256x20xi32>
    %slice3A_420 = vector.extract_strided_slice %get3A_419 {offsets = [0, 17], sizes = [256, 1], strides = [1, 1]} : vector<256x20xi32> to vector<256x1xi32>
    %eq3A_421 = vector.broadcast %slice3A_420 : vector<256x1xi32> to vector<256x2048xi32>
    %eq3A_422 = arith.cmpi eq, %iota3A, %eq3A_421 : vector<256x2048xi32>
    %convert_element_type3A_423 = arith.extui %eq3A_422 : vector<256x2048xi1> to vector<256x2048xi32>
    %convert_element_type3A_424 = arith.sitofp %convert_element_type3A_423 : vector<256x2048xi32> to vector<256x2048xf32>
    %dot_general3A_425 = arith.constant dense<0.000000e+00> : vector<256x3xf32>
    %dot_general3A_426 = tpu.matmul %convert_element_type3A_424, %get3A_3, %dot_general3A_425 {dimension_numbers = #tpu.dot_dimension_numbers<[1], [0], [0], [1], [0, 0, 1, 1], [], []>, precision = #tpu.contract_precision<fp32>, transpose_lhs_hint = false} : vector<256x2048xf32>, vector<2048x3xf32>, vector<256x3xf32> -> vector<256x3xf32>
    %sub3A_427 = arith.subf %dot_general3A_426, %get3A_8 : vector<256x3xf32>
    %concatenate3A_428 = tpu.concatenate %get3A_8, %sub3A_427 in 1 : vector<256x3xf32>, vector<256x3xf32> -> vector<256x6xf32>
    %dot_general3A_429 = arith.constant dense<0.000000e+00> : vector<256x64xf32>
    %dot_general3A_430 = tpu.matmul %concatenate3A_428, %get3A_11, %dot_general3A_429 {dimension_numbers = #tpu.dot_dimension_numbers<[1], [0], [0], [1], [0, 0, 1, 1], [], []>, transpose_lhs_hint = false} : vector<256x6xf32>, vector<6x64xf32>, vector<256x64xf32> -> vector<256x64xf32>
    %add3A_431 = vector.broadcast %get3A_14 : vector<1x64xf32> to vector<256x64xf32>
    %add3A_432 = arith.addf %dot_general3A_430, %add3A_431 : vector<256x64xf32>
    %swap3A_433 = arith.constant 0 : index
    %swap3A_434 = arith.constant 0 : index
    %swap3A_435 = arith.constant 1088 : index
    %swap3A_436 = vector.load %arg7[%swap3A_433, %swap3A_434, %swap3A_435] : memref<1x256x1280xf32, #tpu.memory_space<vmem>>, vector<1x256x64xf32>
    %swap3A_437 = vector.shape_cast %swap3A_436 : vector<1x256x64xf32> to vector<256x64xf32>
    %swap3A_438 = vector.shape_cast %add3A_432 : vector<256x64xf32> to vector<1x256x64xf32>
    tpu.vector_store %arg7[%swap3A_433, %swap3A_434, %swap3A_435], %swap3A_438 {strides = array<i32>} : memref<1x256x1280xf32, #tpu.memory_space<vmem>>, vector<1x256x64xf32>,
    %get3A_439 = arith.constant 0 : index
    %get3A_440 = arith.constant 0 : index
    %get3A_441 = arith.constant 0 : index
    %get3A_442 = vector.load %arg4[%get3A_439, %get3A_440, %get3A_441] : memref<1x256x20xi32, #tpu.memory_space<vmem>>, vector<1x256x20xi32>
    %get3A_443 = vector.shape_cast %get3A_442 : vector<1x256x20xi32> to vector<256x20xi32>
    %slice3A_444 = vector.extract_strided_slice %get3A_443 {offsets = [0, 18], sizes = [256, 1], strides = [1, 1]} : vector<256x20xi32> to vector<256x1xi32>
    %eq3A_445 = vector.broadcast %slice3A_444 : vector<256x1xi32> to vector<256x2048xi32>
    %eq3A_446 = arith.cmpi eq, %iota3A, %eq3A_445 : vector<256x2048xi32>
    %convert_element_type3A_447 = arith.extui %eq3A_446 : vector<256x2048xi1> to vector<256x2048xi32>
    %convert_element_type3A_448 = arith.sitofp %convert_element_type3A_447 : vector<256x2048xi32> to vector<256x2048xf32>
    %dot_general3A_449 = arith.constant dense<0.000000e+00> : vector<256x3xf32>
    %dot_general3A_450 = tpu.matmul %convert_element_type3A_448, %get3A_3, %dot_general3A_449 {dimension_numbers = #tpu.dot_dimension_numbers<[1], [0], [0], [1], [0, 0, 1, 1], [], []>, precision = #tpu.contract_precision<fp32>, transpose_lhs_hint = false} : vector<256x2048xf32>, vector<2048x3xf32>, vector<256x3xf32> -> vector<256x3xf32>
    %sub3A_451 = arith.subf %dot_general3A_450, %get3A_8 : vector<256x3xf32>
    %concatenate3A_452 = tpu.concatenate %get3A_8, %sub3A_451 in 1 : vector<256x3xf32>, vector<256x3xf32> -> vector<256x6xf32>
    %dot_general3A_453 = arith.constant dense<0.000000e+00> : vector<256x64xf32>
    %dot_general3A_454 = tpu.matmul %concatenate3A_452, %get3A_11, %dot_general3A_453 {dimension_numbers = #tpu.dot_dimension_numbers<[1], [0], [0], [1], [0, 0, 1, 1], [], []>, transpose_lhs_hint = false} : vector<256x6xf32>, vector<6x64xf32>, vector<256x64xf32> -> vector<256x64xf32>
    %add3A_455 = vector.broadcast %get3A_14 : vector<1x64xf32> to vector<256x64xf32>
    %add3A_456 = arith.addf %dot_general3A_454, %add3A_455 : vector<256x64xf32>
    %swap3A_457 = arith.constant 0 : index
    %swap3A_458 = arith.constant 0 : index
    %swap3A_459 = arith.constant 1152 : index
    %swap3A_460 = vector.load %arg7[%swap3A_457, %swap3A_458, %swap3A_459] : memref<1x256x1280xf32, #tpu.memory_space<vmem>>, vector<1x256x64xf32>
    %swap3A_461 = vector.shape_cast %swap3A_460 : vector<1x256x64xf32> to vector<256x64xf32>
    %swap3A_462 = vector.shape_cast %add3A_456 : vector<256x64xf32> to vector<1x256x64xf32>
    tpu.vector_store %arg7[%swap3A_457, %swap3A_458, %swap3A_459], %swap3A_462 {strides = array<i32>} : memref<1x256x1280xf32, #tpu.memory_space<vmem>>, vector<1x256x64xf32>,
    %get3A_463 = arith.constant 0 : index
    %get3A_464 = arith.constant 0 : index
    %get3A_465 = arith.constant 0 : index
    %get3A_466 = vector.load %arg4[%get3A_463, %get3A_464, %get3A_465] : memref<1x256x20xi32, #tpu.memory_space<vmem>>, vector<1x256x20xi32>
    %get3A_467 = vector.shape_cast %get3A_466 : vector<1x256x20xi32> to vector<256x20xi32>
    %slice3A_468 = vector.extract_strided_slice %get3A_467 {offsets = [0, 19], sizes = [256, 1], strides = [1, 1]} : vector<256x20xi32> to vector<256x1xi32>
    %eq3A_469 = vector.broadcast %slice3A_468 : vector<256x1xi32> to vector<256x2048xi32>
    %eq3A_470 = arith.cmpi eq, %iota3A, %eq3A_469 : vector<256x2048xi32>
    %convert_element_type3A_471 = arith.extui %eq3A_470 : vector<256x2048xi1> to vector<256x2048xi32>
    %convert_element_type3A_472 = arith.sitofp %convert_element_type3A_471 : vector<256x2048xi32> to vector<256x2048xf32>
    %dot_general3A_473 = arith.constant dense<0.000000e+00> : vector<256x3xf32>
    %dot_general3A_474 = tpu.matmul %convert_element_type3A_472, %get3A_3, %dot_general3A_473 {dimension_numbers = #tpu.dot_dimension_numbers<[1], [0], [0], [1], [0, 0, 1, 1], [], []>, precision = #tpu.contract_precision<fp32>, transpose_lhs_hint = false} : vector<256x2048xf32>, vector<2048x3xf32>, vector<256x3xf32> -> vector<256x3xf32>
    %sub3A_475 = arith.subf %dot_general3A_474, %get3A_8 : vector<256x3xf32>
    %concatenate3A_476 = tpu.concatenate %get3A_8, %sub3A_475 in 1 : vector<256x3xf32>, vector<256x3xf32> -> vector<256x6xf32>
    %dot_general3A_477 = arith.constant dense<0.000000e+00> : vector<256x64xf32>
    %dot_general3A_478 = tpu.matmul %concatenate3A_476, %get3A_11, %dot_general3A_477 {dimension_numbers = #tpu.dot_dimension_numbers<[1], [0], [0], [1], [0, 0, 1, 1], [], []>, transpose_lhs_hint = false} : vector<256x6xf32>, vector<6x64xf32>, vector<256x64xf32> -> vector<256x64xf32>
    %add3A_479 = vector.broadcast %get3A_14 : vector<1x64xf32> to vector<256x64xf32>
    %add3A_480 = arith.addf %dot_general3A_478, %add3A_479 : vector<256x64xf32>
    %swap3A_481 = arith.constant 0 : index
    %swap3A_482 = arith.constant 0 : index
    %swap3A_483 = arith.constant 1216 : index
    %swap3A_484 = vector.load %arg7[%swap3A_481, %swap3A_482, %swap3A_483] : memref<1x256x1280xf32, #tpu.memory_space<vmem>>, vector<1x256x64xf32>
    %swap3A_485 = vector.shape_cast %swap3A_484 : vector<1x256x64xf32> to vector<256x64xf32>
    %swap3A_486 = vector.shape_cast %add3A_480 : vector<256x64xf32> to vector<1x256x64xf32>
    tpu.vector_store %arg7[%swap3A_481, %swap3A_482, %swap3A_483], %swap3A_486 {strides = array<i32>} : memref<1x256x1280xf32, #tpu.memory_space<vmem>>, vector<1x256x64xf32>,
    return
  }
  func.func @transform_0(%arg0: i32, %arg1: i32) -> (i32, i32, i32) {
    %c0_i32 = arith.constant 0 : i32
    %c0_i32_0 = arith.constant 0 : i32
    %c0_i32_1 = arith.constant 0 : i32
    return %arg0, %c0_i32, %c0_i32_0 : i32, i32, i32
  }
  func.func @transform_1(%arg0: i32, %arg1: i32) -> (i32, i32, i32) {
    %c0_i32 = arith.constant 0 : i32
    %c0_i32_0 = arith.constant 0 : i32
    return %arg0, %arg1, %c0_i32 : i32, i32, i32
  }
  func.func @transform_2(%arg0: i32, %arg1: i32) -> (i32, i32, i32) {
    %c0_i32 = arith.constant 0 : i32
    %c0_i32_0 = arith.constant 0 : i32
    return %arg0, %arg1, %c0_i32 : i32, i32, i32
  }
  func.func @transform_3(%arg0: i32, %arg1: i32) -> (i32, i32) {
    %c0_i32 = arith.constant 0 : i32
    %c0_i32_0 = arith.constant 0 : i32
    %c0_i32_1 = arith.constant 0 : i32
    return %c0_i32, %c0_i32_0 : i32, i32
  }
  func.func @transform_4(%arg0: i32, %arg1: i32) -> (i32, i32) {
    %c0_i32 = arith.constant 0 : i32
    %c0_i32_0 = arith.constant 0 : i32
    %c0_i32_1 = arith.constant 0 : i32
    return %c0_i32, %c0_i32_0 : i32, i32
  }
  func.func @transform_5(%arg0: i32, %arg1: i32) -> (i32, i32, i32) {
    %c0_i32 = arith.constant 0 : i32
    %c0_i32_0 = arith.constant 0 : i32
    return %arg0, %arg1, %c0_i32 : i32, i32, i32
  }
}

module attributes {stable_mosaic.version = 14 : i64} {
  func.func @_e2_body(%arg0: i32, %arg1: i32, %arg2: memref<1x256x1280xf32, #tpu.memory_space<vmem>>, %arg3: memref<1x64xf32, #tpu.memory_space<vmem>>, %arg4: memref<1x64xf32, #tpu.memory_space<vmem>>, %arg5: memref<1x64xf32, #tpu.memory_space<vmem>>, %arg6: memref<1x64xf32, #tpu.memory_space<vmem>>, %arg7: memref<64x64xf32, #tpu.memory_space<vmem>>, %arg8: memref<1x64xf32, #tpu.memory_space<vmem>>, %arg9: memref<256x64xf32, #tpu.memory_space<vmem>>, %arg10: memref<256x64xf32, #tpu.memory_space<vmem>>, %arg11: memref<1x256x1280xf32, #tpu.memory_space<vmem>>) attributes {dimension_semantics = [#tpu.dimension_semantics<arbitrary>, #tpu.dimension_semantics<arbitrary>], iteration_bounds = array<i64: 8, 8>, scalar_prefetch = 0 : i64, scratch_operands = 0 : i64, tpu.core_type = #tpu.core_type<tc>, window_params = [{transform_indices = @transform_0, window_bounds = array<i64: 1, 256, 1280>}, {pipeline_mode = #tpu.pipeline_mode<synchronous>, transform_indices = @transform_1, window_bounds = array<i64: 1, 64>}, {pipeline_mode = #tpu.pipeline_mode<synchronous>, transform_indices = @transform_2, window_bounds = array<i64: 1, 64>}, {pipeline_mode = #tpu.pipeline_mode<synchronous>, transform_indices = @transform_3, window_bounds = array<i64: 1, 64>}, {pipeline_mode = #tpu.pipeline_mode<synchronous>, transform_indices = @transform_4, window_bounds = array<i64: 1, 64>}, {pipeline_mode = #tpu.pipeline_mode<synchronous>, transform_indices = @transform_5, window_bounds = array<i64: 64, 64>}, {pipeline_mode = #tpu.pipeline_mode<synchronous>, transform_indices = @transform_6, window_bounds = array<i64: 1, 64>}, {transform_indices = @transform_7, window_bounds = array<i64: 256, 64>}, {transform_indices = @transform_8, window_bounds = array<i64: 256, 64>}, {transform_indices = @transform_9, window_bounds = array<i64: 1, 256, 1280>}]} {
    %get3A = arith.constant 0 : index
    %get3A_0 = arith.constant 0 : index
    %get3A_1 = vector.load %arg3[%get3A, %get3A_0] : memref<1x64xf32, #tpu.memory_space<vmem>>, vector<1x64xf32>
    %get3A_2 = arith.constant 0 : index
    %get3A_3 = arith.constant 0 : index
    %get3A_4 = vector.load %arg4[%get3A_2, %get3A_3] : memref<1x64xf32, #tpu.memory_space<vmem>>, vector<1x64xf32>
    %add3A = arith.constant 9.99999974E-6 : f32
    %add3A_5 = vector.broadcast %add3A : f32 to vector<1x64xf32>
    %add3A_6 = arith.addf %get3A_4, %add3A_5 : vector<1x64xf32>
    %sqrt3A = math.sqrt %add3A_6 : vector<1x64xf32>
    %get3A_7 = arith.constant 0 : index
    %get3A_8 = arith.constant 0 : index
    %get3A_9 = vector.load %arg5[%get3A_7, %get3A_8] : memref<1x64xf32, #tpu.memory_space<vmem>>, vector<1x64xf32>
    %get3A_10 = arith.constant 0 : index
    %get3A_11 = arith.constant 0 : index
    %get3A_12 = vector.load %arg6[%get3A_10, %get3A_11] : memref<1x64xf32, #tpu.memory_space<vmem>>, vector<1x64xf32>
    %get3A_13 = arith.constant 0 : index
    %get3A_14 = arith.constant 0 : index
    %get3A_15 = vector.load %arg7[%get3A_13, %get3A_14] : memref<64x64xf32, #tpu.memory_space<vmem>>, vector<64x64xf32>
    %get3A_16 = arith.constant 0 : index
    %get3A_17 = arith.constant 0 : index
    %get3A_18 = vector.load %arg8[%get3A_16, %get3A_17] : memref<1x64xf32, #tpu.memory_space<vmem>>, vector<1x64xf32>
    %broadcast_in_dim3A = arith.constant 0xFF800000 : f32
    %broadcast_in_dim3A_19 = vector.broadcast %broadcast_in_dim3A : f32 to vector<256x64xf32>
    %broadcast_in_dim3A_20 = arith.constant 0x7F800000 : f32
    %broadcast_in_dim3A_21 = vector.broadcast %broadcast_in_dim3A_20 : f32 to vector<256x64xf32>
    %get3A_22 = arith.constant 0 : index
    %get3A_23 = arith.constant 0 : index
    %get3A_24 = arith.constant 0 : index
    %get3A_25 = vector.load %arg2[%get3A_22, %get3A_23, %get3A_24] : memref<1x256x1280xf32, #tpu.memory_space<vmem>>, vector<1x256x64xf32>
    %get3A_26 = vector.shape_cast %get3A_25 : vector<1x256x64xf32> to vector<256x64xf32>
    %sub3A = vector.broadcast %get3A_1 : vector<1x64xf32> to vector<256x64xf32>
    %sub3A_27 = arith.subf %get3A_26, %sub3A : vector<256x64xf32>
    %div3A = vector.broadcast %sqrt3A : vector<1x64xf32> to vector<256x64xf32>
    %div3A_28 = arith.divf %sub3A_27, %div3A : vector<256x64xf32>
    %mul3A = vector.broadcast %get3A_9 : vector<1x64xf32> to vector<256x64xf32>
    %mul3A_29 = arith.mulf %div3A_28, %mul3A : vector<256x64xf32>
    %add3A_30 = vector.broadcast %get3A_12 : vector<1x64xf32> to vector<256x64xf32>
    %add3A_31 = arith.addf %mul3A_29, %add3A_30 : vector<256x64xf32>
    %max3A = arith.constant 0.000000e+00 : f32
    %max3A_32 = vector.broadcast %max3A : f32 to vector<256x64xf32>
    %max3A_33 = arith.maximumf %add3A_31, %max3A_32 : vector<256x64xf32>
    %dot_general3A = arith.constant dense<0.000000e+00> : vector<256x64xf32>
    %dot_general3A_34 = tpu.matmul %max3A_33, %get3A_15, %dot_general3A {dimension_numbers = #tpu.dot_dimension_numbers<[1], [0], [0], [1], [0, 0, 1, 1], [], []>, transpose_lhs_hint = false} : vector<256x64xf32>, vector<64x64xf32>, vector<256x64xf32> -> vector<256x64xf32>
    %add3A_35 = vector.broadcast %get3A_18 : vector<1x64xf32> to vector<256x64xf32>
    %add3A_36 = arith.addf %dot_general3A_34, %add3A_35 : vector<256x64xf32>
    %max3A_37 = arith.maximumf %broadcast_in_dim3A_19, %add3A_36 : vector<256x64xf32>
    %min3A = arith.minimumf %broadcast_in_dim3A_21, %add3A_36 : vector<256x64xf32>
    %swap3A = arith.constant 0 : index
    %swap3A_38 = arith.constant 0 : index
    %swap3A_39 = arith.constant 0 : index
    %swap3A_40 = vector.load %arg11[%swap3A, %swap3A_38, %swap3A_39] : memref<1x256x1280xf32, #tpu.memory_space<vmem>>, vector<1x256x64xf32>
    %swap3A_41 = vector.shape_cast %swap3A_40 : vector<1x256x64xf32> to vector<256x64xf32>
    %swap3A_42 = vector.shape_cast %add3A_36 : vector<256x64xf32> to vector<1x256x64xf32>
    tpu.vector_store %arg11[%swap3A, %swap3A_38, %swap3A_39], %swap3A_42 {strides = array<i32>} : memref<1x256x1280xf32, #tpu.memory_space<vmem>>, vector<1x256x64xf32>,
    %get3A_43 = arith.constant 0 : index
    %get3A_44 = arith.constant 0 : index
    %get3A_45 = arith.constant 64 : index
    %get3A_46 = vector.load %arg2[%get3A_43, %get3A_44, %get3A_45] : memref<1x256x1280xf32, #tpu.memory_space<vmem>>, vector<1x256x64xf32>
    %get3A_47 = vector.shape_cast %get3A_46 : vector<1x256x64xf32> to vector<256x64xf32>
    %sub3A_48 = vector.broadcast %get3A_1 : vector<1x64xf32> to vector<256x64xf32>
    %sub3A_49 = arith.subf %get3A_47, %sub3A_48 : vector<256x64xf32>
    %div3A_50 = vector.broadcast %sqrt3A : vector<1x64xf32> to vector<256x64xf32>
    %div3A_51 = arith.divf %sub3A_49, %div3A_50 : vector<256x64xf32>
    %mul3A_52 = vector.broadcast %get3A_9 : vector<1x64xf32> to vector<256x64xf32>
    %mul3A_53 = arith.mulf %div3A_51, %mul3A_52 : vector<256x64xf32>
    %add3A_54 = vector.broadcast %get3A_12 : vector<1x64xf32> to vector<256x64xf32>
    %add3A_55 = arith.addf %mul3A_53, %add3A_54 : vector<256x64xf32>
    %max3A_56 = arith.constant 0.000000e+00 : f32
    %max3A_57 = vector.broadcast %max3A_56 : f32 to vector<256x64xf32>
    %max3A_58 = arith.maximumf %add3A_55, %max3A_57 : vector<256x64xf32>
    %dot_general3A_59 = arith.constant dense<0.000000e+00> : vector<256x64xf32>
    %dot_general3A_60 = tpu.matmul %max3A_58, %get3A_15, %dot_general3A_59 {dimension_numbers = #tpu.dot_dimension_numbers<[1], [0], [0], [1], [0, 0, 1, 1], [], []>, transpose_lhs_hint = false} : vector<256x64xf32>, vector<64x64xf32>, vector<256x64xf32> -> vector<256x64xf32>
    %add3A_61 = vector.broadcast %get3A_18 : vector<1x64xf32> to vector<256x64xf32>
    %add3A_62 = arith.addf %dot_general3A_60, %add3A_61 : vector<256x64xf32>
    %max3A_63 = arith.maximumf %max3A_37, %add3A_62 : vector<256x64xf32>
    %min3A_64 = arith.minimumf %min3A, %add3A_62 : vector<256x64xf32>
    %swap3A_65 = arith.constant 0 : index
    %swap3A_66 = arith.constant 0 : index
    %swap3A_67 = arith.constant 64 : index
    %swap3A_68 = vector.load %arg11[%swap3A_65, %swap3A_66, %swap3A_67] : memref<1x256x1280xf32, #tpu.memory_space<vmem>>, vector<1x256x64xf32>
    %swap3A_69 = vector.shape_cast %swap3A_68 : vector<1x256x64xf32> to vector<256x64xf32>
    %swap3A_70 = vector.shape_cast %add3A_62 : vector<256x64xf32> to vector<1x256x64xf32>
    tpu.vector_store %arg11[%swap3A_65, %swap3A_66, %swap3A_67], %swap3A_70 {strides = array<i32>} : memref<1x256x1280xf32, #tpu.memory_space<vmem>>, vector<1x256x64xf32>,
    %get3A_71 = arith.constant 0 : index
    %get3A_72 = arith.constant 0 : index
    %get3A_73 = arith.constant 128 : index
    %get3A_74 = vector.load %arg2[%get3A_71, %get3A_72, %get3A_73] : memref<1x256x1280xf32, #tpu.memory_space<vmem>>, vector<1x256x64xf32>
    %get3A_75 = vector.shape_cast %get3A_74 : vector<1x256x64xf32> to vector<256x64xf32>
    %sub3A_76 = vector.broadcast %get3A_1 : vector<1x64xf32> to vector<256x64xf32>
    %sub3A_77 = arith.subf %get3A_75, %sub3A_76 : vector<256x64xf32>
    %div3A_78 = vector.broadcast %sqrt3A : vector<1x64xf32> to vector<256x64xf32>
    %div3A_79 = arith.divf %sub3A_77, %div3A_78 : vector<256x64xf32>
    %mul3A_80 = vector.broadcast %get3A_9 : vector<1x64xf32> to vector<256x64xf32>
    %mul3A_81 = arith.mulf %div3A_79, %mul3A_80 : vector<256x64xf32>
    %add3A_82 = vector.broadcast %get3A_12 : vector<1x64xf32> to vector<256x64xf32>
    %add3A_83 = arith.addf %mul3A_81, %add3A_82 : vector<256x64xf32>
    %max3A_84 = arith.constant 0.000000e+00 : f32
    %max3A_85 = vector.broadcast %max3A_84 : f32 to vector<256x64xf32>
    %max3A_86 = arith.maximumf %add3A_83, %max3A_85 : vector<256x64xf32>
    %dot_general3A_87 = arith.constant dense<0.000000e+00> : vector<256x64xf32>
    %dot_general3A_88 = tpu.matmul %max3A_86, %get3A_15, %dot_general3A_87 {dimension_numbers = #tpu.dot_dimension_numbers<[1], [0], [0], [1], [0, 0, 1, 1], [], []>, transpose_lhs_hint = false} : vector<256x64xf32>, vector<64x64xf32>, vector<256x64xf32> -> vector<256x64xf32>
    %add3A_89 = vector.broadcast %get3A_18 : vector<1x64xf32> to vector<256x64xf32>
    %add3A_90 = arith.addf %dot_general3A_88, %add3A_89 : vector<256x64xf32>
    %max3A_91 = arith.maximumf %max3A_63, %add3A_90 : vector<256x64xf32>
    %min3A_92 = arith.minimumf %min3A_64, %add3A_90 : vector<256x64xf32>
    %swap3A_93 = arith.constant 0 : index
    %swap3A_94 = arith.constant 0 : index
    %swap3A_95 = arith.constant 128 : index
    %swap3A_96 = vector.load %arg11[%swap3A_93, %swap3A_94, %swap3A_95] : memref<1x256x1280xf32, #tpu.memory_space<vmem>>, vector<1x256x64xf32>
    %swap3A_97 = vector.shape_cast %swap3A_96 : vector<1x256x64xf32> to vector<256x64xf32>
    %swap3A_98 = vector.shape_cast %add3A_90 : vector<256x64xf32> to vector<1x256x64xf32>
    tpu.vector_store %arg11[%swap3A_93, %swap3A_94, %swap3A_95], %swap3A_98 {strides = array<i32>} : memref<1x256x1280xf32, #tpu.memory_space<vmem>>, vector<1x256x64xf32>,
    %get3A_99 = arith.constant 0 : index
    %get3A_100 = arith.constant 0 : index
    %get3A_101 = arith.constant 192 : index
    %get3A_102 = vector.load %arg2[%get3A_99, %get3A_100, %get3A_101] : memref<1x256x1280xf32, #tpu.memory_space<vmem>>, vector<1x256x64xf32>
    %get3A_103 = vector.shape_cast %get3A_102 : vector<1x256x64xf32> to vector<256x64xf32>
    %sub3A_104 = vector.broadcast %get3A_1 : vector<1x64xf32> to vector<256x64xf32>
    %sub3A_105 = arith.subf %get3A_103, %sub3A_104 : vector<256x64xf32>
    %div3A_106 = vector.broadcast %sqrt3A : vector<1x64xf32> to vector<256x64xf32>
    %div3A_107 = arith.divf %sub3A_105, %div3A_106 : vector<256x64xf32>
    %mul3A_108 = vector.broadcast %get3A_9 : vector<1x64xf32> to vector<256x64xf32>
    %mul3A_109 = arith.mulf %div3A_107, %mul3A_108 : vector<256x64xf32>
    %add3A_110 = vector.broadcast %get3A_12 : vector<1x64xf32> to vector<256x64xf32>
    %add3A_111 = arith.addf %mul3A_109, %add3A_110 : vector<256x64xf32>
    %max3A_112 = arith.constant 0.000000e+00 : f32
    %max3A_113 = vector.broadcast %max3A_112 : f32 to vector<256x64xf32>
    %max3A_114 = arith.maximumf %add3A_111, %max3A_113 : vector<256x64xf32>
    %dot_general3A_115 = arith.constant dense<0.000000e+00> : vector<256x64xf32>
    %dot_general3A_116 = tpu.matmul %max3A_114, %get3A_15, %dot_general3A_115 {dimension_numbers = #tpu.dot_dimension_numbers<[1], [0], [0], [1], [0, 0, 1, 1], [], []>, transpose_lhs_hint = false} : vector<256x64xf32>, vector<64x64xf32>, vector<256x64xf32> -> vector<256x64xf32>
    %add3A_117 = vector.broadcast %get3A_18 : vector<1x64xf32> to vector<256x64xf32>
    %add3A_118 = arith.addf %dot_general3A_116, %add3A_117 : vector<256x64xf32>
    %max3A_119 = arith.maximumf %max3A_91, %add3A_118 : vector<256x64xf32>
    %min3A_120 = arith.minimumf %min3A_92, %add3A_118 : vector<256x64xf32>
    %swap3A_121 = arith.constant 0 : index
    %swap3A_122 = arith.constant 0 : index
    %swap3A_123 = arith.constant 192 : index
    %swap3A_124 = vector.load %arg11[%swap3A_121, %swap3A_122, %swap3A_123] : memref<1x256x1280xf32, #tpu.memory_space<vmem>>, vector<1x256x64xf32>
    %swap3A_125 = vector.shape_cast %swap3A_124 : vector<1x256x64xf32> to vector<256x64xf32>
    %swap3A_126 = vector.shape_cast %add3A_118 : vector<256x64xf32> to vector<1x256x64xf32>
    tpu.vector_store %arg11[%swap3A_121, %swap3A_122, %swap3A_123], %swap3A_126 {strides = array<i32>} : memref<1x256x1280xf32, #tpu.memory_space<vmem>>, vector<1x256x64xf32>,
    %get3A_127 = arith.constant 0 : index
    %get3A_128 = arith.constant 0 : index
    %get3A_129 = arith.constant 256 : index
    %get3A_130 = vector.load %arg2[%get3A_127, %get3A_128, %get3A_129] : memref<1x256x1280xf32, #tpu.memory_space<vmem>>, vector<1x256x64xf32>
    %get3A_131 = vector.shape_cast %get3A_130 : vector<1x256x64xf32> to vector<256x64xf32>
    %sub3A_132 = vector.broadcast %get3A_1 : vector<1x64xf32> to vector<256x64xf32>
    %sub3A_133 = arith.subf %get3A_131, %sub3A_132 : vector<256x64xf32>
    %div3A_134 = vector.broadcast %sqrt3A : vector<1x64xf32> to vector<256x64xf32>
    %div3A_135 = arith.divf %sub3A_133, %div3A_134 : vector<256x64xf32>
    %mul3A_136 = vector.broadcast %get3A_9 : vector<1x64xf32> to vector<256x64xf32>
    %mul3A_137 = arith.mulf %div3A_135, %mul3A_136 : vector<256x64xf32>
    %add3A_138 = vector.broadcast %get3A_12 : vector<1x64xf32> to vector<256x64xf32>
    %add3A_139 = arith.addf %mul3A_137, %add3A_138 : vector<256x64xf32>
    %max3A_140 = arith.constant 0.000000e+00 : f32
    %max3A_141 = vector.broadcast %max3A_140 : f32 to vector<256x64xf32>
    %max3A_142 = arith.maximumf %add3A_139, %max3A_141 : vector<256x64xf32>
    %dot_general3A_143 = arith.constant dense<0.000000e+00> : vector<256x64xf32>
    %dot_general3A_144 = tpu.matmul %max3A_142, %get3A_15, %dot_general3A_143 {dimension_numbers = #tpu.dot_dimension_numbers<[1], [0], [0], [1], [0, 0, 1, 1], [], []>, transpose_lhs_hint = false} : vector<256x64xf32>, vector<64x64xf32>, vector<256x64xf32> -> vector<256x64xf32>
    %add3A_145 = vector.broadcast %get3A_18 : vector<1x64xf32> to vector<256x64xf32>
    %add3A_146 = arith.addf %dot_general3A_144, %add3A_145 : vector<256x64xf32>
    %max3A_147 = arith.maximumf %max3A_119, %add3A_146 : vector<256x64xf32>
    %min3A_148 = arith.minimumf %min3A_120, %add3A_146 : vector<256x64xf32>
    %swap3A_149 = arith.constant 0 : index
    %swap3A_150 = arith.constant 0 : index
    %swap3A_151 = arith.constant 256 : index
    %swap3A_152 = vector.load %arg11[%swap3A_149, %swap3A_150, %swap3A_151] : memref<1x256x1280xf32, #tpu.memory_space<vmem>>, vector<1x256x64xf32>
    %swap3A_153 = vector.shape_cast %swap3A_152 : vector<1x256x64xf32> to vector<256x64xf32>
    %swap3A_154 = vector.shape_cast %add3A_146 : vector<256x64xf32> to vector<1x256x64xf32>
    tpu.vector_store %arg11[%swap3A_149, %swap3A_150, %swap3A_151], %swap3A_154 {strides = array<i32>} : memref<1x256x1280xf32, #tpu.memory_space<vmem>>, vector<1x256x64xf32>,
    %get3A_155 = arith.constant 0 : index
    %get3A_156 = arith.constant 0 : index
    %get3A_157 = arith.constant 320 : index
    %get3A_158 = vector.load %arg2[%get3A_155, %get3A_156, %get3A_157] : memref<1x256x1280xf32, #tpu.memory_space<vmem>>, vector<1x256x64xf32>
    %get3A_159 = vector.shape_cast %get3A_158 : vector<1x256x64xf32> to vector<256x64xf32>
    %sub3A_160 = vector.broadcast %get3A_1 : vector<1x64xf32> to vector<256x64xf32>
    %sub3A_161 = arith.subf %get3A_159, %sub3A_160 : vector<256x64xf32>
    %div3A_162 = vector.broadcast %sqrt3A : vector<1x64xf32> to vector<256x64xf32>
    %div3A_163 = arith.divf %sub3A_161, %div3A_162 : vector<256x64xf32>
    %mul3A_164 = vector.broadcast %get3A_9 : vector<1x64xf32> to vector<256x64xf32>
    %mul3A_165 = arith.mulf %div3A_163, %mul3A_164 : vector<256x64xf32>
    %add3A_166 = vector.broadcast %get3A_12 : vector<1x64xf32> to vector<256x64xf32>
    %add3A_167 = arith.addf %mul3A_165, %add3A_166 : vector<256x64xf32>
    %max3A_168 = arith.constant 0.000000e+00 : f32
    %max3A_169 = vector.broadcast %max3A_168 : f32 to vector<256x64xf32>
    %max3A_170 = arith.maximumf %add3A_167, %max3A_169 : vector<256x64xf32>
    %dot_general3A_171 = arith.constant dense<0.000000e+00> : vector<256x64xf32>
    %dot_general3A_172 = tpu.matmul %max3A_170, %get3A_15, %dot_general3A_171 {dimension_numbers = #tpu.dot_dimension_numbers<[1], [0], [0], [1], [0, 0, 1, 1], [], []>, transpose_lhs_hint = false} : vector<256x64xf32>, vector<64x64xf32>, vector<256x64xf32> -> vector<256x64xf32>
    %add3A_173 = vector.broadcast %get3A_18 : vector<1x64xf32> to vector<256x64xf32>
    %add3A_174 = arith.addf %dot_general3A_172, %add3A_173 : vector<256x64xf32>
    %max3A_175 = arith.maximumf %max3A_147, %add3A_174 : vector<256x64xf32>
    %min3A_176 = arith.minimumf %min3A_148, %add3A_174 : vector<256x64xf32>
    %swap3A_177 = arith.constant 0 : index
    %swap3A_178 = arith.constant 0 : index
    %swap3A_179 = arith.constant 320 : index
    %swap3A_180 = vector.load %arg11[%swap3A_177, %swap3A_178, %swap3A_179] : memref<1x256x1280xf32, #tpu.memory_space<vmem>>, vector<1x256x64xf32>
    %swap3A_181 = vector.shape_cast %swap3A_180 : vector<1x256x64xf32> to vector<256x64xf32>
    %swap3A_182 = vector.shape_cast %add3A_174 : vector<256x64xf32> to vector<1x256x64xf32>
    tpu.vector_store %arg11[%swap3A_177, %swap3A_178, %swap3A_179], %swap3A_182 {strides = array<i32>} : memref<1x256x1280xf32, #tpu.memory_space<vmem>>, vector<1x256x64xf32>,
    %get3A_183 = arith.constant 0 : index
    %get3A_184 = arith.constant 0 : index
    %get3A_185 = arith.constant 384 : index
    %get3A_186 = vector.load %arg2[%get3A_183, %get3A_184, %get3A_185] : memref<1x256x1280xf32, #tpu.memory_space<vmem>>, vector<1x256x64xf32>
    %get3A_187 = vector.shape_cast %get3A_186 : vector<1x256x64xf32> to vector<256x64xf32>
    %sub3A_188 = vector.broadcast %get3A_1 : vector<1x64xf32> to vector<256x64xf32>
    %sub3A_189 = arith.subf %get3A_187, %sub3A_188 : vector<256x64xf32>
    %div3A_190 = vector.broadcast %sqrt3A : vector<1x64xf32> to vector<256x64xf32>
    %div3A_191 = arith.divf %sub3A_189, %div3A_190 : vector<256x64xf32>
    %mul3A_192 = vector.broadcast %get3A_9 : vector<1x64xf32> to vector<256x64xf32>
    %mul3A_193 = arith.mulf %div3A_191, %mul3A_192 : vector<256x64xf32>
    %add3A_194 = vector.broadcast %get3A_12 : vector<1x64xf32> to vector<256x64xf32>
    %add3A_195 = arith.addf %mul3A_193, %add3A_194 : vector<256x64xf32>
    %max3A_196 = arith.constant 0.000000e+00 : f32
    %max3A_197 = vector.broadcast %max3A_196 : f32 to vector<256x64xf32>
    %max3A_198 = arith.maximumf %add3A_195, %max3A_197 : vector<256x64xf32>
    %dot_general3A_199 = arith.constant dense<0.000000e+00> : vector<256x64xf32>
    %dot_general3A_200 = tpu.matmul %max3A_198, %get3A_15, %dot_general3A_199 {dimension_numbers = #tpu.dot_dimension_numbers<[1], [0], [0], [1], [0, 0, 1, 1], [], []>, transpose_lhs_hint = false} : vector<256x64xf32>, vector<64x64xf32>, vector<256x64xf32> -> vector<256x64xf32>
    %add3A_201 = vector.broadcast %get3A_18 : vector<1x64xf32> to vector<256x64xf32>
    %add3A_202 = arith.addf %dot_general3A_200, %add3A_201 : vector<256x64xf32>
    %max3A_203 = arith.maximumf %max3A_175, %add3A_202 : vector<256x64xf32>
    %min3A_204 = arith.minimumf %min3A_176, %add3A_202 : vector<256x64xf32>
    %swap3A_205 = arith.constant 0 : index
    %swap3A_206 = arith.constant 0 : index
    %swap3A_207 = arith.constant 384 : index
    %swap3A_208 = vector.load %arg11[%swap3A_205, %swap3A_206, %swap3A_207] : memref<1x256x1280xf32, #tpu.memory_space<vmem>>, vector<1x256x64xf32>
    %swap3A_209 = vector.shape_cast %swap3A_208 : vector<1x256x64xf32> to vector<256x64xf32>
    %swap3A_210 = vector.shape_cast %add3A_202 : vector<256x64xf32> to vector<1x256x64xf32>
    tpu.vector_store %arg11[%swap3A_205, %swap3A_206, %swap3A_207], %swap3A_210 {strides = array<i32>} : memref<1x256x1280xf32, #tpu.memory_space<vmem>>, vector<1x256x64xf32>,
    %get3A_211 = arith.constant 0 : index
    %get3A_212 = arith.constant 0 : index
    %get3A_213 = arith.constant 448 : index
    %get3A_214 = vector.load %arg2[%get3A_211, %get3A_212, %get3A_213] : memref<1x256x1280xf32, #tpu.memory_space<vmem>>, vector<1x256x64xf32>
    %get3A_215 = vector.shape_cast %get3A_214 : vector<1x256x64xf32> to vector<256x64xf32>
    %sub3A_216 = vector.broadcast %get3A_1 : vector<1x64xf32> to vector<256x64xf32>
    %sub3A_217 = arith.subf %get3A_215, %sub3A_216 : vector<256x64xf32>
    %div3A_218 = vector.broadcast %sqrt3A : vector<1x64xf32> to vector<256x64xf32>
    %div3A_219 = arith.divf %sub3A_217, %div3A_218 : vector<256x64xf32>
    %mul3A_220 = vector.broadcast %get3A_9 : vector<1x64xf32> to vector<256x64xf32>
    %mul3A_221 = arith.mulf %div3A_219, %mul3A_220 : vector<256x64xf32>
    %add3A_222 = vector.broadcast %get3A_12 : vector<1x64xf32> to vector<256x64xf32>
    %add3A_223 = arith.addf %mul3A_221, %add3A_222 : vector<256x64xf32>
    %max3A_224 = arith.constant 0.000000e+00 : f32
    %max3A_225 = vector.broadcast %max3A_224 : f32 to vector<256x64xf32>
    %max3A_226 = arith.maximumf %add3A_223, %max3A_225 : vector<256x64xf32>
    %dot_general3A_227 = arith.constant dense<0.000000e+00> : vector<256x64xf32>
    %dot_general3A_228 = tpu.matmul %max3A_226, %get3A_15, %dot_general3A_227 {dimension_numbers = #tpu.dot_dimension_numbers<[1], [0], [0], [1], [0, 0, 1, 1], [], []>, transpose_lhs_hint = false} : vector<256x64xf32>, vector<64x64xf32>, vector<256x64xf32> -> vector<256x64xf32>
    %add3A_229 = vector.broadcast %get3A_18 : vector<1x64xf32> to vector<256x64xf32>
    %add3A_230 = arith.addf %dot_general3A_228, %add3A_229 : vector<256x64xf32>
    %max3A_231 = arith.maximumf %max3A_203, %add3A_230 : vector<256x64xf32>
    %min3A_232 = arith.minimumf %min3A_204, %add3A_230 : vector<256x64xf32>
    %swap3A_233 = arith.constant 0 : index
    %swap3A_234 = arith.constant 0 : index
    %swap3A_235 = arith.constant 448 : index
    %swap3A_236 = vector.load %arg11[%swap3A_233, %swap3A_234, %swap3A_235] : memref<1x256x1280xf32, #tpu.memory_space<vmem>>, vector<1x256x64xf32>
    %swap3A_237 = vector.shape_cast %swap3A_236 : vector<1x256x64xf32> to vector<256x64xf32>
    %swap3A_238 = vector.shape_cast %add3A_230 : vector<256x64xf32> to vector<1x256x64xf32>
    tpu.vector_store %arg11[%swap3A_233, %swap3A_234, %swap3A_235], %swap3A_238 {strides = array<i32>} : memref<1x256x1280xf32, #tpu.memory_space<vmem>>, vector<1x256x64xf32>,
    %get3A_239 = arith.constant 0 : index
    %get3A_240 = arith.constant 0 : index
    %get3A_241 = arith.constant 512 : index
    %get3A_242 = vector.load %arg2[%get3A_239, %get3A_240, %get3A_241] : memref<1x256x1280xf32, #tpu.memory_space<vmem>>, vector<1x256x64xf32>
    %get3A_243 = vector.shape_cast %get3A_242 : vector<1x256x64xf32> to vector<256x64xf32>
    %sub3A_244 = vector.broadcast %get3A_1 : vector<1x64xf32> to vector<256x64xf32>
    %sub3A_245 = arith.subf %get3A_243, %sub3A_244 : vector<256x64xf32>
    %div3A_246 = vector.broadcast %sqrt3A : vector<1x64xf32> to vector<256x64xf32>
    %div3A_247 = arith.divf %sub3A_245, %div3A_246 : vector<256x64xf32>
    %mul3A_248 = vector.broadcast %get3A_9 : vector<1x64xf32> to vector<256x64xf32>
    %mul3A_249 = arith.mulf %div3A_247, %mul3A_248 : vector<256x64xf32>
    %add3A_250 = vector.broadcast %get3A_12 : vector<1x64xf32> to vector<256x64xf32>
    %add3A_251 = arith.addf %mul3A_249, %add3A_250 : vector<256x64xf32>
    %max3A_252 = arith.constant 0.000000e+00 : f32
    %max3A_253 = vector.broadcast %max3A_252 : f32 to vector<256x64xf32>
    %max3A_254 = arith.maximumf %add3A_251, %max3A_253 : vector<256x64xf32>
    %dot_general3A_255 = arith.constant dense<0.000000e+00> : vector<256x64xf32>
    %dot_general3A_256 = tpu.matmul %max3A_254, %get3A_15, %dot_general3A_255 {dimension_numbers = #tpu.dot_dimension_numbers<[1], [0], [0], [1], [0, 0, 1, 1], [], []>, transpose_lhs_hint = false} : vector<256x64xf32>, vector<64x64xf32>, vector<256x64xf32> -> vector<256x64xf32>
    %add3A_257 = vector.broadcast %get3A_18 : vector<1x64xf32> to vector<256x64xf32>
    %add3A_258 = arith.addf %dot_general3A_256, %add3A_257 : vector<256x64xf32>
    %max3A_259 = arith.maximumf %max3A_231, %add3A_258 : vector<256x64xf32>
    %min3A_260 = arith.minimumf %min3A_232, %add3A_258 : vector<256x64xf32>
    %swap3A_261 = arith.constant 0 : index
    %swap3A_262 = arith.constant 0 : index
    %swap3A_263 = arith.constant 512 : index
    %swap3A_264 = vector.load %arg11[%swap3A_261, %swap3A_262, %swap3A_263] : memref<1x256x1280xf32, #tpu.memory_space<vmem>>, vector<1x256x64xf32>
    %swap3A_265 = vector.shape_cast %swap3A_264 : vector<1x256x64xf32> to vector<256x64xf32>
    %swap3A_266 = vector.shape_cast %add3A_258 : vector<256x64xf32> to vector<1x256x64xf32>
    tpu.vector_store %arg11[%swap3A_261, %swap3A_262, %swap3A_263], %swap3A_266 {strides = array<i32>} : memref<1x256x1280xf32, #tpu.memory_space<vmem>>, vector<1x256x64xf32>,
    %get3A_267 = arith.constant 0 : index
    %get3A_268 = arith.constant 0 : index
    %get3A_269 = arith.constant 576 : index
    %get3A_270 = vector.load %arg2[%get3A_267, %get3A_268, %get3A_269] : memref<1x256x1280xf32, #tpu.memory_space<vmem>>, vector<1x256x64xf32>
    %get3A_271 = vector.shape_cast %get3A_270 : vector<1x256x64xf32> to vector<256x64xf32>
    %sub3A_272 = vector.broadcast %get3A_1 : vector<1x64xf32> to vector<256x64xf32>
    %sub3A_273 = arith.subf %get3A_271, %sub3A_272 : vector<256x64xf32>
    %div3A_274 = vector.broadcast %sqrt3A : vector<1x64xf32> to vector<256x64xf32>
    %div3A_275 = arith.divf %sub3A_273, %div3A_274 : vector<256x64xf32>
    %mul3A_276 = vector.broadcast %get3A_9 : vector<1x64xf32> to vector<256x64xf32>
    %mul3A_277 = arith.mulf %div3A_275, %mul3A_276 : vector<256x64xf32>
    %add3A_278 = vector.broadcast %get3A_12 : vector<1x64xf32> to vector<256x64xf32>
    %add3A_279 = arith.addf %mul3A_277, %add3A_278 : vector<256x64xf32>
    %max3A_280 = arith.constant 0.000000e+00 : f32
    %max3A_281 = vector.broadcast %max3A_280 : f32 to vector<256x64xf32>
    %max3A_282 = arith.maximumf %add3A_279, %max3A_281 : vector<256x64xf32>
    %dot_general3A_283 = arith.constant dense<0.000000e+00> : vector<256x64xf32>
    %dot_general3A_284 = tpu.matmul %max3A_282, %get3A_15, %dot_general3A_283 {dimension_numbers = #tpu.dot_dimension_numbers<[1], [0], [0], [1], [0, 0, 1, 1], [], []>, transpose_lhs_hint = false} : vector<256x64xf32>, vector<64x64xf32>, vector<256x64xf32> -> vector<256x64xf32>
    %add3A_285 = vector.broadcast %get3A_18 : vector<1x64xf32> to vector<256x64xf32>
    %add3A_286 = arith.addf %dot_general3A_284, %add3A_285 : vector<256x64xf32>
    %max3A_287 = arith.maximumf %max3A_259, %add3A_286 : vector<256x64xf32>
    %min3A_288 = arith.minimumf %min3A_260, %add3A_286 : vector<256x64xf32>
    %swap3A_289 = arith.constant 0 : index
    %swap3A_290 = arith.constant 0 : index
    %swap3A_291 = arith.constant 576 : index
    %swap3A_292 = vector.load %arg11[%swap3A_289, %swap3A_290, %swap3A_291] : memref<1x256x1280xf32, #tpu.memory_space<vmem>>, vector<1x256x64xf32>
    %swap3A_293 = vector.shape_cast %swap3A_292 : vector<1x256x64xf32> to vector<256x64xf32>
    %swap3A_294 = vector.shape_cast %add3A_286 : vector<256x64xf32> to vector<1x256x64xf32>
    tpu.vector_store %arg11[%swap3A_289, %swap3A_290, %swap3A_291], %swap3A_294 {strides = array<i32>} : memref<1x256x1280xf32, #tpu.memory_space<vmem>>, vector<1x256x64xf32>,
    %get3A_295 = arith.constant 0 : index
    %get3A_296 = arith.constant 0 : index
    %get3A_297 = arith.constant 640 : index
    %get3A_298 = vector.load %arg2[%get3A_295, %get3A_296, %get3A_297] : memref<1x256x1280xf32, #tpu.memory_space<vmem>>, vector<1x256x64xf32>
    %get3A_299 = vector.shape_cast %get3A_298 : vector<1x256x64xf32> to vector<256x64xf32>
    %sub3A_300 = vector.broadcast %get3A_1 : vector<1x64xf32> to vector<256x64xf32>
    %sub3A_301 = arith.subf %get3A_299, %sub3A_300 : vector<256x64xf32>
    %div3A_302 = vector.broadcast %sqrt3A : vector<1x64xf32> to vector<256x64xf32>
    %div3A_303 = arith.divf %sub3A_301, %div3A_302 : vector<256x64xf32>
    %mul3A_304 = vector.broadcast %get3A_9 : vector<1x64xf32> to vector<256x64xf32>
    %mul3A_305 = arith.mulf %div3A_303, %mul3A_304 : vector<256x64xf32>
    %add3A_306 = vector.broadcast %get3A_12 : vector<1x64xf32> to vector<256x64xf32>
    %add3A_307 = arith.addf %mul3A_305, %add3A_306 : vector<256x64xf32>
    %max3A_308 = arith.constant 0.000000e+00 : f32
    %max3A_309 = vector.broadcast %max3A_308 : f32 to vector<256x64xf32>
    %max3A_310 = arith.maximumf %add3A_307, %max3A_309 : vector<256x64xf32>
    %dot_general3A_311 = arith.constant dense<0.000000e+00> : vector<256x64xf32>
    %dot_general3A_312 = tpu.matmul %max3A_310, %get3A_15, %dot_general3A_311 {dimension_numbers = #tpu.dot_dimension_numbers<[1], [0], [0], [1], [0, 0, 1, 1], [], []>, transpose_lhs_hint = false} : vector<256x64xf32>, vector<64x64xf32>, vector<256x64xf32> -> vector<256x64xf32>
    %add3A_313 = vector.broadcast %get3A_18 : vector<1x64xf32> to vector<256x64xf32>
    %add3A_314 = arith.addf %dot_general3A_312, %add3A_313 : vector<256x64xf32>
    %max3A_315 = arith.maximumf %max3A_287, %add3A_314 : vector<256x64xf32>
    %min3A_316 = arith.minimumf %min3A_288, %add3A_314 : vector<256x64xf32>
    %swap3A_317 = arith.constant 0 : index
    %swap3A_318 = arith.constant 0 : index
    %swap3A_319 = arith.constant 640 : index
    %swap3A_320 = vector.load %arg11[%swap3A_317, %swap3A_318, %swap3A_319] : memref<1x256x1280xf32, #tpu.memory_space<vmem>>, vector<1x256x64xf32>
    %swap3A_321 = vector.shape_cast %swap3A_320 : vector<1x256x64xf32> to vector<256x64xf32>
    %swap3A_322 = vector.shape_cast %add3A_314 : vector<256x64xf32> to vector<1x256x64xf32>
    tpu.vector_store %arg11[%swap3A_317, %swap3A_318, %swap3A_319], %swap3A_322 {strides = array<i32>} : memref<1x256x1280xf32, #tpu.memory_space<vmem>>, vector<1x256x64xf32>,
    %get3A_323 = arith.constant 0 : index
    %get3A_324 = arith.constant 0 : index
    %get3A_325 = arith.constant 704 : index
    %get3A_326 = vector.load %arg2[%get3A_323, %get3A_324, %get3A_325] : memref<1x256x1280xf32, #tpu.memory_space<vmem>>, vector<1x256x64xf32>
    %get3A_327 = vector.shape_cast %get3A_326 : vector<1x256x64xf32> to vector<256x64xf32>
    %sub3A_328 = vector.broadcast %get3A_1 : vector<1x64xf32> to vector<256x64xf32>
    %sub3A_329 = arith.subf %get3A_327, %sub3A_328 : vector<256x64xf32>
    %div3A_330 = vector.broadcast %sqrt3A : vector<1x64xf32> to vector<256x64xf32>
    %div3A_331 = arith.divf %sub3A_329, %div3A_330 : vector<256x64xf32>
    %mul3A_332 = vector.broadcast %get3A_9 : vector<1x64xf32> to vector<256x64xf32>
    %mul3A_333 = arith.mulf %div3A_331, %mul3A_332 : vector<256x64xf32>
    %add3A_334 = vector.broadcast %get3A_12 : vector<1x64xf32> to vector<256x64xf32>
    %add3A_335 = arith.addf %mul3A_333, %add3A_334 : vector<256x64xf32>
    %max3A_336 = arith.constant 0.000000e+00 : f32
    %max3A_337 = vector.broadcast %max3A_336 : f32 to vector<256x64xf32>
    %max3A_338 = arith.maximumf %add3A_335, %max3A_337 : vector<256x64xf32>
    %dot_general3A_339 = arith.constant dense<0.000000e+00> : vector<256x64xf32>
    %dot_general3A_340 = tpu.matmul %max3A_338, %get3A_15, %dot_general3A_339 {dimension_numbers = #tpu.dot_dimension_numbers<[1], [0], [0], [1], [0, 0, 1, 1], [], []>, transpose_lhs_hint = false} : vector<256x64xf32>, vector<64x64xf32>, vector<256x64xf32> -> vector<256x64xf32>
    %add3A_341 = vector.broadcast %get3A_18 : vector<1x64xf32> to vector<256x64xf32>
    %add3A_342 = arith.addf %dot_general3A_340, %add3A_341 : vector<256x64xf32>
    %max3A_343 = arith.maximumf %max3A_315, %add3A_342 : vector<256x64xf32>
    %min3A_344 = arith.minimumf %min3A_316, %add3A_342 : vector<256x64xf32>
    %swap3A_345 = arith.constant 0 : index
    %swap3A_346 = arith.constant 0 : index
    %swap3A_347 = arith.constant 704 : index
    %swap3A_348 = vector.load %arg11[%swap3A_345, %swap3A_346, %swap3A_347] : memref<1x256x1280xf32, #tpu.memory_space<vmem>>, vector<1x256x64xf32>
    %swap3A_349 = vector.shape_cast %swap3A_348 : vector<1x256x64xf32> to vector<256x64xf32>
    %swap3A_350 = vector.shape_cast %add3A_342 : vector<256x64xf32> to vector<1x256x64xf32>
    tpu.vector_store %arg11[%swap3A_345, %swap3A_346, %swap3A_347], %swap3A_350 {strides = array<i32>} : memref<1x256x1280xf32, #tpu.memory_space<vmem>>, vector<1x256x64xf32>,
    %get3A_351 = arith.constant 0 : index
    %get3A_352 = arith.constant 0 : index
    %get3A_353 = arith.constant 768 : index
    %get3A_354 = vector.load %arg2[%get3A_351, %get3A_352, %get3A_353] : memref<1x256x1280xf32, #tpu.memory_space<vmem>>, vector<1x256x64xf32>
    %get3A_355 = vector.shape_cast %get3A_354 : vector<1x256x64xf32> to vector<256x64xf32>
    %sub3A_356 = vector.broadcast %get3A_1 : vector<1x64xf32> to vector<256x64xf32>
    %sub3A_357 = arith.subf %get3A_355, %sub3A_356 : vector<256x64xf32>
    %div3A_358 = vector.broadcast %sqrt3A : vector<1x64xf32> to vector<256x64xf32>
    %div3A_359 = arith.divf %sub3A_357, %div3A_358 : vector<256x64xf32>
    %mul3A_360 = vector.broadcast %get3A_9 : vector<1x64xf32> to vector<256x64xf32>
    %mul3A_361 = arith.mulf %div3A_359, %mul3A_360 : vector<256x64xf32>
    %add3A_362 = vector.broadcast %get3A_12 : vector<1x64xf32> to vector<256x64xf32>
    %add3A_363 = arith.addf %mul3A_361, %add3A_362 : vector<256x64xf32>
    %max3A_364 = arith.constant 0.000000e+00 : f32
    %max3A_365 = vector.broadcast %max3A_364 : f32 to vector<256x64xf32>
    %max3A_366 = arith.maximumf %add3A_363, %max3A_365 : vector<256x64xf32>
    %dot_general3A_367 = arith.constant dense<0.000000e+00> : vector<256x64xf32>
    %dot_general3A_368 = tpu.matmul %max3A_366, %get3A_15, %dot_general3A_367 {dimension_numbers = #tpu.dot_dimension_numbers<[1], [0], [0], [1], [0, 0, 1, 1], [], []>, transpose_lhs_hint = false} : vector<256x64xf32>, vector<64x64xf32>, vector<256x64xf32> -> vector<256x64xf32>
    %add3A_369 = vector.broadcast %get3A_18 : vector<1x64xf32> to vector<256x64xf32>
    %add3A_370 = arith.addf %dot_general3A_368, %add3A_369 : vector<256x64xf32>
    %max3A_371 = arith.maximumf %max3A_343, %add3A_370 : vector<256x64xf32>
    %min3A_372 = arith.minimumf %min3A_344, %add3A_370 : vector<256x64xf32>
    %swap3A_373 = arith.constant 0 : index
    %swap3A_374 = arith.constant 0 : index
    %swap3A_375 = arith.constant 768 : index
    %swap3A_376 = vector.load %arg11[%swap3A_373, %swap3A_374, %swap3A_375] : memref<1x256x1280xf32, #tpu.memory_space<vmem>>, vector<1x256x64xf32>
    %swap3A_377 = vector.shape_cast %swap3A_376 : vector<1x256x64xf32> to vector<256x64xf32>
    %swap3A_378 = vector.shape_cast %add3A_370 : vector<256x64xf32> to vector<1x256x64xf32>
    tpu.vector_store %arg11[%swap3A_373, %swap3A_374, %swap3A_375], %swap3A_378 {strides = array<i32>} : memref<1x256x1280xf32, #tpu.memory_space<vmem>>, vector<1x256x64xf32>,
    %get3A_379 = arith.constant 0 : index
    %get3A_380 = arith.constant 0 : index
    %get3A_381 = arith.constant 832 : index
    %get3A_382 = vector.load %arg2[%get3A_379, %get3A_380, %get3A_381] : memref<1x256x1280xf32, #tpu.memory_space<vmem>>, vector<1x256x64xf32>
    %get3A_383 = vector.shape_cast %get3A_382 : vector<1x256x64xf32> to vector<256x64xf32>
    %sub3A_384 = vector.broadcast %get3A_1 : vector<1x64xf32> to vector<256x64xf32>
    %sub3A_385 = arith.subf %get3A_383, %sub3A_384 : vector<256x64xf32>
    %div3A_386 = vector.broadcast %sqrt3A : vector<1x64xf32> to vector<256x64xf32>
    %div3A_387 = arith.divf %sub3A_385, %div3A_386 : vector<256x64xf32>
    %mul3A_388 = vector.broadcast %get3A_9 : vector<1x64xf32> to vector<256x64xf32>
    %mul3A_389 = arith.mulf %div3A_387, %mul3A_388 : vector<256x64xf32>
    %add3A_390 = vector.broadcast %get3A_12 : vector<1x64xf32> to vector<256x64xf32>
    %add3A_391 = arith.addf %mul3A_389, %add3A_390 : vector<256x64xf32>
    %max3A_392 = arith.constant 0.000000e+00 : f32
    %max3A_393 = vector.broadcast %max3A_392 : f32 to vector<256x64xf32>
    %max3A_394 = arith.maximumf %add3A_391, %max3A_393 : vector<256x64xf32>
    %dot_general3A_395 = arith.constant dense<0.000000e+00> : vector<256x64xf32>
    %dot_general3A_396 = tpu.matmul %max3A_394, %get3A_15, %dot_general3A_395 {dimension_numbers = #tpu.dot_dimension_numbers<[1], [0], [0], [1], [0, 0, 1, 1], [], []>, transpose_lhs_hint = false} : vector<256x64xf32>, vector<64x64xf32>, vector<256x64xf32> -> vector<256x64xf32>
    %add3A_397 = vector.broadcast %get3A_18 : vector<1x64xf32> to vector<256x64xf32>
    %add3A_398 = arith.addf %dot_general3A_396, %add3A_397 : vector<256x64xf32>
    %max3A_399 = arith.maximumf %max3A_371, %add3A_398 : vector<256x64xf32>
    %min3A_400 = arith.minimumf %min3A_372, %add3A_398 : vector<256x64xf32>
    %swap3A_401 = arith.constant 0 : index
    %swap3A_402 = arith.constant 0 : index
    %swap3A_403 = arith.constant 832 : index
    %swap3A_404 = vector.load %arg11[%swap3A_401, %swap3A_402, %swap3A_403] : memref<1x256x1280xf32, #tpu.memory_space<vmem>>, vector<1x256x64xf32>
    %swap3A_405 = vector.shape_cast %swap3A_404 : vector<1x256x64xf32> to vector<256x64xf32>
    %swap3A_406 = vector.shape_cast %add3A_398 : vector<256x64xf32> to vector<1x256x64xf32>
    tpu.vector_store %arg11[%swap3A_401, %swap3A_402, %swap3A_403], %swap3A_406 {strides = array<i32>} : memref<1x256x1280xf32, #tpu.memory_space<vmem>>, vector<1x256x64xf32>,
    %get3A_407 = arith.constant 0 : index
    %get3A_408 = arith.constant 0 : index
    %get3A_409 = arith.constant 896 : index
    %get3A_410 = vector.load %arg2[%get3A_407, %get3A_408, %get3A_409] : memref<1x256x1280xf32, #tpu.memory_space<vmem>>, vector<1x256x64xf32>
    %get3A_411 = vector.shape_cast %get3A_410 : vector<1x256x64xf32> to vector<256x64xf32>
    %sub3A_412 = vector.broadcast %get3A_1 : vector<1x64xf32> to vector<256x64xf32>
    %sub3A_413 = arith.subf %get3A_411, %sub3A_412 : vector<256x64xf32>
    %div3A_414 = vector.broadcast %sqrt3A : vector<1x64xf32> to vector<256x64xf32>
    %div3A_415 = arith.divf %sub3A_413, %div3A_414 : vector<256x64xf32>
    %mul3A_416 = vector.broadcast %get3A_9 : vector<1x64xf32> to vector<256x64xf32>
    %mul3A_417 = arith.mulf %div3A_415, %mul3A_416 : vector<256x64xf32>
    %add3A_418 = vector.broadcast %get3A_12 : vector<1x64xf32> to vector<256x64xf32>
    %add3A_419 = arith.addf %mul3A_417, %add3A_418 : vector<256x64xf32>
    %max3A_420 = arith.constant 0.000000e+00 : f32
    %max3A_421 = vector.broadcast %max3A_420 : f32 to vector<256x64xf32>
    %max3A_422 = arith.maximumf %add3A_419, %max3A_421 : vector<256x64xf32>
    %dot_general3A_423 = arith.constant dense<0.000000e+00> : vector<256x64xf32>
    %dot_general3A_424 = tpu.matmul %max3A_422, %get3A_15, %dot_general3A_423 {dimension_numbers = #tpu.dot_dimension_numbers<[1], [0], [0], [1], [0, 0, 1, 1], [], []>, transpose_lhs_hint = false} : vector<256x64xf32>, vector<64x64xf32>, vector<256x64xf32> -> vector<256x64xf32>
    %add3A_425 = vector.broadcast %get3A_18 : vector<1x64xf32> to vector<256x64xf32>
    %add3A_426 = arith.addf %dot_general3A_424, %add3A_425 : vector<256x64xf32>
    %max3A_427 = arith.maximumf %max3A_399, %add3A_426 : vector<256x64xf32>
    %min3A_428 = arith.minimumf %min3A_400, %add3A_426 : vector<256x64xf32>
    %swap3A_429 = arith.constant 0 : index
    %swap3A_430 = arith.constant 0 : index
    %swap3A_431 = arith.constant 896 : index
    %swap3A_432 = vector.load %arg11[%swap3A_429, %swap3A_430, %swap3A_431] : memref<1x256x1280xf32, #tpu.memory_space<vmem>>, vector<1x256x64xf32>
    %swap3A_433 = vector.shape_cast %swap3A_432 : vector<1x256x64xf32> to vector<256x64xf32>
    %swap3A_434 = vector.shape_cast %add3A_426 : vector<256x64xf32> to vector<1x256x64xf32>
    tpu.vector_store %arg11[%swap3A_429, %swap3A_430, %swap3A_431], %swap3A_434 {strides = array<i32>} : memref<1x256x1280xf32, #tpu.memory_space<vmem>>, vector<1x256x64xf32>,
    %get3A_435 = arith.constant 0 : index
    %get3A_436 = arith.constant 0 : index
    %get3A_437 = arith.constant 960 : index
    %get3A_438 = vector.load %arg2[%get3A_435, %get3A_436, %get3A_437] : memref<1x256x1280xf32, #tpu.memory_space<vmem>>, vector<1x256x64xf32>
    %get3A_439 = vector.shape_cast %get3A_438 : vector<1x256x64xf32> to vector<256x64xf32>
    %sub3A_440 = vector.broadcast %get3A_1 : vector<1x64xf32> to vector<256x64xf32>
    %sub3A_441 = arith.subf %get3A_439, %sub3A_440 : vector<256x64xf32>
    %div3A_442 = vector.broadcast %sqrt3A : vector<1x64xf32> to vector<256x64xf32>
    %div3A_443 = arith.divf %sub3A_441, %div3A_442 : vector<256x64xf32>
    %mul3A_444 = vector.broadcast %get3A_9 : vector<1x64xf32> to vector<256x64xf32>
    %mul3A_445 = arith.mulf %div3A_443, %mul3A_444 : vector<256x64xf32>
    %add3A_446 = vector.broadcast %get3A_12 : vector<1x64xf32> to vector<256x64xf32>
    %add3A_447 = arith.addf %mul3A_445, %add3A_446 : vector<256x64xf32>
    %max3A_448 = arith.constant 0.000000e+00 : f32
    %max3A_449 = vector.broadcast %max3A_448 : f32 to vector<256x64xf32>
    %max3A_450 = arith.maximumf %add3A_447, %max3A_449 : vector<256x64xf32>
    %dot_general3A_451 = arith.constant dense<0.000000e+00> : vector<256x64xf32>
    %dot_general3A_452 = tpu.matmul %max3A_450, %get3A_15, %dot_general3A_451 {dimension_numbers = #tpu.dot_dimension_numbers<[1], [0], [0], [1], [0, 0, 1, 1], [], []>, transpose_lhs_hint = false} : vector<256x64xf32>, vector<64x64xf32>, vector<256x64xf32> -> vector<256x64xf32>
    %add3A_453 = vector.broadcast %get3A_18 : vector<1x64xf32> to vector<256x64xf32>
    %add3A_454 = arith.addf %dot_general3A_452, %add3A_453 : vector<256x64xf32>
    %max3A_455 = arith.maximumf %max3A_427, %add3A_454 : vector<256x64xf32>
    %min3A_456 = arith.minimumf %min3A_428, %add3A_454 : vector<256x64xf32>
    %swap3A_457 = arith.constant 0 : index
    %swap3A_458 = arith.constant 0 : index
    %swap3A_459 = arith.constant 960 : index
    %swap3A_460 = vector.load %arg11[%swap3A_457, %swap3A_458, %swap3A_459] : memref<1x256x1280xf32, #tpu.memory_space<vmem>>, vector<1x256x64xf32>
    %swap3A_461 = vector.shape_cast %swap3A_460 : vector<1x256x64xf32> to vector<256x64xf32>
    %swap3A_462 = vector.shape_cast %add3A_454 : vector<256x64xf32> to vector<1x256x64xf32>
    tpu.vector_store %arg11[%swap3A_457, %swap3A_458, %swap3A_459], %swap3A_462 {strides = array<i32>} : memref<1x256x1280xf32, #tpu.memory_space<vmem>>, vector<1x256x64xf32>,
    %get3A_463 = arith.constant 0 : index
    %get3A_464 = arith.constant 0 : index
    %get3A_465 = arith.constant 1024 : index
    %get3A_466 = vector.load %arg2[%get3A_463, %get3A_464, %get3A_465] : memref<1x256x1280xf32, #tpu.memory_space<vmem>>, vector<1x256x64xf32>
    %get3A_467 = vector.shape_cast %get3A_466 : vector<1x256x64xf32> to vector<256x64xf32>
    %sub3A_468 = vector.broadcast %get3A_1 : vector<1x64xf32> to vector<256x64xf32>
    %sub3A_469 = arith.subf %get3A_467, %sub3A_468 : vector<256x64xf32>
    %div3A_470 = vector.broadcast %sqrt3A : vector<1x64xf32> to vector<256x64xf32>
    %div3A_471 = arith.divf %sub3A_469, %div3A_470 : vector<256x64xf32>
    %mul3A_472 = vector.broadcast %get3A_9 : vector<1x64xf32> to vector<256x64xf32>
    %mul3A_473 = arith.mulf %div3A_471, %mul3A_472 : vector<256x64xf32>
    %add3A_474 = vector.broadcast %get3A_12 : vector<1x64xf32> to vector<256x64xf32>
    %add3A_475 = arith.addf %mul3A_473, %add3A_474 : vector<256x64xf32>
    %max3A_476 = arith.constant 0.000000e+00 : f32
    %max3A_477 = vector.broadcast %max3A_476 : f32 to vector<256x64xf32>
    %max3A_478 = arith.maximumf %add3A_475, %max3A_477 : vector<256x64xf32>
    %dot_general3A_479 = arith.constant dense<0.000000e+00> : vector<256x64xf32>
    %dot_general3A_480 = tpu.matmul %max3A_478, %get3A_15, %dot_general3A_479 {dimension_numbers = #tpu.dot_dimension_numbers<[1], [0], [0], [1], [0, 0, 1, 1], [], []>, transpose_lhs_hint = false} : vector<256x64xf32>, vector<64x64xf32>, vector<256x64xf32> -> vector<256x64xf32>
    %add3A_481 = vector.broadcast %get3A_18 : vector<1x64xf32> to vector<256x64xf32>
    %add3A_482 = arith.addf %dot_general3A_480, %add3A_481 : vector<256x64xf32>
    %max3A_483 = arith.maximumf %max3A_455, %add3A_482 : vector<256x64xf32>
    %min3A_484 = arith.minimumf %min3A_456, %add3A_482 : vector<256x64xf32>
    %swap3A_485 = arith.constant 0 : index
    %swap3A_486 = arith.constant 0 : index
    %swap3A_487 = arith.constant 1024 : index
    %swap3A_488 = vector.load %arg11[%swap3A_485, %swap3A_486, %swap3A_487] : memref<1x256x1280xf32, #tpu.memory_space<vmem>>, vector<1x256x64xf32>
    %swap3A_489 = vector.shape_cast %swap3A_488 : vector<1x256x64xf32> to vector<256x64xf32>
    %swap3A_490 = vector.shape_cast %add3A_482 : vector<256x64xf32> to vector<1x256x64xf32>
    tpu.vector_store %arg11[%swap3A_485, %swap3A_486, %swap3A_487], %swap3A_490 {strides = array<i32>} : memref<1x256x1280xf32, #tpu.memory_space<vmem>>, vector<1x256x64xf32>,
    %get3A_491 = arith.constant 0 : index
    %get3A_492 = arith.constant 0 : index
    %get3A_493 = arith.constant 1088 : index
    %get3A_494 = vector.load %arg2[%get3A_491, %get3A_492, %get3A_493] : memref<1x256x1280xf32, #tpu.memory_space<vmem>>, vector<1x256x64xf32>
    %get3A_495 = vector.shape_cast %get3A_494 : vector<1x256x64xf32> to vector<256x64xf32>
    %sub3A_496 = vector.broadcast %get3A_1 : vector<1x64xf32> to vector<256x64xf32>
    %sub3A_497 = arith.subf %get3A_495, %sub3A_496 : vector<256x64xf32>
    %div3A_498 = vector.broadcast %sqrt3A : vector<1x64xf32> to vector<256x64xf32>
    %div3A_499 = arith.divf %sub3A_497, %div3A_498 : vector<256x64xf32>
    %mul3A_500 = vector.broadcast %get3A_9 : vector<1x64xf32> to vector<256x64xf32>
    %mul3A_501 = arith.mulf %div3A_499, %mul3A_500 : vector<256x64xf32>
    %add3A_502 = vector.broadcast %get3A_12 : vector<1x64xf32> to vector<256x64xf32>
    %add3A_503 = arith.addf %mul3A_501, %add3A_502 : vector<256x64xf32>
    %max3A_504 = arith.constant 0.000000e+00 : f32
    %max3A_505 = vector.broadcast %max3A_504 : f32 to vector<256x64xf32>
    %max3A_506 = arith.maximumf %add3A_503, %max3A_505 : vector<256x64xf32>
    %dot_general3A_507 = arith.constant dense<0.000000e+00> : vector<256x64xf32>
    %dot_general3A_508 = tpu.matmul %max3A_506, %get3A_15, %dot_general3A_507 {dimension_numbers = #tpu.dot_dimension_numbers<[1], [0], [0], [1], [0, 0, 1, 1], [], []>, transpose_lhs_hint = false} : vector<256x64xf32>, vector<64x64xf32>, vector<256x64xf32> -> vector<256x64xf32>
    %add3A_509 = vector.broadcast %get3A_18 : vector<1x64xf32> to vector<256x64xf32>
    %add3A_510 = arith.addf %dot_general3A_508, %add3A_509 : vector<256x64xf32>
    %max3A_511 = arith.maximumf %max3A_483, %add3A_510 : vector<256x64xf32>
    %min3A_512 = arith.minimumf %min3A_484, %add3A_510 : vector<256x64xf32>
    %swap3A_513 = arith.constant 0 : index
    %swap3A_514 = arith.constant 0 : index
    %swap3A_515 = arith.constant 1088 : index
    %swap3A_516 = vector.load %arg11[%swap3A_513, %swap3A_514, %swap3A_515] : memref<1x256x1280xf32, #tpu.memory_space<vmem>>, vector<1x256x64xf32>
    %swap3A_517 = vector.shape_cast %swap3A_516 : vector<1x256x64xf32> to vector<256x64xf32>
    %swap3A_518 = vector.shape_cast %add3A_510 : vector<256x64xf32> to vector<1x256x64xf32>
    tpu.vector_store %arg11[%swap3A_513, %swap3A_514, %swap3A_515], %swap3A_518 {strides = array<i32>} : memref<1x256x1280xf32, #tpu.memory_space<vmem>>, vector<1x256x64xf32>,
    %get3A_519 = arith.constant 0 : index
    %get3A_520 = arith.constant 0 : index
    %get3A_521 = arith.constant 1152 : index
    %get3A_522 = vector.load %arg2[%get3A_519, %get3A_520, %get3A_521] : memref<1x256x1280xf32, #tpu.memory_space<vmem>>, vector<1x256x64xf32>
    %get3A_523 = vector.shape_cast %get3A_522 : vector<1x256x64xf32> to vector<256x64xf32>
    %sub3A_524 = vector.broadcast %get3A_1 : vector<1x64xf32> to vector<256x64xf32>
    %sub3A_525 = arith.subf %get3A_523, %sub3A_524 : vector<256x64xf32>
    %div3A_526 = vector.broadcast %sqrt3A : vector<1x64xf32> to vector<256x64xf32>
    %div3A_527 = arith.divf %sub3A_525, %div3A_526 : vector<256x64xf32>
    %mul3A_528 = vector.broadcast %get3A_9 : vector<1x64xf32> to vector<256x64xf32>
    %mul3A_529 = arith.mulf %div3A_527, %mul3A_528 : vector<256x64xf32>
    %add3A_530 = vector.broadcast %get3A_12 : vector<1x64xf32> to vector<256x64xf32>
    %add3A_531 = arith.addf %mul3A_529, %add3A_530 : vector<256x64xf32>
    %max3A_532 = arith.constant 0.000000e+00 : f32
    %max3A_533 = vector.broadcast %max3A_532 : f32 to vector<256x64xf32>
    %max3A_534 = arith.maximumf %add3A_531, %max3A_533 : vector<256x64xf32>
    %dot_general3A_535 = arith.constant dense<0.000000e+00> : vector<256x64xf32>
    %dot_general3A_536 = tpu.matmul %max3A_534, %get3A_15, %dot_general3A_535 {dimension_numbers = #tpu.dot_dimension_numbers<[1], [0], [0], [1], [0, 0, 1, 1], [], []>, transpose_lhs_hint = false} : vector<256x64xf32>, vector<64x64xf32>, vector<256x64xf32> -> vector<256x64xf32>
    %add3A_537 = vector.broadcast %get3A_18 : vector<1x64xf32> to vector<256x64xf32>
    %add3A_538 = arith.addf %dot_general3A_536, %add3A_537 : vector<256x64xf32>
    %max3A_539 = arith.maximumf %max3A_511, %add3A_538 : vector<256x64xf32>
    %min3A_540 = arith.minimumf %min3A_512, %add3A_538 : vector<256x64xf32>
    %swap3A_541 = arith.constant 0 : index
    %swap3A_542 = arith.constant 0 : index
    %swap3A_543 = arith.constant 1152 : index
    %swap3A_544 = vector.load %arg11[%swap3A_541, %swap3A_542, %swap3A_543] : memref<1x256x1280xf32, #tpu.memory_space<vmem>>, vector<1x256x64xf32>
    %swap3A_545 = vector.shape_cast %swap3A_544 : vector<1x256x64xf32> to vector<256x64xf32>
    %swap3A_546 = vector.shape_cast %add3A_538 : vector<256x64xf32> to vector<1x256x64xf32>
    tpu.vector_store %arg11[%swap3A_541, %swap3A_542, %swap3A_543], %swap3A_546 {strides = array<i32>} : memref<1x256x1280xf32, #tpu.memory_space<vmem>>, vector<1x256x64xf32>,
    %get3A_547 = arith.constant 0 : index
    %get3A_548 = arith.constant 0 : index
    %get3A_549 = arith.constant 1216 : index
    %get3A_550 = vector.load %arg2[%get3A_547, %get3A_548, %get3A_549] : memref<1x256x1280xf32, #tpu.memory_space<vmem>>, vector<1x256x64xf32>
    %get3A_551 = vector.shape_cast %get3A_550 : vector<1x256x64xf32> to vector<256x64xf32>
    %sub3A_552 = vector.broadcast %get3A_1 : vector<1x64xf32> to vector<256x64xf32>
    %sub3A_553 = arith.subf %get3A_551, %sub3A_552 : vector<256x64xf32>
    %div3A_554 = vector.broadcast %sqrt3A : vector<1x64xf32> to vector<256x64xf32>
    %div3A_555 = arith.divf %sub3A_553, %div3A_554 : vector<256x64xf32>
    %mul3A_556 = vector.broadcast %get3A_9 : vector<1x64xf32> to vector<256x64xf32>
    %mul3A_557 = arith.mulf %div3A_555, %mul3A_556 : vector<256x64xf32>
    %add3A_558 = vector.broadcast %get3A_12 : vector<1x64xf32> to vector<256x64xf32>
    %add3A_559 = arith.addf %mul3A_557, %add3A_558 : vector<256x64xf32>
    %max3A_560 = arith.constant 0.000000e+00 : f32
    %max3A_561 = vector.broadcast %max3A_560 : f32 to vector<256x64xf32>
    %max3A_562 = arith.maximumf %add3A_559, %max3A_561 : vector<256x64xf32>
    %dot_general3A_563 = arith.constant dense<0.000000e+00> : vector<256x64xf32>
    %dot_general3A_564 = tpu.matmul %max3A_562, %get3A_15, %dot_general3A_563 {dimension_numbers = #tpu.dot_dimension_numbers<[1], [0], [0], [1], [0, 0, 1, 1], [], []>, transpose_lhs_hint = false} : vector<256x64xf32>, vector<64x64xf32>, vector<256x64xf32> -> vector<256x64xf32>
    %add3A_565 = vector.broadcast %get3A_18 : vector<1x64xf32> to vector<256x64xf32>
    %add3A_566 = arith.addf %dot_general3A_564, %add3A_565 : vector<256x64xf32>
    %max3A_567 = arith.maximumf %max3A_539, %add3A_566 : vector<256x64xf32>
    %min3A_568 = arith.minimumf %min3A_540, %add3A_566 : vector<256x64xf32>
    %swap3A_569 = arith.constant 0 : index
    %swap3A_570 = arith.constant 0 : index
    %swap3A_571 = arith.constant 1216 : index
    %swap3A_572 = vector.load %arg11[%swap3A_569, %swap3A_570, %swap3A_571] : memref<1x256x1280xf32, #tpu.memory_space<vmem>>, vector<1x256x64xf32>
    %swap3A_573 = vector.shape_cast %swap3A_572 : vector<1x256x64xf32> to vector<256x64xf32>
    %swap3A_574 = vector.shape_cast %add3A_566 : vector<256x64xf32> to vector<1x256x64xf32>
    tpu.vector_store %arg11[%swap3A_569, %swap3A_570, %swap3A_571], %swap3A_574 {strides = array<i32>} : memref<1x256x1280xf32, #tpu.memory_space<vmem>>, vector<1x256x64xf32>,
    %swap3A_575 = arith.constant 0 : index
    %swap3A_576 = arith.constant 0 : index
    %swap3A_577 = vector.load %arg9[%swap3A_575, %swap3A_576] : memref<256x64xf32, #tpu.memory_space<vmem>>, vector<256x64xf32>
    tpu.vector_store %arg9[%swap3A_575, %swap3A_576], %max3A_567 {strides = array<i32>} : memref<256x64xf32, #tpu.memory_space<vmem>>, vector<256x64xf32>,
    %swap3A_578 = arith.constant 0 : index
    %swap3A_579 = arith.constant 0 : index
    %swap3A_580 = vector.load %arg10[%swap3A_578, %swap3A_579] : memref<256x64xf32, #tpu.memory_space<vmem>>, vector<256x64xf32>
    tpu.vector_store %arg10[%swap3A_578, %swap3A_579], %min3A_568 {strides = array<i32>} : memref<256x64xf32, #tpu.memory_space<vmem>>, vector<256x64xf32>,
    return
  }
  func.func @transform_0(%arg0: i32, %arg1: i32) -> (i32, i32, i32) {
    %c0_i32 = arith.constant 0 : i32
    %c0_i32_0 = arith.constant 0 : i32
    return %arg0, %arg1, %c0_i32 : i32, i32, i32
  }
  func.func @transform_1(%arg0: i32, %arg1: i32) -> (i32, i32) {
    %c0_i32 = arith.constant 0 : i32
    %c0_i32_0 = arith.constant 0 : i32
    %c0_i32_1 = arith.constant 0 : i32
    return %c0_i32, %c0_i32_0 : i32, i32
  }
  func.func @transform_2(%arg0: i32, %arg1: i32) -> (i32, i32) {
    %c0_i32 = arith.constant 0 : i32
    %c0_i32_0 = arith.constant 0 : i32
    %c0_i32_1 = arith.constant 0 : i32
    return %c0_i32, %c0_i32_0 : i32, i32
  }
  func.func @transform_3(%arg0: i32, %arg1: i32) -> (i32, i32) {
    %c0_i32 = arith.constant 0 : i32
    %c0_i32_0 = arith.constant 0 : i32
    %c0_i32_1 = arith.constant 0 : i32
    return %c0_i32, %c0_i32_0 : i32, i32
  }
  func.func @transform_4(%arg0: i32, %arg1: i32) -> (i32, i32) {
    %c0_i32 = arith.constant 0 : i32
    %c0_i32_0 = arith.constant 0 : i32
    %c0_i32_1 = arith.constant 0 : i32
    return %c0_i32, %c0_i32_0 : i32, i32
  }
  func.func @transform_5(%arg0: i32, %arg1: i32) -> (i32, i32) {
    %c0_i32 = arith.constant 0 : i32
    %c0_i32_0 = arith.constant 0 : i32
    %c0_i32_1 = arith.constant 0 : i32
    return %c0_i32, %c0_i32_0 : i32, i32
  }
  func.func @transform_6(%arg0: i32, %arg1: i32) -> (i32, i32) {
    %c0_i32 = arith.constant 0 : i32
    %c0_i32_0 = arith.constant 0 : i32
    %c0_i32_1 = arith.constant 0 : i32
    return %c0_i32, %c0_i32_0 : i32, i32
  }
  func.func @transform_7(%arg0: i32, %arg1: i32) -> (i32, i32) {
    %mul3A = arith.constant 8 : i32
    %mul3A_0 = arith.muli %arg0, %mul3A : i32
    %add3A = arith.addi %mul3A_0, %arg1 : i32
    %c0_i32 = arith.constant 0 : i32
    %c0_i32_1 = arith.constant 0 : i32
    return %add3A, %c0_i32 : i32, i32
  }
  func.func @transform_8(%arg0: i32, %arg1: i32) -> (i32, i32) {
    %mul3A = arith.constant 8 : i32
    %mul3A_0 = arith.muli %arg0, %mul3A : i32
    %add3A = arith.addi %mul3A_0, %arg1 : i32
    %c0_i32 = arith.constant 0 : i32
    %c0_i32_1 = arith.constant 0 : i32
    return %add3A, %c0_i32 : i32, i32
  }
  func.func @transform_9(%arg0: i32, %arg1: i32) -> (i32, i32, i32) {
    %c0_i32 = arith.constant 0 : i32
    %c0_i32_0 = arith.constant 0 : i32
    return %arg0, %arg1, %c0_i32 : i32, i32, i32
  }
}

module attributes {stable_mosaic.version = 14 : i64} {
  func.func @_fin_body(%arg0: i32, %arg1: memref<512x64xf32, #tpu.memory_space<vmem>>, %arg2: memref<512x64xf32, #tpu.memory_space<vmem>>, %arg3: memref<1x64xf32, #tpu.memory_space<vmem>>, %arg4: memref<1x64xf32, #tpu.memory_space<vmem>>, %arg5: memref<1x64xf32, #tpu.memory_space<vmem>>, %arg6: memref<1x64xf32, #tpu.memory_space<vmem>>, %arg7: memref<512x64xf32, #tpu.memory_space<vmem>>) attributes {dimension_semantics = [#tpu.dimension_semantics<arbitrary>], iteration_bounds = array<i64: 32>, scalar_prefetch = 0 : i64, scratch_operands = 0 : i64, tpu.core_type = #tpu.core_type<tc>, window_params = [{transform_indices = @transform_0, window_bounds = array<i64: 512, 64>}, {transform_indices = @transform_1, window_bounds = array<i64: 512, 64>}, {pipeline_mode = #tpu.pipeline_mode<synchronous>, transform_indices = @transform_2, window_bounds = array<i64: 1, 64>}, {pipeline_mode = #tpu.pipeline_mode<synchronous>, transform_indices = @transform_3, window_bounds = array<i64: 1, 64>}, {pipeline_mode = #tpu.pipeline_mode<synchronous>, transform_indices = @transform_4, window_bounds = array<i64: 1, 64>}, {pipeline_mode = #tpu.pipeline_mode<synchronous>, transform_indices = @transform_5, window_bounds = array<i64: 1, 64>}, {transform_indices = @transform_6, window_bounds = array<i64: 512, 64>}]} {
    %get3A = arith.constant 0 : index
    %get3A_0 = arith.constant 0 : index
    %get3A_1 = vector.load %arg5[%get3A, %get3A_0] : memref<1x64xf32, #tpu.memory_space<vmem>>, vector<1x64xf32>
    %ge3A = arith.constant 0.000000e+00 : f32
    %ge3A_2 = vector.broadcast %ge3A : f32 to vector<1x64xf32>
    %ge3A_3 = arith.cmpf oge, %get3A_1, %ge3A_2 : vector<1x64xf32>
    %get3A_4 = arith.constant 0 : index
    %get3A_5 = arith.constant 0 : index
    %get3A_6 = vector.load %arg1[%get3A_4, %get3A_5] : memref<512x64xf32, #tpu.memory_space<vmem>>, vector<512x64xf32>
    %get3A_7 = arith.constant 0 : index
    %get3A_8 = arith.constant 0 : index
    %get3A_9 = vector.load %arg2[%get3A_7, %get3A_8] : memref<512x64xf32, #tpu.memory_space<vmem>>, vector<512x64xf32>
    %broadcast_in_dim3A = vector.shape_cast %ge3A_3 : vector<1x64xi1> to vector<1x64xi1>
    %broadcast_in_dim3A_10 = vector.broadcast %broadcast_in_dim3A : vector<1x64xi1> to vector<512x64xi1>
    %select_n3A = arith.select %broadcast_in_dim3A_10, %get3A_6, %get3A_9 : vector<512x64xi1>, vector<512x64xf32>
    %get3A_11 = arith.constant 0 : index
    %get3A_12 = arith.constant 0 : index
    %get3A_13 = vector.load %arg3[%get3A_11, %get3A_12] : memref<1x64xf32, #tpu.memory_space<vmem>>, vector<1x64xf32>
    %sub3A = vector.broadcast %get3A_13 : vector<1x64xf32> to vector<512x64xf32>
    %sub3A_14 = arith.subf %select_n3A, %sub3A : vector<512x64xf32>
    %get3A_15 = arith.constant 0 : index
    %get3A_16 = arith.constant 0 : index
    %get3A_17 = vector.load %arg4[%get3A_15, %get3A_16] : memref<1x64xf32, #tpu.memory_space<vmem>>, vector<1x64xf32>
    %add3A = arith.constant 9.99999974E-6 : f32
    %add3A_18 = vector.broadcast %add3A : f32 to vector<1x64xf32>
    %add3A_19 = arith.addf %get3A_17, %add3A_18 : vector<1x64xf32>
    %sqrt3A = math.sqrt %add3A_19 : vector<1x64xf32>
    %div3A = vector.broadcast %sqrt3A : vector<1x64xf32> to vector<512x64xf32>
    %div3A_20 = arith.divf %sub3A_14, %div3A : vector<512x64xf32>
    %mul3A = vector.broadcast %get3A_1 : vector<1x64xf32> to vector<512x64xf32>
    %mul3A_21 = arith.mulf %div3A_20, %mul3A : vector<512x64xf32>
    %get3A_22 = arith.constant 0 : index
    %get3A_23 = arith.constant 0 : index
    %get3A_24 = vector.load %arg6[%get3A_22, %get3A_23] : memref<1x64xf32, #tpu.memory_space<vmem>>, vector<1x64xf32>
    %add3A_25 = vector.broadcast %get3A_24 : vector<1x64xf32> to vector<512x64xf32>
    %add3A_26 = arith.addf %mul3A_21, %add3A_25 : vector<512x64xf32>
    %swap3A = arith.constant 0 : index
    %swap3A_27 = arith.constant 0 : index
    %swap3A_28 = vector.load %arg7[%swap3A, %swap3A_27] : memref<512x64xf32, #tpu.memory_space<vmem>>, vector<512x64xf32>
    tpu.vector_store %arg7[%swap3A, %swap3A_27], %add3A_26 {strides = array<i32>} : memref<512x64xf32, #tpu.memory_space<vmem>>, vector<512x64xf32>,
    return
  }
  func.func @transform_0(%arg0: i32) -> (i32, i32) {
    %c0_i32 = arith.constant 0 : i32
    %c0_i32_0 = arith.constant 0 : i32
    return %arg0, %c0_i32 : i32, i32
  }
  func.func @transform_1(%arg0: i32) -> (i32, i32) {
    %c0_i32 = arith.constant 0 : i32
    %c0_i32_0 = arith.constant 0 : i32
    return %arg0, %c0_i32 : i32, i32
  }
  func.func @transform_2(%arg0: i32) -> (i32, i32) {
    %c0_i32 = arith.constant 0 : i32
    %c0_i32_0 = arith.constant 0 : i32
    %c0_i32_1 = arith.constant 0 : i32
    return %c0_i32, %c0_i32_0 : i32, i32
  }
  func.func @transform_3(%arg0: i32) -> (i32, i32) {
    %c0_i32 = arith.constant 0 : i32
    %c0_i32_0 = arith.constant 0 : i32
    %c0_i32_1 = arith.constant 0 : i32
    return %c0_i32, %c0_i32_0 : i32, i32
  }
  func.func @transform_4(%arg0: i32) -> (i32, i32) {
    %c0_i32 = arith.constant 0 : i32
    %c0_i32_0 = arith.constant 0 : i32
    %c0_i32_1 = arith.constant 0 : i32
    return %c0_i32, %c0_i32_0 : i32, i32
  }
  func.func @transform_5(%arg0: i32) -> (i32, i32) {
    %c0_i32 = arith.constant 0 : i32
    %c0_i32_0 = arith.constant 0 : i32
    %c0_i32_1 = arith.constant 0 : i32
    return %c0_i32, %c0_i32_0 : i32, i32
  }
  func.func @transform_6(%arg0: i32) -> (i32, i32) {
    %c0_i32 = arith.constant 0 : i32
    %c0_i32_0 = arith.constant 0 : i32
    return %arg0, %c0_i32 : i32, i32
  }
}

module attributes {stable_mosaic.version = 14 : i64} {
  func.func @_dist_body(%arg0: i32, %arg1: i32, %arg2: memref<1x2048x64xf32, #tpu.memory_space<vmem>>, %arg3: memref<1x256x64xf32, #tpu.memory_space<vmem>>, %arg4: memref<1x1x2048xf32, #tpu.memory_space<vmem>>, %arg5: memref<1x256x1xf32, #tpu.memory_space<vmem>>, %arg6: memref<1x256x2048xf32, #tpu.memory_space<vmem>>) attributes {dimension_semantics = [#tpu.dimension_semantics<arbitrary>, #tpu.dimension_semantics<arbitrary>], iteration_bounds = array<i64: 8, 8>, scalar_prefetch = 0 : i64, scratch_operands = 0 : i64, tpu.core_type = #tpu.core_type<tc>, window_params = [{transform_indices = @transform_0, window_bounds = array<i64: 1, 2048, 64>}, {transform_indices = @transform_1, window_bounds = array<i64: 1, 256, 64>}, {transform_indices = @transform_2, window_bounds = array<i64: 1, 1, 2048>}, {transform_indices = @transform_3, window_bounds = array<i64: 1, 256, 1>}, {transform_indices = @transform_4, window_bounds = array<i64: 1, 256, 2048>}]} {
    %get3A = arith.constant 0 : index
    %get3A_0 = arith.constant 0 : index
    %get3A_1 = arith.constant 0 : index
    %get3A_2 = vector.load %arg2[%get3A, %get3A_0, %get3A_1] : memref<1x2048x64xf32, #tpu.memory_space<vmem>>, vector<1x2048x64xf32>
    %get3A_3 = vector.shape_cast %get3A_2 : vector<1x2048x64xf32> to vector<2048x64xf32>
    %get3A_4 = arith.constant 0 : index
    %get3A_5 = arith.constant 0 : index
    %get3A_6 = arith.constant 0 : index
    %get3A_7 = vector.load %arg3[%get3A_4, %get3A_5, %get3A_6] : memref<1x256x64xf32, #tpu.memory_space<vmem>>, vector<1x256x64xf32>
    %get3A_8 = vector.shape_cast %get3A_7 : vector<1x256x64xf32> to vector<256x64xf32>
    %convert_element_type3A = arith.truncf %get3A_8 : vector<256x64xf32> to vector<256x64xbf16>
    %convert_element_type3A_9 = arith.truncf %get3A_3 : vector<2048x64xf32> to vector<2048x64xbf16>
    %dot_general3A = arith.constant dense<0.000000e+00> : vector<256x2048xf32>
    %dot_general3A_10 = tpu.matmul %convert_element_type3A, %convert_element_type3A_9, %dot_general3A {dimension_numbers = #tpu.dot_dimension_numbers<[1], [1], [0], [0], [0, 0, 1, 0], [], []>, transpose_lhs_hint = false} : vector<256x64xbf16>, vector<2048x64xbf16>, vector<256x2048xf32> -> vector<256x2048xf32>
    %get3A_11 = arith.constant 0 : index
    %get3A_12 = arith.constant 0 : index
    %get3A_13 = arith.constant 0 : index
    %get3A_14 = vector.load %arg5[%get3A_11, %get3A_12, %get3A_13] : memref<1x256x1xf32, #tpu.memory_space<vmem>>, vector<1x256x1xf32>
    %get3A_15 = vector.shape_cast %get3A_14 : vector<1x256x1xf32> to vector<256x1xf32>
    %get3A_16 = arith.constant 0 : index
    %get3A_17 = arith.constant 0 : index
    %get3A_18 = arith.constant 0 : index
    %get3A_19 = vector.load %arg4[%get3A_16, %get3A_17, %get3A_18] : memref<1x1x2048xf32, #tpu.memory_space<vmem>>, vector<1x1x2048xf32>
    %get3A_20 = vector.shape_cast %get3A_19 : vector<1x1x2048xf32> to vector<1x2048xf32>
    %add3A = vector.broadcast %get3A_15 : vector<256x1xf32> to vector<256x2048xf32>
    %add3A_21 = vector.broadcast %get3A_20 : vector<1x2048xf32> to vector<256x2048xf32>
    %add3A_22 = arith.addf %add3A, %add3A_21 : vector<256x2048xf32>
    %mul3A = arith.constant 2.000000e+00 : f32
    %mul3A_23 = vector.broadcast %mul3A : f32 to vector<256x2048xf32>
    %mul3A_24 = arith.mulf %mul3A_23, %dot_general3A_10 : vector<256x2048xf32>
    %sub3A = arith.subf %add3A_22, %mul3A_24 : vector<256x2048xf32>
    %mul3A_25 = arith.constant 256 : i32
    %mul3A_26 = arith.muli %arg1, %mul3A_25 : i32
    %iota3A = tpu.iota {dimensions = array<i32: 0>} : vector<256x1xi32>
    %add3A_27 = vector.broadcast %mul3A_26 : i32 to vector<256x1xi32>
    %add3A_28 = arith.addi %add3A_27, %iota3A : vector<256x1xi32>
    %iota3A_29 = tpu.iota {dimensions = array<i32: 1>} : vector<256x2048xi32>
    %eq3A = vector.broadcast %add3A_28 : vector<256x1xi32> to vector<256x2048xi32>
    %eq3A_30 = arith.cmpi eq, %iota3A_29, %eq3A : vector<256x2048xi32>
    %jit3A = arith.constant 0x7F800000 : f32
    %broadcast_in_dim3A = vector.broadcast %jit3A : f32 to vector<256x2048xf32>
    %select_n3A = arith.select %eq3A_30, %broadcast_in_dim3A, %sub3A : vector<256x2048xi1>, vector<256x2048xf32>
    %swap3A = arith.constant 0 : index
    %swap3A_31 = arith.constant 0 : index
    %swap3A_32 = arith.constant 0 : index
    %swap3A_33 = vector.load %arg6[%swap3A, %swap3A_31, %swap3A_32] : memref<1x256x2048xf32, #tpu.memory_space<vmem>>, vector<1x256x2048xf32>
    %swap3A_34 = vector.shape_cast %swap3A_33 : vector<1x256x2048xf32> to vector<256x2048xf32>
    %swap3A_35 = vector.shape_cast %select_n3A : vector<256x2048xf32> to vector<1x256x2048xf32>
    tpu.vector_store %arg6[%swap3A, %swap3A_31, %swap3A_32], %swap3A_35 {strides = array<i32>} : memref<1x256x2048xf32, #tpu.memory_space<vmem>>, vector<1x256x2048xf32>,
    return
  }
  func.func @transform_0(%arg0: i32, %arg1: i32) -> (i32, i32, i32) {
    %c0_i32 = arith.constant 0 : i32
    %c0_i32_0 = arith.constant 0 : i32
    %c0_i32_1 = arith.constant 0 : i32
    return %arg0, %c0_i32, %c0_i32_0 : i32, i32, i32
  }
  func.func @transform_1(%arg0: i32, %arg1: i32) -> (i32, i32, i32) {
    %c0_i32 = arith.constant 0 : i32
    %c0_i32_0 = arith.constant 0 : i32
    return %arg0, %arg1, %c0_i32 : i32, i32, i32
  }
  func.func @transform_2(%arg0: i32, %arg1: i32) -> (i32, i32, i32) {
    %c0_i32 = arith.constant 0 : i32
    %c0_i32_0 = arith.constant 0 : i32
    %c0_i32_1 = arith.constant 0 : i32
    return %arg0, %c0_i32, %c0_i32_0 : i32, i32, i32
  }
  func.func @transform_3(%arg0: i32, %arg1: i32) -> (i32, i32, i32) {
    %c0_i32 = arith.constant 0 : i32
    %c0_i32_0 = arith.constant 0 : i32
    return %arg0, %arg1, %c0_i32 : i32, i32, i32
  }
  func.func @transform_4(%arg0: i32, %arg1: i32) -> (i32, i32, i32) {
    %c0_i32 = arith.constant 0 : i32
    %c0_i32_0 = arith.constant 0 : i32
    return %arg0, %arg1, %c0_i32 : i32, i32, i32
  }
}

module attributes {stable_mosaic.version = 14 : i64} {
  func.func @_h1_body(%arg0: i32, %arg1: i32, %arg2: memref<1x2048x64xf32, #tpu.memory_space<vmem>>, %arg3: memref<1x256x64xf32, #tpu.memory_space<vmem>>, %arg4: memref<1x256x20xi32, #tpu.memory_space<vmem>>, %arg5: memref<128x64xf32, #tpu.memory_space<vmem>>, %arg6: memref<1x64xf32, #tpu.memory_space<vmem>>, %arg7: memref<1x256x1280xf32, #tpu.memory_space<vmem>>) attributes {dimension_semantics = [#tpu.dimension_semantics<arbitrary>, #tpu.dimension_semantics<arbitrary>], iteration_bounds = array<i64: 8, 8>, scalar_prefetch = 0 : i64, scratch_operands = 0 : i64, tpu.core_type = #tpu.core_type<tc>, window_params = [{transform_indices = @transform_0, window_bounds = array<i64: 1, 2048, 64>}, {transform_indices = @transform_1, window_bounds = array<i64: 1, 256, 64>}, {transform_indices = @transform_2, window_bounds = array<i64: 1, 256, 20>}, {pipeline_mode = #tpu.pipeline_mode<synchronous>, transform_indices = @transform_3, window_bounds = array<i64: 128, 64>}, {pipeline_mode = #tpu.pipeline_mode<synchronous>, transform_indices = @transform_4, window_bounds = array<i64: 1, 64>}, {transform_indices = @transform_5, window_bounds = array<i64: 1, 256, 1280>}]} {
    %get3A = arith.constant 0 : index
    %get3A_0 = arith.constant 0 : index
    %get3A_1 = arith.constant 0 : index
    %get3A_2 = vector.load %arg2[%get3A, %get3A_0, %get3A_1] : memref<1x2048x64xf32, #tpu.memory_space<vmem>>, vector<1x2048x64xf32>
    %get3A_3 = vector.shape_cast %get3A_2 : vector<1x2048x64xf32> to vector<2048x64xf32>
    %get3A_4 = arith.constant 0 : index
    %get3A_5 = arith.constant 0 : index
    %get3A_6 = arith.constant 0 : index
    %get3A_7 = vector.load %arg3[%get3A_4, %get3A_5, %get3A_6] : memref<1x256x64xf32, #tpu.memory_space<vmem>>, vector<1x256x64xf32>
    %get3A_8 = vector.shape_cast %get3A_7 : vector<1x256x64xf32> to vector<256x64xf32>
    %get3A_9 = arith.constant 0 : index
    %get3A_10 = arith.constant 0 : index
    %get3A_11 = vector.load %arg5[%get3A_9, %get3A_10] : memref<128x64xf32, #tpu.memory_space<vmem>>, vector<128x64xf32>
    %get3A_12 = arith.constant 0 : index
    %get3A_13 = arith.constant 0 : index
    %get3A_14 = vector.load %arg6[%get3A_12, %get3A_13] : memref<1x64xf32, #tpu.memory_space<vmem>>, vector<1x64xf32>
    %iota3A = tpu.iota {dimensions = array<i32: 1>} : vector<256x2048xi32>
    %get3A_15 = arith.constant 0 : index
    %get3A_16 = arith.constant 0 : index
    %get3A_17 = arith.constant 0 : index
    %get3A_18 = vector.load %arg4[%get3A_15, %get3A_16, %get3A_17] : memref<1x256x20xi32, #tpu.memory_space<vmem>>, vector<1x256x20xi32>
    %get3A_19 = vector.shape_cast %get3A_18 : vector<1x256x20xi32> to vector<256x20xi32>
    %slice3A = vector.extract_strided_slice %get3A_19 {offsets = [0, 0], sizes = [256, 1], strides = [1, 1]} : vector<256x20xi32> to vector<256x1xi32>
    %eq3A = vector.broadcast %slice3A : vector<256x1xi32> to vector<256x2048xi32>
    %eq3A_20 = arith.cmpi eq, %iota3A, %eq3A : vector<256x2048xi32>
    %convert_element_type3A = arith.extui %eq3A_20 : vector<256x2048xi1> to vector<256x2048xi32>
    %convert_element_type3A_21 = arith.sitofp %convert_element_type3A : vector<256x2048xi32> to vector<256x2048xf32>
    %dot_general3A = arith.constant dense<0.000000e+00> : vector<256x64xf32>
    %dot_general3A_22 = tpu.matmul %convert_element_type3A_21, %get3A_3, %dot_general3A {dimension_numbers = #tpu.dot_dimension_numbers<[1], [0], [0], [1], [0, 0, 1, 1], [], []>, precision = #tpu.contract_precision<fp32>, transpose_lhs_hint = false} : vector<256x2048xf32>, vector<2048x64xf32>, vector<256x64xf32> -> vector<256x64xf32>
    %sub3A = arith.subf %dot_general3A_22, %get3A_8 : vector<256x64xf32>
    %concatenate3A = tpu.concatenate %get3A_8, %sub3A in 1 : vector<256x64xf32>, vector<256x64xf32> -> vector<256x128xf32>
    %dot_general3A_23 = arith.constant dense<0.000000e+00> : vector<256x64xf32>
    %dot_general3A_24 = tpu.matmul %concatenate3A, %get3A_11, %dot_general3A_23 {dimension_numbers = #tpu.dot_dimension_numbers<[1], [0], [0], [1], [0, 0, 1, 1], [], []>, transpose_lhs_hint = false} : vector<256x128xf32>, vector<128x64xf32>, vector<256x64xf32> -> vector<256x64xf32>
    %add3A = vector.broadcast %get3A_14 : vector<1x64xf32> to vector<256x64xf32>
    %add3A_25 = arith.addf %dot_general3A_24, %add3A : vector<256x64xf32>
    %swap3A = arith.constant 0 : index
    %swap3A_26 = arith.constant 0 : index
    %swap3A_27 = arith.constant 0 : index
    %swap3A_28 = vector.load %arg7[%swap3A, %swap3A_26, %swap3A_27] : memref<1x256x1280xf32, #tpu.memory_space<vmem>>, vector<1x256x64xf32>
    %swap3A_29 = vector.shape_cast %swap3A_28 : vector<1x256x64xf32> to vector<256x64xf32>
    %swap3A_30 = vector.shape_cast %add3A_25 : vector<256x64xf32> to vector<1x256x64xf32>
    tpu.vector_store %arg7[%swap3A, %swap3A_26, %swap3A_27], %swap3A_30 {strides = array<i32>} : memref<1x256x1280xf32, #tpu.memory_space<vmem>>, vector<1x256x64xf32>,
    %get3A_31 = arith.constant 0 : index
    %get3A_32 = arith.constant 0 : index
    %get3A_33 = arith.constant 0 : index
    %get3A_34 = vector.load %arg4[%get3A_31, %get3A_32, %get3A_33] : memref<1x256x20xi32, #tpu.memory_space<vmem>>, vector<1x256x20xi32>
    %get3A_35 = vector.shape_cast %get3A_34 : vector<1x256x20xi32> to vector<256x20xi32>
    %slice3A_36 = vector.extract_strided_slice %get3A_35 {offsets = [0, 1], sizes = [256, 1], strides = [1, 1]} : vector<256x20xi32> to vector<256x1xi32>
    %eq3A_37 = vector.broadcast %slice3A_36 : vector<256x1xi32> to vector<256x2048xi32>
    %eq3A_38 = arith.cmpi eq, %iota3A, %eq3A_37 : vector<256x2048xi32>
    %convert_element_type3A_39 = arith.extui %eq3A_38 : vector<256x2048xi1> to vector<256x2048xi32>
    %convert_element_type3A_40 = arith.sitofp %convert_element_type3A_39 : vector<256x2048xi32> to vector<256x2048xf32>
    %dot_general3A_41 = arith.constant dense<0.000000e+00> : vector<256x64xf32>
    %dot_general3A_42 = tpu.matmul %convert_element_type3A_40, %get3A_3, %dot_general3A_41 {dimension_numbers = #tpu.dot_dimension_numbers<[1], [0], [0], [1], [0, 0, 1, 1], [], []>, precision = #tpu.contract_precision<fp32>, transpose_lhs_hint = false} : vector<256x2048xf32>, vector<2048x64xf32>, vector<256x64xf32> -> vector<256x64xf32>
    %sub3A_43 = arith.subf %dot_general3A_42, %get3A_8 : vector<256x64xf32>
    %concatenate3A_44 = tpu.concatenate %get3A_8, %sub3A_43 in 1 : vector<256x64xf32>, vector<256x64xf32> -> vector<256x128xf32>
    %dot_general3A_45 = arith.constant dense<0.000000e+00> : vector<256x64xf32>
    %dot_general3A_46 = tpu.matmul %concatenate3A_44, %get3A_11, %dot_general3A_45 {dimension_numbers = #tpu.dot_dimension_numbers<[1], [0], [0], [1], [0, 0, 1, 1], [], []>, transpose_lhs_hint = false} : vector<256x128xf32>, vector<128x64xf32>, vector<256x64xf32> -> vector<256x64xf32>
    %add3A_47 = vector.broadcast %get3A_14 : vector<1x64xf32> to vector<256x64xf32>
    %add3A_48 = arith.addf %dot_general3A_46, %add3A_47 : vector<256x64xf32>
    %swap3A_49 = arith.constant 0 : index
    %swap3A_50 = arith.constant 0 : index
    %swap3A_51 = arith.constant 64 : index
    %swap3A_52 = vector.load %arg7[%swap3A_49, %swap3A_50, %swap3A_51] : memref<1x256x1280xf32, #tpu.memory_space<vmem>>, vector<1x256x64xf32>
    %swap3A_53 = vector.shape_cast %swap3A_52 : vector<1x256x64xf32> to vector<256x64xf32>
    %swap3A_54 = vector.shape_cast %add3A_48 : vector<256x64xf32> to vector<1x256x64xf32>
    tpu.vector_store %arg7[%swap3A_49, %swap3A_50, %swap3A_51], %swap3A_54 {strides = array<i32>} : memref<1x256x1280xf32, #tpu.memory_space<vmem>>, vector<1x256x64xf32>,
    %get3A_55 = arith.constant 0 : index
    %get3A_56 = arith.constant 0 : index
    %get3A_57 = arith.constant 0 : index
    %get3A_58 = vector.load %arg4[%get3A_55, %get3A_56, %get3A_57] : memref<1x256x20xi32, #tpu.memory_space<vmem>>, vector<1x256x20xi32>
    %get3A_59 = vector.shape_cast %get3A_58 : vector<1x256x20xi32> to vector<256x20xi32>
    %slice3A_60 = vector.extract_strided_slice %get3A_59 {offsets = [0, 2], sizes = [256, 1], strides = [1, 1]} : vector<256x20xi32> to vector<256x1xi32>
    %eq3A_61 = vector.broadcast %slice3A_60 : vector<256x1xi32> to vector<256x2048xi32>
    %eq3A_62 = arith.cmpi eq, %iota3A, %eq3A_61 : vector<256x2048xi32>
    %convert_element_type3A_63 = arith.extui %eq3A_62 : vector<256x2048xi1> to vector<256x2048xi32>
    %convert_element_type3A_64 = arith.sitofp %convert_element_type3A_63 : vector<256x2048xi32> to vector<256x2048xf32>
    %dot_general3A_65 = arith.constant dense<0.000000e+00> : vector<256x64xf32>
    %dot_general3A_66 = tpu.matmul %convert_element_type3A_64, %get3A_3, %dot_general3A_65 {dimension_numbers = #tpu.dot_dimension_numbers<[1], [0], [0], [1], [0, 0, 1, 1], [], []>, precision = #tpu.contract_precision<fp32>, transpose_lhs_hint = false} : vector<256x2048xf32>, vector<2048x64xf32>, vector<256x64xf32> -> vector<256x64xf32>
    %sub3A_67 = arith.subf %dot_general3A_66, %get3A_8 : vector<256x64xf32>
    %concatenate3A_68 = tpu.concatenate %get3A_8, %sub3A_67 in 1 : vector<256x64xf32>, vector<256x64xf32> -> vector<256x128xf32>
    %dot_general3A_69 = arith.constant dense<0.000000e+00> : vector<256x64xf32>
    %dot_general3A_70 = tpu.matmul %concatenate3A_68, %get3A_11, %dot_general3A_69 {dimension_numbers = #tpu.dot_dimension_numbers<[1], [0], [0], [1], [0, 0, 1, 1], [], []>, transpose_lhs_hint = false} : vector<256x128xf32>, vector<128x64xf32>, vector<256x64xf32> -> vector<256x64xf32>
    %add3A_71 = vector.broadcast %get3A_14 : vector<1x64xf32> to vector<256x64xf32>
    %add3A_72 = arith.addf %dot_general3A_70, %add3A_71 : vector<256x64xf32>
    %swap3A_73 = arith.constant 0 : index
    %swap3A_74 = arith.constant 0 : index
    %swap3A_75 = arith.constant 128 : index
    %swap3A_76 = vector.load %arg7[%swap3A_73, %swap3A_74, %swap3A_75] : memref<1x256x1280xf32, #tpu.memory_space<vmem>>, vector<1x256x64xf32>
    %swap3A_77 = vector.shape_cast %swap3A_76 : vector<1x256x64xf32> to vector<256x64xf32>
    %swap3A_78 = vector.shape_cast %add3A_72 : vector<256x64xf32> to vector<1x256x64xf32>
    tpu.vector_store %arg7[%swap3A_73, %swap3A_74, %swap3A_75], %swap3A_78 {strides = array<i32>} : memref<1x256x1280xf32, #tpu.memory_space<vmem>>, vector<1x256x64xf32>,
    %get3A_79 = arith.constant 0 : index
    %get3A_80 = arith.constant 0 : index
    %get3A_81 = arith.constant 0 : index
    %get3A_82 = vector.load %arg4[%get3A_79, %get3A_80, %get3A_81] : memref<1x256x20xi32, #tpu.memory_space<vmem>>, vector<1x256x20xi32>
    %get3A_83 = vector.shape_cast %get3A_82 : vector<1x256x20xi32> to vector<256x20xi32>
    %slice3A_84 = vector.extract_strided_slice %get3A_83 {offsets = [0, 3], sizes = [256, 1], strides = [1, 1]} : vector<256x20xi32> to vector<256x1xi32>
    %eq3A_85 = vector.broadcast %slice3A_84 : vector<256x1xi32> to vector<256x2048xi32>
    %eq3A_86 = arith.cmpi eq, %iota3A, %eq3A_85 : vector<256x2048xi32>
    %convert_element_type3A_87 = arith.extui %eq3A_86 : vector<256x2048xi1> to vector<256x2048xi32>
    %convert_element_type3A_88 = arith.sitofp %convert_element_type3A_87 : vector<256x2048xi32> to vector<256x2048xf32>
    %dot_general3A_89 = arith.constant dense<0.000000e+00> : vector<256x64xf32>
    %dot_general3A_90 = tpu.matmul %convert_element_type3A_88, %get3A_3, %dot_general3A_89 {dimension_numbers = #tpu.dot_dimension_numbers<[1], [0], [0], [1], [0, 0, 1, 1], [], []>, precision = #tpu.contract_precision<fp32>, transpose_lhs_hint = false} : vector<256x2048xf32>, vector<2048x64xf32>, vector<256x64xf32> -> vector<256x64xf32>
    %sub3A_91 = arith.subf %dot_general3A_90, %get3A_8 : vector<256x64xf32>
    %concatenate3A_92 = tpu.concatenate %get3A_8, %sub3A_91 in 1 : vector<256x64xf32>, vector<256x64xf32> -> vector<256x128xf32>
    %dot_general3A_93 = arith.constant dense<0.000000e+00> : vector<256x64xf32>
    %dot_general3A_94 = tpu.matmul %concatenate3A_92, %get3A_11, %dot_general3A_93 {dimension_numbers = #tpu.dot_dimension_numbers<[1], [0], [0], [1], [0, 0, 1, 1], [], []>, transpose_lhs_hint = false} : vector<256x128xf32>, vector<128x64xf32>, vector<256x64xf32> -> vector<256x64xf32>
    %add3A_95 = vector.broadcast %get3A_14 : vector<1x64xf32> to vector<256x64xf32>
    %add3A_96 = arith.addf %dot_general3A_94, %add3A_95 : vector<256x64xf32>
    %swap3A_97 = arith.constant 0 : index
    %swap3A_98 = arith.constant 0 : index
    %swap3A_99 = arith.constant 192 : index
    %swap3A_100 = vector.load %arg7[%swap3A_97, %swap3A_98, %swap3A_99] : memref<1x256x1280xf32, #tpu.memory_space<vmem>>, vector<1x256x64xf32>
    %swap3A_101 = vector.shape_cast %swap3A_100 : vector<1x256x64xf32> to vector<256x64xf32>
    %swap3A_102 = vector.shape_cast %add3A_96 : vector<256x64xf32> to vector<1x256x64xf32>
    tpu.vector_store %arg7[%swap3A_97, %swap3A_98, %swap3A_99], %swap3A_102 {strides = array<i32>} : memref<1x256x1280xf32, #tpu.memory_space<vmem>>, vector<1x256x64xf32>,
    %get3A_103 = arith.constant 0 : index
    %get3A_104 = arith.constant 0 : index
    %get3A_105 = arith.constant 0 : index
    %get3A_106 = vector.load %arg4[%get3A_103, %get3A_104, %get3A_105] : memref<1x256x20xi32, #tpu.memory_space<vmem>>, vector<1x256x20xi32>
    %get3A_107 = vector.shape_cast %get3A_106 : vector<1x256x20xi32> to vector<256x20xi32>
    %slice3A_108 = vector.extract_strided_slice %get3A_107 {offsets = [0, 4], sizes = [256, 1], strides = [1, 1]} : vector<256x20xi32> to vector<256x1xi32>
    %eq3A_109 = vector.broadcast %slice3A_108 : vector<256x1xi32> to vector<256x2048xi32>
    %eq3A_110 = arith.cmpi eq, %iota3A, %eq3A_109 : vector<256x2048xi32>
    %convert_element_type3A_111 = arith.extui %eq3A_110 : vector<256x2048xi1> to vector<256x2048xi32>
    %convert_element_type3A_112 = arith.sitofp %convert_element_type3A_111 : vector<256x2048xi32> to vector<256x2048xf32>
    %dot_general3A_113 = arith.constant dense<0.000000e+00> : vector<256x64xf32>
    %dot_general3A_114 = tpu.matmul %convert_element_type3A_112, %get3A_3, %dot_general3A_113 {dimension_numbers = #tpu.dot_dimension_numbers<[1], [0], [0], [1], [0, 0, 1, 1], [], []>, precision = #tpu.contract_precision<fp32>, transpose_lhs_hint = false} : vector<256x2048xf32>, vector<2048x64xf32>, vector<256x64xf32> -> vector<256x64xf32>
    %sub3A_115 = arith.subf %dot_general3A_114, %get3A_8 : vector<256x64xf32>
    %concatenate3A_116 = tpu.concatenate %get3A_8, %sub3A_115 in 1 : vector<256x64xf32>, vector<256x64xf32> -> vector<256x128xf32>
    %dot_general3A_117 = arith.constant dense<0.000000e+00> : vector<256x64xf32>
    %dot_general3A_118 = tpu.matmul %concatenate3A_116, %get3A_11, %dot_general3A_117 {dimension_numbers = #tpu.dot_dimension_numbers<[1], [0], [0], [1], [0, 0, 1, 1], [], []>, transpose_lhs_hint = false} : vector<256x128xf32>, vector<128x64xf32>, vector<256x64xf32> -> vector<256x64xf32>
    %add3A_119 = vector.broadcast %get3A_14 : vector<1x64xf32> to vector<256x64xf32>
    %add3A_120 = arith.addf %dot_general3A_118, %add3A_119 : vector<256x64xf32>
    %swap3A_121 = arith.constant 0 : index
    %swap3A_122 = arith.constant 0 : index
    %swap3A_123 = arith.constant 256 : index
    %swap3A_124 = vector.load %arg7[%swap3A_121, %swap3A_122, %swap3A_123] : memref<1x256x1280xf32, #tpu.memory_space<vmem>>, vector<1x256x64xf32>
    %swap3A_125 = vector.shape_cast %swap3A_124 : vector<1x256x64xf32> to vector<256x64xf32>
    %swap3A_126 = vector.shape_cast %add3A_120 : vector<256x64xf32> to vector<1x256x64xf32>
    tpu.vector_store %arg7[%swap3A_121, %swap3A_122, %swap3A_123], %swap3A_126 {strides = array<i32>} : memref<1x256x1280xf32, #tpu.memory_space<vmem>>, vector<1x256x64xf32>,
    %get3A_127 = arith.constant 0 : index
    %get3A_128 = arith.constant 0 : index
    %get3A_129 = arith.constant 0 : index
    %get3A_130 = vector.load %arg4[%get3A_127, %get3A_128, %get3A_129] : memref<1x256x20xi32, #tpu.memory_space<vmem>>, vector<1x256x20xi32>
    %get3A_131 = vector.shape_cast %get3A_130 : vector<1x256x20xi32> to vector<256x20xi32>
    %slice3A_132 = vector.extract_strided_slice %get3A_131 {offsets = [0, 5], sizes = [256, 1], strides = [1, 1]} : vector<256x20xi32> to vector<256x1xi32>
    %eq3A_133 = vector.broadcast %slice3A_132 : vector<256x1xi32> to vector<256x2048xi32>
    %eq3A_134 = arith.cmpi eq, %iota3A, %eq3A_133 : vector<256x2048xi32>
    %convert_element_type3A_135 = arith.extui %eq3A_134 : vector<256x2048xi1> to vector<256x2048xi32>
    %convert_element_type3A_136 = arith.sitofp %convert_element_type3A_135 : vector<256x2048xi32> to vector<256x2048xf32>
    %dot_general3A_137 = arith.constant dense<0.000000e+00> : vector<256x64xf32>
    %dot_general3A_138 = tpu.matmul %convert_element_type3A_136, %get3A_3, %dot_general3A_137 {dimension_numbers = #tpu.dot_dimension_numbers<[1], [0], [0], [1], [0, 0, 1, 1], [], []>, precision = #tpu.contract_precision<fp32>, transpose_lhs_hint = false} : vector<256x2048xf32>, vector<2048x64xf32>, vector<256x64xf32> -> vector<256x64xf32>
    %sub3A_139 = arith.subf %dot_general3A_138, %get3A_8 : vector<256x64xf32>
    %concatenate3A_140 = tpu.concatenate %get3A_8, %sub3A_139 in 1 : vector<256x64xf32>, vector<256x64xf32> -> vector<256x128xf32>
    %dot_general3A_141 = arith.constant dense<0.000000e+00> : vector<256x64xf32>
    %dot_general3A_142 = tpu.matmul %concatenate3A_140, %get3A_11, %dot_general3A_141 {dimension_numbers = #tpu.dot_dimension_numbers<[1], [0], [0], [1], [0, 0, 1, 1], [], []>, transpose_lhs_hint = false} : vector<256x128xf32>, vector<128x64xf32>, vector<256x64xf32> -> vector<256x64xf32>
    %add3A_143 = vector.broadcast %get3A_14 : vector<1x64xf32> to vector<256x64xf32>
    %add3A_144 = arith.addf %dot_general3A_142, %add3A_143 : vector<256x64xf32>
    %swap3A_145 = arith.constant 0 : index
    %swap3A_146 = arith.constant 0 : index
    %swap3A_147 = arith.constant 320 : index
    %swap3A_148 = vector.load %arg7[%swap3A_145, %swap3A_146, %swap3A_147] : memref<1x256x1280xf32, #tpu.memory_space<vmem>>, vector<1x256x64xf32>
    %swap3A_149 = vector.shape_cast %swap3A_148 : vector<1x256x64xf32> to vector<256x64xf32>
    %swap3A_150 = vector.shape_cast %add3A_144 : vector<256x64xf32> to vector<1x256x64xf32>
    tpu.vector_store %arg7[%swap3A_145, %swap3A_146, %swap3A_147], %swap3A_150 {strides = array<i32>} : memref<1x256x1280xf32, #tpu.memory_space<vmem>>, vector<1x256x64xf32>,
    %get3A_151 = arith.constant 0 : index
    %get3A_152 = arith.constant 0 : index
    %get3A_153 = arith.constant 0 : index
    %get3A_154 = vector.load %arg4[%get3A_151, %get3A_152, %get3A_153] : memref<1x256x20xi32, #tpu.memory_space<vmem>>, vector<1x256x20xi32>
    %get3A_155 = vector.shape_cast %get3A_154 : vector<1x256x20xi32> to vector<256x20xi32>
    %slice3A_156 = vector.extract_strided_slice %get3A_155 {offsets = [0, 6], sizes = [256, 1], strides = [1, 1]} : vector<256x20xi32> to vector<256x1xi32>
    %eq3A_157 = vector.broadcast %slice3A_156 : vector<256x1xi32> to vector<256x2048xi32>
    %eq3A_158 = arith.cmpi eq, %iota3A, %eq3A_157 : vector<256x2048xi32>
    %convert_element_type3A_159 = arith.extui %eq3A_158 : vector<256x2048xi1> to vector<256x2048xi32>
    %convert_element_type3A_160 = arith.sitofp %convert_element_type3A_159 : vector<256x2048xi32> to vector<256x2048xf32>
    %dot_general3A_161 = arith.constant dense<0.000000e+00> : vector<256x64xf32>
    %dot_general3A_162 = tpu.matmul %convert_element_type3A_160, %get3A_3, %dot_general3A_161 {dimension_numbers = #tpu.dot_dimension_numbers<[1], [0], [0], [1], [0, 0, 1, 1], [], []>, precision = #tpu.contract_precision<fp32>, transpose_lhs_hint = false} : vector<256x2048xf32>, vector<2048x64xf32>, vector<256x64xf32> -> vector<256x64xf32>
    %sub3A_163 = arith.subf %dot_general3A_162, %get3A_8 : vector<256x64xf32>
    %concatenate3A_164 = tpu.concatenate %get3A_8, %sub3A_163 in 1 : vector<256x64xf32>, vector<256x64xf32> -> vector<256x128xf32>
    %dot_general3A_165 = arith.constant dense<0.000000e+00> : vector<256x64xf32>
    %dot_general3A_166 = tpu.matmul %concatenate3A_164, %get3A_11, %dot_general3A_165 {dimension_numbers = #tpu.dot_dimension_numbers<[1], [0], [0], [1], [0, 0, 1, 1], [], []>, transpose_lhs_hint = false} : vector<256x128xf32>, vector<128x64xf32>, vector<256x64xf32> -> vector<256x64xf32>
    %add3A_167 = vector.broadcast %get3A_14 : vector<1x64xf32> to vector<256x64xf32>
    %add3A_168 = arith.addf %dot_general3A_166, %add3A_167 : vector<256x64xf32>
    %swap3A_169 = arith.constant 0 : index
    %swap3A_170 = arith.constant 0 : index
    %swap3A_171 = arith.constant 384 : index
    %swap3A_172 = vector.load %arg7[%swap3A_169, %swap3A_170, %swap3A_171] : memref<1x256x1280xf32, #tpu.memory_space<vmem>>, vector<1x256x64xf32>
    %swap3A_173 = vector.shape_cast %swap3A_172 : vector<1x256x64xf32> to vector<256x64xf32>
    %swap3A_174 = vector.shape_cast %add3A_168 : vector<256x64xf32> to vector<1x256x64xf32>
    tpu.vector_store %arg7[%swap3A_169, %swap3A_170, %swap3A_171], %swap3A_174 {strides = array<i32>} : memref<1x256x1280xf32, #tpu.memory_space<vmem>>, vector<1x256x64xf32>,
    %get3A_175 = arith.constant 0 : index
    %get3A_176 = arith.constant 0 : index
    %get3A_177 = arith.constant 0 : index
    %get3A_178 = vector.load %arg4[%get3A_175, %get3A_176, %get3A_177] : memref<1x256x20xi32, #tpu.memory_space<vmem>>, vector<1x256x20xi32>
    %get3A_179 = vector.shape_cast %get3A_178 : vector<1x256x20xi32> to vector<256x20xi32>
    %slice3A_180 = vector.extract_strided_slice %get3A_179 {offsets = [0, 7], sizes = [256, 1], strides = [1, 1]} : vector<256x20xi32> to vector<256x1xi32>
    %eq3A_181 = vector.broadcast %slice3A_180 : vector<256x1xi32> to vector<256x2048xi32>
    %eq3A_182 = arith.cmpi eq, %iota3A, %eq3A_181 : vector<256x2048xi32>
    %convert_element_type3A_183 = arith.extui %eq3A_182 : vector<256x2048xi1> to vector<256x2048xi32>
    %convert_element_type3A_184 = arith.sitofp %convert_element_type3A_183 : vector<256x2048xi32> to vector<256x2048xf32>
    %dot_general3A_185 = arith.constant dense<0.000000e+00> : vector<256x64xf32>
    %dot_general3A_186 = tpu.matmul %convert_element_type3A_184, %get3A_3, %dot_general3A_185 {dimension_numbers = #tpu.dot_dimension_numbers<[1], [0], [0], [1], [0, 0, 1, 1], [], []>, precision = #tpu.contract_precision<fp32>, transpose_lhs_hint = false} : vector<256x2048xf32>, vector<2048x64xf32>, vector<256x64xf32> -> vector<256x64xf32>
    %sub3A_187 = arith.subf %dot_general3A_186, %get3A_8 : vector<256x64xf32>
    %concatenate3A_188 = tpu.concatenate %get3A_8, %sub3A_187 in 1 : vector<256x64xf32>, vector<256x64xf32> -> vector<256x128xf32>
    %dot_general3A_189 = arith.constant dense<0.000000e+00> : vector<256x64xf32>
    %dot_general3A_190 = tpu.matmul %concatenate3A_188, %get3A_11, %dot_general3A_189 {dimension_numbers = #tpu.dot_dimension_numbers<[1], [0], [0], [1], [0, 0, 1, 1], [], []>, transpose_lhs_hint = false} : vector<256x128xf32>, vector<128x64xf32>, vector<256x64xf32> -> vector<256x64xf32>
    %add3A_191 = vector.broadcast %get3A_14 : vector<1x64xf32> to vector<256x64xf32>
    %add3A_192 = arith.addf %dot_general3A_190, %add3A_191 : vector<256x64xf32>
    %swap3A_193 = arith.constant 0 : index
    %swap3A_194 = arith.constant 0 : index
    %swap3A_195 = arith.constant 448 : index
    %swap3A_196 = vector.load %arg7[%swap3A_193, %swap3A_194, %swap3A_195] : memref<1x256x1280xf32, #tpu.memory_space<vmem>>, vector<1x256x64xf32>
    %swap3A_197 = vector.shape_cast %swap3A_196 : vector<1x256x64xf32> to vector<256x64xf32>
    %swap3A_198 = vector.shape_cast %add3A_192 : vector<256x64xf32> to vector<1x256x64xf32>
    tpu.vector_store %arg7[%swap3A_193, %swap3A_194, %swap3A_195], %swap3A_198 {strides = array<i32>} : memref<1x256x1280xf32, #tpu.memory_space<vmem>>, vector<1x256x64xf32>,
    %get3A_199 = arith.constant 0 : index
    %get3A_200 = arith.constant 0 : index
    %get3A_201 = arith.constant 0 : index
    %get3A_202 = vector.load %arg4[%get3A_199, %get3A_200, %get3A_201] : memref<1x256x20xi32, #tpu.memory_space<vmem>>, vector<1x256x20xi32>
    %get3A_203 = vector.shape_cast %get3A_202 : vector<1x256x20xi32> to vector<256x20xi32>
    %slice3A_204 = vector.extract_strided_slice %get3A_203 {offsets = [0, 8], sizes = [256, 1], strides = [1, 1]} : vector<256x20xi32> to vector<256x1xi32>
    %eq3A_205 = vector.broadcast %slice3A_204 : vector<256x1xi32> to vector<256x2048xi32>
    %eq3A_206 = arith.cmpi eq, %iota3A, %eq3A_205 : vector<256x2048xi32>
    %convert_element_type3A_207 = arith.extui %eq3A_206 : vector<256x2048xi1> to vector<256x2048xi32>
    %convert_element_type3A_208 = arith.sitofp %convert_element_type3A_207 : vector<256x2048xi32> to vector<256x2048xf32>
    %dot_general3A_209 = arith.constant dense<0.000000e+00> : vector<256x64xf32>
    %dot_general3A_210 = tpu.matmul %convert_element_type3A_208, %get3A_3, %dot_general3A_209 {dimension_numbers = #tpu.dot_dimension_numbers<[1], [0], [0], [1], [0, 0, 1, 1], [], []>, precision = #tpu.contract_precision<fp32>, transpose_lhs_hint = false} : vector<256x2048xf32>, vector<2048x64xf32>, vector<256x64xf32> -> vector<256x64xf32>
    %sub3A_211 = arith.subf %dot_general3A_210, %get3A_8 : vector<256x64xf32>
    %concatenate3A_212 = tpu.concatenate %get3A_8, %sub3A_211 in 1 : vector<256x64xf32>, vector<256x64xf32> -> vector<256x128xf32>
    %dot_general3A_213 = arith.constant dense<0.000000e+00> : vector<256x64xf32>
    %dot_general3A_214 = tpu.matmul %concatenate3A_212, %get3A_11, %dot_general3A_213 {dimension_numbers = #tpu.dot_dimension_numbers<[1], [0], [0], [1], [0, 0, 1, 1], [], []>, transpose_lhs_hint = false} : vector<256x128xf32>, vector<128x64xf32>, vector<256x64xf32> -> vector<256x64xf32>
    %add3A_215 = vector.broadcast %get3A_14 : vector<1x64xf32> to vector<256x64xf32>
    %add3A_216 = arith.addf %dot_general3A_214, %add3A_215 : vector<256x64xf32>
    %swap3A_217 = arith.constant 0 : index
    %swap3A_218 = arith.constant 0 : index
    %swap3A_219 = arith.constant 512 : index
    %swap3A_220 = vector.load %arg7[%swap3A_217, %swap3A_218, %swap3A_219] : memref<1x256x1280xf32, #tpu.memory_space<vmem>>, vector<1x256x64xf32>
    %swap3A_221 = vector.shape_cast %swap3A_220 : vector<1x256x64xf32> to vector<256x64xf32>
    %swap3A_222 = vector.shape_cast %add3A_216 : vector<256x64xf32> to vector<1x256x64xf32>
    tpu.vector_store %arg7[%swap3A_217, %swap3A_218, %swap3A_219], %swap3A_222 {strides = array<i32>} : memref<1x256x1280xf32, #tpu.memory_space<vmem>>, vector<1x256x64xf32>,
    %get3A_223 = arith.constant 0 : index
    %get3A_224 = arith.constant 0 : index
    %get3A_225 = arith.constant 0 : index
    %get3A_226 = vector.load %arg4[%get3A_223, %get3A_224, %get3A_225] : memref<1x256x20xi32, #tpu.memory_space<vmem>>, vector<1x256x20xi32>
    %get3A_227 = vector.shape_cast %get3A_226 : vector<1x256x20xi32> to vector<256x20xi32>
    %slice3A_228 = vector.extract_strided_slice %get3A_227 {offsets = [0, 9], sizes = [256, 1], strides = [1, 1]} : vector<256x20xi32> to vector<256x1xi32>
    %eq3A_229 = vector.broadcast %slice3A_228 : vector<256x1xi32> to vector<256x2048xi32>
    %eq3A_230 = arith.cmpi eq, %iota3A, %eq3A_229 : vector<256x2048xi32>
    %convert_element_type3A_231 = arith.extui %eq3A_230 : vector<256x2048xi1> to vector<256x2048xi32>
    %convert_element_type3A_232 = arith.sitofp %convert_element_type3A_231 : vector<256x2048xi32> to vector<256x2048xf32>
    %dot_general3A_233 = arith.constant dense<0.000000e+00> : vector<256x64xf32>
    %dot_general3A_234 = tpu.matmul %convert_element_type3A_232, %get3A_3, %dot_general3A_233 {dimension_numbers = #tpu.dot_dimension_numbers<[1], [0], [0], [1], [0, 0, 1, 1], [], []>, precision = #tpu.contract_precision<fp32>, transpose_lhs_hint = false} : vector<256x2048xf32>, vector<2048x64xf32>, vector<256x64xf32> -> vector<256x64xf32>
    %sub3A_235 = arith.subf %dot_general3A_234, %get3A_8 : vector<256x64xf32>
    %concatenate3A_236 = tpu.concatenate %get3A_8, %sub3A_235 in 1 : vector<256x64xf32>, vector<256x64xf32> -> vector<256x128xf32>
    %dot_general3A_237 = arith.constant dense<0.000000e+00> : vector<256x64xf32>
    %dot_general3A_238 = tpu.matmul %concatenate3A_236, %get3A_11, %dot_general3A_237 {dimension_numbers = #tpu.dot_dimension_numbers<[1], [0], [0], [1], [0, 0, 1, 1], [], []>, transpose_lhs_hint = false} : vector<256x128xf32>, vector<128x64xf32>, vector<256x64xf32> -> vector<256x64xf32>
    %add3A_239 = vector.broadcast %get3A_14 : vector<1x64xf32> to vector<256x64xf32>
    %add3A_240 = arith.addf %dot_general3A_238, %add3A_239 : vector<256x64xf32>
    %swap3A_241 = arith.constant 0 : index
    %swap3A_242 = arith.constant 0 : index
    %swap3A_243 = arith.constant 576 : index
    %swap3A_244 = vector.load %arg7[%swap3A_241, %swap3A_242, %swap3A_243] : memref<1x256x1280xf32, #tpu.memory_space<vmem>>, vector<1x256x64xf32>
    %swap3A_245 = vector.shape_cast %swap3A_244 : vector<1x256x64xf32> to vector<256x64xf32>
    %swap3A_246 = vector.shape_cast %add3A_240 : vector<256x64xf32> to vector<1x256x64xf32>
    tpu.vector_store %arg7[%swap3A_241, %swap3A_242, %swap3A_243], %swap3A_246 {strides = array<i32>} : memref<1x256x1280xf32, #tpu.memory_space<vmem>>, vector<1x256x64xf32>,
    %get3A_247 = arith.constant 0 : index
    %get3A_248 = arith.constant 0 : index
    %get3A_249 = arith.constant 0 : index
    %get3A_250 = vector.load %arg4[%get3A_247, %get3A_248, %get3A_249] : memref<1x256x20xi32, #tpu.memory_space<vmem>>, vector<1x256x20xi32>
    %get3A_251 = vector.shape_cast %get3A_250 : vector<1x256x20xi32> to vector<256x20xi32>
    %slice3A_252 = vector.extract_strided_slice %get3A_251 {offsets = [0, 10], sizes = [256, 1], strides = [1, 1]} : vector<256x20xi32> to vector<256x1xi32>
    %eq3A_253 = vector.broadcast %slice3A_252 : vector<256x1xi32> to vector<256x2048xi32>
    %eq3A_254 = arith.cmpi eq, %iota3A, %eq3A_253 : vector<256x2048xi32>
    %convert_element_type3A_255 = arith.extui %eq3A_254 : vector<256x2048xi1> to vector<256x2048xi32>
    %convert_element_type3A_256 = arith.sitofp %convert_element_type3A_255 : vector<256x2048xi32> to vector<256x2048xf32>
    %dot_general3A_257 = arith.constant dense<0.000000e+00> : vector<256x64xf32>
    %dot_general3A_258 = tpu.matmul %convert_element_type3A_256, %get3A_3, %dot_general3A_257 {dimension_numbers = #tpu.dot_dimension_numbers<[1], [0], [0], [1], [0, 0, 1, 1], [], []>, precision = #tpu.contract_precision<fp32>, transpose_lhs_hint = false} : vector<256x2048xf32>, vector<2048x64xf32>, vector<256x64xf32> -> vector<256x64xf32>
    %sub3A_259 = arith.subf %dot_general3A_258, %get3A_8 : vector<256x64xf32>
    %concatenate3A_260 = tpu.concatenate %get3A_8, %sub3A_259 in 1 : vector<256x64xf32>, vector<256x64xf32> -> vector<256x128xf32>
    %dot_general3A_261 = arith.constant dense<0.000000e+00> : vector<256x64xf32>
    %dot_general3A_262 = tpu.matmul %concatenate3A_260, %get3A_11, %dot_general3A_261 {dimension_numbers = #tpu.dot_dimension_numbers<[1], [0], [0], [1], [0, 0, 1, 1], [], []>, transpose_lhs_hint = false} : vector<256x128xf32>, vector<128x64xf32>, vector<256x64xf32> -> vector<256x64xf32>
    %add3A_263 = vector.broadcast %get3A_14 : vector<1x64xf32> to vector<256x64xf32>
    %add3A_264 = arith.addf %dot_general3A_262, %add3A_263 : vector<256x64xf32>
    %swap3A_265 = arith.constant 0 : index
    %swap3A_266 = arith.constant 0 : index
    %swap3A_267 = arith.constant 640 : index
    %swap3A_268 = vector.load %arg7[%swap3A_265, %swap3A_266, %swap3A_267] : memref<1x256x1280xf32, #tpu.memory_space<vmem>>, vector<1x256x64xf32>
    %swap3A_269 = vector.shape_cast %swap3A_268 : vector<1x256x64xf32> to vector<256x64xf32>
    %swap3A_270 = vector.shape_cast %add3A_264 : vector<256x64xf32> to vector<1x256x64xf32>
    tpu.vector_store %arg7[%swap3A_265, %swap3A_266, %swap3A_267], %swap3A_270 {strides = array<i32>} : memref<1x256x1280xf32, #tpu.memory_space<vmem>>, vector<1x256x64xf32>,
    %get3A_271 = arith.constant 0 : index
    %get3A_272 = arith.constant 0 : index
    %get3A_273 = arith.constant 0 : index
    %get3A_274 = vector.load %arg4[%get3A_271, %get3A_272, %get3A_273] : memref<1x256x20xi32, #tpu.memory_space<vmem>>, vector<1x256x20xi32>
    %get3A_275 = vector.shape_cast %get3A_274 : vector<1x256x20xi32> to vector<256x20xi32>
    %slice3A_276 = vector.extract_strided_slice %get3A_275 {offsets = [0, 11], sizes = [256, 1], strides = [1, 1]} : vector<256x20xi32> to vector<256x1xi32>
    %eq3A_277 = vector.broadcast %slice3A_276 : vector<256x1xi32> to vector<256x2048xi32>
    %eq3A_278 = arith.cmpi eq, %iota3A, %eq3A_277 : vector<256x2048xi32>
    %convert_element_type3A_279 = arith.extui %eq3A_278 : vector<256x2048xi1> to vector<256x2048xi32>
    %convert_element_type3A_280 = arith.sitofp %convert_element_type3A_279 : vector<256x2048xi32> to vector<256x2048xf32>
    %dot_general3A_281 = arith.constant dense<0.000000e+00> : vector<256x64xf32>
    %dot_general3A_282 = tpu.matmul %convert_element_type3A_280, %get3A_3, %dot_general3A_281 {dimension_numbers = #tpu.dot_dimension_numbers<[1], [0], [0], [1], [0, 0, 1, 1], [], []>, precision = #tpu.contract_precision<fp32>, transpose_lhs_hint = false} : vector<256x2048xf32>, vector<2048x64xf32>, vector<256x64xf32> -> vector<256x64xf32>
    %sub3A_283 = arith.subf %dot_general3A_282, %get3A_8 : vector<256x64xf32>
    %concatenate3A_284 = tpu.concatenate %get3A_8, %sub3A_283 in 1 : vector<256x64xf32>, vector<256x64xf32> -> vector<256x128xf32>
    %dot_general3A_285 = arith.constant dense<0.000000e+00> : vector<256x64xf32>
    %dot_general3A_286 = tpu.matmul %concatenate3A_284, %get3A_11, %dot_general3A_285 {dimension_numbers = #tpu.dot_dimension_numbers<[1], [0], [0], [1], [0, 0, 1, 1], [], []>, transpose_lhs_hint = false} : vector<256x128xf32>, vector<128x64xf32>, vector<256x64xf32> -> vector<256x64xf32>
    %add3A_287 = vector.broadcast %get3A_14 : vector<1x64xf32> to vector<256x64xf32>
    %add3A_288 = arith.addf %dot_general3A_286, %add3A_287 : vector<256x64xf32>
    %swap3A_289 = arith.constant 0 : index
    %swap3A_290 = arith.constant 0 : index
    %swap3A_291 = arith.constant 704 : index
    %swap3A_292 = vector.load %arg7[%swap3A_289, %swap3A_290, %swap3A_291] : memref<1x256x1280xf32, #tpu.memory_space<vmem>>, vector<1x256x64xf32>
    %swap3A_293 = vector.shape_cast %swap3A_292 : vector<1x256x64xf32> to vector<256x64xf32>
    %swap3A_294 = vector.shape_cast %add3A_288 : vector<256x64xf32> to vector<1x256x64xf32>
    tpu.vector_store %arg7[%swap3A_289, %swap3A_290, %swap3A_291], %swap3A_294 {strides = array<i32>} : memref<1x256x1280xf32, #tpu.memory_space<vmem>>, vector<1x256x64xf32>,
    %get3A_295 = arith.constant 0 : index
    %get3A_296 = arith.constant 0 : index
    %get3A_297 = arith.constant 0 : index
    %get3A_298 = vector.load %arg4[%get3A_295, %get3A_296, %get3A_297] : memref<1x256x20xi32, #tpu.memory_space<vmem>>, vector<1x256x20xi32>
    %get3A_299 = vector.shape_cast %get3A_298 : vector<1x256x20xi32> to vector<256x20xi32>
    %slice3A_300 = vector.extract_strided_slice %get3A_299 {offsets = [0, 12], sizes = [256, 1], strides = [1, 1]} : vector<256x20xi32> to vector<256x1xi32>
    %eq3A_301 = vector.broadcast %slice3A_300 : vector<256x1xi32> to vector<256x2048xi32>
    %eq3A_302 = arith.cmpi eq, %iota3A, %eq3A_301 : vector<256x2048xi32>
    %convert_element_type3A_303 = arith.extui %eq3A_302 : vector<256x2048xi1> to vector<256x2048xi32>
    %convert_element_type3A_304 = arith.sitofp %convert_element_type3A_303 : vector<256x2048xi32> to vector<256x2048xf32>
    %dot_general3A_305 = arith.constant dense<0.000000e+00> : vector<256x64xf32>
    %dot_general3A_306 = tpu.matmul %convert_element_type3A_304, %get3A_3, %dot_general3A_305 {dimension_numbers = #tpu.dot_dimension_numbers<[1], [0], [0], [1], [0, 0, 1, 1], [], []>, precision = #tpu.contract_precision<fp32>, transpose_lhs_hint = false} : vector<256x2048xf32>, vector<2048x64xf32>, vector<256x64xf32> -> vector<256x64xf32>
    %sub3A_307 = arith.subf %dot_general3A_306, %get3A_8 : vector<256x64xf32>
    %concatenate3A_308 = tpu.concatenate %get3A_8, %sub3A_307 in 1 : vector<256x64xf32>, vector<256x64xf32> -> vector<256x128xf32>
    %dot_general3A_309 = arith.constant dense<0.000000e+00> : vector<256x64xf32>
    %dot_general3A_310 = tpu.matmul %concatenate3A_308, %get3A_11, %dot_general3A_309 {dimension_numbers = #tpu.dot_dimension_numbers<[1], [0], [0], [1], [0, 0, 1, 1], [], []>, transpose_lhs_hint = false} : vector<256x128xf32>, vector<128x64xf32>, vector<256x64xf32> -> vector<256x64xf32>
    %add3A_311 = vector.broadcast %get3A_14 : vector<1x64xf32> to vector<256x64xf32>
    %add3A_312 = arith.addf %dot_general3A_310, %add3A_311 : vector<256x64xf32>
    %swap3A_313 = arith.constant 0 : index
    %swap3A_314 = arith.constant 0 : index
    %swap3A_315 = arith.constant 768 : index
    %swap3A_316 = vector.load %arg7[%swap3A_313, %swap3A_314, %swap3A_315] : memref<1x256x1280xf32, #tpu.memory_space<vmem>>, vector<1x256x64xf32>
    %swap3A_317 = vector.shape_cast %swap3A_316 : vector<1x256x64xf32> to vector<256x64xf32>
    %swap3A_318 = vector.shape_cast %add3A_312 : vector<256x64xf32> to vector<1x256x64xf32>
    tpu.vector_store %arg7[%swap3A_313, %swap3A_314, %swap3A_315], %swap3A_318 {strides = array<i32>} : memref<1x256x1280xf32, #tpu.memory_space<vmem>>, vector<1x256x64xf32>,
    %get3A_319 = arith.constant 0 : index
    %get3A_320 = arith.constant 0 : index
    %get3A_321 = arith.constant 0 : index
    %get3A_322 = vector.load %arg4[%get3A_319, %get3A_320, %get3A_321] : memref<1x256x20xi32, #tpu.memory_space<vmem>>, vector<1x256x20xi32>
    %get3A_323 = vector.shape_cast %get3A_322 : vector<1x256x20xi32> to vector<256x20xi32>
    %slice3A_324 = vector.extract_strided_slice %get3A_323 {offsets = [0, 13], sizes = [256, 1], strides = [1, 1]} : vector<256x20xi32> to vector<256x1xi32>
    %eq3A_325 = vector.broadcast %slice3A_324 : vector<256x1xi32> to vector<256x2048xi32>
    %eq3A_326 = arith.cmpi eq, %iota3A, %eq3A_325 : vector<256x2048xi32>
    %convert_element_type3A_327 = arith.extui %eq3A_326 : vector<256x2048xi1> to vector<256x2048xi32>
    %convert_element_type3A_328 = arith.sitofp %convert_element_type3A_327 : vector<256x2048xi32> to vector<256x2048xf32>
    %dot_general3A_329 = arith.constant dense<0.000000e+00> : vector<256x64xf32>
    %dot_general3A_330 = tpu.matmul %convert_element_type3A_328, %get3A_3, %dot_general3A_329 {dimension_numbers = #tpu.dot_dimension_numbers<[1], [0], [0], [1], [0, 0, 1, 1], [], []>, precision = #tpu.contract_precision<fp32>, transpose_lhs_hint = false} : vector<256x2048xf32>, vector<2048x64xf32>, vector<256x64xf32> -> vector<256x64xf32>
    %sub3A_331 = arith.subf %dot_general3A_330, %get3A_8 : vector<256x64xf32>
    %concatenate3A_332 = tpu.concatenate %get3A_8, %sub3A_331 in 1 : vector<256x64xf32>, vector<256x64xf32> -> vector<256x128xf32>
    %dot_general3A_333 = arith.constant dense<0.000000e+00> : vector<256x64xf32>
    %dot_general3A_334 = tpu.matmul %concatenate3A_332, %get3A_11, %dot_general3A_333 {dimension_numbers = #tpu.dot_dimension_numbers<[1], [0], [0], [1], [0, 0, 1, 1], [], []>, transpose_lhs_hint = false} : vector<256x128xf32>, vector<128x64xf32>, vector<256x64xf32> -> vector<256x64xf32>
    %add3A_335 = vector.broadcast %get3A_14 : vector<1x64xf32> to vector<256x64xf32>
    %add3A_336 = arith.addf %dot_general3A_334, %add3A_335 : vector<256x64xf32>
    %swap3A_337 = arith.constant 0 : index
    %swap3A_338 = arith.constant 0 : index
    %swap3A_339 = arith.constant 832 : index
    %swap3A_340 = vector.load %arg7[%swap3A_337, %swap3A_338, %swap3A_339] : memref<1x256x1280xf32, #tpu.memory_space<vmem>>, vector<1x256x64xf32>
    %swap3A_341 = vector.shape_cast %swap3A_340 : vector<1x256x64xf32> to vector<256x64xf32>
    %swap3A_342 = vector.shape_cast %add3A_336 : vector<256x64xf32> to vector<1x256x64xf32>
    tpu.vector_store %arg7[%swap3A_337, %swap3A_338, %swap3A_339], %swap3A_342 {strides = array<i32>} : memref<1x256x1280xf32, #tpu.memory_space<vmem>>, vector<1x256x64xf32>,
    %get3A_343 = arith.constant 0 : index
    %get3A_344 = arith.constant 0 : index
    %get3A_345 = arith.constant 0 : index
    %get3A_346 = vector.load %arg4[%get3A_343, %get3A_344, %get3A_345] : memref<1x256x20xi32, #tpu.memory_space<vmem>>, vector<1x256x20xi32>
    %get3A_347 = vector.shape_cast %get3A_346 : vector<1x256x20xi32> to vector<256x20xi32>
    %slice3A_348 = vector.extract_strided_slice %get3A_347 {offsets = [0, 14], sizes = [256, 1], strides = [1, 1]} : vector<256x20xi32> to vector<256x1xi32>
    %eq3A_349 = vector.broadcast %slice3A_348 : vector<256x1xi32> to vector<256x2048xi32>
    %eq3A_350 = arith.cmpi eq, %iota3A, %eq3A_349 : vector<256x2048xi32>
    %convert_element_type3A_351 = arith.extui %eq3A_350 : vector<256x2048xi1> to vector<256x2048xi32>
    %convert_element_type3A_352 = arith.sitofp %convert_element_type3A_351 : vector<256x2048xi32> to vector<256x2048xf32>
    %dot_general3A_353 = arith.constant dense<0.000000e+00> : vector<256x64xf32>
    %dot_general3A_354 = tpu.matmul %convert_element_type3A_352, %get3A_3, %dot_general3A_353 {dimension_numbers = #tpu.dot_dimension_numbers<[1], [0], [0], [1], [0, 0, 1, 1], [], []>, precision = #tpu.contract_precision<fp32>, transpose_lhs_hint = false} : vector<256x2048xf32>, vector<2048x64xf32>, vector<256x64xf32> -> vector<256x64xf32>
    %sub3A_355 = arith.subf %dot_general3A_354, %get3A_8 : vector<256x64xf32>
    %concatenate3A_356 = tpu.concatenate %get3A_8, %sub3A_355 in 1 : vector<256x64xf32>, vector<256x64xf32> -> vector<256x128xf32>
    %dot_general3A_357 = arith.constant dense<0.000000e+00> : vector<256x64xf32>
    %dot_general3A_358 = tpu.matmul %concatenate3A_356, %get3A_11, %dot_general3A_357 {dimension_numbers = #tpu.dot_dimension_numbers<[1], [0], [0], [1], [0, 0, 1, 1], [], []>, transpose_lhs_hint = false} : vector<256x128xf32>, vector<128x64xf32>, vector<256x64xf32> -> vector<256x64xf32>
    %add3A_359 = vector.broadcast %get3A_14 : vector<1x64xf32> to vector<256x64xf32>
    %add3A_360 = arith.addf %dot_general3A_358, %add3A_359 : vector<256x64xf32>
    %swap3A_361 = arith.constant 0 : index
    %swap3A_362 = arith.constant 0 : index
    %swap3A_363 = arith.constant 896 : index
    %swap3A_364 = vector.load %arg7[%swap3A_361, %swap3A_362, %swap3A_363] : memref<1x256x1280xf32, #tpu.memory_space<vmem>>, vector<1x256x64xf32>
    %swap3A_365 = vector.shape_cast %swap3A_364 : vector<1x256x64xf32> to vector<256x64xf32>
    %swap3A_366 = vector.shape_cast %add3A_360 : vector<256x64xf32> to vector<1x256x64xf32>
    tpu.vector_store %arg7[%swap3A_361, %swap3A_362, %swap3A_363], %swap3A_366 {strides = array<i32>} : memref<1x256x1280xf32, #tpu.memory_space<vmem>>, vector<1x256x64xf32>,
    %get3A_367 = arith.constant 0 : index
    %get3A_368 = arith.constant 0 : index
    %get3A_369 = arith.constant 0 : index
    %get3A_370 = vector.load %arg4[%get3A_367, %get3A_368, %get3A_369] : memref<1x256x20xi32, #tpu.memory_space<vmem>>, vector<1x256x20xi32>
    %get3A_371 = vector.shape_cast %get3A_370 : vector<1x256x20xi32> to vector<256x20xi32>
    %slice3A_372 = vector.extract_strided_slice %get3A_371 {offsets = [0, 15], sizes = [256, 1], strides = [1, 1]} : vector<256x20xi32> to vector<256x1xi32>
    %eq3A_373 = vector.broadcast %slice3A_372 : vector<256x1xi32> to vector<256x2048xi32>
    %eq3A_374 = arith.cmpi eq, %iota3A, %eq3A_373 : vector<256x2048xi32>
    %convert_element_type3A_375 = arith.extui %eq3A_374 : vector<256x2048xi1> to vector<256x2048xi32>
    %convert_element_type3A_376 = arith.sitofp %convert_element_type3A_375 : vector<256x2048xi32> to vector<256x2048xf32>
    %dot_general3A_377 = arith.constant dense<0.000000e+00> : vector<256x64xf32>
    %dot_general3A_378 = tpu.matmul %convert_element_type3A_376, %get3A_3, %dot_general3A_377 {dimension_numbers = #tpu.dot_dimension_numbers<[1], [0], [0], [1], [0, 0, 1, 1], [], []>, precision = #tpu.contract_precision<fp32>, transpose_lhs_hint = false} : vector<256x2048xf32>, vector<2048x64xf32>, vector<256x64xf32> -> vector<256x64xf32>
    %sub3A_379 = arith.subf %dot_general3A_378, %get3A_8 : vector<256x64xf32>
    %concatenate3A_380 = tpu.concatenate %get3A_8, %sub3A_379 in 1 : vector<256x64xf32>, vector<256x64xf32> -> vector<256x128xf32>
    %dot_general3A_381 = arith.constant dense<0.000000e+00> : vector<256x64xf32>
    %dot_general3A_382 = tpu.matmul %concatenate3A_380, %get3A_11, %dot_general3A_381 {dimension_numbers = #tpu.dot_dimension_numbers<[1], [0], [0], [1], [0, 0, 1, 1], [], []>, transpose_lhs_hint = false} : vector<256x128xf32>, vector<128x64xf32>, vector<256x64xf32> -> vector<256x64xf32>
    %add3A_383 = vector.broadcast %get3A_14 : vector<1x64xf32> to vector<256x64xf32>
    %add3A_384 = arith.addf %dot_general3A_382, %add3A_383 : vector<256x64xf32>
    %swap3A_385 = arith.constant 0 : index
    %swap3A_386 = arith.constant 0 : index
    %swap3A_387 = arith.constant 960 : index
    %swap3A_388 = vector.load %arg7[%swap3A_385, %swap3A_386, %swap3A_387] : memref<1x256x1280xf32, #tpu.memory_space<vmem>>, vector<1x256x64xf32>
    %swap3A_389 = vector.shape_cast %swap3A_388 : vector<1x256x64xf32> to vector<256x64xf32>
    %swap3A_390 = vector.shape_cast %add3A_384 : vector<256x64xf32> to vector<1x256x64xf32>
    tpu.vector_store %arg7[%swap3A_385, %swap3A_386, %swap3A_387], %swap3A_390 {strides = array<i32>} : memref<1x256x1280xf32, #tpu.memory_space<vmem>>, vector<1x256x64xf32>,
    %get3A_391 = arith.constant 0 : index
    %get3A_392 = arith.constant 0 : index
    %get3A_393 = arith.constant 0 : index
    %get3A_394 = vector.load %arg4[%get3A_391, %get3A_392, %get3A_393] : memref<1x256x20xi32, #tpu.memory_space<vmem>>, vector<1x256x20xi32>
    %get3A_395 = vector.shape_cast %get3A_394 : vector<1x256x20xi32> to vector<256x20xi32>
    %slice3A_396 = vector.extract_strided_slice %get3A_395 {offsets = [0, 16], sizes = [256, 1], strides = [1, 1]} : vector<256x20xi32> to vector<256x1xi32>
    %eq3A_397 = vector.broadcast %slice3A_396 : vector<256x1xi32> to vector<256x2048xi32>
    %eq3A_398 = arith.cmpi eq, %iota3A, %eq3A_397 : vector<256x2048xi32>
    %convert_element_type3A_399 = arith.extui %eq3A_398 : vector<256x2048xi1> to vector<256x2048xi32>
    %convert_element_type3A_400 = arith.sitofp %convert_element_type3A_399 : vector<256x2048xi32> to vector<256x2048xf32>
    %dot_general3A_401 = arith.constant dense<0.000000e+00> : vector<256x64xf32>
    %dot_general3A_402 = tpu.matmul %convert_element_type3A_400, %get3A_3, %dot_general3A_401 {dimension_numbers = #tpu.dot_dimension_numbers<[1], [0], [0], [1], [0, 0, 1, 1], [], []>, precision = #tpu.contract_precision<fp32>, transpose_lhs_hint = false} : vector<256x2048xf32>, vector<2048x64xf32>, vector<256x64xf32> -> vector<256x64xf32>
    %sub3A_403 = arith.subf %dot_general3A_402, %get3A_8 : vector<256x64xf32>
    %concatenate3A_404 = tpu.concatenate %get3A_8, %sub3A_403 in 1 : vector<256x64xf32>, vector<256x64xf32> -> vector<256x128xf32>
    %dot_general3A_405 = arith.constant dense<0.000000e+00> : vector<256x64xf32>
    %dot_general3A_406 = tpu.matmul %concatenate3A_404, %get3A_11, %dot_general3A_405 {dimension_numbers = #tpu.dot_dimension_numbers<[1], [0], [0], [1], [0, 0, 1, 1], [], []>, transpose_lhs_hint = false} : vector<256x128xf32>, vector<128x64xf32>, vector<256x64xf32> -> vector<256x64xf32>
    %add3A_407 = vector.broadcast %get3A_14 : vector<1x64xf32> to vector<256x64xf32>
    %add3A_408 = arith.addf %dot_general3A_406, %add3A_407 : vector<256x64xf32>
    %swap3A_409 = arith.constant 0 : index
    %swap3A_410 = arith.constant 0 : index
    %swap3A_411 = arith.constant 1024 : index
    %swap3A_412 = vector.load %arg7[%swap3A_409, %swap3A_410, %swap3A_411] : memref<1x256x1280xf32, #tpu.memory_space<vmem>>, vector<1x256x64xf32>
    %swap3A_413 = vector.shape_cast %swap3A_412 : vector<1x256x64xf32> to vector<256x64xf32>
    %swap3A_414 = vector.shape_cast %add3A_408 : vector<256x64xf32> to vector<1x256x64xf32>
    tpu.vector_store %arg7[%swap3A_409, %swap3A_410, %swap3A_411], %swap3A_414 {strides = array<i32>} : memref<1x256x1280xf32, #tpu.memory_space<vmem>>, vector<1x256x64xf32>,
    %get3A_415 = arith.constant 0 : index
    %get3A_416 = arith.constant 0 : index
    %get3A_417 = arith.constant 0 : index
    %get3A_418 = vector.load %arg4[%get3A_415, %get3A_416, %get3A_417] : memref<1x256x20xi32, #tpu.memory_space<vmem>>, vector<1x256x20xi32>
    %get3A_419 = vector.shape_cast %get3A_418 : vector<1x256x20xi32> to vector<256x20xi32>
    %slice3A_420 = vector.extract_strided_slice %get3A_419 {offsets = [0, 17], sizes = [256, 1], strides = [1, 1]} : vector<256x20xi32> to vector<256x1xi32>
    %eq3A_421 = vector.broadcast %slice3A_420 : vector<256x1xi32> to vector<256x2048xi32>
    %eq3A_422 = arith.cmpi eq, %iota3A, %eq3A_421 : vector<256x2048xi32>
    %convert_element_type3A_423 = arith.extui %eq3A_422 : vector<256x2048xi1> to vector<256x2048xi32>
    %convert_element_type3A_424 = arith.sitofp %convert_element_type3A_423 : vector<256x2048xi32> to vector<256x2048xf32>
    %dot_general3A_425 = arith.constant dense<0.000000e+00> : vector<256x64xf32>
    %dot_general3A_426 = tpu.matmul %convert_element_type3A_424, %get3A_3, %dot_general3A_425 {dimension_numbers = #tpu.dot_dimension_numbers<[1], [0], [0], [1], [0, 0, 1, 1], [], []>, precision = #tpu.contract_precision<fp32>, transpose_lhs_hint = false} : vector<256x2048xf32>, vector<2048x64xf32>, vector<256x64xf32> -> vector<256x64xf32>
    %sub3A_427 = arith.subf %dot_general3A_426, %get3A_8 : vector<256x64xf32>
    %concatenate3A_428 = tpu.concatenate %get3A_8, %sub3A_427 in 1 : vector<256x64xf32>, vector<256x64xf32> -> vector<256x128xf32>
    %dot_general3A_429 = arith.constant dense<0.000000e+00> : vector<256x64xf32>
    %dot_general3A_430 = tpu.matmul %concatenate3A_428, %get3A_11, %dot_general3A_429 {dimension_numbers = #tpu.dot_dimension_numbers<[1], [0], [0], [1], [0, 0, 1, 1], [], []>, transpose_lhs_hint = false} : vector<256x128xf32>, vector<128x64xf32>, vector<256x64xf32> -> vector<256x64xf32>
    %add3A_431 = vector.broadcast %get3A_14 : vector<1x64xf32> to vector<256x64xf32>
    %add3A_432 = arith.addf %dot_general3A_430, %add3A_431 : vector<256x64xf32>
    %swap3A_433 = arith.constant 0 : index
    %swap3A_434 = arith.constant 0 : index
    %swap3A_435 = arith.constant 1088 : index
    %swap3A_436 = vector.load %arg7[%swap3A_433, %swap3A_434, %swap3A_435] : memref<1x256x1280xf32, #tpu.memory_space<vmem>>, vector<1x256x64xf32>
    %swap3A_437 = vector.shape_cast %swap3A_436 : vector<1x256x64xf32> to vector<256x64xf32>
    %swap3A_438 = vector.shape_cast %add3A_432 : vector<256x64xf32> to vector<1x256x64xf32>
    tpu.vector_store %arg7[%swap3A_433, %swap3A_434, %swap3A_435], %swap3A_438 {strides = array<i32>} : memref<1x256x1280xf32, #tpu.memory_space<vmem>>, vector<1x256x64xf32>,
    %get3A_439 = arith.constant 0 : index
    %get3A_440 = arith.constant 0 : index
    %get3A_441 = arith.constant 0 : index
    %get3A_442 = vector.load %arg4[%get3A_439, %get3A_440, %get3A_441] : memref<1x256x20xi32, #tpu.memory_space<vmem>>, vector<1x256x20xi32>
    %get3A_443 = vector.shape_cast %get3A_442 : vector<1x256x20xi32> to vector<256x20xi32>
    %slice3A_444 = vector.extract_strided_slice %get3A_443 {offsets = [0, 18], sizes = [256, 1], strides = [1, 1]} : vector<256x20xi32> to vector<256x1xi32>
    %eq3A_445 = vector.broadcast %slice3A_444 : vector<256x1xi32> to vector<256x2048xi32>
    %eq3A_446 = arith.cmpi eq, %iota3A, %eq3A_445 : vector<256x2048xi32>
    %convert_element_type3A_447 = arith.extui %eq3A_446 : vector<256x2048xi1> to vector<256x2048xi32>
    %convert_element_type3A_448 = arith.sitofp %convert_element_type3A_447 : vector<256x2048xi32> to vector<256x2048xf32>
    %dot_general3A_449 = arith.constant dense<0.000000e+00> : vector<256x64xf32>
    %dot_general3A_450 = tpu.matmul %convert_element_type3A_448, %get3A_3, %dot_general3A_449 {dimension_numbers = #tpu.dot_dimension_numbers<[1], [0], [0], [1], [0, 0, 1, 1], [], []>, precision = #tpu.contract_precision<fp32>, transpose_lhs_hint = false} : vector<256x2048xf32>, vector<2048x64xf32>, vector<256x64xf32> -> vector<256x64xf32>
    %sub3A_451 = arith.subf %dot_general3A_450, %get3A_8 : vector<256x64xf32>
    %concatenate3A_452 = tpu.concatenate %get3A_8, %sub3A_451 in 1 : vector<256x64xf32>, vector<256x64xf32> -> vector<256x128xf32>
    %dot_general3A_453 = arith.constant dense<0.000000e+00> : vector<256x64xf32>
    %dot_general3A_454 = tpu.matmul %concatenate3A_452, %get3A_11, %dot_general3A_453 {dimension_numbers = #tpu.dot_dimension_numbers<[1], [0], [0], [1], [0, 0, 1, 1], [], []>, transpose_lhs_hint = false} : vector<256x128xf32>, vector<128x64xf32>, vector<256x64xf32> -> vector<256x64xf32>
    %add3A_455 = vector.broadcast %get3A_14 : vector<1x64xf32> to vector<256x64xf32>
    %add3A_456 = arith.addf %dot_general3A_454, %add3A_455 : vector<256x64xf32>
    %swap3A_457 = arith.constant 0 : index
    %swap3A_458 = arith.constant 0 : index
    %swap3A_459 = arith.constant 1152 : index
    %swap3A_460 = vector.load %arg7[%swap3A_457, %swap3A_458, %swap3A_459] : memref<1x256x1280xf32, #tpu.memory_space<vmem>>, vector<1x256x64xf32>
    %swap3A_461 = vector.shape_cast %swap3A_460 : vector<1x256x64xf32> to vector<256x64xf32>
    %swap3A_462 = vector.shape_cast %add3A_456 : vector<256x64xf32> to vector<1x256x64xf32>
    tpu.vector_store %arg7[%swap3A_457, %swap3A_458, %swap3A_459], %swap3A_462 {strides = array<i32>} : memref<1x256x1280xf32, #tpu.memory_space<vmem>>, vector<1x256x64xf32>,
    %get3A_463 = arith.constant 0 : index
    %get3A_464 = arith.constant 0 : index
    %get3A_465 = arith.constant 0 : index
    %get3A_466 = vector.load %arg4[%get3A_463, %get3A_464, %get3A_465] : memref<1x256x20xi32, #tpu.memory_space<vmem>>, vector<1x256x20xi32>
    %get3A_467 = vector.shape_cast %get3A_466 : vector<1x256x20xi32> to vector<256x20xi32>
    %slice3A_468 = vector.extract_strided_slice %get3A_467 {offsets = [0, 19], sizes = [256, 1], strides = [1, 1]} : vector<256x20xi32> to vector<256x1xi32>
    %eq3A_469 = vector.broadcast %slice3A_468 : vector<256x1xi32> to vector<256x2048xi32>
    %eq3A_470 = arith.cmpi eq, %iota3A, %eq3A_469 : vector<256x2048xi32>
    %convert_element_type3A_471 = arith.extui %eq3A_470 : vector<256x2048xi1> to vector<256x2048xi32>
    %convert_element_type3A_472 = arith.sitofp %convert_element_type3A_471 : vector<256x2048xi32> to vector<256x2048xf32>
    %dot_general3A_473 = arith.constant dense<0.000000e+00> : vector<256x64xf32>
    %dot_general3A_474 = tpu.matmul %convert_element_type3A_472, %get3A_3, %dot_general3A_473 {dimension_numbers = #tpu.dot_dimension_numbers<[1], [0], [0], [1], [0, 0, 1, 1], [], []>, precision = #tpu.contract_precision<fp32>, transpose_lhs_hint = false} : vector<256x2048xf32>, vector<2048x64xf32>, vector<256x64xf32> -> vector<256x64xf32>
    %sub3A_475 = arith.subf %dot_general3A_474, %get3A_8 : vector<256x64xf32>
    %concatenate3A_476 = tpu.concatenate %get3A_8, %sub3A_475 in 1 : vector<256x64xf32>, vector<256x64xf32> -> vector<256x128xf32>
    %dot_general3A_477 = arith.constant dense<0.000000e+00> : vector<256x64xf32>
    %dot_general3A_478 = tpu.matmul %concatenate3A_476, %get3A_11, %dot_general3A_477 {dimension_numbers = #tpu.dot_dimension_numbers<[1], [0], [0], [1], [0, 0, 1, 1], [], []>, transpose_lhs_hint = false} : vector<256x128xf32>, vector<128x64xf32>, vector<256x64xf32> -> vector<256x64xf32>
    %add3A_479 = vector.broadcast %get3A_14 : vector<1x64xf32> to vector<256x64xf32>
    %add3A_480 = arith.addf %dot_general3A_478, %add3A_479 : vector<256x64xf32>
    %swap3A_481 = arith.constant 0 : index
    %swap3A_482 = arith.constant 0 : index
    %swap3A_483 = arith.constant 1216 : index
    %swap3A_484 = vector.load %arg7[%swap3A_481, %swap3A_482, %swap3A_483] : memref<1x256x1280xf32, #tpu.memory_space<vmem>>, vector<1x256x64xf32>
    %swap3A_485 = vector.shape_cast %swap3A_484 : vector<1x256x64xf32> to vector<256x64xf32>
    %swap3A_486 = vector.shape_cast %add3A_480 : vector<256x64xf32> to vector<1x256x64xf32>
    tpu.vector_store %arg7[%swap3A_481, %swap3A_482, %swap3A_483], %swap3A_486 {strides = array<i32>} : memref<1x256x1280xf32, #tpu.memory_space<vmem>>, vector<1x256x64xf32>,
    return
  }
  func.func @transform_0(%arg0: i32, %arg1: i32) -> (i32, i32, i32) {
    %c0_i32 = arith.constant 0 : i32
    %c0_i32_0 = arith.constant 0 : i32
    %c0_i32_1 = arith.constant 0 : i32
    return %arg0, %c0_i32, %c0_i32_0 : i32, i32, i32
  }
  func.func @transform_1(%arg0: i32, %arg1: i32) -> (i32, i32, i32) {
    %c0_i32 = arith.constant 0 : i32
    %c0_i32_0 = arith.constant 0 : i32
    return %arg0, %arg1, %c0_i32 : i32, i32, i32
  }
  func.func @transform_2(%arg0: i32, %arg1: i32) -> (i32, i32, i32) {
    %c0_i32 = arith.constant 0 : i32
    %c0_i32_0 = arith.constant 0 : i32
    return %arg0, %arg1, %c0_i32 : i32, i32, i32
  }
  func.func @transform_3(%arg0: i32, %arg1: i32) -> (i32, i32) {
    %c0_i32 = arith.constant 0 : i32
    %c0_i32_0 = arith.constant 0 : i32
    %c0_i32_1 = arith.constant 0 : i32
    return %c0_i32, %c0_i32_0 : i32, i32
  }
  func.func @transform_4(%arg0: i32, %arg1: i32) -> (i32, i32) {
    %c0_i32 = arith.constant 0 : i32
    %c0_i32_0 = arith.constant 0 : i32
    %c0_i32_1 = arith.constant 0 : i32
    return %c0_i32, %c0_i32_0 : i32, i32
  }
  func.func @transform_5(%arg0: i32, %arg1: i32) -> (i32, i32, i32) {
    %c0_i32 = arith.constant 0 : i32
    %c0_i32_0 = arith.constant 0 : i32
    return %arg0, %arg1, %c0_i32 : i32, i32, i32
  }
}

module attributes {stable_mosaic.version = 14 : i64} {
  func.func @_h1_body(%arg0: i32, %arg1: i32, %arg2: memref<1x2048x64xf32, #tpu.memory_space<vmem>>, %arg3: memref<1x256x64xf32, #tpu.memory_space<vmem>>, %arg4: memref<1x256x20xi32, #tpu.memory_space<vmem>>, %arg5: memref<128x128xf32, #tpu.memory_space<vmem>>, %arg6: memref<1x128xf32, #tpu.memory_space<vmem>>, %arg7: memref<1x256x2560xf32, #tpu.memory_space<vmem>>) attributes {dimension_semantics = [#tpu.dimension_semantics<arbitrary>, #tpu.dimension_semantics<arbitrary>], iteration_bounds = array<i64: 8, 8>, scalar_prefetch = 0 : i64, scratch_operands = 0 : i64, tpu.core_type = #tpu.core_type<tc>, window_params = [{transform_indices = @transform_0, window_bounds = array<i64: 1, 2048, 64>}, {transform_indices = @transform_1, window_bounds = array<i64: 1, 256, 64>}, {transform_indices = @transform_2, window_bounds = array<i64: 1, 256, 20>}, {pipeline_mode = #tpu.pipeline_mode<synchronous>, transform_indices = @transform_3, window_bounds = array<i64: 128, 128>}, {pipeline_mode = #tpu.pipeline_mode<synchronous>, transform_indices = @transform_4, window_bounds = array<i64: 1, 128>}, {transform_indices = @transform_5, window_bounds = array<i64: 1, 256, 2560>}]} {
    %get3A = arith.constant 0 : index
    %get3A_0 = arith.constant 0 : index
    %get3A_1 = arith.constant 0 : index
    %get3A_2 = vector.load %arg2[%get3A, %get3A_0, %get3A_1] : memref<1x2048x64xf32, #tpu.memory_space<vmem>>, vector<1x2048x64xf32>
    %get3A_3 = vector.shape_cast %get3A_2 : vector<1x2048x64xf32> to vector<2048x64xf32>
    %get3A_4 = arith.constant 0 : index
    %get3A_5 = arith.constant 0 : index
    %get3A_6 = arith.constant 0 : index
    %get3A_7 = vector.load %arg3[%get3A_4, %get3A_5, %get3A_6] : memref<1x256x64xf32, #tpu.memory_space<vmem>>, vector<1x256x64xf32>
    %get3A_8 = vector.shape_cast %get3A_7 : vector<1x256x64xf32> to vector<256x64xf32>
    %get3A_9 = arith.constant 0 : index
    %get3A_10 = arith.constant 0 : index
    %get3A_11 = vector.load %arg5[%get3A_9, %get3A_10] : memref<128x128xf32, #tpu.memory_space<vmem>>, vector<128x128xf32>
    %get3A_12 = arith.constant 0 : index
    %get3A_13 = arith.constant 0 : index
    %get3A_14 = vector.load %arg6[%get3A_12, %get3A_13] : memref<1x128xf32, #tpu.memory_space<vmem>>, vector<1x128xf32>
    %iota3A = tpu.iota {dimensions = array<i32: 1>} : vector<256x2048xi32>
    %get3A_15 = arith.constant 0 : index
    %get3A_16 = arith.constant 0 : index
    %get3A_17 = arith.constant 0 : index
    %get3A_18 = vector.load %arg4[%get3A_15, %get3A_16, %get3A_17] : memref<1x256x20xi32, #tpu.memory_space<vmem>>, vector<1x256x20xi32>
    %get3A_19 = vector.shape_cast %get3A_18 : vector<1x256x20xi32> to vector<256x20xi32>
    %slice3A = vector.extract_strided_slice %get3A_19 {offsets = [0, 0], sizes = [256, 1], strides = [1, 1]} : vector<256x20xi32> to vector<256x1xi32>
    %eq3A = vector.broadcast %slice3A : vector<256x1xi32> to vector<256x2048xi32>
    %eq3A_20 = arith.cmpi eq, %iota3A, %eq3A : vector<256x2048xi32>
    %convert_element_type3A = arith.extui %eq3A_20 : vector<256x2048xi1> to vector<256x2048xi32>
    %convert_element_type3A_21 = arith.sitofp %convert_element_type3A : vector<256x2048xi32> to vector<256x2048xf32>
    %dot_general3A = arith.constant dense<0.000000e+00> : vector<256x64xf32>
    %dot_general3A_22 = tpu.matmul %convert_element_type3A_21, %get3A_3, %dot_general3A {dimension_numbers = #tpu.dot_dimension_numbers<[1], [0], [0], [1], [0, 0, 1, 1], [], []>, precision = #tpu.contract_precision<fp32>, transpose_lhs_hint = false} : vector<256x2048xf32>, vector<2048x64xf32>, vector<256x64xf32> -> vector<256x64xf32>
    %sub3A = arith.subf %dot_general3A_22, %get3A_8 : vector<256x64xf32>
    %concatenate3A = tpu.concatenate %get3A_8, %sub3A in 1 : vector<256x64xf32>, vector<256x64xf32> -> vector<256x128xf32>
    %dot_general3A_23 = arith.constant dense<0.000000e+00> : vector<256x128xf32>
    %dot_general3A_24 = tpu.matmul %concatenate3A, %get3A_11, %dot_general3A_23 {dimension_numbers = #tpu.dot_dimension_numbers<[1], [0], [0], [1], [0, 0, 1, 1], [], []>, transpose_lhs_hint = false} : vector<256x128xf32>, vector<128x128xf32>, vector<256x128xf32> -> vector<256x128xf32>
    %add3A = vector.broadcast %get3A_14 : vector<1x128xf32> to vector<256x128xf32>
    %add3A_25 = arith.addf %dot_general3A_24, %add3A : vector<256x128xf32>
    %swap3A = arith.constant 0 : index
    %swap3A_26 = arith.constant 0 : index
    %swap3A_27 = arith.constant 0 : index
    %swap3A_28 = vector.load %arg7[%swap3A, %swap3A_26, %swap3A_27] : memref<1x256x2560xf32, #tpu.memory_space<vmem>>, vector<1x256x128xf32>
    %swap3A_29 = vector.shape_cast %swap3A_28 : vector<1x256x128xf32> to vector<256x128xf32>
    %swap3A_30 = vector.shape_cast %add3A_25 : vector<256x128xf32> to vector<1x256x128xf32>
    tpu.vector_store %arg7[%swap3A, %swap3A_26, %swap3A_27], %swap3A_30 {strides = array<i32>} : memref<1x256x2560xf32, #tpu.memory_space<vmem>>, vector<1x256x128xf32>,
    %get3A_31 = arith.constant 0 : index
    %get3A_32 = arith.constant 0 : index
    %get3A_33 = arith.constant 0 : index
    %get3A_34 = vector.load %arg4[%get3A_31, %get3A_32, %get3A_33] : memref<1x256x20xi32, #tpu.memory_space<vmem>>, vector<1x256x20xi32>
    %get3A_35 = vector.shape_cast %get3A_34 : vector<1x256x20xi32> to vector<256x20xi32>
    %slice3A_36 = vector.extract_strided_slice %get3A_35 {offsets = [0, 1], sizes = [256, 1], strides = [1, 1]} : vector<256x20xi32> to vector<256x1xi32>
    %eq3A_37 = vector.broadcast %slice3A_36 : vector<256x1xi32> to vector<256x2048xi32>
    %eq3A_38 = arith.cmpi eq, %iota3A, %eq3A_37 : vector<256x2048xi32>
    %convert_element_type3A_39 = arith.extui %eq3A_38 : vector<256x2048xi1> to vector<256x2048xi32>
    %convert_element_type3A_40 = arith.sitofp %convert_element_type3A_39 : vector<256x2048xi32> to vector<256x2048xf32>
    %dot_general3A_41 = arith.constant dense<0.000000e+00> : vector<256x64xf32>
    %dot_general3A_42 = tpu.matmul %convert_element_type3A_40, %get3A_3, %dot_general3A_41 {dimension_numbers = #tpu.dot_dimension_numbers<[1], [0], [0], [1], [0, 0, 1, 1], [], []>, precision = #tpu.contract_precision<fp32>, transpose_lhs_hint = false} : vector<256x2048xf32>, vector<2048x64xf32>, vector<256x64xf32> -> vector<256x64xf32>
    %sub3A_43 = arith.subf %dot_general3A_42, %get3A_8 : vector<256x64xf32>
    %concatenate3A_44 = tpu.concatenate %get3A_8, %sub3A_43 in 1 : vector<256x64xf32>, vector<256x64xf32> -> vector<256x128xf32>
    %dot_general3A_45 = arith.constant dense<0.000000e+00> : vector<256x128xf32>
    %dot_general3A_46 = tpu.matmul %concatenate3A_44, %get3A_11, %dot_general3A_45 {dimension_numbers = #tpu.dot_dimension_numbers<[1], [0], [0], [1], [0, 0, 1, 1], [], []>, transpose_lhs_hint = false} : vector<256x128xf32>, vector<128x128xf32>, vector<256x128xf32> -> vector<256x128xf32>
    %add3A_47 = vector.broadcast %get3A_14 : vector<1x128xf32> to vector<256x128xf32>
    %add3A_48 = arith.addf %dot_general3A_46, %add3A_47 : vector<256x128xf32>
    %swap3A_49 = arith.constant 0 : index
    %swap3A_50 = arith.constant 0 : index
    %swap3A_51 = arith.constant 128 : index
    %swap3A_52 = vector.load %arg7[%swap3A_49, %swap3A_50, %swap3A_51] : memref<1x256x2560xf32, #tpu.memory_space<vmem>>, vector<1x256x128xf32>
    %swap3A_53 = vector.shape_cast %swap3A_52 : vector<1x256x128xf32> to vector<256x128xf32>
    %swap3A_54 = vector.shape_cast %add3A_48 : vector<256x128xf32> to vector<1x256x128xf32>
    tpu.vector_store %arg7[%swap3A_49, %swap3A_50, %swap3A_51], %swap3A_54 {strides = array<i32>} : memref<1x256x2560xf32, #tpu.memory_space<vmem>>, vector<1x256x128xf32>,
    %get3A_55 = arith.constant 0 : index
    %get3A_56 = arith.constant 0 : index
    %get3A_57 = arith.constant 0 : index
    %get3A_58 = vector.load %arg4[%get3A_55, %get3A_56, %get3A_57] : memref<1x256x20xi32, #tpu.memory_space<vmem>>, vector<1x256x20xi32>
    %get3A_59 = vector.shape_cast %get3A_58 : vector<1x256x20xi32> to vector<256x20xi32>
    %slice3A_60 = vector.extract_strided_slice %get3A_59 {offsets = [0, 2], sizes = [256, 1], strides = [1, 1]} : vector<256x20xi32> to vector<256x1xi32>
    %eq3A_61 = vector.broadcast %slice3A_60 : vector<256x1xi32> to vector<256x2048xi32>
    %eq3A_62 = arith.cmpi eq, %iota3A, %eq3A_61 : vector<256x2048xi32>
    %convert_element_type3A_63 = arith.extui %eq3A_62 : vector<256x2048xi1> to vector<256x2048xi32>
    %convert_element_type3A_64 = arith.sitofp %convert_element_type3A_63 : vector<256x2048xi32> to vector<256x2048xf32>
    %dot_general3A_65 = arith.constant dense<0.000000e+00> : vector<256x64xf32>
    %dot_general3A_66 = tpu.matmul %convert_element_type3A_64, %get3A_3, %dot_general3A_65 {dimension_numbers = #tpu.dot_dimension_numbers<[1], [0], [0], [1], [0, 0, 1, 1], [], []>, precision = #tpu.contract_precision<fp32>, transpose_lhs_hint = false} : vector<256x2048xf32>, vector<2048x64xf32>, vector<256x64xf32> -> vector<256x64xf32>
    %sub3A_67 = arith.subf %dot_general3A_66, %get3A_8 : vector<256x64xf32>
    %concatenate3A_68 = tpu.concatenate %get3A_8, %sub3A_67 in 1 : vector<256x64xf32>, vector<256x64xf32> -> vector<256x128xf32>
    %dot_general3A_69 = arith.constant dense<0.000000e+00> : vector<256x128xf32>
    %dot_general3A_70 = tpu.matmul %concatenate3A_68, %get3A_11, %dot_general3A_69 {dimension_numbers = #tpu.dot_dimension_numbers<[1], [0], [0], [1], [0, 0, 1, 1], [], []>, transpose_lhs_hint = false} : vector<256x128xf32>, vector<128x128xf32>, vector<256x128xf32> -> vector<256x128xf32>
    %add3A_71 = vector.broadcast %get3A_14 : vector<1x128xf32> to vector<256x128xf32>
    %add3A_72 = arith.addf %dot_general3A_70, %add3A_71 : vector<256x128xf32>
    %swap3A_73 = arith.constant 0 : index
    %swap3A_74 = arith.constant 0 : index
    %swap3A_75 = arith.constant 256 : index
    %swap3A_76 = vector.load %arg7[%swap3A_73, %swap3A_74, %swap3A_75] : memref<1x256x2560xf32, #tpu.memory_space<vmem>>, vector<1x256x128xf32>
    %swap3A_77 = vector.shape_cast %swap3A_76 : vector<1x256x128xf32> to vector<256x128xf32>
    %swap3A_78 = vector.shape_cast %add3A_72 : vector<256x128xf32> to vector<1x256x128xf32>
    tpu.vector_store %arg7[%swap3A_73, %swap3A_74, %swap3A_75], %swap3A_78 {strides = array<i32>} : memref<1x256x2560xf32, #tpu.memory_space<vmem>>, vector<1x256x128xf32>,
    %get3A_79 = arith.constant 0 : index
    %get3A_80 = arith.constant 0 : index
    %get3A_81 = arith.constant 0 : index
    %get3A_82 = vector.load %arg4[%get3A_79, %get3A_80, %get3A_81] : memref<1x256x20xi32, #tpu.memory_space<vmem>>, vector<1x256x20xi32>
    %get3A_83 = vector.shape_cast %get3A_82 : vector<1x256x20xi32> to vector<256x20xi32>
    %slice3A_84 = vector.extract_strided_slice %get3A_83 {offsets = [0, 3], sizes = [256, 1], strides = [1, 1]} : vector<256x20xi32> to vector<256x1xi32>
    %eq3A_85 = vector.broadcast %slice3A_84 : vector<256x1xi32> to vector<256x2048xi32>
    %eq3A_86 = arith.cmpi eq, %iota3A, %eq3A_85 : vector<256x2048xi32>
    %convert_element_type3A_87 = arith.extui %eq3A_86 : vector<256x2048xi1> to vector<256x2048xi32>
    %convert_element_type3A_88 = arith.sitofp %convert_element_type3A_87 : vector<256x2048xi32> to vector<256x2048xf32>
    %dot_general3A_89 = arith.constant dense<0.000000e+00> : vector<256x64xf32>
    %dot_general3A_90 = tpu.matmul %convert_element_type3A_88, %get3A_3, %dot_general3A_89 {dimension_numbers = #tpu.dot_dimension_numbers<[1], [0], [0], [1], [0, 0, 1, 1], [], []>, precision = #tpu.contract_precision<fp32>, transpose_lhs_hint = false} : vector<256x2048xf32>, vector<2048x64xf32>, vector<256x64xf32> -> vector<256x64xf32>
    %sub3A_91 = arith.subf %dot_general3A_90, %get3A_8 : vector<256x64xf32>
    %concatenate3A_92 = tpu.concatenate %get3A_8, %sub3A_91 in 1 : vector<256x64xf32>, vector<256x64xf32> -> vector<256x128xf32>
    %dot_general3A_93 = arith.constant dense<0.000000e+00> : vector<256x128xf32>
    %dot_general3A_94 = tpu.matmul %concatenate3A_92, %get3A_11, %dot_general3A_93 {dimension_numbers = #tpu.dot_dimension_numbers<[1], [0], [0], [1], [0, 0, 1, 1], [], []>, transpose_lhs_hint = false} : vector<256x128xf32>, vector<128x128xf32>, vector<256x128xf32> -> vector<256x128xf32>
    %add3A_95 = vector.broadcast %get3A_14 : vector<1x128xf32> to vector<256x128xf32>
    %add3A_96 = arith.addf %dot_general3A_94, %add3A_95 : vector<256x128xf32>
    %swap3A_97 = arith.constant 0 : index
    %swap3A_98 = arith.constant 0 : index
    %swap3A_99 = arith.constant 384 : index
    %swap3A_100 = vector.load %arg7[%swap3A_97, %swap3A_98, %swap3A_99] : memref<1x256x2560xf32, #tpu.memory_space<vmem>>, vector<1x256x128xf32>
    %swap3A_101 = vector.shape_cast %swap3A_100 : vector<1x256x128xf32> to vector<256x128xf32>
    %swap3A_102 = vector.shape_cast %add3A_96 : vector<256x128xf32> to vector<1x256x128xf32>
    tpu.vector_store %arg7[%swap3A_97, %swap3A_98, %swap3A_99], %swap3A_102 {strides = array<i32>} : memref<1x256x2560xf32, #tpu.memory_space<vmem>>, vector<1x256x128xf32>,
    %get3A_103 = arith.constant 0 : index
    %get3A_104 = arith.constant 0 : index
    %get3A_105 = arith.constant 0 : index
    %get3A_106 = vector.load %arg4[%get3A_103, %get3A_104, %get3A_105] : memref<1x256x20xi32, #tpu.memory_space<vmem>>, vector<1x256x20xi32>
    %get3A_107 = vector.shape_cast %get3A_106 : vector<1x256x20xi32> to vector<256x20xi32>
    %slice3A_108 = vector.extract_strided_slice %get3A_107 {offsets = [0, 4], sizes = [256, 1], strides = [1, 1]} : vector<256x20xi32> to vector<256x1xi32>
    %eq3A_109 = vector.broadcast %slice3A_108 : vector<256x1xi32> to vector<256x2048xi32>
    %eq3A_110 = arith.cmpi eq, %iota3A, %eq3A_109 : vector<256x2048xi32>
    %convert_element_type3A_111 = arith.extui %eq3A_110 : vector<256x2048xi1> to vector<256x2048xi32>
    %convert_element_type3A_112 = arith.sitofp %convert_element_type3A_111 : vector<256x2048xi32> to vector<256x2048xf32>
    %dot_general3A_113 = arith.constant dense<0.000000e+00> : vector<256x64xf32>
    %dot_general3A_114 = tpu.matmul %convert_element_type3A_112, %get3A_3, %dot_general3A_113 {dimension_numbers = #tpu.dot_dimension_numbers<[1], [0], [0], [1], [0, 0, 1, 1], [], []>, precision = #tpu.contract_precision<fp32>, transpose_lhs_hint = false} : vector<256x2048xf32>, vector<2048x64xf32>, vector<256x64xf32> -> vector<256x64xf32>
    %sub3A_115 = arith.subf %dot_general3A_114, %get3A_8 : vector<256x64xf32>
    %concatenate3A_116 = tpu.concatenate %get3A_8, %sub3A_115 in 1 : vector<256x64xf32>, vector<256x64xf32> -> vector<256x128xf32>
    %dot_general3A_117 = arith.constant dense<0.000000e+00> : vector<256x128xf32>
    %dot_general3A_118 = tpu.matmul %concatenate3A_116, %get3A_11, %dot_general3A_117 {dimension_numbers = #tpu.dot_dimension_numbers<[1], [0], [0], [1], [0, 0, 1, 1], [], []>, transpose_lhs_hint = false} : vector<256x128xf32>, vector<128x128xf32>, vector<256x128xf32> -> vector<256x128xf32>
    %add3A_119 = vector.broadcast %get3A_14 : vector<1x128xf32> to vector<256x128xf32>
    %add3A_120 = arith.addf %dot_general3A_118, %add3A_119 : vector<256x128xf32>
    %swap3A_121 = arith.constant 0 : index
    %swap3A_122 = arith.constant 0 : index
    %swap3A_123 = arith.constant 512 : index
    %swap3A_124 = vector.load %arg7[%swap3A_121, %swap3A_122, %swap3A_123] : memref<1x256x2560xf32, #tpu.memory_space<vmem>>, vector<1x256x128xf32>
    %swap3A_125 = vector.shape_cast %swap3A_124 : vector<1x256x128xf32> to vector<256x128xf32>
    %swap3A_126 = vector.shape_cast %add3A_120 : vector<256x128xf32> to vector<1x256x128xf32>
    tpu.vector_store %arg7[%swap3A_121, %swap3A_122, %swap3A_123], %swap3A_126 {strides = array<i32>} : memref<1x256x2560xf32, #tpu.memory_space<vmem>>, vector<1x256x128xf32>,
    %get3A_127 = arith.constant 0 : index
    %get3A_128 = arith.constant 0 : index
    %get3A_129 = arith.constant 0 : index
    %get3A_130 = vector.load %arg4[%get3A_127, %get3A_128, %get3A_129] : memref<1x256x20xi32, #tpu.memory_space<vmem>>, vector<1x256x20xi32>
    %get3A_131 = vector.shape_cast %get3A_130 : vector<1x256x20xi32> to vector<256x20xi32>
    %slice3A_132 = vector.extract_strided_slice %get3A_131 {offsets = [0, 5], sizes = [256, 1], strides = [1, 1]} : vector<256x20xi32> to vector<256x1xi32>
    %eq3A_133 = vector.broadcast %slice3A_132 : vector<256x1xi32> to vector<256x2048xi32>
    %eq3A_134 = arith.cmpi eq, %iota3A, %eq3A_133 : vector<256x2048xi32>
    %convert_element_type3A_135 = arith.extui %eq3A_134 : vector<256x2048xi1> to vector<256x2048xi32>
    %convert_element_type3A_136 = arith.sitofp %convert_element_type3A_135 : vector<256x2048xi32> to vector<256x2048xf32>
    %dot_general3A_137 = arith.constant dense<0.000000e+00> : vector<256x64xf32>
    %dot_general3A_138 = tpu.matmul %convert_element_type3A_136, %get3A_3, %dot_general3A_137 {dimension_numbers = #tpu.dot_dimension_numbers<[1], [0], [0], [1], [0, 0, 1, 1], [], []>, precision = #tpu.contract_precision<fp32>, transpose_lhs_hint = false} : vector<256x2048xf32>, vector<2048x64xf32>, vector<256x64xf32> -> vector<256x64xf32>
    %sub3A_139 = arith.subf %dot_general3A_138, %get3A_8 : vector<256x64xf32>
    %concatenate3A_140 = tpu.concatenate %get3A_8, %sub3A_139 in 1 : vector<256x64xf32>, vector<256x64xf32> -> vector<256x128xf32>
    %dot_general3A_141 = arith.constant dense<0.000000e+00> : vector<256x128xf32>
    %dot_general3A_142 = tpu.matmul %concatenate3A_140, %get3A_11, %dot_general3A_141 {dimension_numbers = #tpu.dot_dimension_numbers<[1], [0], [0], [1], [0, 0, 1, 1], [], []>, transpose_lhs_hint = false} : vector<256x128xf32>, vector<128x128xf32>, vector<256x128xf32> -> vector<256x128xf32>
    %add3A_143 = vector.broadcast %get3A_14 : vector<1x128xf32> to vector<256x128xf32>
    %add3A_144 = arith.addf %dot_general3A_142, %add3A_143 : vector<256x128xf32>
    %swap3A_145 = arith.constant 0 : index
    %swap3A_146 = arith.constant 0 : index
    %swap3A_147 = arith.constant 640 : index
    %swap3A_148 = vector.load %arg7[%swap3A_145, %swap3A_146, %swap3A_147] : memref<1x256x2560xf32, #tpu.memory_space<vmem>>, vector<1x256x128xf32>
    %swap3A_149 = vector.shape_cast %swap3A_148 : vector<1x256x128xf32> to vector<256x128xf32>
    %swap3A_150 = vector.shape_cast %add3A_144 : vector<256x128xf32> to vector<1x256x128xf32>
    tpu.vector_store %arg7[%swap3A_145, %swap3A_146, %swap3A_147], %swap3A_150 {strides = array<i32>} : memref<1x256x2560xf32, #tpu.memory_space<vmem>>, vector<1x256x128xf32>,
    %get3A_151 = arith.constant 0 : index
    %get3A_152 = arith.constant 0 : index
    %get3A_153 = arith.constant 0 : index
    %get3A_154 = vector.load %arg4[%get3A_151, %get3A_152, %get3A_153] : memref<1x256x20xi32, #tpu.memory_space<vmem>>, vector<1x256x20xi32>
    %get3A_155 = vector.shape_cast %get3A_154 : vector<1x256x20xi32> to vector<256x20xi32>
    %slice3A_156 = vector.extract_strided_slice %get3A_155 {offsets = [0, 6], sizes = [256, 1], strides = [1, 1]} : vector<256x20xi32> to vector<256x1xi32>
    %eq3A_157 = vector.broadcast %slice3A_156 : vector<256x1xi32> to vector<256x2048xi32>
    %eq3A_158 = arith.cmpi eq, %iota3A, %eq3A_157 : vector<256x2048xi32>
    %convert_element_type3A_159 = arith.extui %eq3A_158 : vector<256x2048xi1> to vector<256x2048xi32>
    %convert_element_type3A_160 = arith.sitofp %convert_element_type3A_159 : vector<256x2048xi32> to vector<256x2048xf32>
    %dot_general3A_161 = arith.constant dense<0.000000e+00> : vector<256x64xf32>
    %dot_general3A_162 = tpu.matmul %convert_element_type3A_160, %get3A_3, %dot_general3A_161 {dimension_numbers = #tpu.dot_dimension_numbers<[1], [0], [0], [1], [0, 0, 1, 1], [], []>, precision = #tpu.contract_precision<fp32>, transpose_lhs_hint = false} : vector<256x2048xf32>, vector<2048x64xf32>, vector<256x64xf32> -> vector<256x64xf32>
    %sub3A_163 = arith.subf %dot_general3A_162, %get3A_8 : vector<256x64xf32>
    %concatenate3A_164 = tpu.concatenate %get3A_8, %sub3A_163 in 1 : vector<256x64xf32>, vector<256x64xf32> -> vector<256x128xf32>
    %dot_general3A_165 = arith.constant dense<0.000000e+00> : vector<256x128xf32>
    %dot_general3A_166 = tpu.matmul %concatenate3A_164, %get3A_11, %dot_general3A_165 {dimension_numbers = #tpu.dot_dimension_numbers<[1], [0], [0], [1], [0, 0, 1, 1], [], []>, transpose_lhs_hint = false} : vector<256x128xf32>, vector<128x128xf32>, vector<256x128xf32> -> vector<256x128xf32>
    %add3A_167 = vector.broadcast %get3A_14 : vector<1x128xf32> to vector<256x128xf32>
    %add3A_168 = arith.addf %dot_general3A_166, %add3A_167 : vector<256x128xf32>
    %swap3A_169 = arith.constant 0 : index
    %swap3A_170 = arith.constant 0 : index
    %swap3A_171 = arith.constant 768 : index
    %swap3A_172 = vector.load %arg7[%swap3A_169, %swap3A_170, %swap3A_171] : memref<1x256x2560xf32, #tpu.memory_space<vmem>>, vector<1x256x128xf32>
    %swap3A_173 = vector.shape_cast %swap3A_172 : vector<1x256x128xf32> to vector<256x128xf32>
    %swap3A_174 = vector.shape_cast %add3A_168 : vector<256x128xf32> to vector<1x256x128xf32>
    tpu.vector_store %arg7[%swap3A_169, %swap3A_170, %swap3A_171], %swap3A_174 {strides = array<i32>} : memref<1x256x2560xf32, #tpu.memory_space<vmem>>, vector<1x256x128xf32>,
    %get3A_175 = arith.constant 0 : index
    %get3A_176 = arith.constant 0 : index
    %get3A_177 = arith.constant 0 : index
    %get3A_178 = vector.load %arg4[%get3A_175, %get3A_176, %get3A_177] : memref<1x256x20xi32, #tpu.memory_space<vmem>>, vector<1x256x20xi32>
    %get3A_179 = vector.shape_cast %get3A_178 : vector<1x256x20xi32> to vector<256x20xi32>
    %slice3A_180 = vector.extract_strided_slice %get3A_179 {offsets = [0, 7], sizes = [256, 1], strides = [1, 1]} : vector<256x20xi32> to vector<256x1xi32>
    %eq3A_181 = vector.broadcast %slice3A_180 : vector<256x1xi32> to vector<256x2048xi32>
    %eq3A_182 = arith.cmpi eq, %iota3A, %eq3A_181 : vector<256x2048xi32>
    %convert_element_type3A_183 = arith.extui %eq3A_182 : vector<256x2048xi1> to vector<256x2048xi32>
    %convert_element_type3A_184 = arith.sitofp %convert_element_type3A_183 : vector<256x2048xi32> to vector<256x2048xf32>
    %dot_general3A_185 = arith.constant dense<0.000000e+00> : vector<256x64xf32>
    %dot_general3A_186 = tpu.matmul %convert_element_type3A_184, %get3A_3, %dot_general3A_185 {dimension_numbers = #tpu.dot_dimension_numbers<[1], [0], [0], [1], [0, 0, 1, 1], [], []>, precision = #tpu.contract_precision<fp32>, transpose_lhs_hint = false} : vector<256x2048xf32>, vector<2048x64xf32>, vector<256x64xf32> -> vector<256x64xf32>
    %sub3A_187 = arith.subf %dot_general3A_186, %get3A_8 : vector<256x64xf32>
    %concatenate3A_188 = tpu.concatenate %get3A_8, %sub3A_187 in 1 : vector<256x64xf32>, vector<256x64xf32> -> vector<256x128xf32>
    %dot_general3A_189 = arith.constant dense<0.000000e+00> : vector<256x128xf32>
    %dot_general3A_190 = tpu.matmul %concatenate3A_188, %get3A_11, %dot_general3A_189 {dimension_numbers = #tpu.dot_dimension_numbers<[1], [0], [0], [1], [0, 0, 1, 1], [], []>, transpose_lhs_hint = false} : vector<256x128xf32>, vector<128x128xf32>, vector<256x128xf32> -> vector<256x128xf32>
    %add3A_191 = vector.broadcast %get3A_14 : vector<1x128xf32> to vector<256x128xf32>
    %add3A_192 = arith.addf %dot_general3A_190, %add3A_191 : vector<256x128xf32>
    %swap3A_193 = arith.constant 0 : index
    %swap3A_194 = arith.constant 0 : index
    %swap3A_195 = arith.constant 896 : index
    %swap3A_196 = vector.load %arg7[%swap3A_193, %swap3A_194, %swap3A_195] : memref<1x256x2560xf32, #tpu.memory_space<vmem>>, vector<1x256x128xf32>
    %swap3A_197 = vector.shape_cast %swap3A_196 : vector<1x256x128xf32> to vector<256x128xf32>
    %swap3A_198 = vector.shape_cast %add3A_192 : vector<256x128xf32> to vector<1x256x128xf32>
    tpu.vector_store %arg7[%swap3A_193, %swap3A_194, %swap3A_195], %swap3A_198 {strides = array<i32>} : memref<1x256x2560xf32, #tpu.memory_space<vmem>>, vector<1x256x128xf32>,
    %get3A_199 = arith.constant 0 : index
    %get3A_200 = arith.constant 0 : index
    %get3A_201 = arith.constant 0 : index
    %get3A_202 = vector.load %arg4[%get3A_199, %get3A_200, %get3A_201] : memref<1x256x20xi32, #tpu.memory_space<vmem>>, vector<1x256x20xi32>
    %get3A_203 = vector.shape_cast %get3A_202 : vector<1x256x20xi32> to vector<256x20xi32>
    %slice3A_204 = vector.extract_strided_slice %get3A_203 {offsets = [0, 8], sizes = [256, 1], strides = [1, 1]} : vector<256x20xi32> to vector<256x1xi32>
    %eq3A_205 = vector.broadcast %slice3A_204 : vector<256x1xi32> to vector<256x2048xi32>
    %eq3A_206 = arith.cmpi eq, %iota3A, %eq3A_205 : vector<256x2048xi32>
    %convert_element_type3A_207 = arith.extui %eq3A_206 : vector<256x2048xi1> to vector<256x2048xi32>
    %convert_element_type3A_208 = arith.sitofp %convert_element_type3A_207 : vector<256x2048xi32> to vector<256x2048xf32>
    %dot_general3A_209 = arith.constant dense<0.000000e+00> : vector<256x64xf32>
    %dot_general3A_210 = tpu.matmul %convert_element_type3A_208, %get3A_3, %dot_general3A_209 {dimension_numbers = #tpu.dot_dimension_numbers<[1], [0], [0], [1], [0, 0, 1, 1], [], []>, precision = #tpu.contract_precision<fp32>, transpose_lhs_hint = false} : vector<256x2048xf32>, vector<2048x64xf32>, vector<256x64xf32> -> vector<256x64xf32>
    %sub3A_211 = arith.subf %dot_general3A_210, %get3A_8 : vector<256x64xf32>
    %concatenate3A_212 = tpu.concatenate %get3A_8, %sub3A_211 in 1 : vector<256x64xf32>, vector<256x64xf32> -> vector<256x128xf32>
    %dot_general3A_213 = arith.constant dense<0.000000e+00> : vector<256x128xf32>
    %dot_general3A_214 = tpu.matmul %concatenate3A_212, %get3A_11, %dot_general3A_213 {dimension_numbers = #tpu.dot_dimension_numbers<[1], [0], [0], [1], [0, 0, 1, 1], [], []>, transpose_lhs_hint = false} : vector<256x128xf32>, vector<128x128xf32>, vector<256x128xf32> -> vector<256x128xf32>
    %add3A_215 = vector.broadcast %get3A_14 : vector<1x128xf32> to vector<256x128xf32>
    %add3A_216 = arith.addf %dot_general3A_214, %add3A_215 : vector<256x128xf32>
    %swap3A_217 = arith.constant 0 : index
    %swap3A_218 = arith.constant 0 : index
    %swap3A_219 = arith.constant 1024 : index
    %swap3A_220 = vector.load %arg7[%swap3A_217, %swap3A_218, %swap3A_219] : memref<1x256x2560xf32, #tpu.memory_space<vmem>>, vector<1x256x128xf32>
    %swap3A_221 = vector.shape_cast %swap3A_220 : vector<1x256x128xf32> to vector<256x128xf32>
    %swap3A_222 = vector.shape_cast %add3A_216 : vector<256x128xf32> to vector<1x256x128xf32>
    tpu.vector_store %arg7[%swap3A_217, %swap3A_218, %swap3A_219], %swap3A_222 {strides = array<i32>} : memref<1x256x2560xf32, #tpu.memory_space<vmem>>, vector<1x256x128xf32>,
    %get3A_223 = arith.constant 0 : index
    %get3A_224 = arith.constant 0 : index
    %get3A_225 = arith.constant 0 : index
    %get3A_226 = vector.load %arg4[%get3A_223, %get3A_224, %get3A_225] : memref<1x256x20xi32, #tpu.memory_space<vmem>>, vector<1x256x20xi32>
    %get3A_227 = vector.shape_cast %get3A_226 : vector<1x256x20xi32> to vector<256x20xi32>
    %slice3A_228 = vector.extract_strided_slice %get3A_227 {offsets = [0, 9], sizes = [256, 1], strides = [1, 1]} : vector<256x20xi32> to vector<256x1xi32>
    %eq3A_229 = vector.broadcast %slice3A_228 : vector<256x1xi32> to vector<256x2048xi32>
    %eq3A_230 = arith.cmpi eq, %iota3A, %eq3A_229 : vector<256x2048xi32>
    %convert_element_type3A_231 = arith.extui %eq3A_230 : vector<256x2048xi1> to vector<256x2048xi32>
    %convert_element_type3A_232 = arith.sitofp %convert_element_type3A_231 : vector<256x2048xi32> to vector<256x2048xf32>
    %dot_general3A_233 = arith.constant dense<0.000000e+00> : vector<256x64xf32>
    %dot_general3A_234 = tpu.matmul %convert_element_type3A_232, %get3A_3, %dot_general3A_233 {dimension_numbers = #tpu.dot_dimension_numbers<[1], [0], [0], [1], [0, 0, 1, 1], [], []>, precision = #tpu.contract_precision<fp32>, transpose_lhs_hint = false} : vector<256x2048xf32>, vector<2048x64xf32>, vector<256x64xf32> -> vector<256x64xf32>
    %sub3A_235 = arith.subf %dot_general3A_234, %get3A_8 : vector<256x64xf32>
    %concatenate3A_236 = tpu.concatenate %get3A_8, %sub3A_235 in 1 : vector<256x64xf32>, vector<256x64xf32> -> vector<256x128xf32>
    %dot_general3A_237 = arith.constant dense<0.000000e+00> : vector<256x128xf32>
    %dot_general3A_238 = tpu.matmul %concatenate3A_236, %get3A_11, %dot_general3A_237 {dimension_numbers = #tpu.dot_dimension_numbers<[1], [0], [0], [1], [0, 0, 1, 1], [], []>, transpose_lhs_hint = false} : vector<256x128xf32>, vector<128x128xf32>, vector<256x128xf32> -> vector<256x128xf32>
    %add3A_239 = vector.broadcast %get3A_14 : vector<1x128xf32> to vector<256x128xf32>
    %add3A_240 = arith.addf %dot_general3A_238, %add3A_239 : vector<256x128xf32>
    %swap3A_241 = arith.constant 0 : index
    %swap3A_242 = arith.constant 0 : index
    %swap3A_243 = arith.constant 1152 : index
    %swap3A_244 = vector.load %arg7[%swap3A_241, %swap3A_242, %swap3A_243] : memref<1x256x2560xf32, #tpu.memory_space<vmem>>, vector<1x256x128xf32>
    %swap3A_245 = vector.shape_cast %swap3A_244 : vector<1x256x128xf32> to vector<256x128xf32>
    %swap3A_246 = vector.shape_cast %add3A_240 : vector<256x128xf32> to vector<1x256x128xf32>
    tpu.vector_store %arg7[%swap3A_241, %swap3A_242, %swap3A_243], %swap3A_246 {strides = array<i32>} : memref<1x256x2560xf32, #tpu.memory_space<vmem>>, vector<1x256x128xf32>,
    %get3A_247 = arith.constant 0 : index
    %get3A_248 = arith.constant 0 : index
    %get3A_249 = arith.constant 0 : index
    %get3A_250 = vector.load %arg4[%get3A_247, %get3A_248, %get3A_249] : memref<1x256x20xi32, #tpu.memory_space<vmem>>, vector<1x256x20xi32>
    %get3A_251 = vector.shape_cast %get3A_250 : vector<1x256x20xi32> to vector<256x20xi32>
    %slice3A_252 = vector.extract_strided_slice %get3A_251 {offsets = [0, 10], sizes = [256, 1], strides = [1, 1]} : vector<256x20xi32> to vector<256x1xi32>
    %eq3A_253 = vector.broadcast %slice3A_252 : vector<256x1xi32> to vector<256x2048xi32>
    %eq3A_254 = arith.cmpi eq, %iota3A, %eq3A_253 : vector<256x2048xi32>
    %convert_element_type3A_255 = arith.extui %eq3A_254 : vector<256x2048xi1> to vector<256x2048xi32>
    %convert_element_type3A_256 = arith.sitofp %convert_element_type3A_255 : vector<256x2048xi32> to vector<256x2048xf32>
    %dot_general3A_257 = arith.constant dense<0.000000e+00> : vector<256x64xf32>
    %dot_general3A_258 = tpu.matmul %convert_element_type3A_256, %get3A_3, %dot_general3A_257 {dimension_numbers = #tpu.dot_dimension_numbers<[1], [0], [0], [1], [0, 0, 1, 1], [], []>, precision = #tpu.contract_precision<fp32>, transpose_lhs_hint = false} : vector<256x2048xf32>, vector<2048x64xf32>, vector<256x64xf32> -> vector<256x64xf32>
    %sub3A_259 = arith.subf %dot_general3A_258, %get3A_8 : vector<256x64xf32>
    %concatenate3A_260 = tpu.concatenate %get3A_8, %sub3A_259 in 1 : vector<256x64xf32>, vector<256x64xf32> -> vector<256x128xf32>
    %dot_general3A_261 = arith.constant dense<0.000000e+00> : vector<256x128xf32>
    %dot_general3A_262 = tpu.matmul %concatenate3A_260, %get3A_11, %dot_general3A_261 {dimension_numbers = #tpu.dot_dimension_numbers<[1], [0], [0], [1], [0, 0, 1, 1], [], []>, transpose_lhs_hint = false} : vector<256x128xf32>, vector<128x128xf32>, vector<256x128xf32> -> vector<256x128xf32>
    %add3A_263 = vector.broadcast %get3A_14 : vector<1x128xf32> to vector<256x128xf32>
    %add3A_264 = arith.addf %dot_general3A_262, %add3A_263 : vector<256x128xf32>
    %swap3A_265 = arith.constant 0 : index
    %swap3A_266 = arith.constant 0 : index
    %swap3A_267 = arith.constant 1280 : index
    %swap3A_268 = vector.load %arg7[%swap3A_265, %swap3A_266, %swap3A_267] : memref<1x256x2560xf32, #tpu.memory_space<vmem>>, vector<1x256x128xf32>
    %swap3A_269 = vector.shape_cast %swap3A_268 : vector<1x256x128xf32> to vector<256x128xf32>
    %swap3A_270 = vector.shape_cast %add3A_264 : vector<256x128xf32> to vector<1x256x128xf32>
    tpu.vector_store %arg7[%swap3A_265, %swap3A_266, %swap3A_267], %swap3A_270 {strides = array<i32>} : memref<1x256x2560xf32, #tpu.memory_space<vmem>>, vector<1x256x128xf32>,
    %get3A_271 = arith.constant 0 : index
    %get3A_272 = arith.constant 0 : index
    %get3A_273 = arith.constant 0 : index
    %get3A_274 = vector.load %arg4[%get3A_271, %get3A_272, %get3A_273] : memref<1x256x20xi32, #tpu.memory_space<vmem>>, vector<1x256x20xi32>
    %get3A_275 = vector.shape_cast %get3A_274 : vector<1x256x20xi32> to vector<256x20xi32>
    %slice3A_276 = vector.extract_strided_slice %get3A_275 {offsets = [0, 11], sizes = [256, 1], strides = [1, 1]} : vector<256x20xi32> to vector<256x1xi32>
    %eq3A_277 = vector.broadcast %slice3A_276 : vector<256x1xi32> to vector<256x2048xi32>
    %eq3A_278 = arith.cmpi eq, %iota3A, %eq3A_277 : vector<256x2048xi32>
    %convert_element_type3A_279 = arith.extui %eq3A_278 : vector<256x2048xi1> to vector<256x2048xi32>
    %convert_element_type3A_280 = arith.sitofp %convert_element_type3A_279 : vector<256x2048xi32> to vector<256x2048xf32>
    %dot_general3A_281 = arith.constant dense<0.000000e+00> : vector<256x64xf32>
    %dot_general3A_282 = tpu.matmul %convert_element_type3A_280, %get3A_3, %dot_general3A_281 {dimension_numbers = #tpu.dot_dimension_numbers<[1], [0], [0], [1], [0, 0, 1, 1], [], []>, precision = #tpu.contract_precision<fp32>, transpose_lhs_hint = false} : vector<256x2048xf32>, vector<2048x64xf32>, vector<256x64xf32> -> vector<256x64xf32>
    %sub3A_283 = arith.subf %dot_general3A_282, %get3A_8 : vector<256x64xf32>
    %concatenate3A_284 = tpu.concatenate %get3A_8, %sub3A_283 in 1 : vector<256x64xf32>, vector<256x64xf32> -> vector<256x128xf32>
    %dot_general3A_285 = arith.constant dense<0.000000e+00> : vector<256x128xf32>
    %dot_general3A_286 = tpu.matmul %concatenate3A_284, %get3A_11, %dot_general3A_285 {dimension_numbers = #tpu.dot_dimension_numbers<[1], [0], [0], [1], [0, 0, 1, 1], [], []>, transpose_lhs_hint = false} : vector<256x128xf32>, vector<128x128xf32>, vector<256x128xf32> -> vector<256x128xf32>
    %add3A_287 = vector.broadcast %get3A_14 : vector<1x128xf32> to vector<256x128xf32>
    %add3A_288 = arith.addf %dot_general3A_286, %add3A_287 : vector<256x128xf32>
    %swap3A_289 = arith.constant 0 : index
    %swap3A_290 = arith.constant 0 : index
    %swap3A_291 = arith.constant 1408 : index
    %swap3A_292 = vector.load %arg7[%swap3A_289, %swap3A_290, %swap3A_291] : memref<1x256x2560xf32, #tpu.memory_space<vmem>>, vector<1x256x128xf32>
    %swap3A_293 = vector.shape_cast %swap3A_292 : vector<1x256x128xf32> to vector<256x128xf32>
    %swap3A_294 = vector.shape_cast %add3A_288 : vector<256x128xf32> to vector<1x256x128xf32>
    tpu.vector_store %arg7[%swap3A_289, %swap3A_290, %swap3A_291], %swap3A_294 {strides = array<i32>} : memref<1x256x2560xf32, #tpu.memory_space<vmem>>, vector<1x256x128xf32>,
    %get3A_295 = arith.constant 0 : index
    %get3A_296 = arith.constant 0 : index
    %get3A_297 = arith.constant 0 : index
    %get3A_298 = vector.load %arg4[%get3A_295, %get3A_296, %get3A_297] : memref<1x256x20xi32, #tpu.memory_space<vmem>>, vector<1x256x20xi32>
    %get3A_299 = vector.shape_cast %get3A_298 : vector<1x256x20xi32> to vector<256x20xi32>
    %slice3A_300 = vector.extract_strided_slice %get3A_299 {offsets = [0, 12], sizes = [256, 1], strides = [1, 1]} : vector<256x20xi32> to vector<256x1xi32>
    %eq3A_301 = vector.broadcast %slice3A_300 : vector<256x1xi32> to vector<256x2048xi32>
    %eq3A_302 = arith.cmpi eq, %iota3A, %eq3A_301 : vector<256x2048xi32>
    %convert_element_type3A_303 = arith.extui %eq3A_302 : vector<256x2048xi1> to vector<256x2048xi32>
    %convert_element_type3A_304 = arith.sitofp %convert_element_type3A_303 : vector<256x2048xi32> to vector<256x2048xf32>
    %dot_general3A_305 = arith.constant dense<0.000000e+00> : vector<256x64xf32>
    %dot_general3A_306 = tpu.matmul %convert_element_type3A_304, %get3A_3, %dot_general3A_305 {dimension_numbers = #tpu.dot_dimension_numbers<[1], [0], [0], [1], [0, 0, 1, 1], [], []>, precision = #tpu.contract_precision<fp32>, transpose_lhs_hint = false} : vector<256x2048xf32>, vector<2048x64xf32>, vector<256x64xf32> -> vector<256x64xf32>
    %sub3A_307 = arith.subf %dot_general3A_306, %get3A_8 : vector<256x64xf32>
    %concatenate3A_308 = tpu.concatenate %get3A_8, %sub3A_307 in 1 : vector<256x64xf32>, vector<256x64xf32> -> vector<256x128xf32>
    %dot_general3A_309 = arith.constant dense<0.000000e+00> : vector<256x128xf32>
    %dot_general3A_310 = tpu.matmul %concatenate3A_308, %get3A_11, %dot_general3A_309 {dimension_numbers = #tpu.dot_dimension_numbers<[1], [0], [0], [1], [0, 0, 1, 1], [], []>, transpose_lhs_hint = false} : vector<256x128xf32>, vector<128x128xf32>, vector<256x128xf32> -> vector<256x128xf32>
    %add3A_311 = vector.broadcast %get3A_14 : vector<1x128xf32> to vector<256x128xf32>
    %add3A_312 = arith.addf %dot_general3A_310, %add3A_311 : vector<256x128xf32>
    %swap3A_313 = arith.constant 0 : index
    %swap3A_314 = arith.constant 0 : index
    %swap3A_315 = arith.constant 1536 : index
    %swap3A_316 = vector.load %arg7[%swap3A_313, %swap3A_314, %swap3A_315] : memref<1x256x2560xf32, #tpu.memory_space<vmem>>, vector<1x256x128xf32>
    %swap3A_317 = vector.shape_cast %swap3A_316 : vector<1x256x128xf32> to vector<256x128xf32>
    %swap3A_318 = vector.shape_cast %add3A_312 : vector<256x128xf32> to vector<1x256x128xf32>
    tpu.vector_store %arg7[%swap3A_313, %swap3A_314, %swap3A_315], %swap3A_318 {strides = array<i32>} : memref<1x256x2560xf32, #tpu.memory_space<vmem>>, vector<1x256x128xf32>,
    %get3A_319 = arith.constant 0 : index
    %get3A_320 = arith.constant 0 : index
    %get3A_321 = arith.constant 0 : index
    %get3A_322 = vector.load %arg4[%get3A_319, %get3A_320, %get3A_321] : memref<1x256x20xi32, #tpu.memory_space<vmem>>, vector<1x256x20xi32>
    %get3A_323 = vector.shape_cast %get3A_322 : vector<1x256x20xi32> to vector<256x20xi32>
    %slice3A_324 = vector.extract_strided_slice %get3A_323 {offsets = [0, 13], sizes = [256, 1], strides = [1, 1]} : vector<256x20xi32> to vector<256x1xi32>
    %eq3A_325 = vector.broadcast %slice3A_324 : vector<256x1xi32> to vector<256x2048xi32>
    %eq3A_326 = arith.cmpi eq, %iota3A, %eq3A_325 : vector<256x2048xi32>
    %convert_element_type3A_327 = arith.extui %eq3A_326 : vector<256x2048xi1> to vector<256x2048xi32>
    %convert_element_type3A_328 = arith.sitofp %convert_element_type3A_327 : vector<256x2048xi32> to vector<256x2048xf32>
    %dot_general3A_329 = arith.constant dense<0.000000e+00> : vector<256x64xf32>
    %dot_general3A_330 = tpu.matmul %convert_element_type3A_328, %get3A_3, %dot_general3A_329 {dimension_numbers = #tpu.dot_dimension_numbers<[1], [0], [0], [1], [0, 0, 1, 1], [], []>, precision = #tpu.contract_precision<fp32>, transpose_lhs_hint = false} : vector<256x2048xf32>, vector<2048x64xf32>, vector<256x64xf32> -> vector<256x64xf32>
    %sub3A_331 = arith.subf %dot_general3A_330, %get3A_8 : vector<256x64xf32>
    %concatenate3A_332 = tpu.concatenate %get3A_8, %sub3A_331 in 1 : vector<256x64xf32>, vector<256x64xf32> -> vector<256x128xf32>
    %dot_general3A_333 = arith.constant dense<0.000000e+00> : vector<256x128xf32>
    %dot_general3A_334 = tpu.matmul %concatenate3A_332, %get3A_11, %dot_general3A_333 {dimension_numbers = #tpu.dot_dimension_numbers<[1], [0], [0], [1], [0, 0, 1, 1], [], []>, transpose_lhs_hint = false} : vector<256x128xf32>, vector<128x128xf32>, vector<256x128xf32> -> vector<256x128xf32>
    %add3A_335 = vector.broadcast %get3A_14 : vector<1x128xf32> to vector<256x128xf32>
    %add3A_336 = arith.addf %dot_general3A_334, %add3A_335 : vector<256x128xf32>
    %swap3A_337 = arith.constant 0 : index
    %swap3A_338 = arith.constant 0 : index
    %swap3A_339 = arith.constant 1664 : index
    %swap3A_340 = vector.load %arg7[%swap3A_337, %swap3A_338, %swap3A_339] : memref<1x256x2560xf32, #tpu.memory_space<vmem>>, vector<1x256x128xf32>
    %swap3A_341 = vector.shape_cast %swap3A_340 : vector<1x256x128xf32> to vector<256x128xf32>
    %swap3A_342 = vector.shape_cast %add3A_336 : vector<256x128xf32> to vector<1x256x128xf32>
    tpu.vector_store %arg7[%swap3A_337, %swap3A_338, %swap3A_339], %swap3A_342 {strides = array<i32>} : memref<1x256x2560xf32, #tpu.memory_space<vmem>>, vector<1x256x128xf32>,
    %get3A_343 = arith.constant 0 : index
    %get3A_344 = arith.constant 0 : index
    %get3A_345 = arith.constant 0 : index
    %get3A_346 = vector.load %arg4[%get3A_343, %get3A_344, %get3A_345] : memref<1x256x20xi32, #tpu.memory_space<vmem>>, vector<1x256x20xi32>
    %get3A_347 = vector.shape_cast %get3A_346 : vector<1x256x20xi32> to vector<256x20xi32>
    %slice3A_348 = vector.extract_strided_slice %get3A_347 {offsets = [0, 14], sizes = [256, 1], strides = [1, 1]} : vector<256x20xi32> to vector<256x1xi32>
    %eq3A_349 = vector.broadcast %slice3A_348 : vector<256x1xi32> to vector<256x2048xi32>
    %eq3A_350 = arith.cmpi eq, %iota3A, %eq3A_349 : vector<256x2048xi32>
    %convert_element_type3A_351 = arith.extui %eq3A_350 : vector<256x2048xi1> to vector<256x2048xi32>
    %convert_element_type3A_352 = arith.sitofp %convert_element_type3A_351 : vector<256x2048xi32> to vector<256x2048xf32>
    %dot_general3A_353 = arith.constant dense<0.000000e+00> : vector<256x64xf32>
    %dot_general3A_354 = tpu.matmul %convert_element_type3A_352, %get3A_3, %dot_general3A_353 {dimension_numbers = #tpu.dot_dimension_numbers<[1], [0], [0], [1], [0, 0, 1, 1], [], []>, precision = #tpu.contract_precision<fp32>, transpose_lhs_hint = false} : vector<256x2048xf32>, vector<2048x64xf32>, vector<256x64xf32> -> vector<256x64xf32>
    %sub3A_355 = arith.subf %dot_general3A_354, %get3A_8 : vector<256x64xf32>
    %concatenate3A_356 = tpu.concatenate %get3A_8, %sub3A_355 in 1 : vector<256x64xf32>, vector<256x64xf32> -> vector<256x128xf32>
    %dot_general3A_357 = arith.constant dense<0.000000e+00> : vector<256x128xf32>
    %dot_general3A_358 = tpu.matmul %concatenate3A_356, %get3A_11, %dot_general3A_357 {dimension_numbers = #tpu.dot_dimension_numbers<[1], [0], [0], [1], [0, 0, 1, 1], [], []>, transpose_lhs_hint = false} : vector<256x128xf32>, vector<128x128xf32>, vector<256x128xf32> -> vector<256x128xf32>
    %add3A_359 = vector.broadcast %get3A_14 : vector<1x128xf32> to vector<256x128xf32>
    %add3A_360 = arith.addf %dot_general3A_358, %add3A_359 : vector<256x128xf32>
    %swap3A_361 = arith.constant 0 : index
    %swap3A_362 = arith.constant 0 : index
    %swap3A_363 = arith.constant 1792 : index
    %swap3A_364 = vector.load %arg7[%swap3A_361, %swap3A_362, %swap3A_363] : memref<1x256x2560xf32, #tpu.memory_space<vmem>>, vector<1x256x128xf32>
    %swap3A_365 = vector.shape_cast %swap3A_364 : vector<1x256x128xf32> to vector<256x128xf32>
    %swap3A_366 = vector.shape_cast %add3A_360 : vector<256x128xf32> to vector<1x256x128xf32>
    tpu.vector_store %arg7[%swap3A_361, %swap3A_362, %swap3A_363], %swap3A_366 {strides = array<i32>} : memref<1x256x2560xf32, #tpu.memory_space<vmem>>, vector<1x256x128xf32>,
    %get3A_367 = arith.constant 0 : index
    %get3A_368 = arith.constant 0 : index
    %get3A_369 = arith.constant 0 : index
    %get3A_370 = vector.load %arg4[%get3A_367, %get3A_368, %get3A_369] : memref<1x256x20xi32, #tpu.memory_space<vmem>>, vector<1x256x20xi32>
    %get3A_371 = vector.shape_cast %get3A_370 : vector<1x256x20xi32> to vector<256x20xi32>
    %slice3A_372 = vector.extract_strided_slice %get3A_371 {offsets = [0, 15], sizes = [256, 1], strides = [1, 1]} : vector<256x20xi32> to vector<256x1xi32>
    %eq3A_373 = vector.broadcast %slice3A_372 : vector<256x1xi32> to vector<256x2048xi32>
    %eq3A_374 = arith.cmpi eq, %iota3A, %eq3A_373 : vector<256x2048xi32>
    %convert_element_type3A_375 = arith.extui %eq3A_374 : vector<256x2048xi1> to vector<256x2048xi32>
    %convert_element_type3A_376 = arith.sitofp %convert_element_type3A_375 : vector<256x2048xi32> to vector<256x2048xf32>
    %dot_general3A_377 = arith.constant dense<0.000000e+00> : vector<256x64xf32>
    %dot_general3A_378 = tpu.matmul %convert_element_type3A_376, %get3A_3, %dot_general3A_377 {dimension_numbers = #tpu.dot_dimension_numbers<[1], [0], [0], [1], [0, 0, 1, 1], [], []>, precision = #tpu.contract_precision<fp32>, transpose_lhs_hint = false} : vector<256x2048xf32>, vector<2048x64xf32>, vector<256x64xf32> -> vector<256x64xf32>
    %sub3A_379 = arith.subf %dot_general3A_378, %get3A_8 : vector<256x64xf32>
    %concatenate3A_380 = tpu.concatenate %get3A_8, %sub3A_379 in 1 : vector<256x64xf32>, vector<256x64xf32> -> vector<256x128xf32>
    %dot_general3A_381 = arith.constant dense<0.000000e+00> : vector<256x128xf32>
    %dot_general3A_382 = tpu.matmul %concatenate3A_380, %get3A_11, %dot_general3A_381 {dimension_numbers = #tpu.dot_dimension_numbers<[1], [0], [0], [1], [0, 0, 1, 1], [], []>, transpose_lhs_hint = false} : vector<256x128xf32>, vector<128x128xf32>, vector<256x128xf32> -> vector<256x128xf32>
    %add3A_383 = vector.broadcast %get3A_14 : vector<1x128xf32> to vector<256x128xf32>
    %add3A_384 = arith.addf %dot_general3A_382, %add3A_383 : vector<256x128xf32>
    %swap3A_385 = arith.constant 0 : index
    %swap3A_386 = arith.constant 0 : index
    %swap3A_387 = arith.constant 1920 : index
    %swap3A_388 = vector.load %arg7[%swap3A_385, %swap3A_386, %swap3A_387] : memref<1x256x2560xf32, #tpu.memory_space<vmem>>, vector<1x256x128xf32>
    %swap3A_389 = vector.shape_cast %swap3A_388 : vector<1x256x128xf32> to vector<256x128xf32>
    %swap3A_390 = vector.shape_cast %add3A_384 : vector<256x128xf32> to vector<1x256x128xf32>
    tpu.vector_store %arg7[%swap3A_385, %swap3A_386, %swap3A_387], %swap3A_390 {strides = array<i32>} : memref<1x256x2560xf32, #tpu.memory_space<vmem>>, vector<1x256x128xf32>,
    %get3A_391 = arith.constant 0 : index
    %get3A_392 = arith.constant 0 : index
    %get3A_393 = arith.constant 0 : index
    %get3A_394 = vector.load %arg4[%get3A_391, %get3A_392, %get3A_393] : memref<1x256x20xi32, #tpu.memory_space<vmem>>, vector<1x256x20xi32>
    %get3A_395 = vector.shape_cast %get3A_394 : vector<1x256x20xi32> to vector<256x20xi32>
    %slice3A_396 = vector.extract_strided_slice %get3A_395 {offsets = [0, 16], sizes = [256, 1], strides = [1, 1]} : vector<256x20xi32> to vector<256x1xi32>
    %eq3A_397 = vector.broadcast %slice3A_396 : vector<256x1xi32> to vector<256x2048xi32>
    %eq3A_398 = arith.cmpi eq, %iota3A, %eq3A_397 : vector<256x2048xi32>
    %convert_element_type3A_399 = arith.extui %eq3A_398 : vector<256x2048xi1> to vector<256x2048xi32>
    %convert_element_type3A_400 = arith.sitofp %convert_element_type3A_399 : vector<256x2048xi32> to vector<256x2048xf32>
    %dot_general3A_401 = arith.constant dense<0.000000e+00> : vector<256x64xf32>
    %dot_general3A_402 = tpu.matmul %convert_element_type3A_400, %get3A_3, %dot_general3A_401 {dimension_numbers = #tpu.dot_dimension_numbers<[1], [0], [0], [1], [0, 0, 1, 1], [], []>, precision = #tpu.contract_precision<fp32>, transpose_lhs_hint = false} : vector<256x2048xf32>, vector<2048x64xf32>, vector<256x64xf32> -> vector<256x64xf32>
    %sub3A_403 = arith.subf %dot_general3A_402, %get3A_8 : vector<256x64xf32>
    %concatenate3A_404 = tpu.concatenate %get3A_8, %sub3A_403 in 1 : vector<256x64xf32>, vector<256x64xf32> -> vector<256x128xf32>
    %dot_general3A_405 = arith.constant dense<0.000000e+00> : vector<256x128xf32>
    %dot_general3A_406 = tpu.matmul %concatenate3A_404, %get3A_11, %dot_general3A_405 {dimension_numbers = #tpu.dot_dimension_numbers<[1], [0], [0], [1], [0, 0, 1, 1], [], []>, transpose_lhs_hint = false} : vector<256x128xf32>, vector<128x128xf32>, vector<256x128xf32> -> vector<256x128xf32>
    %add3A_407 = vector.broadcast %get3A_14 : vector<1x128xf32> to vector<256x128xf32>
    %add3A_408 = arith.addf %dot_general3A_406, %add3A_407 : vector<256x128xf32>
    %swap3A_409 = arith.constant 0 : index
    %swap3A_410 = arith.constant 0 : index
    %swap3A_411 = arith.constant 2048 : index
    %swap3A_412 = vector.load %arg7[%swap3A_409, %swap3A_410, %swap3A_411] : memref<1x256x2560xf32, #tpu.memory_space<vmem>>, vector<1x256x128xf32>
    %swap3A_413 = vector.shape_cast %swap3A_412 : vector<1x256x128xf32> to vector<256x128xf32>
    %swap3A_414 = vector.shape_cast %add3A_408 : vector<256x128xf32> to vector<1x256x128xf32>
    tpu.vector_store %arg7[%swap3A_409, %swap3A_410, %swap3A_411], %swap3A_414 {strides = array<i32>} : memref<1x256x2560xf32, #tpu.memory_space<vmem>>, vector<1x256x128xf32>,
    %get3A_415 = arith.constant 0 : index
    %get3A_416 = arith.constant 0 : index
    %get3A_417 = arith.constant 0 : index
    %get3A_418 = vector.load %arg4[%get3A_415, %get3A_416, %get3A_417] : memref<1x256x20xi32, #tpu.memory_space<vmem>>, vector<1x256x20xi32>
    %get3A_419 = vector.shape_cast %get3A_418 : vector<1x256x20xi32> to vector<256x20xi32>
    %slice3A_420 = vector.extract_strided_slice %get3A_419 {offsets = [0, 17], sizes = [256, 1], strides = [1, 1]} : vector<256x20xi32> to vector<256x1xi32>
    %eq3A_421 = vector.broadcast %slice3A_420 : vector<256x1xi32> to vector<256x2048xi32>
    %eq3A_422 = arith.cmpi eq, %iota3A, %eq3A_421 : vector<256x2048xi32>
    %convert_element_type3A_423 = arith.extui %eq3A_422 : vector<256x2048xi1> to vector<256x2048xi32>
    %convert_element_type3A_424 = arith.sitofp %convert_element_type3A_423 : vector<256x2048xi32> to vector<256x2048xf32>
    %dot_general3A_425 = arith.constant dense<0.000000e+00> : vector<256x64xf32>
    %dot_general3A_426 = tpu.matmul %convert_element_type3A_424, %get3A_3, %dot_general3A_425 {dimension_numbers = #tpu.dot_dimension_numbers<[1], [0], [0], [1], [0, 0, 1, 1], [], []>, precision = #tpu.contract_precision<fp32>, transpose_lhs_hint = false} : vector<256x2048xf32>, vector<2048x64xf32>, vector<256x64xf32> -> vector<256x64xf32>
    %sub3A_427 = arith.subf %dot_general3A_426, %get3A_8 : vector<256x64xf32>
    %concatenate3A_428 = tpu.concatenate %get3A_8, %sub3A_427 in 1 : vector<256x64xf32>, vector<256x64xf32> -> vector<256x128xf32>
    %dot_general3A_429 = arith.constant dense<0.000000e+00> : vector<256x128xf32>
    %dot_general3A_430 = tpu.matmul %concatenate3A_428, %get3A_11, %dot_general3A_429 {dimension_numbers = #tpu.dot_dimension_numbers<[1], [0], [0], [1], [0, 0, 1, 1], [], []>, transpose_lhs_hint = false} : vector<256x128xf32>, vector<128x128xf32>, vector<256x128xf32> -> vector<256x128xf32>
    %add3A_431 = vector.broadcast %get3A_14 : vector<1x128xf32> to vector<256x128xf32>
    %add3A_432 = arith.addf %dot_general3A_430, %add3A_431 : vector<256x128xf32>
    %swap3A_433 = arith.constant 0 : index
    %swap3A_434 = arith.constant 0 : index
    %swap3A_435 = arith.constant 2176 : index
    %swap3A_436 = vector.load %arg7[%swap3A_433, %swap3A_434, %swap3A_435] : memref<1x256x2560xf32, #tpu.memory_space<vmem>>, vector<1x256x128xf32>
    %swap3A_437 = vector.shape_cast %swap3A_436 : vector<1x256x128xf32> to vector<256x128xf32>
    %swap3A_438 = vector.shape_cast %add3A_432 : vector<256x128xf32> to vector<1x256x128xf32>
    tpu.vector_store %arg7[%swap3A_433, %swap3A_434, %swap3A_435], %swap3A_438 {strides = array<i32>} : memref<1x256x2560xf32, #tpu.memory_space<vmem>>, vector<1x256x128xf32>,
    %get3A_439 = arith.constant 0 : index
    %get3A_440 = arith.constant 0 : index
    %get3A_441 = arith.constant 0 : index
    %get3A_442 = vector.load %arg4[%get3A_439, %get3A_440, %get3A_441] : memref<1x256x20xi32, #tpu.memory_space<vmem>>, vector<1x256x20xi32>
    %get3A_443 = vector.shape_cast %get3A_442 : vector<1x256x20xi32> to vector<256x20xi32>
    %slice3A_444 = vector.extract_strided_slice %get3A_443 {offsets = [0, 18], sizes = [256, 1], strides = [1, 1]} : vector<256x20xi32> to vector<256x1xi32>
    %eq3A_445 = vector.broadcast %slice3A_444 : vector<256x1xi32> to vector<256x2048xi32>
    %eq3A_446 = arith.cmpi eq, %iota3A, %eq3A_445 : vector<256x2048xi32>
    %convert_element_type3A_447 = arith.extui %eq3A_446 : vector<256x2048xi1> to vector<256x2048xi32>
    %convert_element_type3A_448 = arith.sitofp %convert_element_type3A_447 : vector<256x2048xi32> to vector<256x2048xf32>
    %dot_general3A_449 = arith.constant dense<0.000000e+00> : vector<256x64xf32>
    %dot_general3A_450 = tpu.matmul %convert_element_type3A_448, %get3A_3, %dot_general3A_449 {dimension_numbers = #tpu.dot_dimension_numbers<[1], [0], [0], [1], [0, 0, 1, 1], [], []>, precision = #tpu.contract_precision<fp32>, transpose_lhs_hint = false} : vector<256x2048xf32>, vector<2048x64xf32>, vector<256x64xf32> -> vector<256x64xf32>
    %sub3A_451 = arith.subf %dot_general3A_450, %get3A_8 : vector<256x64xf32>
    %concatenate3A_452 = tpu.concatenate %get3A_8, %sub3A_451 in 1 : vector<256x64xf32>, vector<256x64xf32> -> vector<256x128xf32>
    %dot_general3A_453 = arith.constant dense<0.000000e+00> : vector<256x128xf32>
    %dot_general3A_454 = tpu.matmul %concatenate3A_452, %get3A_11, %dot_general3A_453 {dimension_numbers = #tpu.dot_dimension_numbers<[1], [0], [0], [1], [0, 0, 1, 1], [], []>, transpose_lhs_hint = false} : vector<256x128xf32>, vector<128x128xf32>, vector<256x128xf32> -> vector<256x128xf32>
    %add3A_455 = vector.broadcast %get3A_14 : vector<1x128xf32> to vector<256x128xf32>
    %add3A_456 = arith.addf %dot_general3A_454, %add3A_455 : vector<256x128xf32>
    %swap3A_457 = arith.constant 0 : index
    %swap3A_458 = arith.constant 0 : index
    %swap3A_459 = arith.constant 2304 : index
    %swap3A_460 = vector.load %arg7[%swap3A_457, %swap3A_458, %swap3A_459] : memref<1x256x2560xf32, #tpu.memory_space<vmem>>, vector<1x256x128xf32>
    %swap3A_461 = vector.shape_cast %swap3A_460 : vector<1x256x128xf32> to vector<256x128xf32>
    %swap3A_462 = vector.shape_cast %add3A_456 : vector<256x128xf32> to vector<1x256x128xf32>
    tpu.vector_store %arg7[%swap3A_457, %swap3A_458, %swap3A_459], %swap3A_462 {strides = array<i32>} : memref<1x256x2560xf32, #tpu.memory_space<vmem>>, vector<1x256x128xf32>,
    %get3A_463 = arith.constant 0 : index
    %get3A_464 = arith.constant 0 : index
    %get3A_465 = arith.constant 0 : index
    %get3A_466 = vector.load %arg4[%get3A_463, %get3A_464, %get3A_465] : memref<1x256x20xi32, #tpu.memory_space<vmem>>, vector<1x256x20xi32>
    %get3A_467 = vector.shape_cast %get3A_466 : vector<1x256x20xi32> to vector<256x20xi32>
    %slice3A_468 = vector.extract_strided_slice %get3A_467 {offsets = [0, 19], sizes = [256, 1], strides = [1, 1]} : vector<256x20xi32> to vector<256x1xi32>
    %eq3A_469 = vector.broadcast %slice3A_468 : vector<256x1xi32> to vector<256x2048xi32>
    %eq3A_470 = arith.cmpi eq, %iota3A, %eq3A_469 : vector<256x2048xi32>
    %convert_element_type3A_471 = arith.extui %eq3A_470 : vector<256x2048xi1> to vector<256x2048xi32>
    %convert_element_type3A_472 = arith.sitofp %convert_element_type3A_471 : vector<256x2048xi32> to vector<256x2048xf32>
    %dot_general3A_473 = arith.constant dense<0.000000e+00> : vector<256x64xf32>
    %dot_general3A_474 = tpu.matmul %convert_element_type3A_472, %get3A_3, %dot_general3A_473 {dimension_numbers = #tpu.dot_dimension_numbers<[1], [0], [0], [1], [0, 0, 1, 1], [], []>, precision = #tpu.contract_precision<fp32>, transpose_lhs_hint = false} : vector<256x2048xf32>, vector<2048x64xf32>, vector<256x64xf32> -> vector<256x64xf32>
    %sub3A_475 = arith.subf %dot_general3A_474, %get3A_8 : vector<256x64xf32>
    %concatenate3A_476 = tpu.concatenate %get3A_8, %sub3A_475 in 1 : vector<256x64xf32>, vector<256x64xf32> -> vector<256x128xf32>
    %dot_general3A_477 = arith.constant dense<0.000000e+00> : vector<256x128xf32>
    %dot_general3A_478 = tpu.matmul %concatenate3A_476, %get3A_11, %dot_general3A_477 {dimension_numbers = #tpu.dot_dimension_numbers<[1], [0], [0], [1], [0, 0, 1, 1], [], []>, transpose_lhs_hint = false} : vector<256x128xf32>, vector<128x128xf32>, vector<256x128xf32> -> vector<256x128xf32>
    %add3A_479 = vector.broadcast %get3A_14 : vector<1x128xf32> to vector<256x128xf32>
    %add3A_480 = arith.addf %dot_general3A_478, %add3A_479 : vector<256x128xf32>
    %swap3A_481 = arith.constant 0 : index
    %swap3A_482 = arith.constant 0 : index
    %swap3A_483 = arith.constant 2432 : index
    %swap3A_484 = vector.load %arg7[%swap3A_481, %swap3A_482, %swap3A_483] : memref<1x256x2560xf32, #tpu.memory_space<vmem>>, vector<1x256x128xf32>
    %swap3A_485 = vector.shape_cast %swap3A_484 : vector<1x256x128xf32> to vector<256x128xf32>
    %swap3A_486 = vector.shape_cast %add3A_480 : vector<256x128xf32> to vector<1x256x128xf32>
    tpu.vector_store %arg7[%swap3A_481, %swap3A_482, %swap3A_483], %swap3A_486 {strides = array<i32>} : memref<1x256x2560xf32, #tpu.memory_space<vmem>>, vector<1x256x128xf32>,
    return
  }
  func.func @transform_0(%arg0: i32, %arg1: i32) -> (i32, i32, i32) {
    %c0_i32 = arith.constant 0 : i32
    %c0_i32_0 = arith.constant 0 : i32
    %c0_i32_1 = arith.constant 0 : i32
    return %arg0, %c0_i32, %c0_i32_0 : i32, i32, i32
  }
  func.func @transform_1(%arg0: i32, %arg1: i32) -> (i32, i32, i32) {
    %c0_i32 = arith.constant 0 : i32
    %c0_i32_0 = arith.constant 0 : i32
    return %arg0, %arg1, %c0_i32 : i32, i32, i32
  }
  func.func @transform_2(%arg0: i32, %arg1: i32) -> (i32, i32, i32) {
    %c0_i32 = arith.constant 0 : i32
    %c0_i32_0 = arith.constant 0 : i32
    return %arg0, %arg1, %c0_i32 : i32, i32, i32
  }
  func.func @transform_3(%arg0: i32, %arg1: i32) -> (i32, i32) {
    %c0_i32 = arith.constant 0 : i32
    %c0_i32_0 = arith.constant 0 : i32
    %c0_i32_1 = arith.constant 0 : i32
    return %c0_i32, %c0_i32_0 : i32, i32
  }
  func.func @transform_4(%arg0: i32, %arg1: i32) -> (i32, i32) {
    %c0_i32 = arith.constant 0 : i32
    %c0_i32_0 = arith.constant 0 : i32
    %c0_i32_1 = arith.constant 0 : i32
    return %c0_i32, %c0_i32_0 : i32, i32
  }
  func.func @transform_5(%arg0: i32, %arg1: i32) -> (i32, i32, i32) {
    %c0_i32 = arith.constant 0 : i32
    %c0_i32_0 = arith.constant 0 : i32
    return %arg0, %arg1, %c0_i32 : i32, i32, i32
  }
}

module attributes {stable_mosaic.version = 14 : i64} {
  func.func @_e2_body(%arg0: i32, %arg1: i32, %arg2: memref<1x256x2560xf32, #tpu.memory_space<vmem>>, %arg3: memref<1x128xf32, #tpu.memory_space<vmem>>, %arg4: memref<1x128xf32, #tpu.memory_space<vmem>>, %arg5: memref<1x128xf32, #tpu.memory_space<vmem>>, %arg6: memref<1x128xf32, #tpu.memory_space<vmem>>, %arg7: memref<128x128xf32, #tpu.memory_space<vmem>>, %arg8: memref<1x128xf32, #tpu.memory_space<vmem>>, %arg9: memref<256x128xf32, #tpu.memory_space<vmem>>, %arg10: memref<256x128xf32, #tpu.memory_space<vmem>>, %arg11: memref<1x256x2560xf32, #tpu.memory_space<vmem>>) attributes {dimension_semantics = [#tpu.dimension_semantics<arbitrary>, #tpu.dimension_semantics<arbitrary>], iteration_bounds = array<i64: 8, 8>, scalar_prefetch = 0 : i64, scratch_operands = 0 : i64, tpu.core_type = #tpu.core_type<tc>, window_params = [{transform_indices = @transform_0, window_bounds = array<i64: 1, 256, 2560>}, {pipeline_mode = #tpu.pipeline_mode<synchronous>, transform_indices = @transform_1, window_bounds = array<i64: 1, 128>}, {pipeline_mode = #tpu.pipeline_mode<synchronous>, transform_indices = @transform_2, window_bounds = array<i64: 1, 128>}, {pipeline_mode = #tpu.pipeline_mode<synchronous>, transform_indices = @transform_3, window_bounds = array<i64: 1, 128>}, {pipeline_mode = #tpu.pipeline_mode<synchronous>, transform_indices = @transform_4, window_bounds = array<i64: 1, 128>}, {pipeline_mode = #tpu.pipeline_mode<synchronous>, transform_indices = @transform_5, window_bounds = array<i64: 128, 128>}, {pipeline_mode = #tpu.pipeline_mode<synchronous>, transform_indices = @transform_6, window_bounds = array<i64: 1, 128>}, {transform_indices = @transform_7, window_bounds = array<i64: 256, 128>}, {transform_indices = @transform_8, window_bounds = array<i64: 256, 128>}, {transform_indices = @transform_9, window_bounds = array<i64: 1, 256, 2560>}]} {
    %get3A = arith.constant 0 : index
    %get3A_0 = arith.constant 0 : index
    %get3A_1 = vector.load %arg3[%get3A, %get3A_0] : memref<1x128xf32, #tpu.memory_space<vmem>>, vector<1x128xf32>
    %get3A_2 = arith.constant 0 : index
    %get3A_3 = arith.constant 0 : index
    %get3A_4 = vector.load %arg4[%get3A_2, %get3A_3] : memref<1x128xf32, #tpu.memory_space<vmem>>, vector<1x128xf32>
    %add3A = arith.constant 9.99999974E-6 : f32
    %add3A_5 = vector.broadcast %add3A : f32 to vector<1x128xf32>
    %add3A_6 = arith.addf %get3A_4, %add3A_5 : vector<1x128xf32>
    %sqrt3A = math.sqrt %add3A_6 : vector<1x128xf32>
    %get3A_7 = arith.constant 0 : index
    %get3A_8 = arith.constant 0 : index
    %get3A_9 = vector.load %arg5[%get3A_7, %get3A_8] : memref<1x128xf32, #tpu.memory_space<vmem>>, vector<1x128xf32>
    %get3A_10 = arith.constant 0 : index
    %get3A_11 = arith.constant 0 : index
    %get3A_12 = vector.load %arg6[%get3A_10, %get3A_11] : memref<1x128xf32, #tpu.memory_space<vmem>>, vector<1x128xf32>
    %get3A_13 = arith.constant 0 : index
    %get3A_14 = arith.constant 0 : index
    %get3A_15 = vector.load %arg7[%get3A_13, %get3A_14] : memref<128x128xf32, #tpu.memory_space<vmem>>, vector<128x128xf32>
    %get3A_16 = arith.constant 0 : index
    %get3A_17 = arith.constant 0 : index
    %get3A_18 = vector.load %arg8[%get3A_16, %get3A_17] : memref<1x128xf32, #tpu.memory_space<vmem>>, vector<1x128xf32>
    %broadcast_in_dim3A = arith.constant 0xFF800000 : f32
    %broadcast_in_dim3A_19 = vector.broadcast %broadcast_in_dim3A : f32 to vector<256x128xf32>
    %broadcast_in_dim3A_20 = arith.constant 0x7F800000 : f32
    %broadcast_in_dim3A_21 = vector.broadcast %broadcast_in_dim3A_20 : f32 to vector<256x128xf32>
    %get3A_22 = arith.constant 0 : index
    %get3A_23 = arith.constant 0 : index
    %get3A_24 = arith.constant 0 : index
    %get3A_25 = vector.load %arg2[%get3A_22, %get3A_23, %get3A_24] : memref<1x256x2560xf32, #tpu.memory_space<vmem>>, vector<1x256x128xf32>
    %get3A_26 = vector.shape_cast %get3A_25 : vector<1x256x128xf32> to vector<256x128xf32>
    %sub3A = vector.broadcast %get3A_1 : vector<1x128xf32> to vector<256x128xf32>
    %sub3A_27 = arith.subf %get3A_26, %sub3A : vector<256x128xf32>
    %div3A = vector.broadcast %sqrt3A : vector<1x128xf32> to vector<256x128xf32>
    %div3A_28 = arith.divf %sub3A_27, %div3A : vector<256x128xf32>
    %mul3A = vector.broadcast %get3A_9 : vector<1x128xf32> to vector<256x128xf32>
    %mul3A_29 = arith.mulf %div3A_28, %mul3A : vector<256x128xf32>
    %add3A_30 = vector.broadcast %get3A_12 : vector<1x128xf32> to vector<256x128xf32>
    %add3A_31 = arith.addf %mul3A_29, %add3A_30 : vector<256x128xf32>
    %max3A = arith.constant 0.000000e+00 : f32
    %max3A_32 = vector.broadcast %max3A : f32 to vector<256x128xf32>
    %max3A_33 = arith.maximumf %add3A_31, %max3A_32 : vector<256x128xf32>
    %dot_general3A = arith.constant dense<0.000000e+00> : vector<256x128xf32>
    %dot_general3A_34 = tpu.matmul %max3A_33, %get3A_15, %dot_general3A {dimension_numbers = #tpu.dot_dimension_numbers<[1], [0], [0], [1], [0, 0, 1, 1], [], []>, transpose_lhs_hint = false} : vector<256x128xf32>, vector<128x128xf32>, vector<256x128xf32> -> vector<256x128xf32>
    %add3A_35 = vector.broadcast %get3A_18 : vector<1x128xf32> to vector<256x128xf32>
    %add3A_36 = arith.addf %dot_general3A_34, %add3A_35 : vector<256x128xf32>
    %max3A_37 = arith.maximumf %broadcast_in_dim3A_19, %add3A_36 : vector<256x128xf32>
    %min3A = arith.minimumf %broadcast_in_dim3A_21, %add3A_36 : vector<256x128xf32>
    %swap3A = arith.constant 0 : index
    %swap3A_38 = arith.constant 0 : index
    %swap3A_39 = arith.constant 0 : index
    %swap3A_40 = vector.load %arg11[%swap3A, %swap3A_38, %swap3A_39] : memref<1x256x2560xf32, #tpu.memory_space<vmem>>, vector<1x256x128xf32>
    %swap3A_41 = vector.shape_cast %swap3A_40 : vector<1x256x128xf32> to vector<256x128xf32>
    %swap3A_42 = vector.shape_cast %add3A_36 : vector<256x128xf32> to vector<1x256x128xf32>
    tpu.vector_store %arg11[%swap3A, %swap3A_38, %swap3A_39], %swap3A_42 {strides = array<i32>} : memref<1x256x2560xf32, #tpu.memory_space<vmem>>, vector<1x256x128xf32>,
    %get3A_43 = arith.constant 0 : index
    %get3A_44 = arith.constant 0 : index
    %get3A_45 = arith.constant 128 : index
    %get3A_46 = vector.load %arg2[%get3A_43, %get3A_44, %get3A_45] : memref<1x256x2560xf32, #tpu.memory_space<vmem>>, vector<1x256x128xf32>
    %get3A_47 = vector.shape_cast %get3A_46 : vector<1x256x128xf32> to vector<256x128xf32>
    %sub3A_48 = vector.broadcast %get3A_1 : vector<1x128xf32> to vector<256x128xf32>
    %sub3A_49 = arith.subf %get3A_47, %sub3A_48 : vector<256x128xf32>
    %div3A_50 = vector.broadcast %sqrt3A : vector<1x128xf32> to vector<256x128xf32>
    %div3A_51 = arith.divf %sub3A_49, %div3A_50 : vector<256x128xf32>
    %mul3A_52 = vector.broadcast %get3A_9 : vector<1x128xf32> to vector<256x128xf32>
    %mul3A_53 = arith.mulf %div3A_51, %mul3A_52 : vector<256x128xf32>
    %add3A_54 = vector.broadcast %get3A_12 : vector<1x128xf32> to vector<256x128xf32>
    %add3A_55 = arith.addf %mul3A_53, %add3A_54 : vector<256x128xf32>
    %max3A_56 = arith.constant 0.000000e+00 : f32
    %max3A_57 = vector.broadcast %max3A_56 : f32 to vector<256x128xf32>
    %max3A_58 = arith.maximumf %add3A_55, %max3A_57 : vector<256x128xf32>
    %dot_general3A_59 = arith.constant dense<0.000000e+00> : vector<256x128xf32>
    %dot_general3A_60 = tpu.matmul %max3A_58, %get3A_15, %dot_general3A_59 {dimension_numbers = #tpu.dot_dimension_numbers<[1], [0], [0], [1], [0, 0, 1, 1], [], []>, transpose_lhs_hint = false} : vector<256x128xf32>, vector<128x128xf32>, vector<256x128xf32> -> vector<256x128xf32>
    %add3A_61 = vector.broadcast %get3A_18 : vector<1x128xf32> to vector<256x128xf32>
    %add3A_62 = arith.addf %dot_general3A_60, %add3A_61 : vector<256x128xf32>
    %max3A_63 = arith.maximumf %max3A_37, %add3A_62 : vector<256x128xf32>
    %min3A_64 = arith.minimumf %min3A, %add3A_62 : vector<256x128xf32>
    %swap3A_65 = arith.constant 0 : index
    %swap3A_66 = arith.constant 0 : index
    %swap3A_67 = arith.constant 128 : index
    %swap3A_68 = vector.load %arg11[%swap3A_65, %swap3A_66, %swap3A_67] : memref<1x256x2560xf32, #tpu.memory_space<vmem>>, vector<1x256x128xf32>
    %swap3A_69 = vector.shape_cast %swap3A_68 : vector<1x256x128xf32> to vector<256x128xf32>
    %swap3A_70 = vector.shape_cast %add3A_62 : vector<256x128xf32> to vector<1x256x128xf32>
    tpu.vector_store %arg11[%swap3A_65, %swap3A_66, %swap3A_67], %swap3A_70 {strides = array<i32>} : memref<1x256x2560xf32, #tpu.memory_space<vmem>>, vector<1x256x128xf32>,
    %get3A_71 = arith.constant 0 : index
    %get3A_72 = arith.constant 0 : index
    %get3A_73 = arith.constant 256 : index
    %get3A_74 = vector.load %arg2[%get3A_71, %get3A_72, %get3A_73] : memref<1x256x2560xf32, #tpu.memory_space<vmem>>, vector<1x256x128xf32>
    %get3A_75 = vector.shape_cast %get3A_74 : vector<1x256x128xf32> to vector<256x128xf32>
    %sub3A_76 = vector.broadcast %get3A_1 : vector<1x128xf32> to vector<256x128xf32>
    %sub3A_77 = arith.subf %get3A_75, %sub3A_76 : vector<256x128xf32>
    %div3A_78 = vector.broadcast %sqrt3A : vector<1x128xf32> to vector<256x128xf32>
    %div3A_79 = arith.divf %sub3A_77, %div3A_78 : vector<256x128xf32>
    %mul3A_80 = vector.broadcast %get3A_9 : vector<1x128xf32> to vector<256x128xf32>
    %mul3A_81 = arith.mulf %div3A_79, %mul3A_80 : vector<256x128xf32>
    %add3A_82 = vector.broadcast %get3A_12 : vector<1x128xf32> to vector<256x128xf32>
    %add3A_83 = arith.addf %mul3A_81, %add3A_82 : vector<256x128xf32>
    %max3A_84 = arith.constant 0.000000e+00 : f32
    %max3A_85 = vector.broadcast %max3A_84 : f32 to vector<256x128xf32>
    %max3A_86 = arith.maximumf %add3A_83, %max3A_85 : vector<256x128xf32>
    %dot_general3A_87 = arith.constant dense<0.000000e+00> : vector<256x128xf32>
    %dot_general3A_88 = tpu.matmul %max3A_86, %get3A_15, %dot_general3A_87 {dimension_numbers = #tpu.dot_dimension_numbers<[1], [0], [0], [1], [0, 0, 1, 1], [], []>, transpose_lhs_hint = false} : vector<256x128xf32>, vector<128x128xf32>, vector<256x128xf32> -> vector<256x128xf32>
    %add3A_89 = vector.broadcast %get3A_18 : vector<1x128xf32> to vector<256x128xf32>
    %add3A_90 = arith.addf %dot_general3A_88, %add3A_89 : vector<256x128xf32>
    %max3A_91 = arith.maximumf %max3A_63, %add3A_90 : vector<256x128xf32>
    %min3A_92 = arith.minimumf %min3A_64, %add3A_90 : vector<256x128xf32>
    %swap3A_93 = arith.constant 0 : index
    %swap3A_94 = arith.constant 0 : index
    %swap3A_95 = arith.constant 256 : index
    %swap3A_96 = vector.load %arg11[%swap3A_93, %swap3A_94, %swap3A_95] : memref<1x256x2560xf32, #tpu.memory_space<vmem>>, vector<1x256x128xf32>
    %swap3A_97 = vector.shape_cast %swap3A_96 : vector<1x256x128xf32> to vector<256x128xf32>
    %swap3A_98 = vector.shape_cast %add3A_90 : vector<256x128xf32> to vector<1x256x128xf32>
    tpu.vector_store %arg11[%swap3A_93, %swap3A_94, %swap3A_95], %swap3A_98 {strides = array<i32>} : memref<1x256x2560xf32, #tpu.memory_space<vmem>>, vector<1x256x128xf32>,
    %get3A_99 = arith.constant 0 : index
    %get3A_100 = arith.constant 0 : index
    %get3A_101 = arith.constant 384 : index
    %get3A_102 = vector.load %arg2[%get3A_99, %get3A_100, %get3A_101] : memref<1x256x2560xf32, #tpu.memory_space<vmem>>, vector<1x256x128xf32>
    %get3A_103 = vector.shape_cast %get3A_102 : vector<1x256x128xf32> to vector<256x128xf32>
    %sub3A_104 = vector.broadcast %get3A_1 : vector<1x128xf32> to vector<256x128xf32>
    %sub3A_105 = arith.subf %get3A_103, %sub3A_104 : vector<256x128xf32>
    %div3A_106 = vector.broadcast %sqrt3A : vector<1x128xf32> to vector<256x128xf32>
    %div3A_107 = arith.divf %sub3A_105, %div3A_106 : vector<256x128xf32>
    %mul3A_108 = vector.broadcast %get3A_9 : vector<1x128xf32> to vector<256x128xf32>
    %mul3A_109 = arith.mulf %div3A_107, %mul3A_108 : vector<256x128xf32>
    %add3A_110 = vector.broadcast %get3A_12 : vector<1x128xf32> to vector<256x128xf32>
    %add3A_111 = arith.addf %mul3A_109, %add3A_110 : vector<256x128xf32>
    %max3A_112 = arith.constant 0.000000e+00 : f32
    %max3A_113 = vector.broadcast %max3A_112 : f32 to vector<256x128xf32>
    %max3A_114 = arith.maximumf %add3A_111, %max3A_113 : vector<256x128xf32>
    %dot_general3A_115 = arith.constant dense<0.000000e+00> : vector<256x128xf32>
    %dot_general3A_116 = tpu.matmul %max3A_114, %get3A_15, %dot_general3A_115 {dimension_numbers = #tpu.dot_dimension_numbers<[1], [0], [0], [1], [0, 0, 1, 1], [], []>, transpose_lhs_hint = false} : vector<256x128xf32>, vector<128x128xf32>, vector<256x128xf32> -> vector<256x128xf32>
    %add3A_117 = vector.broadcast %get3A_18 : vector<1x128xf32> to vector<256x128xf32>
    %add3A_118 = arith.addf %dot_general3A_116, %add3A_117 : vector<256x128xf32>
    %max3A_119 = arith.maximumf %max3A_91, %add3A_118 : vector<256x128xf32>
    %min3A_120 = arith.minimumf %min3A_92, %add3A_118 : vector<256x128xf32>
    %swap3A_121 = arith.constant 0 : index
    %swap3A_122 = arith.constant 0 : index
    %swap3A_123 = arith.constant 384 : index
    %swap3A_124 = vector.load %arg11[%swap3A_121, %swap3A_122, %swap3A_123] : memref<1x256x2560xf32, #tpu.memory_space<vmem>>, vector<1x256x128xf32>
    %swap3A_125 = vector.shape_cast %swap3A_124 : vector<1x256x128xf32> to vector<256x128xf32>
    %swap3A_126 = vector.shape_cast %add3A_118 : vector<256x128xf32> to vector<1x256x128xf32>
    tpu.vector_store %arg11[%swap3A_121, %swap3A_122, %swap3A_123], %swap3A_126 {strides = array<i32>} : memref<1x256x2560xf32, #tpu.memory_space<vmem>>, vector<1x256x128xf32>,
    %get3A_127 = arith.constant 0 : index
    %get3A_128 = arith.constant 0 : index
    %get3A_129 = arith.constant 512 : index
    %get3A_130 = vector.load %arg2[%get3A_127, %get3A_128, %get3A_129] : memref<1x256x2560xf32, #tpu.memory_space<vmem>>, vector<1x256x128xf32>
    %get3A_131 = vector.shape_cast %get3A_130 : vector<1x256x128xf32> to vector<256x128xf32>
    %sub3A_132 = vector.broadcast %get3A_1 : vector<1x128xf32> to vector<256x128xf32>
    %sub3A_133 = arith.subf %get3A_131, %sub3A_132 : vector<256x128xf32>
    %div3A_134 = vector.broadcast %sqrt3A : vector<1x128xf32> to vector<256x128xf32>
    %div3A_135 = arith.divf %sub3A_133, %div3A_134 : vector<256x128xf32>
    %mul3A_136 = vector.broadcast %get3A_9 : vector<1x128xf32> to vector<256x128xf32>
    %mul3A_137 = arith.mulf %div3A_135, %mul3A_136 : vector<256x128xf32>
    %add3A_138 = vector.broadcast %get3A_12 : vector<1x128xf32> to vector<256x128xf32>
    %add3A_139 = arith.addf %mul3A_137, %add3A_138 : vector<256x128xf32>
    %max3A_140 = arith.constant 0.000000e+00 : f32
    %max3A_141 = vector.broadcast %max3A_140 : f32 to vector<256x128xf32>
    %max3A_142 = arith.maximumf %add3A_139, %max3A_141 : vector<256x128xf32>
    %dot_general3A_143 = arith.constant dense<0.000000e+00> : vector<256x128xf32>
    %dot_general3A_144 = tpu.matmul %max3A_142, %get3A_15, %dot_general3A_143 {dimension_numbers = #tpu.dot_dimension_numbers<[1], [0], [0], [1], [0, 0, 1, 1], [], []>, transpose_lhs_hint = false} : vector<256x128xf32>, vector<128x128xf32>, vector<256x128xf32> -> vector<256x128xf32>
    %add3A_145 = vector.broadcast %get3A_18 : vector<1x128xf32> to vector<256x128xf32>
    %add3A_146 = arith.addf %dot_general3A_144, %add3A_145 : vector<256x128xf32>
    %max3A_147 = arith.maximumf %max3A_119, %add3A_146 : vector<256x128xf32>
    %min3A_148 = arith.minimumf %min3A_120, %add3A_146 : vector<256x128xf32>
    %swap3A_149 = arith.constant 0 : index
    %swap3A_150 = arith.constant 0 : index
    %swap3A_151 = arith.constant 512 : index
    %swap3A_152 = vector.load %arg11[%swap3A_149, %swap3A_150, %swap3A_151] : memref<1x256x2560xf32, #tpu.memory_space<vmem>>, vector<1x256x128xf32>
    %swap3A_153 = vector.shape_cast %swap3A_152 : vector<1x256x128xf32> to vector<256x128xf32>
    %swap3A_154 = vector.shape_cast %add3A_146 : vector<256x128xf32> to vector<1x256x128xf32>
    tpu.vector_store %arg11[%swap3A_149, %swap3A_150, %swap3A_151], %swap3A_154 {strides = array<i32>} : memref<1x256x2560xf32, #tpu.memory_space<vmem>>, vector<1x256x128xf32>,
    %get3A_155 = arith.constant 0 : index
    %get3A_156 = arith.constant 0 : index
    %get3A_157 = arith.constant 640 : index
    %get3A_158 = vector.load %arg2[%get3A_155, %get3A_156, %get3A_157] : memref<1x256x2560xf32, #tpu.memory_space<vmem>>, vector<1x256x128xf32>
    %get3A_159 = vector.shape_cast %get3A_158 : vector<1x256x128xf32> to vector<256x128xf32>
    %sub3A_160 = vector.broadcast %get3A_1 : vector<1x128xf32> to vector<256x128xf32>
    %sub3A_161 = arith.subf %get3A_159, %sub3A_160 : vector<256x128xf32>
    %div3A_162 = vector.broadcast %sqrt3A : vector<1x128xf32> to vector<256x128xf32>
    %div3A_163 = arith.divf %sub3A_161, %div3A_162 : vector<256x128xf32>
    %mul3A_164 = vector.broadcast %get3A_9 : vector<1x128xf32> to vector<256x128xf32>
    %mul3A_165 = arith.mulf %div3A_163, %mul3A_164 : vector<256x128xf32>
    %add3A_166 = vector.broadcast %get3A_12 : vector<1x128xf32> to vector<256x128xf32>
    %add3A_167 = arith.addf %mul3A_165, %add3A_166 : vector<256x128xf32>
    %max3A_168 = arith.constant 0.000000e+00 : f32
    %max3A_169 = vector.broadcast %max3A_168 : f32 to vector<256x128xf32>
    %max3A_170 = arith.maximumf %add3A_167, %max3A_169 : vector<256x128xf32>
    %dot_general3A_171 = arith.constant dense<0.000000e+00> : vector<256x128xf32>
    %dot_general3A_172 = tpu.matmul %max3A_170, %get3A_15, %dot_general3A_171 {dimension_numbers = #tpu.dot_dimension_numbers<[1], [0], [0], [1], [0, 0, 1, 1], [], []>, transpose_lhs_hint = false} : vector<256x128xf32>, vector<128x128xf32>, vector<256x128xf32> -> vector<256x128xf32>
    %add3A_173 = vector.broadcast %get3A_18 : vector<1x128xf32> to vector<256x128xf32>
    %add3A_174 = arith.addf %dot_general3A_172, %add3A_173 : vector<256x128xf32>
    %max3A_175 = arith.maximumf %max3A_147, %add3A_174 : vector<256x128xf32>
    %min3A_176 = arith.minimumf %min3A_148, %add3A_174 : vector<256x128xf32>
    %swap3A_177 = arith.constant 0 : index
    %swap3A_178 = arith.constant 0 : index
    %swap3A_179 = arith.constant 640 : index
    %swap3A_180 = vector.load %arg11[%swap3A_177, %swap3A_178, %swap3A_179] : memref<1x256x2560xf32, #tpu.memory_space<vmem>>, vector<1x256x128xf32>
    %swap3A_181 = vector.shape_cast %swap3A_180 : vector<1x256x128xf32> to vector<256x128xf32>
    %swap3A_182 = vector.shape_cast %add3A_174 : vector<256x128xf32> to vector<1x256x128xf32>
    tpu.vector_store %arg11[%swap3A_177, %swap3A_178, %swap3A_179], %swap3A_182 {strides = array<i32>} : memref<1x256x2560xf32, #tpu.memory_space<vmem>>, vector<1x256x128xf32>,
    %get3A_183 = arith.constant 0 : index
    %get3A_184 = arith.constant 0 : index
    %get3A_185 = arith.constant 768 : index
    %get3A_186 = vector.load %arg2[%get3A_183, %get3A_184, %get3A_185] : memref<1x256x2560xf32, #tpu.memory_space<vmem>>, vector<1x256x128xf32>
    %get3A_187 = vector.shape_cast %get3A_186 : vector<1x256x128xf32> to vector<256x128xf32>
    %sub3A_188 = vector.broadcast %get3A_1 : vector<1x128xf32> to vector<256x128xf32>
    %sub3A_189 = arith.subf %get3A_187, %sub3A_188 : vector<256x128xf32>
    %div3A_190 = vector.broadcast %sqrt3A : vector<1x128xf32> to vector<256x128xf32>
    %div3A_191 = arith.divf %sub3A_189, %div3A_190 : vector<256x128xf32>
    %mul3A_192 = vector.broadcast %get3A_9 : vector<1x128xf32> to vector<256x128xf32>
    %mul3A_193 = arith.mulf %div3A_191, %mul3A_192 : vector<256x128xf32>
    %add3A_194 = vector.broadcast %get3A_12 : vector<1x128xf32> to vector<256x128xf32>
    %add3A_195 = arith.addf %mul3A_193, %add3A_194 : vector<256x128xf32>
    %max3A_196 = arith.constant 0.000000e+00 : f32
    %max3A_197 = vector.broadcast %max3A_196 : f32 to vector<256x128xf32>
    %max3A_198 = arith.maximumf %add3A_195, %max3A_197 : vector<256x128xf32>
    %dot_general3A_199 = arith.constant dense<0.000000e+00> : vector<256x128xf32>
    %dot_general3A_200 = tpu.matmul %max3A_198, %get3A_15, %dot_general3A_199 {dimension_numbers = #tpu.dot_dimension_numbers<[1], [0], [0], [1], [0, 0, 1, 1], [], []>, transpose_lhs_hint = false} : vector<256x128xf32>, vector<128x128xf32>, vector<256x128xf32> -> vector<256x128xf32>
    %add3A_201 = vector.broadcast %get3A_18 : vector<1x128xf32> to vector<256x128xf32>
    %add3A_202 = arith.addf %dot_general3A_200, %add3A_201 : vector<256x128xf32>
    %max3A_203 = arith.maximumf %max3A_175, %add3A_202 : vector<256x128xf32>
    %min3A_204 = arith.minimumf %min3A_176, %add3A_202 : vector<256x128xf32>
    %swap3A_205 = arith.constant 0 : index
    %swap3A_206 = arith.constant 0 : index
    %swap3A_207 = arith.constant 768 : index
    %swap3A_208 = vector.load %arg11[%swap3A_205, %swap3A_206, %swap3A_207] : memref<1x256x2560xf32, #tpu.memory_space<vmem>>, vector<1x256x128xf32>
    %swap3A_209 = vector.shape_cast %swap3A_208 : vector<1x256x128xf32> to vector<256x128xf32>
    %swap3A_210 = vector.shape_cast %add3A_202 : vector<256x128xf32> to vector<1x256x128xf32>
    tpu.vector_store %arg11[%swap3A_205, %swap3A_206, %swap3A_207], %swap3A_210 {strides = array<i32>} : memref<1x256x2560xf32, #tpu.memory_space<vmem>>, vector<1x256x128xf32>,
    %get3A_211 = arith.constant 0 : index
    %get3A_212 = arith.constant 0 : index
    %get3A_213 = arith.constant 896 : index
    %get3A_214 = vector.load %arg2[%get3A_211, %get3A_212, %get3A_213] : memref<1x256x2560xf32, #tpu.memory_space<vmem>>, vector<1x256x128xf32>
    %get3A_215 = vector.shape_cast %get3A_214 : vector<1x256x128xf32> to vector<256x128xf32>
    %sub3A_216 = vector.broadcast %get3A_1 : vector<1x128xf32> to vector<256x128xf32>
    %sub3A_217 = arith.subf %get3A_215, %sub3A_216 : vector<256x128xf32>
    %div3A_218 = vector.broadcast %sqrt3A : vector<1x128xf32> to vector<256x128xf32>
    %div3A_219 = arith.divf %sub3A_217, %div3A_218 : vector<256x128xf32>
    %mul3A_220 = vector.broadcast %get3A_9 : vector<1x128xf32> to vector<256x128xf32>
    %mul3A_221 = arith.mulf %div3A_219, %mul3A_220 : vector<256x128xf32>
    %add3A_222 = vector.broadcast %get3A_12 : vector<1x128xf32> to vector<256x128xf32>
    %add3A_223 = arith.addf %mul3A_221, %add3A_222 : vector<256x128xf32>
    %max3A_224 = arith.constant 0.000000e+00 : f32
    %max3A_225 = vector.broadcast %max3A_224 : f32 to vector<256x128xf32>
    %max3A_226 = arith.maximumf %add3A_223, %max3A_225 : vector<256x128xf32>
    %dot_general3A_227 = arith.constant dense<0.000000e+00> : vector<256x128xf32>
    %dot_general3A_228 = tpu.matmul %max3A_226, %get3A_15, %dot_general3A_227 {dimension_numbers = #tpu.dot_dimension_numbers<[1], [0], [0], [1], [0, 0, 1, 1], [], []>, transpose_lhs_hint = false} : vector<256x128xf32>, vector<128x128xf32>, vector<256x128xf32> -> vector<256x128xf32>
    %add3A_229 = vector.broadcast %get3A_18 : vector<1x128xf32> to vector<256x128xf32>
    %add3A_230 = arith.addf %dot_general3A_228, %add3A_229 : vector<256x128xf32>
    %max3A_231 = arith.maximumf %max3A_203, %add3A_230 : vector<256x128xf32>
    %min3A_232 = arith.minimumf %min3A_204, %add3A_230 : vector<256x128xf32>
    %swap3A_233 = arith.constant 0 : index
    %swap3A_234 = arith.constant 0 : index
    %swap3A_235 = arith.constant 896 : index
    %swap3A_236 = vector.load %arg11[%swap3A_233, %swap3A_234, %swap3A_235] : memref<1x256x2560xf32, #tpu.memory_space<vmem>>, vector<1x256x128xf32>
    %swap3A_237 = vector.shape_cast %swap3A_236 : vector<1x256x128xf32> to vector<256x128xf32>
    %swap3A_238 = vector.shape_cast %add3A_230 : vector<256x128xf32> to vector<1x256x128xf32>
    tpu.vector_store %arg11[%swap3A_233, %swap3A_234, %swap3A_235], %swap3A_238 {strides = array<i32>} : memref<1x256x2560xf32, #tpu.memory_space<vmem>>, vector<1x256x128xf32>,
    %get3A_239 = arith.constant 0 : index
    %get3A_240 = arith.constant 0 : index
    %get3A_241 = arith.constant 1024 : index
    %get3A_242 = vector.load %arg2[%get3A_239, %get3A_240, %get3A_241] : memref<1x256x2560xf32, #tpu.memory_space<vmem>>, vector<1x256x128xf32>
    %get3A_243 = vector.shape_cast %get3A_242 : vector<1x256x128xf32> to vector<256x128xf32>
    %sub3A_244 = vector.broadcast %get3A_1 : vector<1x128xf32> to vector<256x128xf32>
    %sub3A_245 = arith.subf %get3A_243, %sub3A_244 : vector<256x128xf32>
    %div3A_246 = vector.broadcast %sqrt3A : vector<1x128xf32> to vector<256x128xf32>
    %div3A_247 = arith.divf %sub3A_245, %div3A_246 : vector<256x128xf32>
    %mul3A_248 = vector.broadcast %get3A_9 : vector<1x128xf32> to vector<256x128xf32>
    %mul3A_249 = arith.mulf %div3A_247, %mul3A_248 : vector<256x128xf32>
    %add3A_250 = vector.broadcast %get3A_12 : vector<1x128xf32> to vector<256x128xf32>
    %add3A_251 = arith.addf %mul3A_249, %add3A_250 : vector<256x128xf32>
    %max3A_252 = arith.constant 0.000000e+00 : f32
    %max3A_253 = vector.broadcast %max3A_252 : f32 to vector<256x128xf32>
    %max3A_254 = arith.maximumf %add3A_251, %max3A_253 : vector<256x128xf32>
    %dot_general3A_255 = arith.constant dense<0.000000e+00> : vector<256x128xf32>
    %dot_general3A_256 = tpu.matmul %max3A_254, %get3A_15, %dot_general3A_255 {dimension_numbers = #tpu.dot_dimension_numbers<[1], [0], [0], [1], [0, 0, 1, 1], [], []>, transpose_lhs_hint = false} : vector<256x128xf32>, vector<128x128xf32>, vector<256x128xf32> -> vector<256x128xf32>
    %add3A_257 = vector.broadcast %get3A_18 : vector<1x128xf32> to vector<256x128xf32>
    %add3A_258 = arith.addf %dot_general3A_256, %add3A_257 : vector<256x128xf32>
    %max3A_259 = arith.maximumf %max3A_231, %add3A_258 : vector<256x128xf32>
    %min3A_260 = arith.minimumf %min3A_232, %add3A_258 : vector<256x128xf32>
    %swap3A_261 = arith.constant 0 : index
    %swap3A_262 = arith.constant 0 : index
    %swap3A_263 = arith.constant 1024 : index
    %swap3A_264 = vector.load %arg11[%swap3A_261, %swap3A_262, %swap3A_263] : memref<1x256x2560xf32, #tpu.memory_space<vmem>>, vector<1x256x128xf32>
    %swap3A_265 = vector.shape_cast %swap3A_264 : vector<1x256x128xf32> to vector<256x128xf32>
    %swap3A_266 = vector.shape_cast %add3A_258 : vector<256x128xf32> to vector<1x256x128xf32>
    tpu.vector_store %arg11[%swap3A_261, %swap3A_262, %swap3A_263], %swap3A_266 {strides = array<i32>} : memref<1x256x2560xf32, #tpu.memory_space<vmem>>, vector<1x256x128xf32>,
    %get3A_267 = arith.constant 0 : index
    %get3A_268 = arith.constant 0 : index
    %get3A_269 = arith.constant 1152 : index
    %get3A_270 = vector.load %arg2[%get3A_267, %get3A_268, %get3A_269] : memref<1x256x2560xf32, #tpu.memory_space<vmem>>, vector<1x256x128xf32>
    %get3A_271 = vector.shape_cast %get3A_270 : vector<1x256x128xf32> to vector<256x128xf32>
    %sub3A_272 = vector.broadcast %get3A_1 : vector<1x128xf32> to vector<256x128xf32>
    %sub3A_273 = arith.subf %get3A_271, %sub3A_272 : vector<256x128xf32>
    %div3A_274 = vector.broadcast %sqrt3A : vector<1x128xf32> to vector<256x128xf32>
    %div3A_275 = arith.divf %sub3A_273, %div3A_274 : vector<256x128xf32>
    %mul3A_276 = vector.broadcast %get3A_9 : vector<1x128xf32> to vector<256x128xf32>
    %mul3A_277 = arith.mulf %div3A_275, %mul3A_276 : vector<256x128xf32>
    %add3A_278 = vector.broadcast %get3A_12 : vector<1x128xf32> to vector<256x128xf32>
    %add3A_279 = arith.addf %mul3A_277, %add3A_278 : vector<256x128xf32>
    %max3A_280 = arith.constant 0.000000e+00 : f32
    %max3A_281 = vector.broadcast %max3A_280 : f32 to vector<256x128xf32>
    %max3A_282 = arith.maximumf %add3A_279, %max3A_281 : vector<256x128xf32>
    %dot_general3A_283 = arith.constant dense<0.000000e+00> : vector<256x128xf32>
    %dot_general3A_284 = tpu.matmul %max3A_282, %get3A_15, %dot_general3A_283 {dimension_numbers = #tpu.dot_dimension_numbers<[1], [0], [0], [1], [0, 0, 1, 1], [], []>, transpose_lhs_hint = false} : vector<256x128xf32>, vector<128x128xf32>, vector<256x128xf32> -> vector<256x128xf32>
    %add3A_285 = vector.broadcast %get3A_18 : vector<1x128xf32> to vector<256x128xf32>
    %add3A_286 = arith.addf %dot_general3A_284, %add3A_285 : vector<256x128xf32>
    %max3A_287 = arith.maximumf %max3A_259, %add3A_286 : vector<256x128xf32>
    %min3A_288 = arith.minimumf %min3A_260, %add3A_286 : vector<256x128xf32>
    %swap3A_289 = arith.constant 0 : index
    %swap3A_290 = arith.constant 0 : index
    %swap3A_291 = arith.constant 1152 : index
    %swap3A_292 = vector.load %arg11[%swap3A_289, %swap3A_290, %swap3A_291] : memref<1x256x2560xf32, #tpu.memory_space<vmem>>, vector<1x256x128xf32>
    %swap3A_293 = vector.shape_cast %swap3A_292 : vector<1x256x128xf32> to vector<256x128xf32>
    %swap3A_294 = vector.shape_cast %add3A_286 : vector<256x128xf32> to vector<1x256x128xf32>
    tpu.vector_store %arg11[%swap3A_289, %swap3A_290, %swap3A_291], %swap3A_294 {strides = array<i32>} : memref<1x256x2560xf32, #tpu.memory_space<vmem>>, vector<1x256x128xf32>,
    %get3A_295 = arith.constant 0 : index
    %get3A_296 = arith.constant 0 : index
    %get3A_297 = arith.constant 1280 : index
    %get3A_298 = vector.load %arg2[%get3A_295, %get3A_296, %get3A_297] : memref<1x256x2560xf32, #tpu.memory_space<vmem>>, vector<1x256x128xf32>
    %get3A_299 = vector.shape_cast %get3A_298 : vector<1x256x128xf32> to vector<256x128xf32>
    %sub3A_300 = vector.broadcast %get3A_1 : vector<1x128xf32> to vector<256x128xf32>
    %sub3A_301 = arith.subf %get3A_299, %sub3A_300 : vector<256x128xf32>
    %div3A_302 = vector.broadcast %sqrt3A : vector<1x128xf32> to vector<256x128xf32>
    %div3A_303 = arith.divf %sub3A_301, %div3A_302 : vector<256x128xf32>
    %mul3A_304 = vector.broadcast %get3A_9 : vector<1x128xf32> to vector<256x128xf32>
    %mul3A_305 = arith.mulf %div3A_303, %mul3A_304 : vector<256x128xf32>
    %add3A_306 = vector.broadcast %get3A_12 : vector<1x128xf32> to vector<256x128xf32>
    %add3A_307 = arith.addf %mul3A_305, %add3A_306 : vector<256x128xf32>
    %max3A_308 = arith.constant 0.000000e+00 : f32
    %max3A_309 = vector.broadcast %max3A_308 : f32 to vector<256x128xf32>
    %max3A_310 = arith.maximumf %add3A_307, %max3A_309 : vector<256x128xf32>
    %dot_general3A_311 = arith.constant dense<0.000000e+00> : vector<256x128xf32>
    %dot_general3A_312 = tpu.matmul %max3A_310, %get3A_15, %dot_general3A_311 {dimension_numbers = #tpu.dot_dimension_numbers<[1], [0], [0], [1], [0, 0, 1, 1], [], []>, transpose_lhs_hint = false} : vector<256x128xf32>, vector<128x128xf32>, vector<256x128xf32> -> vector<256x128xf32>
    %add3A_313 = vector.broadcast %get3A_18 : vector<1x128xf32> to vector<256x128xf32>
    %add3A_314 = arith.addf %dot_general3A_312, %add3A_313 : vector<256x128xf32>
    %max3A_315 = arith.maximumf %max3A_287, %add3A_314 : vector<256x128xf32>
    %min3A_316 = arith.minimumf %min3A_288, %add3A_314 : vector<256x128xf32>
    %swap3A_317 = arith.constant 0 : index
    %swap3A_318 = arith.constant 0 : index
    %swap3A_319 = arith.constant 1280 : index
    %swap3A_320 = vector.load %arg11[%swap3A_317, %swap3A_318, %swap3A_319] : memref<1x256x2560xf32, #tpu.memory_space<vmem>>, vector<1x256x128xf32>
    %swap3A_321 = vector.shape_cast %swap3A_320 : vector<1x256x128xf32> to vector<256x128xf32>
    %swap3A_322 = vector.shape_cast %add3A_314 : vector<256x128xf32> to vector<1x256x128xf32>
    tpu.vector_store %arg11[%swap3A_317, %swap3A_318, %swap3A_319], %swap3A_322 {strides = array<i32>} : memref<1x256x2560xf32, #tpu.memory_space<vmem>>, vector<1x256x128xf32>,
    %get3A_323 = arith.constant 0 : index
    %get3A_324 = arith.constant 0 : index
    %get3A_325 = arith.constant 1408 : index
    %get3A_326 = vector.load %arg2[%get3A_323, %get3A_324, %get3A_325] : memref<1x256x2560xf32, #tpu.memory_space<vmem>>, vector<1x256x128xf32>
    %get3A_327 = vector.shape_cast %get3A_326 : vector<1x256x128xf32> to vector<256x128xf32>
    %sub3A_328 = vector.broadcast %get3A_1 : vector<1x128xf32> to vector<256x128xf32>
    %sub3A_329 = arith.subf %get3A_327, %sub3A_328 : vector<256x128xf32>
    %div3A_330 = vector.broadcast %sqrt3A : vector<1x128xf32> to vector<256x128xf32>
    %div3A_331 = arith.divf %sub3A_329, %div3A_330 : vector<256x128xf32>
    %mul3A_332 = vector.broadcast %get3A_9 : vector<1x128xf32> to vector<256x128xf32>
    %mul3A_333 = arith.mulf %div3A_331, %mul3A_332 : vector<256x128xf32>
    %add3A_334 = vector.broadcast %get3A_12 : vector<1x128xf32> to vector<256x128xf32>
    %add3A_335 = arith.addf %mul3A_333, %add3A_334 : vector<256x128xf32>
    %max3A_336 = arith.constant 0.000000e+00 : f32
    %max3A_337 = vector.broadcast %max3A_336 : f32 to vector<256x128xf32>
    %max3A_338 = arith.maximumf %add3A_335, %max3A_337 : vector<256x128xf32>
    %dot_general3A_339 = arith.constant dense<0.000000e+00> : vector<256x128xf32>
    %dot_general3A_340 = tpu.matmul %max3A_338, %get3A_15, %dot_general3A_339 {dimension_numbers = #tpu.dot_dimension_numbers<[1], [0], [0], [1], [0, 0, 1, 1], [], []>, transpose_lhs_hint = false} : vector<256x128xf32>, vector<128x128xf32>, vector<256x128xf32> -> vector<256x128xf32>
    %add3A_341 = vector.broadcast %get3A_18 : vector<1x128xf32> to vector<256x128xf32>
    %add3A_342 = arith.addf %dot_general3A_340, %add3A_341 : vector<256x128xf32>
    %max3A_343 = arith.maximumf %max3A_315, %add3A_342 : vector<256x128xf32>
    %min3A_344 = arith.minimumf %min3A_316, %add3A_342 : vector<256x128xf32>
    %swap3A_345 = arith.constant 0 : index
    %swap3A_346 = arith.constant 0 : index
    %swap3A_347 = arith.constant 1408 : index
    %swap3A_348 = vector.load %arg11[%swap3A_345, %swap3A_346, %swap3A_347] : memref<1x256x2560xf32, #tpu.memory_space<vmem>>, vector<1x256x128xf32>
    %swap3A_349 = vector.shape_cast %swap3A_348 : vector<1x256x128xf32> to vector<256x128xf32>
    %swap3A_350 = vector.shape_cast %add3A_342 : vector<256x128xf32> to vector<1x256x128xf32>
    tpu.vector_store %arg11[%swap3A_345, %swap3A_346, %swap3A_347], %swap3A_350 {strides = array<i32>} : memref<1x256x2560xf32, #tpu.memory_space<vmem>>, vector<1x256x128xf32>,
    %get3A_351 = arith.constant 0 : index
    %get3A_352 = arith.constant 0 : index
    %get3A_353 = arith.constant 1536 : index
    %get3A_354 = vector.load %arg2[%get3A_351, %get3A_352, %get3A_353] : memref<1x256x2560xf32, #tpu.memory_space<vmem>>, vector<1x256x128xf32>
    %get3A_355 = vector.shape_cast %get3A_354 : vector<1x256x128xf32> to vector<256x128xf32>
    %sub3A_356 = vector.broadcast %get3A_1 : vector<1x128xf32> to vector<256x128xf32>
    %sub3A_357 = arith.subf %get3A_355, %sub3A_356 : vector<256x128xf32>
    %div3A_358 = vector.broadcast %sqrt3A : vector<1x128xf32> to vector<256x128xf32>
    %div3A_359 = arith.divf %sub3A_357, %div3A_358 : vector<256x128xf32>
    %mul3A_360 = vector.broadcast %get3A_9 : vector<1x128xf32> to vector<256x128xf32>
    %mul3A_361 = arith.mulf %div3A_359, %mul3A_360 : vector<256x128xf32>
    %add3A_362 = vector.broadcast %get3A_12 : vector<1x128xf32> to vector<256x128xf32>
    %add3A_363 = arith.addf %mul3A_361, %add3A_362 : vector<256x128xf32>
    %max3A_364 = arith.constant 0.000000e+00 : f32
    %max3A_365 = vector.broadcast %max3A_364 : f32 to vector<256x128xf32>
    %max3A_366 = arith.maximumf %add3A_363, %max3A_365 : vector<256x128xf32>
    %dot_general3A_367 = arith.constant dense<0.000000e+00> : vector<256x128xf32>
    %dot_general3A_368 = tpu.matmul %max3A_366, %get3A_15, %dot_general3A_367 {dimension_numbers = #tpu.dot_dimension_numbers<[1], [0], [0], [1], [0, 0, 1, 1], [], []>, transpose_lhs_hint = false} : vector<256x128xf32>, vector<128x128xf32>, vector<256x128xf32> -> vector<256x128xf32>
    %add3A_369 = vector.broadcast %get3A_18 : vector<1x128xf32> to vector<256x128xf32>
    %add3A_370 = arith.addf %dot_general3A_368, %add3A_369 : vector<256x128xf32>
    %max3A_371 = arith.maximumf %max3A_343, %add3A_370 : vector<256x128xf32>
    %min3A_372 = arith.minimumf %min3A_344, %add3A_370 : vector<256x128xf32>
    %swap3A_373 = arith.constant 0 : index
    %swap3A_374 = arith.constant 0 : index
    %swap3A_375 = arith.constant 1536 : index
    %swap3A_376 = vector.load %arg11[%swap3A_373, %swap3A_374, %swap3A_375] : memref<1x256x2560xf32, #tpu.memory_space<vmem>>, vector<1x256x128xf32>
    %swap3A_377 = vector.shape_cast %swap3A_376 : vector<1x256x128xf32> to vector<256x128xf32>
    %swap3A_378 = vector.shape_cast %add3A_370 : vector<256x128xf32> to vector<1x256x128xf32>
    tpu.vector_store %arg11[%swap3A_373, %swap3A_374, %swap3A_375], %swap3A_378 {strides = array<i32>} : memref<1x256x2560xf32, #tpu.memory_space<vmem>>, vector<1x256x128xf32>,
    %get3A_379 = arith.constant 0 : index
    %get3A_380 = arith.constant 0 : index
    %get3A_381 = arith.constant 1664 : index
    %get3A_382 = vector.load %arg2[%get3A_379, %get3A_380, %get3A_381] : memref<1x256x2560xf32, #tpu.memory_space<vmem>>, vector<1x256x128xf32>
    %get3A_383 = vector.shape_cast %get3A_382 : vector<1x256x128xf32> to vector<256x128xf32>
    %sub3A_384 = vector.broadcast %get3A_1 : vector<1x128xf32> to vector<256x128xf32>
    %sub3A_385 = arith.subf %get3A_383, %sub3A_384 : vector<256x128xf32>
    %div3A_386 = vector.broadcast %sqrt3A : vector<1x128xf32> to vector<256x128xf32>
    %div3A_387 = arith.divf %sub3A_385, %div3A_386 : vector<256x128xf32>
    %mul3A_388 = vector.broadcast %get3A_9 : vector<1x128xf32> to vector<256x128xf32>
    %mul3A_389 = arith.mulf %div3A_387, %mul3A_388 : vector<256x128xf32>
    %add3A_390 = vector.broadcast %get3A_12 : vector<1x128xf32> to vector<256x128xf32>
    %add3A_391 = arith.addf %mul3A_389, %add3A_390 : vector<256x128xf32>
    %max3A_392 = arith.constant 0.000000e+00 : f32
    %max3A_393 = vector.broadcast %max3A_392 : f32 to vector<256x128xf32>
    %max3A_394 = arith.maximumf %add3A_391, %max3A_393 : vector<256x128xf32>
    %dot_general3A_395 = arith.constant dense<0.000000e+00> : vector<256x128xf32>
    %dot_general3A_396 = tpu.matmul %max3A_394, %get3A_15, %dot_general3A_395 {dimension_numbers = #tpu.dot_dimension_numbers<[1], [0], [0], [1], [0, 0, 1, 1], [], []>, transpose_lhs_hint = false} : vector<256x128xf32>, vector<128x128xf32>, vector<256x128xf32> -> vector<256x128xf32>
    %add3A_397 = vector.broadcast %get3A_18 : vector<1x128xf32> to vector<256x128xf32>
    %add3A_398 = arith.addf %dot_general3A_396, %add3A_397 : vector<256x128xf32>
    %max3A_399 = arith.maximumf %max3A_371, %add3A_398 : vector<256x128xf32>
    %min3A_400 = arith.minimumf %min3A_372, %add3A_398 : vector<256x128xf32>
    %swap3A_401 = arith.constant 0 : index
    %swap3A_402 = arith.constant 0 : index
    %swap3A_403 = arith.constant 1664 : index
    %swap3A_404 = vector.load %arg11[%swap3A_401, %swap3A_402, %swap3A_403] : memref<1x256x2560xf32, #tpu.memory_space<vmem>>, vector<1x256x128xf32>
    %swap3A_405 = vector.shape_cast %swap3A_404 : vector<1x256x128xf32> to vector<256x128xf32>
    %swap3A_406 = vector.shape_cast %add3A_398 : vector<256x128xf32> to vector<1x256x128xf32>
    tpu.vector_store %arg11[%swap3A_401, %swap3A_402, %swap3A_403], %swap3A_406 {strides = array<i32>} : memref<1x256x2560xf32, #tpu.memory_space<vmem>>, vector<1x256x128xf32>,
    %get3A_407 = arith.constant 0 : index
    %get3A_408 = arith.constant 0 : index
    %get3A_409 = arith.constant 1792 : index
    %get3A_410 = vector.load %arg2[%get3A_407, %get3A_408, %get3A_409] : memref<1x256x2560xf32, #tpu.memory_space<vmem>>, vector<1x256x128xf32>
    %get3A_411 = vector.shape_cast %get3A_410 : vector<1x256x128xf32> to vector<256x128xf32>
    %sub3A_412 = vector.broadcast %get3A_1 : vector<1x128xf32> to vector<256x128xf32>
    %sub3A_413 = arith.subf %get3A_411, %sub3A_412 : vector<256x128xf32>
    %div3A_414 = vector.broadcast %sqrt3A : vector<1x128xf32> to vector<256x128xf32>
    %div3A_415 = arith.divf %sub3A_413, %div3A_414 : vector<256x128xf32>
    %mul3A_416 = vector.broadcast %get3A_9 : vector<1x128xf32> to vector<256x128xf32>
    %mul3A_417 = arith.mulf %div3A_415, %mul3A_416 : vector<256x128xf32>
    %add3A_418 = vector.broadcast %get3A_12 : vector<1x128xf32> to vector<256x128xf32>
    %add3A_419 = arith.addf %mul3A_417, %add3A_418 : vector<256x128xf32>
    %max3A_420 = arith.constant 0.000000e+00 : f32
    %max3A_421 = vector.broadcast %max3A_420 : f32 to vector<256x128xf32>
    %max3A_422 = arith.maximumf %add3A_419, %max3A_421 : vector<256x128xf32>
    %dot_general3A_423 = arith.constant dense<0.000000e+00> : vector<256x128xf32>
    %dot_general3A_424 = tpu.matmul %max3A_422, %get3A_15, %dot_general3A_423 {dimension_numbers = #tpu.dot_dimension_numbers<[1], [0], [0], [1], [0, 0, 1, 1], [], []>, transpose_lhs_hint = false} : vector<256x128xf32>, vector<128x128xf32>, vector<256x128xf32> -> vector<256x128xf32>
    %add3A_425 = vector.broadcast %get3A_18 : vector<1x128xf32> to vector<256x128xf32>
    %add3A_426 = arith.addf %dot_general3A_424, %add3A_425 : vector<256x128xf32>
    %max3A_427 = arith.maximumf %max3A_399, %add3A_426 : vector<256x128xf32>
    %min3A_428 = arith.minimumf %min3A_400, %add3A_426 : vector<256x128xf32>
    %swap3A_429 = arith.constant 0 : index
    %swap3A_430 = arith.constant 0 : index
    %swap3A_431 = arith.constant 1792 : index
    %swap3A_432 = vector.load %arg11[%swap3A_429, %swap3A_430, %swap3A_431] : memref<1x256x2560xf32, #tpu.memory_space<vmem>>, vector<1x256x128xf32>
    %swap3A_433 = vector.shape_cast %swap3A_432 : vector<1x256x128xf32> to vector<256x128xf32>
    %swap3A_434 = vector.shape_cast %add3A_426 : vector<256x128xf32> to vector<1x256x128xf32>
    tpu.vector_store %arg11[%swap3A_429, %swap3A_430, %swap3A_431], %swap3A_434 {strides = array<i32>} : memref<1x256x2560xf32, #tpu.memory_space<vmem>>, vector<1x256x128xf32>,
    %get3A_435 = arith.constant 0 : index
    %get3A_436 = arith.constant 0 : index
    %get3A_437 = arith.constant 1920 : index
    %get3A_438 = vector.load %arg2[%get3A_435, %get3A_436, %get3A_437] : memref<1x256x2560xf32, #tpu.memory_space<vmem>>, vector<1x256x128xf32>
    %get3A_439 = vector.shape_cast %get3A_438 : vector<1x256x128xf32> to vector<256x128xf32>
    %sub3A_440 = vector.broadcast %get3A_1 : vector<1x128xf32> to vector<256x128xf32>
    %sub3A_441 = arith.subf %get3A_439, %sub3A_440 : vector<256x128xf32>
    %div3A_442 = vector.broadcast %sqrt3A : vector<1x128xf32> to vector<256x128xf32>
    %div3A_443 = arith.divf %sub3A_441, %div3A_442 : vector<256x128xf32>
    %mul3A_444 = vector.broadcast %get3A_9 : vector<1x128xf32> to vector<256x128xf32>
    %mul3A_445 = arith.mulf %div3A_443, %mul3A_444 : vector<256x128xf32>
    %add3A_446 = vector.broadcast %get3A_12 : vector<1x128xf32> to vector<256x128xf32>
    %add3A_447 = arith.addf %mul3A_445, %add3A_446 : vector<256x128xf32>
    %max3A_448 = arith.constant 0.000000e+00 : f32
    %max3A_449 = vector.broadcast %max3A_448 : f32 to vector<256x128xf32>
    %max3A_450 = arith.maximumf %add3A_447, %max3A_449 : vector<256x128xf32>
    %dot_general3A_451 = arith.constant dense<0.000000e+00> : vector<256x128xf32>
    %dot_general3A_452 = tpu.matmul %max3A_450, %get3A_15, %dot_general3A_451 {dimension_numbers = #tpu.dot_dimension_numbers<[1], [0], [0], [1], [0, 0, 1, 1], [], []>, transpose_lhs_hint = false} : vector<256x128xf32>, vector<128x128xf32>, vector<256x128xf32> -> vector<256x128xf32>
    %add3A_453 = vector.broadcast %get3A_18 : vector<1x128xf32> to vector<256x128xf32>
    %add3A_454 = arith.addf %dot_general3A_452, %add3A_453 : vector<256x128xf32>
    %max3A_455 = arith.maximumf %max3A_427, %add3A_454 : vector<256x128xf32>
    %min3A_456 = arith.minimumf %min3A_428, %add3A_454 : vector<256x128xf32>
    %swap3A_457 = arith.constant 0 : index
    %swap3A_458 = arith.constant 0 : index
    %swap3A_459 = arith.constant 1920 : index
    %swap3A_460 = vector.load %arg11[%swap3A_457, %swap3A_458, %swap3A_459] : memref<1x256x2560xf32, #tpu.memory_space<vmem>>, vector<1x256x128xf32>
    %swap3A_461 = vector.shape_cast %swap3A_460 : vector<1x256x128xf32> to vector<256x128xf32>
    %swap3A_462 = vector.shape_cast %add3A_454 : vector<256x128xf32> to vector<1x256x128xf32>
    tpu.vector_store %arg11[%swap3A_457, %swap3A_458, %swap3A_459], %swap3A_462 {strides = array<i32>} : memref<1x256x2560xf32, #tpu.memory_space<vmem>>, vector<1x256x128xf32>,
    %get3A_463 = arith.constant 0 : index
    %get3A_464 = arith.constant 0 : index
    %get3A_465 = arith.constant 2048 : index
    %get3A_466 = vector.load %arg2[%get3A_463, %get3A_464, %get3A_465] : memref<1x256x2560xf32, #tpu.memory_space<vmem>>, vector<1x256x128xf32>
    %get3A_467 = vector.shape_cast %get3A_466 : vector<1x256x128xf32> to vector<256x128xf32>
    %sub3A_468 = vector.broadcast %get3A_1 : vector<1x128xf32> to vector<256x128xf32>
    %sub3A_469 = arith.subf %get3A_467, %sub3A_468 : vector<256x128xf32>
    %div3A_470 = vector.broadcast %sqrt3A : vector<1x128xf32> to vector<256x128xf32>
    %div3A_471 = arith.divf %sub3A_469, %div3A_470 : vector<256x128xf32>
    %mul3A_472 = vector.broadcast %get3A_9 : vector<1x128xf32> to vector<256x128xf32>
    %mul3A_473 = arith.mulf %div3A_471, %mul3A_472 : vector<256x128xf32>
    %add3A_474 = vector.broadcast %get3A_12 : vector<1x128xf32> to vector<256x128xf32>
    %add3A_475 = arith.addf %mul3A_473, %add3A_474 : vector<256x128xf32>
    %max3A_476 = arith.constant 0.000000e+00 : f32
    %max3A_477 = vector.broadcast %max3A_476 : f32 to vector<256x128xf32>
    %max3A_478 = arith.maximumf %add3A_475, %max3A_477 : vector<256x128xf32>
    %dot_general3A_479 = arith.constant dense<0.000000e+00> : vector<256x128xf32>
    %dot_general3A_480 = tpu.matmul %max3A_478, %get3A_15, %dot_general3A_479 {dimension_numbers = #tpu.dot_dimension_numbers<[1], [0], [0], [1], [0, 0, 1, 1], [], []>, transpose_lhs_hint = false} : vector<256x128xf32>, vector<128x128xf32>, vector<256x128xf32> -> vector<256x128xf32>
    %add3A_481 = vector.broadcast %get3A_18 : vector<1x128xf32> to vector<256x128xf32>
    %add3A_482 = arith.addf %dot_general3A_480, %add3A_481 : vector<256x128xf32>
    %max3A_483 = arith.maximumf %max3A_455, %add3A_482 : vector<256x128xf32>
    %min3A_484 = arith.minimumf %min3A_456, %add3A_482 : vector<256x128xf32>
    %swap3A_485 = arith.constant 0 : index
    %swap3A_486 = arith.constant 0 : index
    %swap3A_487 = arith.constant 2048 : index
    %swap3A_488 = vector.load %arg11[%swap3A_485, %swap3A_486, %swap3A_487] : memref<1x256x2560xf32, #tpu.memory_space<vmem>>, vector<1x256x128xf32>
    %swap3A_489 = vector.shape_cast %swap3A_488 : vector<1x256x128xf32> to vector<256x128xf32>
    %swap3A_490 = vector.shape_cast %add3A_482 : vector<256x128xf32> to vector<1x256x128xf32>
    tpu.vector_store %arg11[%swap3A_485, %swap3A_486, %swap3A_487], %swap3A_490 {strides = array<i32>} : memref<1x256x2560xf32, #tpu.memory_space<vmem>>, vector<1x256x128xf32>,
    %get3A_491 = arith.constant 0 : index
    %get3A_492 = arith.constant 0 : index
    %get3A_493 = arith.constant 2176 : index
    %get3A_494 = vector.load %arg2[%get3A_491, %get3A_492, %get3A_493] : memref<1x256x2560xf32, #tpu.memory_space<vmem>>, vector<1x256x128xf32>
    %get3A_495 = vector.shape_cast %get3A_494 : vector<1x256x128xf32> to vector<256x128xf32>
    %sub3A_496 = vector.broadcast %get3A_1 : vector<1x128xf32> to vector<256x128xf32>
    %sub3A_497 = arith.subf %get3A_495, %sub3A_496 : vector<256x128xf32>
    %div3A_498 = vector.broadcast %sqrt3A : vector<1x128xf32> to vector<256x128xf32>
    %div3A_499 = arith.divf %sub3A_497, %div3A_498 : vector<256x128xf32>
    %mul3A_500 = vector.broadcast %get3A_9 : vector<1x128xf32> to vector<256x128xf32>
    %mul3A_501 = arith.mulf %div3A_499, %mul3A_500 : vector<256x128xf32>
    %add3A_502 = vector.broadcast %get3A_12 : vector<1x128xf32> to vector<256x128xf32>
    %add3A_503 = arith.addf %mul3A_501, %add3A_502 : vector<256x128xf32>
    %max3A_504 = arith.constant 0.000000e+00 : f32
    %max3A_505 = vector.broadcast %max3A_504 : f32 to vector<256x128xf32>
    %max3A_506 = arith.maximumf %add3A_503, %max3A_505 : vector<256x128xf32>
    %dot_general3A_507 = arith.constant dense<0.000000e+00> : vector<256x128xf32>
    %dot_general3A_508 = tpu.matmul %max3A_506, %get3A_15, %dot_general3A_507 {dimension_numbers = #tpu.dot_dimension_numbers<[1], [0], [0], [1], [0, 0, 1, 1], [], []>, transpose_lhs_hint = false} : vector<256x128xf32>, vector<128x128xf32>, vector<256x128xf32> -> vector<256x128xf32>
    %add3A_509 = vector.broadcast %get3A_18 : vector<1x128xf32> to vector<256x128xf32>
    %add3A_510 = arith.addf %dot_general3A_508, %add3A_509 : vector<256x128xf32>
    %max3A_511 = arith.maximumf %max3A_483, %add3A_510 : vector<256x128xf32>
    %min3A_512 = arith.minimumf %min3A_484, %add3A_510 : vector<256x128xf32>
    %swap3A_513 = arith.constant 0 : index
    %swap3A_514 = arith.constant 0 : index
    %swap3A_515 = arith.constant 2176 : index
    %swap3A_516 = vector.load %arg11[%swap3A_513, %swap3A_514, %swap3A_515] : memref<1x256x2560xf32, #tpu.memory_space<vmem>>, vector<1x256x128xf32>
    %swap3A_517 = vector.shape_cast %swap3A_516 : vector<1x256x128xf32> to vector<256x128xf32>
    %swap3A_518 = vector.shape_cast %add3A_510 : vector<256x128xf32> to vector<1x256x128xf32>
    tpu.vector_store %arg11[%swap3A_513, %swap3A_514, %swap3A_515], %swap3A_518 {strides = array<i32>} : memref<1x256x2560xf32, #tpu.memory_space<vmem>>, vector<1x256x128xf32>,
    %get3A_519 = arith.constant 0 : index
    %get3A_520 = arith.constant 0 : index
    %get3A_521 = arith.constant 2304 : index
    %get3A_522 = vector.load %arg2[%get3A_519, %get3A_520, %get3A_521] : memref<1x256x2560xf32, #tpu.memory_space<vmem>>, vector<1x256x128xf32>
    %get3A_523 = vector.shape_cast %get3A_522 : vector<1x256x128xf32> to vector<256x128xf32>
    %sub3A_524 = vector.broadcast %get3A_1 : vector<1x128xf32> to vector<256x128xf32>
    %sub3A_525 = arith.subf %get3A_523, %sub3A_524 : vector<256x128xf32>
    %div3A_526 = vector.broadcast %sqrt3A : vector<1x128xf32> to vector<256x128xf32>
    %div3A_527 = arith.divf %sub3A_525, %div3A_526 : vector<256x128xf32>
    %mul3A_528 = vector.broadcast %get3A_9 : vector<1x128xf32> to vector<256x128xf32>
    %mul3A_529 = arith.mulf %div3A_527, %mul3A_528 : vector<256x128xf32>
    %add3A_530 = vector.broadcast %get3A_12 : vector<1x128xf32> to vector<256x128xf32>
    %add3A_531 = arith.addf %mul3A_529, %add3A_530 : vector<256x128xf32>
    %max3A_532 = arith.constant 0.000000e+00 : f32
    %max3A_533 = vector.broadcast %max3A_532 : f32 to vector<256x128xf32>
    %max3A_534 = arith.maximumf %add3A_531, %max3A_533 : vector<256x128xf32>
    %dot_general3A_535 = arith.constant dense<0.000000e+00> : vector<256x128xf32>
    %dot_general3A_536 = tpu.matmul %max3A_534, %get3A_15, %dot_general3A_535 {dimension_numbers = #tpu.dot_dimension_numbers<[1], [0], [0], [1], [0, 0, 1, 1], [], []>, transpose_lhs_hint = false} : vector<256x128xf32>, vector<128x128xf32>, vector<256x128xf32> -> vector<256x128xf32>
    %add3A_537 = vector.broadcast %get3A_18 : vector<1x128xf32> to vector<256x128xf32>
    %add3A_538 = arith.addf %dot_general3A_536, %add3A_537 : vector<256x128xf32>
    %max3A_539 = arith.maximumf %max3A_511, %add3A_538 : vector<256x128xf32>
    %min3A_540 = arith.minimumf %min3A_512, %add3A_538 : vector<256x128xf32>
    %swap3A_541 = arith.constant 0 : index
    %swap3A_542 = arith.constant 0 : index
    %swap3A_543 = arith.constant 2304 : index
    %swap3A_544 = vector.load %arg11[%swap3A_541, %swap3A_542, %swap3A_543] : memref<1x256x2560xf32, #tpu.memory_space<vmem>>, vector<1x256x128xf32>
    %swap3A_545 = vector.shape_cast %swap3A_544 : vector<1x256x128xf32> to vector<256x128xf32>
    %swap3A_546 = vector.shape_cast %add3A_538 : vector<256x128xf32> to vector<1x256x128xf32>
    tpu.vector_store %arg11[%swap3A_541, %swap3A_542, %swap3A_543], %swap3A_546 {strides = array<i32>} : memref<1x256x2560xf32, #tpu.memory_space<vmem>>, vector<1x256x128xf32>,
    %get3A_547 = arith.constant 0 : index
    %get3A_548 = arith.constant 0 : index
    %get3A_549 = arith.constant 2432 : index
    %get3A_550 = vector.load %arg2[%get3A_547, %get3A_548, %get3A_549] : memref<1x256x2560xf32, #tpu.memory_space<vmem>>, vector<1x256x128xf32>
    %get3A_551 = vector.shape_cast %get3A_550 : vector<1x256x128xf32> to vector<256x128xf32>
    %sub3A_552 = vector.broadcast %get3A_1 : vector<1x128xf32> to vector<256x128xf32>
    %sub3A_553 = arith.subf %get3A_551, %sub3A_552 : vector<256x128xf32>
    %div3A_554 = vector.broadcast %sqrt3A : vector<1x128xf32> to vector<256x128xf32>
    %div3A_555 = arith.divf %sub3A_553, %div3A_554 : vector<256x128xf32>
    %mul3A_556 = vector.broadcast %get3A_9 : vector<1x128xf32> to vector<256x128xf32>
    %mul3A_557 = arith.mulf %div3A_555, %mul3A_556 : vector<256x128xf32>
    %add3A_558 = vector.broadcast %get3A_12 : vector<1x128xf32> to vector<256x128xf32>
    %add3A_559 = arith.addf %mul3A_557, %add3A_558 : vector<256x128xf32>
    %max3A_560 = arith.constant 0.000000e+00 : f32
    %max3A_561 = vector.broadcast %max3A_560 : f32 to vector<256x128xf32>
    %max3A_562 = arith.maximumf %add3A_559, %max3A_561 : vector<256x128xf32>
    %dot_general3A_563 = arith.constant dense<0.000000e+00> : vector<256x128xf32>
    %dot_general3A_564 = tpu.matmul %max3A_562, %get3A_15, %dot_general3A_563 {dimension_numbers = #tpu.dot_dimension_numbers<[1], [0], [0], [1], [0, 0, 1, 1], [], []>, transpose_lhs_hint = false} : vector<256x128xf32>, vector<128x128xf32>, vector<256x128xf32> -> vector<256x128xf32>
    %add3A_565 = vector.broadcast %get3A_18 : vector<1x128xf32> to vector<256x128xf32>
    %add3A_566 = arith.addf %dot_general3A_564, %add3A_565 : vector<256x128xf32>
    %max3A_567 = arith.maximumf %max3A_539, %add3A_566 : vector<256x128xf32>
    %min3A_568 = arith.minimumf %min3A_540, %add3A_566 : vector<256x128xf32>
    %swap3A_569 = arith.constant 0 : index
    %swap3A_570 = arith.constant 0 : index
    %swap3A_571 = arith.constant 2432 : index
    %swap3A_572 = vector.load %arg11[%swap3A_569, %swap3A_570, %swap3A_571] : memref<1x256x2560xf32, #tpu.memory_space<vmem>>, vector<1x256x128xf32>
    %swap3A_573 = vector.shape_cast %swap3A_572 : vector<1x256x128xf32> to vector<256x128xf32>
    %swap3A_574 = vector.shape_cast %add3A_566 : vector<256x128xf32> to vector<1x256x128xf32>
    tpu.vector_store %arg11[%swap3A_569, %swap3A_570, %swap3A_571], %swap3A_574 {strides = array<i32>} : memref<1x256x2560xf32, #tpu.memory_space<vmem>>, vector<1x256x128xf32>,
    %swap3A_575 = arith.constant 0 : index
    %swap3A_576 = arith.constant 0 : index
    %swap3A_577 = vector.load %arg9[%swap3A_575, %swap3A_576] : memref<256x128xf32, #tpu.memory_space<vmem>>, vector<256x128xf32>
    tpu.vector_store %arg9[%swap3A_575, %swap3A_576], %max3A_567 {strides = array<i32>} : memref<256x128xf32, #tpu.memory_space<vmem>>, vector<256x128xf32>,
    %swap3A_578 = arith.constant 0 : index
    %swap3A_579 = arith.constant 0 : index
    %swap3A_580 = vector.load %arg10[%swap3A_578, %swap3A_579] : memref<256x128xf32, #tpu.memory_space<vmem>>, vector<256x128xf32>
    tpu.vector_store %arg10[%swap3A_578, %swap3A_579], %min3A_568 {strides = array<i32>} : memref<256x128xf32, #tpu.memory_space<vmem>>, vector<256x128xf32>,
    return
  }
  func.func @transform_0(%arg0: i32, %arg1: i32) -> (i32, i32, i32) {
    %c0_i32 = arith.constant 0 : i32
    %c0_i32_0 = arith.constant 0 : i32
    return %arg0, %arg1, %c0_i32 : i32, i32, i32
  }
  func.func @transform_1(%arg0: i32, %arg1: i32) -> (i32, i32) {
    %c0_i32 = arith.constant 0 : i32
    %c0_i32_0 = arith.constant 0 : i32
    %c0_i32_1 = arith.constant 0 : i32
    return %c0_i32, %c0_i32_0 : i32, i32
  }
  func.func @transform_2(%arg0: i32, %arg1: i32) -> (i32, i32) {
    %c0_i32 = arith.constant 0 : i32
    %c0_i32_0 = arith.constant 0 : i32
    %c0_i32_1 = arith.constant 0 : i32
    return %c0_i32, %c0_i32_0 : i32, i32
  }
  func.func @transform_3(%arg0: i32, %arg1: i32) -> (i32, i32) {
    %c0_i32 = arith.constant 0 : i32
    %c0_i32_0 = arith.constant 0 : i32
    %c0_i32_1 = arith.constant 0 : i32
    return %c0_i32, %c0_i32_0 : i32, i32
  }
  func.func @transform_4(%arg0: i32, %arg1: i32) -> (i32, i32) {
    %c0_i32 = arith.constant 0 : i32
    %c0_i32_0 = arith.constant 0 : i32
    %c0_i32_1 = arith.constant 0 : i32
    return %c0_i32, %c0_i32_0 : i32, i32
  }
  func.func @transform_5(%arg0: i32, %arg1: i32) -> (i32, i32) {
    %c0_i32 = arith.constant 0 : i32
    %c0_i32_0 = arith.constant 0 : i32
    %c0_i32_1 = arith.constant 0 : i32
    return %c0_i32, %c0_i32_0 : i32, i32
  }
  func.func @transform_6(%arg0: i32, %arg1: i32) -> (i32, i32) {
    %c0_i32 = arith.constant 0 : i32
    %c0_i32_0 = arith.constant 0 : i32
    %c0_i32_1 = arith.constant 0 : i32
    return %c0_i32, %c0_i32_0 : i32, i32
  }
  func.func @transform_7(%arg0: i32, %arg1: i32) -> (i32, i32) {
    %mul3A = arith.constant 8 : i32
    %mul3A_0 = arith.muli %arg0, %mul3A : i32
    %add3A = arith.addi %mul3A_0, %arg1 : i32
    %c0_i32 = arith.constant 0 : i32
    %c0_i32_1 = arith.constant 0 : i32
    return %add3A, %c0_i32 : i32, i32
  }
  func.func @transform_8(%arg0: i32, %arg1: i32) -> (i32, i32) {
    %mul3A = arith.constant 8 : i32
    %mul3A_0 = arith.muli %arg0, %mul3A : i32
    %add3A = arith.addi %mul3A_0, %arg1 : i32
    %c0_i32 = arith.constant 0 : i32
    %c0_i32_1 = arith.constant 0 : i32
    return %add3A, %c0_i32 : i32, i32
  }
  func.func @transform_9(%arg0: i32, %arg1: i32) -> (i32, i32, i32) {
    %c0_i32 = arith.constant 0 : i32
    %c0_i32_0 = arith.constant 0 : i32
    return %arg0, %arg1, %c0_i32 : i32, i32, i32
  }
}

module attributes {stable_mosaic.version = 14 : i64} {
  func.func @_fin_body(%arg0: i32, %arg1: memref<512x128xf32, #tpu.memory_space<vmem>>, %arg2: memref<512x128xf32, #tpu.memory_space<vmem>>, %arg3: memref<1x128xf32, #tpu.memory_space<vmem>>, %arg4: memref<1x128xf32, #tpu.memory_space<vmem>>, %arg5: memref<1x128xf32, #tpu.memory_space<vmem>>, %arg6: memref<1x128xf32, #tpu.memory_space<vmem>>, %arg7: memref<512x128xf32, #tpu.memory_space<vmem>>) attributes {dimension_semantics = [#tpu.dimension_semantics<arbitrary>], iteration_bounds = array<i64: 32>, scalar_prefetch = 0 : i64, scratch_operands = 0 : i64, tpu.core_type = #tpu.core_type<tc>, window_params = [{transform_indices = @transform_0, window_bounds = array<i64: 512, 128>}, {transform_indices = @transform_1, window_bounds = array<i64: 512, 128>}, {pipeline_mode = #tpu.pipeline_mode<synchronous>, transform_indices = @transform_2, window_bounds = array<i64: 1, 128>}, {pipeline_mode = #tpu.pipeline_mode<synchronous>, transform_indices = @transform_3, window_bounds = array<i64: 1, 128>}, {pipeline_mode = #tpu.pipeline_mode<synchronous>, transform_indices = @transform_4, window_bounds = array<i64: 1, 128>}, {pipeline_mode = #tpu.pipeline_mode<synchronous>, transform_indices = @transform_5, window_bounds = array<i64: 1, 128>}, {transform_indices = @transform_6, window_bounds = array<i64: 512, 128>}]} {
    %get3A = arith.constant 0 : index
    %get3A_0 = arith.constant 0 : index
    %get3A_1 = vector.load %arg5[%get3A, %get3A_0] : memref<1x128xf32, #tpu.memory_space<vmem>>, vector<1x128xf32>
    %ge3A = arith.constant 0.000000e+00 : f32
    %ge3A_2 = vector.broadcast %ge3A : f32 to vector<1x128xf32>
    %ge3A_3 = arith.cmpf oge, %get3A_1, %ge3A_2 : vector<1x128xf32>
    %get3A_4 = arith.constant 0 : index
    %get3A_5 = arith.constant 0 : index
    %get3A_6 = vector.load %arg1[%get3A_4, %get3A_5] : memref<512x128xf32, #tpu.memory_space<vmem>>, vector<512x128xf32>
    %get3A_7 = arith.constant 0 : index
    %get3A_8 = arith.constant 0 : index
    %get3A_9 = vector.load %arg2[%get3A_7, %get3A_8] : memref<512x128xf32, #tpu.memory_space<vmem>>, vector<512x128xf32>
    %broadcast_in_dim3A = vector.shape_cast %ge3A_3 : vector<1x128xi1> to vector<1x128xi1>
    %broadcast_in_dim3A_10 = vector.broadcast %broadcast_in_dim3A : vector<1x128xi1> to vector<512x128xi1>
    %select_n3A = arith.select %broadcast_in_dim3A_10, %get3A_6, %get3A_9 : vector<512x128xi1>, vector<512x128xf32>
    %get3A_11 = arith.constant 0 : index
    %get3A_12 = arith.constant 0 : index
    %get3A_13 = vector.load %arg3[%get3A_11, %get3A_12] : memref<1x128xf32, #tpu.memory_space<vmem>>, vector<1x128xf32>
    %sub3A = vector.broadcast %get3A_13 : vector<1x128xf32> to vector<512x128xf32>
    %sub3A_14 = arith.subf %select_n3A, %sub3A : vector<512x128xf32>
    %get3A_15 = arith.constant 0 : index
    %get3A_16 = arith.constant 0 : index
    %get3A_17 = vector.load %arg4[%get3A_15, %get3A_16] : memref<1x128xf32, #tpu.memory_space<vmem>>, vector<1x128xf32>
    %add3A = arith.constant 9.99999974E-6 : f32
    %add3A_18 = vector.broadcast %add3A : f32 to vector<1x128xf32>
    %add3A_19 = arith.addf %get3A_17, %add3A_18 : vector<1x128xf32>
    %sqrt3A = math.sqrt %add3A_19 : vector<1x128xf32>
    %div3A = vector.broadcast %sqrt3A : vector<1x128xf32> to vector<512x128xf32>
    %div3A_20 = arith.divf %sub3A_14, %div3A : vector<512x128xf32>
    %mul3A = vector.broadcast %get3A_1 : vector<1x128xf32> to vector<512x128xf32>
    %mul3A_21 = arith.mulf %div3A_20, %mul3A : vector<512x128xf32>
    %get3A_22 = arith.constant 0 : index
    %get3A_23 = arith.constant 0 : index
    %get3A_24 = vector.load %arg6[%get3A_22, %get3A_23] : memref<1x128xf32, #tpu.memory_space<vmem>>, vector<1x128xf32>
    %add3A_25 = vector.broadcast %get3A_24 : vector<1x128xf32> to vector<512x128xf32>
    %add3A_26 = arith.addf %mul3A_21, %add3A_25 : vector<512x128xf32>
    %swap3A = arith.constant 0 : index
    %swap3A_27 = arith.constant 0 : index
    %swap3A_28 = vector.load %arg7[%swap3A, %swap3A_27] : memref<512x128xf32, #tpu.memory_space<vmem>>, vector<512x128xf32>
    tpu.vector_store %arg7[%swap3A, %swap3A_27], %add3A_26 {strides = array<i32>} : memref<512x128xf32, #tpu.memory_space<vmem>>, vector<512x128xf32>,
    return
  }
  func.func @transform_0(%arg0: i32) -> (i32, i32) {
    %c0_i32 = arith.constant 0 : i32
    %c0_i32_0 = arith.constant 0 : i32
    return %arg0, %c0_i32 : i32, i32
  }
  func.func @transform_1(%arg0: i32) -> (i32, i32) {
    %c0_i32 = arith.constant 0 : i32
    %c0_i32_0 = arith.constant 0 : i32
    return %arg0, %c0_i32 : i32, i32
  }
  func.func @transform_2(%arg0: i32) -> (i32, i32) {
    %c0_i32 = arith.constant 0 : i32
    %c0_i32_0 = arith.constant 0 : i32
    %c0_i32_1 = arith.constant 0 : i32
    return %c0_i32, %c0_i32_0 : i32, i32
  }
  func.func @transform_3(%arg0: i32) -> (i32, i32) {
    %c0_i32 = arith.constant 0 : i32
    %c0_i32_0 = arith.constant 0 : i32
    %c0_i32_1 = arith.constant 0 : i32
    return %c0_i32, %c0_i32_0 : i32, i32
  }
  func.func @transform_4(%arg0: i32) -> (i32, i32) {
    %c0_i32 = arith.constant 0 : i32
    %c0_i32_0 = arith.constant 0 : i32
    %c0_i32_1 = arith.constant 0 : i32
    return %c0_i32, %c0_i32_0 : i32, i32
  }
  func.func @transform_5(%arg0: i32) -> (i32, i32) {
    %c0_i32 = arith.constant 0 : i32
    %c0_i32_0 = arith.constant 0 : i32
    %c0_i32_1 = arith.constant 0 : i32
    return %c0_i32, %c0_i32_0 : i32, i32
  }
  func.func @transform_6(%arg0: i32) -> (i32, i32) {
    %c0_i32 = arith.constant 0 : i32
    %c0_i32_0 = arith.constant 0 : i32
    return %arg0, %c0_i32 : i32, i32
  }
}

module attributes {stable_mosaic.version = 14 : i64} {
  func.func @_mlp_body(%arg0: i32, %arg1: memref<512x320xf32, #tpu.memory_space<vmem>>, %arg2: memref<1x320xf32, #tpu.memory_space<vmem>>, %arg3: memref<1x320xf32, #tpu.memory_space<vmem>>, %arg4: memref<1x320xf32, #tpu.memory_space<vmem>>, %arg5: memref<1x320xf32, #tpu.memory_space<vmem>>, %arg6: memref<320x1024xf32, #tpu.memory_space<vmem>>, %arg7: memref<1x1024xf32, #tpu.memory_space<vmem>>, %arg8: memref<512x1024xf32, #tpu.memory_space<vmem>>, %arg9: memref<1x1024xf32, #tpu.memory_space<vmem>>, %arg10: memref<1x1024xf32, #tpu.memory_space<vmem>>) attributes {dimension_semantics = [#tpu.dimension_semantics<arbitrary>], iteration_bounds = array<i64: 32>, scalar_prefetch = 0 : i64, scratch_operands = 0 : i64, tpu.core_type = #tpu.core_type<tc>, window_params = [{transform_indices = @transform_0, window_bounds = array<i64: 512, 320>}, {pipeline_mode = #tpu.pipeline_mode<synchronous>, transform_indices = @transform_1, window_bounds = array<i64: 1, 320>}, {pipeline_mode = #tpu.pipeline_mode<synchronous>, transform_indices = @transform_2, window_bounds = array<i64: 1, 320>}, {pipeline_mode = #tpu.pipeline_mode<synchronous>, transform_indices = @transform_3, window_bounds = array<i64: 1, 320>}, {pipeline_mode = #tpu.pipeline_mode<synchronous>, transform_indices = @transform_4, window_bounds = array<i64: 1, 320>}, {pipeline_mode = #tpu.pipeline_mode<synchronous>, transform_indices = @transform_5, window_bounds = array<i64: 320, 1024>}, {pipeline_mode = #tpu.pipeline_mode<synchronous>, transform_indices = @transform_6, window_bounds = array<i64: 1, 1024>}, {transform_indices = @transform_7, window_bounds = array<i64: 512, 1024>}, {pipeline_mode = #tpu.pipeline_mode<synchronous>, transform_indices = @transform_8, window_bounds = array<i64: 1, 1024>}, {pipeline_mode = #tpu.pipeline_mode<synchronous>, transform_indices = @transform_9, window_bounds = array<i64: 1, 1024>}]} {
    %get3A = arith.constant 0 : index
    %get3A_0 = arith.constant 0 : index
    %get3A_1 = vector.load %arg1[%get3A, %get3A_0] : memref<512x320xf32, #tpu.memory_space<vmem>>, vector<512x320xf32>
    %get3A_2 = arith.constant 0 : index
    %get3A_3 = arith.constant 0 : index
    %get3A_4 = vector.load %arg6[%get3A_2, %get3A_3] : memref<320x1024xf32, #tpu.memory_space<vmem>>, vector<320x1024xf32>
    %dot_general3A = arith.constant dense<0.000000e+00> : vector<512x1024xf32>
    %dot_general3A_5 = tpu.matmul %get3A_1, %get3A_4, %dot_general3A {dimension_numbers = #tpu.dot_dimension_numbers<[1], [0], [0], [1], [0, 0, 1, 1], [], []>, transpose_lhs_hint = false} : vector<512x320xf32>, vector<320x1024xf32>, vector<512x1024xf32> -> vector<512x1024xf32>
    %get3A_6 = arith.constant 0 : index
    %get3A_7 = arith.constant 0 : index
    %get3A_8 = vector.load %arg7[%get3A_6, %get3A_7] : memref<1x1024xf32, #tpu.memory_space<vmem>>, vector<1x1024xf32>
    %add3A = vector.broadcast %get3A_8 : vector<1x1024xf32> to vector<512x1024xf32>
    %add3A_9 = arith.addf %dot_general3A_5, %add3A : vector<512x1024xf32>
    %ge3A = arith.constant 0.000000e+00 : f32
    %ge3A_10 = vector.broadcast %ge3A : f32 to vector<512x1024xf32>
    %ge3A_11 = arith.cmpf oge, %add3A_9, %ge3A_10 : vector<512x1024xf32>
    %mul3A = arith.constant 0.00999999977 : f32
    %mul3A_12 = vector.broadcast %mul3A : f32 to vector<512x1024xf32>
    %mul3A_13 = arith.mulf %mul3A_12, %add3A_9 : vector<512x1024xf32>
    %select_n3A = arith.select %ge3A_11, %add3A_9, %mul3A_13 : vector<512x1024xi1>, vector<512x1024xf32>
    %swap3A = arith.constant 0 : index
    %swap3A_14 = arith.constant 0 : index
    %swap3A_15 = vector.load %arg8[%swap3A, %swap3A_14] : memref<512x1024xf32, #tpu.memory_space<vmem>>, vector<512x1024xf32>
    tpu.vector_store %arg8[%swap3A, %swap3A_14], %select_n3A {strides = array<i32>} : memref<512x1024xf32, #tpu.memory_space<vmem>>, vector<512x1024xf32>,
    %eq3A = arith.constant 0 : i32
    %eq3A_16 = arith.cmpi eq, %arg0, %eq3A : i32
    %convert_element_type3A = arith.extui %eq3A_16 : i1 to i32
    %cond3A = arith.constant 0 : i32
    %cond3A_17 = arith.cmpi ne, %convert_element_type3A, %cond3A : i32
    scf.if %cond3A_17 {
      %broadcast_in_dim3A_37 = arith.constant 0.000000e+00 : f32
      %broadcast_in_dim3A_38 = vector.broadcast %broadcast_in_dim3A_37 : f32 to vector<1x1024xf32>
      %swap3A_39 = arith.constant 0 : index
      %swap3A_40 = arith.constant 0 : index
      %swap3A_41 = vector.load %arg9[%swap3A_39, %swap3A_40] : memref<1x1024xf32, #tpu.memory_space<vmem>>, vector<1x1024xf32>
      tpu.vector_store %arg9[%swap3A_39, %swap3A_40], %broadcast_in_dim3A_38 {strides = array<i32>} : memref<1x1024xf32, #tpu.memory_space<vmem>>, vector<1x1024xf32>,
      %broadcast_in_dim3A_42 = arith.constant 0.000000e+00 : f32
      %broadcast_in_dim3A_43 = vector.broadcast %broadcast_in_dim3A_42 : f32 to vector<1x1024xf32>
      %swap3A_44 = arith.constant 0 : index
      %swap3A_45 = arith.constant 0 : index
      %swap3A_46 = vector.load %arg10[%swap3A_44, %swap3A_45] : memref<1x1024xf32, #tpu.memory_space<vmem>>, vector<1x1024xf32>
      tpu.vector_store %arg10[%swap3A_44, %swap3A_45], %broadcast_in_dim3A_43 {strides = array<i32>} : memref<1x1024xf32, #tpu.memory_space<vmem>>, vector<1x1024xf32>,
    } else {
    }
    %get3A_18 = arith.constant 0 : index
    %get3A_19 = arith.constant 0 : index
    %get3A_20 = vector.load %arg9[%get3A_18, %get3A_19] : memref<1x1024xf32, #tpu.memory_space<vmem>>, vector<1x1024xf32>
    %reduce_sum3A = arith.constant dense<0.000000e+00> : vector<1024xf32>
    %reduce_sum3A_21 = vector.multi_reduction <add>, %select_n3A, %reduce_sum3A [0] : vector<512x1024xf32> to vector<1024xf32>
    %broadcast_in_dim3A = vector.shape_cast %reduce_sum3A_21 : vector<1024xf32> to vector<1x1024xf32>
    %add3A_22 = arith.addf %get3A_20, %broadcast_in_dim3A : vector<1x1024xf32>
    %swap3A_23 = arith.constant 0 : index
    %swap3A_24 = arith.constant 0 : index
    %swap3A_25 = vector.load %arg9[%swap3A_23, %swap3A_24] : memref<1x1024xf32, #tpu.memory_space<vmem>>, vector<1x1024xf32>
    tpu.vector_store %arg9[%swap3A_23, %swap3A_24], %add3A_22 {strides = array<i32>} : memref<1x1024xf32, #tpu.memory_space<vmem>>, vector<1x1024xf32>,
    %get3A_26 = arith.constant 0 : index
    %get3A_27 = arith.constant 0 : index
    %get3A_28 = vector.load %arg10[%get3A_26, %get3A_27] : memref<1x1024xf32, #tpu.memory_space<vmem>>, vector<1x1024xf32>
    %mul3A_29 = arith.mulf %select_n3A, %select_n3A : vector<512x1024xf32>
    %reduce_sum3A_30 = arith.constant dense<0.000000e+00> : vector<1024xf32>
    %reduce_sum3A_31 = vector.multi_reduction <add>, %mul3A_29, %reduce_sum3A_30 [0] : vector<512x1024xf32> to vector<1024xf32>
    %broadcast_in_dim3A_32 = vector.shape_cast %reduce_sum3A_31 : vector<1024xf32> to vector<1x1024xf32>
    %add3A_33 = arith.addf %get3A_28, %broadcast_in_dim3A_32 : vector<1x1024xf32>
    %swap3A_34 = arith.constant 0 : index
    %swap3A_35 = arith.constant 0 : index
    %swap3A_36 = vector.load %arg10[%swap3A_34, %swap3A_35] : memref<1x1024xf32, #tpu.memory_space<vmem>>, vector<1x1024xf32>
    tpu.vector_store %arg10[%swap3A_34, %swap3A_35], %add3A_33 {strides = array<i32>} : memref<1x1024xf32, #tpu.memory_space<vmem>>, vector<1x1024xf32>,
    return
  }
  func.func @transform_0(%arg0: i32) -> (i32, i32) {
    %c0_i32 = arith.constant 0 : i32
    %c0_i32_0 = arith.constant 0 : i32
    return %arg0, %c0_i32 : i32, i32
  }
  func.func @transform_1(%arg0: i32) -> (i32, i32) {
    %c0_i32 = arith.constant 0 : i32
    %c0_i32_0 = arith.constant 0 : i32
    %c0_i32_1 = arith.constant 0 : i32
    return %c0_i32, %c0_i32_0 : i32, i32
  }
  func.func @transform_2(%arg0: i32) -> (i32, i32) {
    %c0_i32 = arith.constant 0 : i32
    %c0_i32_0 = arith.constant 0 : i32
    %c0_i32_1 = arith.constant 0 : i32
    return %c0_i32, %c0_i32_0 : i32, i32
  }
  func.func @transform_3(%arg0: i32) -> (i32, i32) {
    %c0_i32 = arith.constant 0 : i32
    %c0_i32_0 = arith.constant 0 : i32
    %c0_i32_1 = arith.constant 0 : i32
    return %c0_i32, %c0_i32_0 : i32, i32
  }
  func.func @transform_4(%arg0: i32) -> (i32, i32) {
    %c0_i32 = arith.constant 0 : i32
    %c0_i32_0 = arith.constant 0 : i32
    %c0_i32_1 = arith.constant 0 : i32
    return %c0_i32, %c0_i32_0 : i32, i32
  }
  func.func @transform_5(%arg0: i32) -> (i32, i32) {
    %c0_i32 = arith.constant 0 : i32
    %c0_i32_0 = arith.constant 0 : i32
    %c0_i32_1 = arith.constant 0 : i32
    return %c0_i32, %c0_i32_0 : i32, i32
  }
  func.func @transform_6(%arg0: i32) -> (i32, i32) {
    %c0_i32 = arith.constant 0 : i32
    %c0_i32_0 = arith.constant 0 : i32
    %c0_i32_1 = arith.constant 0 : i32
    return %c0_i32, %c0_i32_0 : i32, i32
  }
  func.func @transform_7(%arg0: i32) -> (i32, i32) {
    %c0_i32 = arith.constant 0 : i32
    %c0_i32_0 = arith.constant 0 : i32
    return %arg0, %c0_i32 : i32, i32
  }
  func.func @transform_8(%arg0: i32) -> (i32, i32) {
    %c0_i32 = arith.constant 0 : i32
    %c0_i32_0 = arith.constant 0 : i32
    %c0_i32_1 = arith.constant 0 : i32
    return %c0_i32, %c0_i32_0 : i32, i32
  }
  func.func @transform_9(%arg0: i32) -> (i32, i32) {
    %c0_i32 = arith.constant 0 : i32
    %c0_i32_0 = arith.constant 0 : i32
    %c0_i32_1 = arith.constant 0 : i32
    return %c0_i32, %c0_i32_0 : i32, i32
  }
}

module attributes {stable_mosaic.version = 14 : i64} {
  func.func @_mlp_body(%arg0: i32, %arg1: memref<512x1024xf32, #tpu.memory_space<vmem>>, %arg2: memref<1x1024xf32, #tpu.memory_space<vmem>>, %arg3: memref<1x1024xf32, #tpu.memory_space<vmem>>, %arg4: memref<1x1024xf32, #tpu.memory_space<vmem>>, %arg5: memref<1x1024xf32, #tpu.memory_space<vmem>>, %arg6: memref<1024x512xf32, #tpu.memory_space<vmem>>, %arg7: memref<1x512xf32, #tpu.memory_space<vmem>>, %arg8: memref<512x512xf32, #tpu.memory_space<vmem>>, %arg9: memref<1x512xf32, #tpu.memory_space<vmem>>, %arg10: memref<1x512xf32, #tpu.memory_space<vmem>>) attributes {dimension_semantics = [#tpu.dimension_semantics<arbitrary>], iteration_bounds = array<i64: 32>, scalar_prefetch = 0 : i64, scratch_operands = 0 : i64, tpu.core_type = #tpu.core_type<tc>, window_params = [{transform_indices = @transform_0, window_bounds = array<i64: 512, 1024>}, {pipeline_mode = #tpu.pipeline_mode<synchronous>, transform_indices = @transform_1, window_bounds = array<i64: 1, 1024>}, {pipeline_mode = #tpu.pipeline_mode<synchronous>, transform_indices = @transform_2, window_bounds = array<i64: 1, 1024>}, {pipeline_mode = #tpu.pipeline_mode<synchronous>, transform_indices = @transform_3, window_bounds = array<i64: 1, 1024>}, {pipeline_mode = #tpu.pipeline_mode<synchronous>, transform_indices = @transform_4, window_bounds = array<i64: 1, 1024>}, {pipeline_mode = #tpu.pipeline_mode<synchronous>, transform_indices = @transform_5, window_bounds = array<i64: 1024, 512>}, {pipeline_mode = #tpu.pipeline_mode<synchronous>, transform_indices = @transform_6, window_bounds = array<i64: 1, 512>}, {transform_indices = @transform_7, window_bounds = array<i64: 512, 512>}, {pipeline_mode = #tpu.pipeline_mode<synchronous>, transform_indices = @transform_8, window_bounds = array<i64: 1, 512>}, {pipeline_mode = #tpu.pipeline_mode<synchronous>, transform_indices = @transform_9, window_bounds = array<i64: 1, 512>}]} {
    %get3A = arith.constant 0 : index
    %get3A_0 = arith.constant 0 : index
    %get3A_1 = vector.load %arg1[%get3A, %get3A_0] : memref<512x1024xf32, #tpu.memory_space<vmem>>, vector<512x1024xf32>
    %get3A_2 = arith.constant 0 : index
    %get3A_3 = arith.constant 0 : index
    %get3A_4 = vector.load %arg2[%get3A_2, %get3A_3] : memref<1x1024xf32, #tpu.memory_space<vmem>>, vector<1x1024xf32>
    %sub3A = vector.broadcast %get3A_4 : vector<1x1024xf32> to vector<512x1024xf32>
    %sub3A_5 = arith.subf %get3A_1, %sub3A : vector<512x1024xf32>
    %get3A_6 = arith.constant 0 : index
    %get3A_7 = arith.constant 0 : index
    %get3A_8 = vector.load %arg3[%get3A_6, %get3A_7] : memref<1x1024xf32, #tpu.memory_space<vmem>>, vector<1x1024xf32>
    %add3A = arith.constant 9.99999974E-6 : f32
    %add3A_9 = vector.broadcast %add3A : f32 to vector<1x1024xf32>
    %add3A_10 = arith.addf %get3A_8, %add3A_9 : vector<1x1024xf32>
    %sqrt3A = math.sqrt %add3A_10 : vector<1x1024xf32>
    %div3A = vector.broadcast %sqrt3A : vector<1x1024xf32> to vector<512x1024xf32>
    %div3A_11 = arith.divf %sub3A_5, %div3A : vector<512x1024xf32>
    %get3A_12 = arith.constant 0 : index
    %get3A_13 = arith.constant 0 : index
    %get3A_14 = vector.load %arg4[%get3A_12, %get3A_13] : memref<1x1024xf32, #tpu.memory_space<vmem>>, vector<1x1024xf32>
    %mul3A = vector.broadcast %get3A_14 : vector<1x1024xf32> to vector<512x1024xf32>
    %mul3A_15 = arith.mulf %div3A_11, %mul3A : vector<512x1024xf32>
    %get3A_16 = arith.constant 0 : index
    %get3A_17 = arith.constant 0 : index
    %get3A_18 = vector.load %arg5[%get3A_16, %get3A_17] : memref<1x1024xf32, #tpu.memory_space<vmem>>, vector<1x1024xf32>
    %add3A_19 = vector.broadcast %get3A_18 : vector<1x1024xf32> to vector<512x1024xf32>
    %add3A_20 = arith.addf %mul3A_15, %add3A_19 : vector<512x1024xf32>
    %get3A_21 = arith.constant 0 : index
    %get3A_22 = arith.constant 0 : index
    %get3A_23 = vector.load %arg6[%get3A_21, %get3A_22] : memref<1024x512xf32, #tpu.memory_space<vmem>>, vector<1024x512xf32>
    %dot_general3A = arith.constant dense<0.000000e+00> : vector<512x512xf32>
    %dot_general3A_24 = tpu.matmul %add3A_20, %get3A_23, %dot_general3A {dimension_numbers = #tpu.dot_dimension_numbers<[1], [0], [0], [1], [0, 0, 1, 1], [], []>, transpose_lhs_hint = false} : vector<512x1024xf32>, vector<1024x512xf32>, vector<512x512xf32> -> vector<512x512xf32>
    %get3A_25 = arith.constant 0 : index
    %get3A_26 = arith.constant 0 : index
    %get3A_27 = vector.load %arg7[%get3A_25, %get3A_26] : memref<1x512xf32, #tpu.memory_space<vmem>>, vector<1x512xf32>
    %add3A_28 = vector.broadcast %get3A_27 : vector<1x512xf32> to vector<512x512xf32>
    %add3A_29 = arith.addf %dot_general3A_24, %add3A_28 : vector<512x512xf32>
    %ge3A = arith.constant 0.000000e+00 : f32
    %ge3A_30 = vector.broadcast %ge3A : f32 to vector<512x512xf32>
    %ge3A_31 = arith.cmpf oge, %add3A_29, %ge3A_30 : vector<512x512xf32>
    %mul3A_32 = arith.constant 0.00999999977 : f32
    %mul3A_33 = vector.broadcast %mul3A_32 : f32 to vector<512x512xf32>
    %mul3A_34 = arith.mulf %mul3A_33, %add3A_29 : vector<512x512xf32>
    %select_n3A = arith.select %ge3A_31, %add3A_29, %mul3A_34 : vector<512x512xi1>, vector<512x512xf32>
    %swap3A = arith.constant 0 : index
    %swap3A_35 = arith.constant 0 : index
    %swap3A_36 = vector.load %arg8[%swap3A, %swap3A_35] : memref<512x512xf32, #tpu.memory_space<vmem>>, vector<512x512xf32>
    tpu.vector_store %arg8[%swap3A, %swap3A_35], %select_n3A {strides = array<i32>} : memref<512x512xf32, #tpu.memory_space<vmem>>, vector<512x512xf32>,
    %eq3A = arith.constant 0 : i32
    %eq3A_37 = arith.cmpi eq, %arg0, %eq3A : i32
    %convert_element_type3A = arith.extui %eq3A_37 : i1 to i32
    %cond3A = arith.constant 0 : i32
    %cond3A_38 = arith.cmpi ne, %convert_element_type3A, %cond3A : i32
    scf.if %cond3A_38 {
      %broadcast_in_dim3A_58 = arith.constant 0.000000e+00 : f32
      %broadcast_in_dim3A_59 = vector.broadcast %broadcast_in_dim3A_58 : f32 to vector<1x512xf32>
      %swap3A_60 = arith.constant 0 : index
      %swap3A_61 = arith.constant 0 : index
      %swap3A_62 = vector.load %arg9[%swap3A_60, %swap3A_61] : memref<1x512xf32, #tpu.memory_space<vmem>>, vector<1x512xf32>
      tpu.vector_store %arg9[%swap3A_60, %swap3A_61], %broadcast_in_dim3A_59 {strides = array<i32>} : memref<1x512xf32, #tpu.memory_space<vmem>>, vector<1x512xf32>,
      %broadcast_in_dim3A_63 = arith.constant 0.000000e+00 : f32
      %broadcast_in_dim3A_64 = vector.broadcast %broadcast_in_dim3A_63 : f32 to vector<1x512xf32>
      %swap3A_65 = arith.constant 0 : index
      %swap3A_66 = arith.constant 0 : index
      %swap3A_67 = vector.load %arg10[%swap3A_65, %swap3A_66] : memref<1x512xf32, #tpu.memory_space<vmem>>, vector<1x512xf32>
      tpu.vector_store %arg10[%swap3A_65, %swap3A_66], %broadcast_in_dim3A_64 {strides = array<i32>} : memref<1x512xf32, #tpu.memory_space<vmem>>, vector<1x512xf32>,
    } else {
    }
    %get3A_39 = arith.constant 0 : index
    %get3A_40 = arith.constant 0 : index
    %get3A_41 = vector.load %arg9[%get3A_39, %get3A_40] : memref<1x512xf32, #tpu.memory_space<vmem>>, vector<1x512xf32>
    %reduce_sum3A = arith.constant dense<0.000000e+00> : vector<512xf32>
    %reduce_sum3A_42 = vector.multi_reduction <add>, %select_n3A, %reduce_sum3A [0] : vector<512x512xf32> to vector<512xf32>
    %broadcast_in_dim3A = vector.shape_cast %reduce_sum3A_42 : vector<512xf32> to vector<1x512xf32>
    %add3A_43 = arith.addf %get3A_41, %broadcast_in_dim3A : vector<1x512xf32>
    %swap3A_44 = arith.constant 0 : index
    %swap3A_45 = arith.constant 0 : index
    %swap3A_46 = vector.load %arg9[%swap3A_44, %swap3A_45] : memref<1x512xf32, #tpu.memory_space<vmem>>, vector<1x512xf32>
    tpu.vector_store %arg9[%swap3A_44, %swap3A_45], %add3A_43 {strides = array<i32>} : memref<1x512xf32, #tpu.memory_space<vmem>>, vector<1x512xf32>,
    %get3A_47 = arith.constant 0 : index
    %get3A_48 = arith.constant 0 : index
    %get3A_49 = vector.load %arg10[%get3A_47, %get3A_48] : memref<1x512xf32, #tpu.memory_space<vmem>>, vector<1x512xf32>
    %mul3A_50 = arith.mulf %select_n3A, %select_n3A : vector<512x512xf32>
    %reduce_sum3A_51 = arith.constant dense<0.000000e+00> : vector<512xf32>
    %reduce_sum3A_52 = vector.multi_reduction <add>, %mul3A_50, %reduce_sum3A_51 [0] : vector<512x512xf32> to vector<512xf32>
    %broadcast_in_dim3A_53 = vector.shape_cast %reduce_sum3A_52 : vector<512xf32> to vector<1x512xf32>
    %add3A_54 = arith.addf %get3A_49, %broadcast_in_dim3A_53 : vector<1x512xf32>
    %swap3A_55 = arith.constant 0 : index
    %swap3A_56 = arith.constant 0 : index
    %swap3A_57 = vector.load %arg10[%swap3A_55, %swap3A_56] : memref<1x512xf32, #tpu.memory_space<vmem>>, vector<1x512xf32>
    tpu.vector_store %arg10[%swap3A_55, %swap3A_56], %add3A_54 {strides = array<i32>} : memref<1x512xf32, #tpu.memory_space<vmem>>, vector<1x512xf32>,
    return
  }
  func.func @transform_0(%arg0: i32) -> (i32, i32) {
    %c0_i32 = arith.constant 0 : i32
    %c0_i32_0 = arith.constant 0 : i32
    return %arg0, %c0_i32 : i32, i32
  }
  func.func @transform_1(%arg0: i32) -> (i32, i32) {
    %c0_i32 = arith.constant 0 : i32
    %c0_i32_0 = arith.constant 0 : i32
    %c0_i32_1 = arith.constant 0 : i32
    return %c0_i32, %c0_i32_0 : i32, i32
  }
  func.func @transform_2(%arg0: i32) -> (i32, i32) {
    %c0_i32 = arith.constant 0 : i32
    %c0_i32_0 = arith.constant 0 : i32
    %c0_i32_1 = arith.constant 0 : i32
    return %c0_i32, %c0_i32_0 : i32, i32
  }
  func.func @transform_3(%arg0: i32) -> (i32, i32) {
    %c0_i32 = arith.constant 0 : i32
    %c0_i32_0 = arith.constant 0 : i32
    %c0_i32_1 = arith.constant 0 : i32
    return %c0_i32, %c0_i32_0 : i32, i32
  }
  func.func @transform_4(%arg0: i32) -> (i32, i32) {
    %c0_i32 = arith.constant 0 : i32
    %c0_i32_0 = arith.constant 0 : i32
    %c0_i32_1 = arith.constant 0 : i32
    return %c0_i32, %c0_i32_0 : i32, i32
  }
  func.func @transform_5(%arg0: i32) -> (i32, i32) {
    %c0_i32 = arith.constant 0 : i32
    %c0_i32_0 = arith.constant 0 : i32
    %c0_i32_1 = arith.constant 0 : i32
    return %c0_i32, %c0_i32_0 : i32, i32
  }
  func.func @transform_6(%arg0: i32) -> (i32, i32) {
    %c0_i32 = arith.constant 0 : i32
    %c0_i32_0 = arith.constant 0 : i32
    %c0_i32_1 = arith.constant 0 : i32
    return %c0_i32, %c0_i32_0 : i32, i32
  }
  func.func @transform_7(%arg0: i32) -> (i32, i32) {
    %c0_i32 = arith.constant 0 : i32
    %c0_i32_0 = arith.constant 0 : i32
    return %arg0, %c0_i32 : i32, i32
  }
  func.func @transform_8(%arg0: i32) -> (i32, i32) {
    %c0_i32 = arith.constant 0 : i32
    %c0_i32_0 = arith.constant 0 : i32
    %c0_i32_1 = arith.constant 0 : i32
    return %c0_i32, %c0_i32_0 : i32, i32
  }
  func.func @transform_9(%arg0: i32) -> (i32, i32) {
    %c0_i32 = arith.constant 0 : i32
    %c0_i32_0 = arith.constant 0 : i32
    %c0_i32_1 = arith.constant 0 : i32
    return %c0_i32, %c0_i32_0 : i32, i32
  }
}

module attributes {stable_mosaic.version = 14 : i64} {
  func.func @_mlp_body(%arg0: i32, %arg1: memref<512x512xf32, #tpu.memory_space<vmem>>, %arg2: memref<1x512xf32, #tpu.memory_space<vmem>>, %arg3: memref<1x512xf32, #tpu.memory_space<vmem>>, %arg4: memref<1x512xf32, #tpu.memory_space<vmem>>, %arg5: memref<1x512xf32, #tpu.memory_space<vmem>>, %arg6: memref<512x256xf32, #tpu.memory_space<vmem>>, %arg7: memref<1x256xf32, #tpu.memory_space<vmem>>, %arg8: memref<512x256xf32, #tpu.memory_space<vmem>>, %arg9: memref<1x256xf32, #tpu.memory_space<vmem>>, %arg10: memref<1x256xf32, #tpu.memory_space<vmem>>) attributes {dimension_semantics = [#tpu.dimension_semantics<arbitrary>], iteration_bounds = array<i64: 32>, scalar_prefetch = 0 : i64, scratch_operands = 0 : i64, tpu.core_type = #tpu.core_type<tc>, window_params = [{transform_indices = @transform_0, window_bounds = array<i64: 512, 512>}, {pipeline_mode = #tpu.pipeline_mode<synchronous>, transform_indices = @transform_1, window_bounds = array<i64: 1, 512>}, {pipeline_mode = #tpu.pipeline_mode<synchronous>, transform_indices = @transform_2, window_bounds = array<i64: 1, 512>}, {pipeline_mode = #tpu.pipeline_mode<synchronous>, transform_indices = @transform_3, window_bounds = array<i64: 1, 512>}, {pipeline_mode = #tpu.pipeline_mode<synchronous>, transform_indices = @transform_4, window_bounds = array<i64: 1, 512>}, {pipeline_mode = #tpu.pipeline_mode<synchronous>, transform_indices = @transform_5, window_bounds = array<i64: 512, 256>}, {pipeline_mode = #tpu.pipeline_mode<synchronous>, transform_indices = @transform_6, window_bounds = array<i64: 1, 256>}, {transform_indices = @transform_7, window_bounds = array<i64: 512, 256>}, {pipeline_mode = #tpu.pipeline_mode<synchronous>, transform_indices = @transform_8, window_bounds = array<i64: 1, 256>}, {pipeline_mode = #tpu.pipeline_mode<synchronous>, transform_indices = @transform_9, window_bounds = array<i64: 1, 256>}]} {
    %get3A = arith.constant 0 : index
    %get3A_0 = arith.constant 0 : index
    %get3A_1 = vector.load %arg1[%get3A, %get3A_0] : memref<512x512xf32, #tpu.memory_space<vmem>>, vector<512x512xf32>
    %get3A_2 = arith.constant 0 : index
    %get3A_3 = arith.constant 0 : index
    %get3A_4 = vector.load %arg2[%get3A_2, %get3A_3] : memref<1x512xf32, #tpu.memory_space<vmem>>, vector<1x512xf32>
    %sub3A = vector.broadcast %get3A_4 : vector<1x512xf32> to vector<512x512xf32>
    %sub3A_5 = arith.subf %get3A_1, %sub3A : vector<512x512xf32>
    %get3A_6 = arith.constant 0 : index
    %get3A_7 = arith.constant 0 : index
    %get3A_8 = vector.load %arg3[%get3A_6, %get3A_7] : memref<1x512xf32, #tpu.memory_space<vmem>>, vector<1x512xf32>
    %add3A = arith.constant 9.99999974E-6 : f32
    %add3A_9 = vector.broadcast %add3A : f32 to vector<1x512xf32>
    %add3A_10 = arith.addf %get3A_8, %add3A_9 : vector<1x512xf32>
    %sqrt3A = math.sqrt %add3A_10 : vector<1x512xf32>
    %div3A = vector.broadcast %sqrt3A : vector<1x512xf32> to vector<512x512xf32>
    %div3A_11 = arith.divf %sub3A_5, %div3A : vector<512x512xf32>
    %get3A_12 = arith.constant 0 : index
    %get3A_13 = arith.constant 0 : index
    %get3A_14 = vector.load %arg4[%get3A_12, %get3A_13] : memref<1x512xf32, #tpu.memory_space<vmem>>, vector<1x512xf32>
    %mul3A = vector.broadcast %get3A_14 : vector<1x512xf32> to vector<512x512xf32>
    %mul3A_15 = arith.mulf %div3A_11, %mul3A : vector<512x512xf32>
    %get3A_16 = arith.constant 0 : index
    %get3A_17 = arith.constant 0 : index
    %get3A_18 = vector.load %arg5[%get3A_16, %get3A_17] : memref<1x512xf32, #tpu.memory_space<vmem>>, vector<1x512xf32>
    %add3A_19 = vector.broadcast %get3A_18 : vector<1x512xf32> to vector<512x512xf32>
    %add3A_20 = arith.addf %mul3A_15, %add3A_19 : vector<512x512xf32>
    %get3A_21 = arith.constant 0 : index
    %get3A_22 = arith.constant 0 : index
    %get3A_23 = vector.load %arg6[%get3A_21, %get3A_22] : memref<512x256xf32, #tpu.memory_space<vmem>>, vector<512x256xf32>
    %dot_general3A = arith.constant dense<0.000000e+00> : vector<512x256xf32>
    %dot_general3A_24 = tpu.matmul %add3A_20, %get3A_23, %dot_general3A {dimension_numbers = #tpu.dot_dimension_numbers<[1], [0], [0], [1], [0, 0, 1, 1], [], []>, transpose_lhs_hint = false} : vector<512x512xf32>, vector<512x256xf32>, vector<512x256xf32> -> vector<512x256xf32>
    %get3A_25 = arith.constant 0 : index
    %get3A_26 = arith.constant 0 : index
    %get3A_27 = vector.load %arg7[%get3A_25, %get3A_26] : memref<1x256xf32, #tpu.memory_space<vmem>>, vector<1x256xf32>
    %add3A_28 = vector.broadcast %get3A_27 : vector<1x256xf32> to vector<512x256xf32>
    %add3A_29 = arith.addf %dot_general3A_24, %add3A_28 : vector<512x256xf32>
    %ge3A = arith.constant 0.000000e+00 : f32
    %ge3A_30 = vector.broadcast %ge3A : f32 to vector<512x256xf32>
    %ge3A_31 = arith.cmpf oge, %add3A_29, %ge3A_30 : vector<512x256xf32>
    %mul3A_32 = arith.constant 0.00999999977 : f32
    %mul3A_33 = vector.broadcast %mul3A_32 : f32 to vector<512x256xf32>
    %mul3A_34 = arith.mulf %mul3A_33, %add3A_29 : vector<512x256xf32>
    %select_n3A = arith.select %ge3A_31, %add3A_29, %mul3A_34 : vector<512x256xi1>, vector<512x256xf32>
    %swap3A = arith.constant 0 : index
    %swap3A_35 = arith.constant 0 : index
    %swap3A_36 = vector.load %arg8[%swap3A, %swap3A_35] : memref<512x256xf32, #tpu.memory_space<vmem>>, vector<512x256xf32>
    tpu.vector_store %arg8[%swap3A, %swap3A_35], %select_n3A {strides = array<i32>} : memref<512x256xf32, #tpu.memory_space<vmem>>, vector<512x256xf32>,
    %eq3A = arith.constant 0 : i32
    %eq3A_37 = arith.cmpi eq, %arg0, %eq3A : i32
    %convert_element_type3A = arith.extui %eq3A_37 : i1 to i32
    %cond3A = arith.constant 0 : i32
    %cond3A_38 = arith.cmpi ne, %convert_element_type3A, %cond3A : i32
    scf.if %cond3A_38 {
      %broadcast_in_dim3A_58 = arith.constant 0.000000e+00 : f32
      %broadcast_in_dim3A_59 = vector.broadcast %broadcast_in_dim3A_58 : f32 to vector<1x256xf32>
      %swap3A_60 = arith.constant 0 : index
      %swap3A_61 = arith.constant 0 : index
      %swap3A_62 = vector.load %arg9[%swap3A_60, %swap3A_61] : memref<1x256xf32, #tpu.memory_space<vmem>>, vector<1x256xf32>
      tpu.vector_store %arg9[%swap3A_60, %swap3A_61], %broadcast_in_dim3A_59 {strides = array<i32>} : memref<1x256xf32, #tpu.memory_space<vmem>>, vector<1x256xf32>,
      %broadcast_in_dim3A_63 = arith.constant 0.000000e+00 : f32
      %broadcast_in_dim3A_64 = vector.broadcast %broadcast_in_dim3A_63 : f32 to vector<1x256xf32>
      %swap3A_65 = arith.constant 0 : index
      %swap3A_66 = arith.constant 0 : index
      %swap3A_67 = vector.load %arg10[%swap3A_65, %swap3A_66] : memref<1x256xf32, #tpu.memory_space<vmem>>, vector<1x256xf32>
      tpu.vector_store %arg10[%swap3A_65, %swap3A_66], %broadcast_in_dim3A_64 {strides = array<i32>} : memref<1x256xf32, #tpu.memory_space<vmem>>, vector<1x256xf32>,
    } else {
    }
    %get3A_39 = arith.constant 0 : index
    %get3A_40 = arith.constant 0 : index
    %get3A_41 = vector.load %arg9[%get3A_39, %get3A_40] : memref<1x256xf32, #tpu.memory_space<vmem>>, vector<1x256xf32>
    %reduce_sum3A = arith.constant dense<0.000000e+00> : vector<256xf32>
    %reduce_sum3A_42 = vector.multi_reduction <add>, %select_n3A, %reduce_sum3A [0] : vector<512x256xf32> to vector<256xf32>
    %broadcast_in_dim3A = vector.shape_cast %reduce_sum3A_42 : vector<256xf32> to vector<1x256xf32>
    %add3A_43 = arith.addf %get3A_41, %broadcast_in_dim3A : vector<1x256xf32>
    %swap3A_44 = arith.constant 0 : index
    %swap3A_45 = arith.constant 0 : index
    %swap3A_46 = vector.load %arg9[%swap3A_44, %swap3A_45] : memref<1x256xf32, #tpu.memory_space<vmem>>, vector<1x256xf32>
    tpu.vector_store %arg9[%swap3A_44, %swap3A_45], %add3A_43 {strides = array<i32>} : memref<1x256xf32, #tpu.memory_space<vmem>>, vector<1x256xf32>,
    %get3A_47 = arith.constant 0 : index
    %get3A_48 = arith.constant 0 : index
    %get3A_49 = vector.load %arg10[%get3A_47, %get3A_48] : memref<1x256xf32, #tpu.memory_space<vmem>>, vector<1x256xf32>
    %mul3A_50 = arith.mulf %select_n3A, %select_n3A : vector<512x256xf32>
    %reduce_sum3A_51 = arith.constant dense<0.000000e+00> : vector<256xf32>
    %reduce_sum3A_52 = vector.multi_reduction <add>, %mul3A_50, %reduce_sum3A_51 [0] : vector<512x256xf32> to vector<256xf32>
    %broadcast_in_dim3A_53 = vector.shape_cast %reduce_sum3A_52 : vector<256xf32> to vector<1x256xf32>
    %add3A_54 = arith.addf %get3A_49, %broadcast_in_dim3A_53 : vector<1x256xf32>
    %swap3A_55 = arith.constant 0 : index
    %swap3A_56 = arith.constant 0 : index
    %swap3A_57 = vector.load %arg10[%swap3A_55, %swap3A_56] : memref<1x256xf32, #tpu.memory_space<vmem>>, vector<1x256xf32>
    tpu.vector_store %arg10[%swap3A_55, %swap3A_56], %add3A_54 {strides = array<i32>} : memref<1x256xf32, #tpu.memory_space<vmem>>, vector<1x256xf32>,
    return
  }
  func.func @transform_0(%arg0: i32) -> (i32, i32) {
    %c0_i32 = arith.constant 0 : i32
    %c0_i32_0 = arith.constant 0 : i32
    return %arg0, %c0_i32 : i32, i32
  }
  func.func @transform_1(%arg0: i32) -> (i32, i32) {
    %c0_i32 = arith.constant 0 : i32
    %c0_i32_0 = arith.constant 0 : i32
    %c0_i32_1 = arith.constant 0 : i32
    return %c0_i32, %c0_i32_0 : i32, i32
  }
  func.func @transform_2(%arg0: i32) -> (i32, i32) {
    %c0_i32 = arith.constant 0 : i32
    %c0_i32_0 = arith.constant 0 : i32
    %c0_i32_1 = arith.constant 0 : i32
    return %c0_i32, %c0_i32_0 : i32, i32
  }
  func.func @transform_3(%arg0: i32) -> (i32, i32) {
    %c0_i32 = arith.constant 0 : i32
    %c0_i32_0 = arith.constant 0 : i32
    %c0_i32_1 = arith.constant 0 : i32
    return %c0_i32, %c0_i32_0 : i32, i32
  }
  func.func @transform_4(%arg0: i32) -> (i32, i32) {
    %c0_i32 = arith.constant 0 : i32
    %c0_i32_0 = arith.constant 0 : i32
    %c0_i32_1 = arith.constant 0 : i32
    return %c0_i32, %c0_i32_0 : i32, i32
  }
  func.func @transform_5(%arg0: i32) -> (i32, i32) {
    %c0_i32 = arith.constant 0 : i32
    %c0_i32_0 = arith.constant 0 : i32
    %c0_i32_1 = arith.constant 0 : i32
    return %c0_i32, %c0_i32_0 : i32, i32
  }
  func.func @transform_6(%arg0: i32) -> (i32, i32) {
    %c0_i32 = arith.constant 0 : i32
    %c0_i32_0 = arith.constant 0 : i32
    %c0_i32_1 = arith.constant 0 : i32
    return %c0_i32, %c0_i32_0 : i32, i32
  }
  func.func @transform_7(%arg0: i32) -> (i32, i32) {
    %c0_i32 = arith.constant 0 : i32
    %c0_i32_0 = arith.constant 0 : i32
    return %arg0, %c0_i32 : i32, i32
  }
  func.func @transform_8(%arg0: i32) -> (i32, i32) {
    %c0_i32 = arith.constant 0 : i32
    %c0_i32_0 = arith.constant 0 : i32
    %c0_i32_1 = arith.constant 0 : i32
    return %c0_i32, %c0_i32_0 : i32, i32
  }
  func.func @transform_9(%arg0: i32) -> (i32, i32) {
    %c0_i32 = arith.constant 0 : i32
    %c0_i32_0 = arith.constant 0 : i32
    %c0_i32_1 = arith.constant 0 : i32
    return %c0_i32, %c0_i32_0 : i32, i32
  }
}

module attributes {stable_mosaic.version = 14 : i64} {
  func.func @_mlp_final_body(%arg0: i32, %arg1: memref<512x256xf32, #tpu.memory_space<vmem>>, %arg2: memref<1x256xf32, #tpu.memory_space<vmem>>, %arg3: memref<1x256xf32, #tpu.memory_space<vmem>>, %arg4: memref<1x256xf32, #tpu.memory_space<vmem>>, %arg5: memref<1x256xf32, #tpu.memory_space<vmem>>, %arg6: memref<256x40xf32, #tpu.memory_space<vmem>>, %arg7: memref<1x40xf32, #tpu.memory_space<vmem>>, %arg8: memref<512x40xf32, #tpu.memory_space<vmem>>) attributes {dimension_semantics = [#tpu.dimension_semantics<arbitrary>], iteration_bounds = array<i64: 32>, scalar_prefetch = 0 : i64, scratch_operands = 0 : i64, tpu.core_type = #tpu.core_type<tc>, window_params = [{transform_indices = @transform_0, window_bounds = array<i64: 512, 256>}, {pipeline_mode = #tpu.pipeline_mode<synchronous>, transform_indices = @transform_1, window_bounds = array<i64: 1, 256>}, {pipeline_mode = #tpu.pipeline_mode<synchronous>, transform_indices = @transform_2, window_bounds = array<i64: 1, 256>}, {pipeline_mode = #tpu.pipeline_mode<synchronous>, transform_indices = @transform_3, window_bounds = array<i64: 1, 256>}, {pipeline_mode = #tpu.pipeline_mode<synchronous>, transform_indices = @transform_4, window_bounds = array<i64: 1, 256>}, {pipeline_mode = #tpu.pipeline_mode<synchronous>, transform_indices = @transform_5, window_bounds = array<i64: 256, 40>}, {pipeline_mode = #tpu.pipeline_mode<synchronous>, transform_indices = @transform_6, window_bounds = array<i64: 1, 40>}, {transform_indices = @transform_7, window_bounds = array<i64: 512, 40>}]} {
    %get3A = arith.constant 0 : index
    %get3A_0 = arith.constant 0 : index
    %get3A_1 = vector.load %arg1[%get3A, %get3A_0] : memref<512x256xf32, #tpu.memory_space<vmem>>, vector<512x256xf32>
    %get3A_2 = arith.constant 0 : index
    %get3A_3 = arith.constant 0 : index
    %get3A_4 = vector.load %arg2[%get3A_2, %get3A_3] : memref<1x256xf32, #tpu.memory_space<vmem>>, vector<1x256xf32>
    %sub3A = vector.broadcast %get3A_4 : vector<1x256xf32> to vector<512x256xf32>
    %sub3A_5 = arith.subf %get3A_1, %sub3A : vector<512x256xf32>
    %get3A_6 = arith.constant 0 : index
    %get3A_7 = arith.constant 0 : index
    %get3A_8 = vector.load %arg3[%get3A_6, %get3A_7] : memref<1x256xf32, #tpu.memory_space<vmem>>, vector<1x256xf32>
    %add3A = arith.constant 9.99999974E-6 : f32
    %add3A_9 = vector.broadcast %add3A : f32 to vector<1x256xf32>
    %add3A_10 = arith.addf %get3A_8, %add3A_9 : vector<1x256xf32>
    %sqrt3A = math.sqrt %add3A_10 : vector<1x256xf32>
    %div3A = vector.broadcast %sqrt3A : vector<1x256xf32> to vector<512x256xf32>
    %div3A_11 = arith.divf %sub3A_5, %div3A : vector<512x256xf32>
    %get3A_12 = arith.constant 0 : index
    %get3A_13 = arith.constant 0 : index
    %get3A_14 = vector.load %arg4[%get3A_12, %get3A_13] : memref<1x256xf32, #tpu.memory_space<vmem>>, vector<1x256xf32>
    %mul3A = vector.broadcast %get3A_14 : vector<1x256xf32> to vector<512x256xf32>
    %mul3A_15 = arith.mulf %div3A_11, %mul3A : vector<512x256xf32>
    %get3A_16 = arith.constant 0 : index
    %get3A_17 = arith.constant 0 : index
    %get3A_18 = vector.load %arg5[%get3A_16, %get3A_17] : memref<1x256xf32, #tpu.memory_space<vmem>>, vector<1x256xf32>
    %add3A_19 = vector.broadcast %get3A_18 : vector<1x256xf32> to vector<512x256xf32>
    %add3A_20 = arith.addf %mul3A_15, %add3A_19 : vector<512x256xf32>
    %get3A_21 = arith.constant 0 : index
    %get3A_22 = arith.constant 0 : index
    %get3A_23 = vector.load %arg6[%get3A_21, %get3A_22] : memref<256x40xf32, #tpu.memory_space<vmem>>, vector<256x40xf32>
    %dot_general3A = arith.constant dense<0.000000e+00> : vector<512x40xf32>
    %dot_general3A_24 = tpu.matmul %add3A_20, %get3A_23, %dot_general3A {dimension_numbers = #tpu.dot_dimension_numbers<[1], [0], [0], [1], [0, 0, 1, 1], [], []>, transpose_lhs_hint = false} : vector<512x256xf32>, vector<256x40xf32>, vector<512x40xf32> -> vector<512x40xf32>
    %get3A_25 = arith.constant 0 : index
    %get3A_26 = arith.constant 0 : index
    %get3A_27 = vector.load %arg7[%get3A_25, %get3A_26] : memref<1x40xf32, #tpu.memory_space<vmem>>, vector<1x40xf32>
    %add3A_28 = vector.broadcast %get3A_27 : vector<1x40xf32> to vector<512x40xf32>
    %add3A_29 = arith.addf %dot_general3A_24, %add3A_28 : vector<512x40xf32>
    %swap3A = arith.constant 0 : index
    %swap3A_30 = arith.constant 0 : index
    %swap3A_31 = vector.load %arg8[%swap3A, %swap3A_30] : memref<512x40xf32, #tpu.memory_space<vmem>>, vector<512x40xf32>
    tpu.vector_store %arg8[%swap3A, %swap3A_30], %add3A_29 {strides = array<i32>} : memref<512x40xf32, #tpu.memory_space<vmem>>, vector<512x40xf32>,
    return
  }
  func.func @transform_0(%arg0: i32) -> (i32, i32) {
    %c0_i32 = arith.constant 0 : i32
    %c0_i32_0 = arith.constant 0 : i32
    return %arg0, %c0_i32 : i32, i32
  }
  func.func @transform_1(%arg0: i32) -> (i32, i32) {
    %c0_i32 = arith.constant 0 : i32
    %c0_i32_0 = arith.constant 0 : i32
    %c0_i32_1 = arith.constant 0 : i32
    return %c0_i32, %c0_i32_0 : i32, i32
  }
  func.func @transform_2(%arg0: i32) -> (i32, i32) {
    %c0_i32 = arith.constant 0 : i32
    %c0_i32_0 = arith.constant 0 : i32
    %c0_i32_1 = arith.constant 0 : i32
    return %c0_i32, %c0_i32_0 : i32, i32
  }
  func.func @transform_3(%arg0: i32) -> (i32, i32) {
    %c0_i32 = arith.constant 0 : i32
    %c0_i32_0 = arith.constant 0 : i32
    %c0_i32_1 = arith.constant 0 : i32
    return %c0_i32, %c0_i32_0 : i32, i32
  }
  func.func @transform_4(%arg0: i32) -> (i32, i32) {
    %c0_i32 = arith.constant 0 : i32
    %c0_i32_0 = arith.constant 0 : i32
    %c0_i32_1 = arith.constant 0 : i32
    return %c0_i32, %c0_i32_0 : i32, i32
  }
  func.func @transform_5(%arg0: i32) -> (i32, i32) {
    %c0_i32 = arith.constant 0 : i32
    %c0_i32_0 = arith.constant 0 : i32
    %c0_i32_1 = arith.constant 0 : i32
    return %c0_i32, %c0_i32_0 : i32, i32
  }
  func.func @transform_6(%arg0: i32) -> (i32, i32) {
    %c0_i32 = arith.constant 0 : i32
    %c0_i32_0 = arith.constant 0 : i32
    %c0_i32_1 = arith.constant 0 : i32
    return %c0_i32, %c0_i32_0 : i32, i32
  }
  func.func @transform_7(%arg0: i32) -> (i32, i32) {
    %c0_i32 = arith.constant 0 : i32
    %c0_i32_0 = arith.constant 0 : i32
    return %arg0, %c0_i32 : i32, i32
  }
}

</mosaic_0001>

<sc_bundles>
// kernel: sparse-core-data-format-call.1.cloned.1.call-start
scs
called_computation.1_lowered:
.L_overlay_start_0:
0x0: {  	s1 =	sld [smem:$0x3FD9]  }
0x1: {  	s2 =	sld [smem:$0x3FFE];
	_ =	sdelay $0x1  }
0x2: {  	s3 =	srdreg.scid  }
0x3: {  	s0 =	sand.u32 $0x1, s3  }
0x4: {  	s17 =	sshll.u32 s0, $0xA;
	s1 =	sadd.s32 s2, s1  }
0x5: {  	s1 =	sadd.s32 s1, s17  }
0x6: {  	[smem:$0x3F99] =	sst s1  }
0x7: {  	_ = 	snop  }
0x8: {  	(tm) =	ssettm $0x1  }
0x9: {  	s18 =	sld [smem:$0x3FFB];
	_ =	sdelay $0x3  }
0xa: {  	_ =	strace s18  }
0xb: {  	s1 =	sld [smem:$0x3FFC];
	_ =	sdelay $0x3  }
0xc: {  	_ =	strace s1  }
0xd: {  	s1 =	sld [smem:$0x3FFD];
	_ =	sdelay $0x3  }
0xe: {  	_ =	strace s1  }
0xf: {  	_ =	strace $0x8FFFFFFF  }
0x10: {  	s19 =	sld [smem:$0x3FDB];
	_ =	sdelay $0x1  }
0x11: {  	s20 =	simm.s32 $_scs_section_size  }
0x12: {  	s4 =	simm.s32 $_size__tile_overlayer_lowered;
	s5 =	simm.s32 $_tile_overlayer_lowered  }
0x13: {  	s23 =	simm.s32 $0x1BFF;
	s22 =	sshll.u32 s5, $0x1;
	s1 =	sadd.s32 s20, s19  }
0x14: {  	s6 =	simm.s32 $0x0;
	s21 =	sshll.u32 s4, $0x1;
	s4 =	sadd.s32 s22, s1  }
0x15: {  	[timem:s6], [sflag:s23] =	dma.local [hbm:s4], s21  }
0x16: {  	_ =	swait.ge [sflag:s23], s21  }
0x17: {  	s2 =	ssub.s32 $0x0, s21;
	[sflag:s23] =	ssyncset.done $0x0  }
0x18: {  	[sflag:s23] =	ssyncadd.s32 s2;
	_ =	sdelay $0x1  }
0x19: {  	s24 =	simm.s32 $0x1B8B  }
0x1a: {  	_ =	swait.ge [sflag:s24], $0x1  }
0x1b: {  	[sflag:s24] =	ssyncset.done $0x0  }
0x1c: {  	s26 =	simm.s32 $0x1B8E;
	s25 =	sld [smem:$0x3FFE];
	[sflag:s24] =	ssyncadd.s32 $0xFFFFFFFF  }
0x1d: {  	s27 =	simm.s32 $execute0_lowered;
	[smem:$0x3FD2] =	sst s26  }
0x1e: {  	s4 =	sshll.u32 s27, $0x1;
	_ =	strace $0x8000004C;
	[dreg:$0x1] =	wrdreg $0xFFFFFFFF  }
0x1f: {  	s28 =	simm.s32 $_size_execute0_lowered;
	s1 =	sadd.s32 s1, s4;
	[dreg:$0x0] =	wrdreg $0x0  }
0x20: {  	s4 =	sshll.u32 s28, $0x1;
	[dreg:$0x2] =	wrdreg s1  }
0x21: {  	[dreg:$0x3] =	wrdreg s4  }
0x22: {  	[dreg:$0x4] =	wrdreg $0xC0  }
0x23: {  	_ =	task [dreg:s6], $0x5FFFF  }
0x24: {  	[dreg:$0x1] =	wrdreg $0xFFFFFFFF  }
0x25: {  	[dreg:$0x0] =	wrdreg $0x60  }
0x26: {  	[dreg:$0x2] =	wrdreg s25  }
0x27: {  	[dreg:$0x3] =	wrdreg $0x9  }
0x28: {  	_ =	task.clear_ibuf [dreg:s6], $0x4FFFF;
	_ =	strace $0x9000004C  }
0x29: {  	s29 =	simm.s32 $0x9;
	_ =	strace $0x8000004E  }
0x2a: {  	_ =	swait.ge [sflag:s29], $0x1  }
0x2b: {  	[sflag:s29] =	ssyncadd.s32 $0xFFFFFFFF  }
0x2c: {  	_ =	strace $0x9000004E  }
0x2d: {  	_ =	sfence  }
0x2e: {  	s30 =	sld [smem:$0x0];
	_ =	sdelay $0x2  }
0x2f: {  	s31 =	sshll.u32 s3, $0xD;
	s3 =	sshrl.u32 s3, $0x2  }
0x30: {  	s2 =	sand.u32 $0x4000, s31;
	s1 =	sadd.s32 s3, s30  }
0x31: {  	s0 =	sor.u32 s2, s0;
	s1 =	sshll.u32 s1, $0x11  }
0x32: {  	s0 =	sor.u32 s1, s0  }
0x33: {  	s0 =	sadd.s32 $0x8F2B, s0  }
0x34: {  	[sflag:s0] =	ssyncadd.remote.s32 $0x1  }
0x35: {  	_ =	sfence.sel $0xFFFF  }
0x36: {  	[dreg:$0x0] =	wrdreg $0xFFFFFFFF;
	(pc) =	sbr.abs _section_cstart, $3  }
0x37: {  	[dreg:$0x1] =	wrdreg $0xFFFFFFFF  }
0x38: {  	_ =	task.clear_ibuf [dreg:s6], $0x2FFFF;
	_ =	strace $0x9FFFFFFF  }
0x39: {  	(tm) =	ssettm $0x7FFFFFFF  }
tec
execute0_lowered:
.L_overlay_start_1:
0x0: {  	(tag) =	ssettag $0x1  }
0x1: {  	s0 =	stileid.u32;
	s1 =	srdreg.scid  }
0x2: {  	s4 =	rddreg [dreg:$0x0];
	s7 =	simm.s32 $0x1;
	s31 =	simm.s32 $0x2  }
0x3: {  	s16 =	simm.s32 $0x0;
	s2 =	sshll.u32 s0, $0x4;
	s1 =	sshll.u32 s1, $0x8  }
0x4: {  	s9 =	simm.s32 $0x4000;
	s14 =	simm.s32 $0x0;
	s1 =	sor.u32 s2, s1  }
0x5: {  	s15 =	simm.s32 $0x0;
	s10 =	simm.s32 $0x0;
	s2 =	sand.u32 $0x180, s1  }
0x6: {  	s13 =	simm.s32 $0x0;
	s3 =	sadd.s32 $0x480000, s4;
	s5 =	ssub.s32 $0x800, s2  }
0x7: {  	s4 =	sadd.s32 $0x880000, s4;
	s1 =	rddreg [dreg:$0x1];
	s6 =	sand.u32 $0x180, s5  }
.Ltmp0:
0x8: {  	_ =	strace $0x8000004D;
	p0 =	sne.s32 s6, $0x0;
	(pc) =	sbr.rel .LBB1_1-.Ltmp0, $4  }
0x9: {  	s11 =	smov.u32 s2;
	s8 =	sshrl.u32 s5, $0x9;
	s7 =	simm.s32 @!p0 $0x0  }
0xa: {  	s5 =	sand.u32 $0x7, s0;
	s6 =	simm.s32 $0x1;
	s7 =	sadd.s32 s7, s8  }
0xb: {  	s12 =	smov.u32 s5;
	[sflag:s6] =	ssyncpa.u1 $0x0;
	s7 =	sshll.u32 s7, $0x4  }
0xc: {  	p0 =	por $0x0, $0x0;
	[sflag:s31] =	ssyncpa.u1 $0x0;
	s8 =	sor.u32 $0x1, s7  }
.LBB1_4:
0xd: {  	v5 =	vld [tilespmem:s19+$0xFFFFFFD0]  }
0xe: {  	[tilespmem:s20+$0x2040 ss:$0x81] =	vst.msk $0xffff, v1;
	v58 =	vld [tilespmem:s19+$0xFFFFFFE0]  }
0xf: {  	[tilespmem:s20+$0x2850 ss:$0x81] =	vst.msk $0xffff, v2;
	v59 =	vld [tilespmem:s19+$0xFFFFFFF0]  }
0x10: {  	s21 =	sshra.s32 s21, $0x2;
	[tilespmem:s20+$0x3060 ss:$0x81] =	vst.msk $0xffff, v3;
	v60 =	vld [tilespmem:s19+$0x0]  }
0x11: {  	[tilespmem:s20+$0x0 ss:$0x81] =	vst.msk $0xffff, v0;
	v61 =	vld [tilespmem:s19+$0x10];
	s18 =	sadd.s32 s21, s18  }
0x12: {  	s26 =	sshll.u32 s16, $0xB;
	v62 =	vld [tilespmem:s19+$0x20];
	[tilespmem:s18+$0x3870 ss:$0x81] =	vst.msk $0xffff, v4  }
0x13: {  	s27 =	sand.u32 $0x78, s14;
	s22 =	sshll.u32 s14, $0x3;
	v63 =	vld [tilespmem:s19+$0xFFFFFFC0];
	s29 =	sshll.u32 s16, $0x7;
	[tilespmem:s18+$0x810 ss:$0x81] =	vst.msk $0xffff, v5  }
0x14: {  	s15 =	sshll.u32 s15, $0x13;
	s20 =	sand.u32 $0x3FC000, s26;
	s28 =	sand.u32 $0x3FFC00, s22;
	[tilespmem:s18+$0x1020 ss:$0x81] =	vst.msk $0xffff, v58  }
0x15: {  	s31 =	sand.u32 $0x7, s14;
	s22 =	sand.u32 $0x400, s22;
	s19 =	sadd.s32 s28, s20;
	[tilespmem:s18+$0x1830 ss:$0x81] =	vst.msk $0xffff, v59  }
0x16: {  	s16 =	sand.u32 $0x380, s29;
	s30 =	sor.u32 s27, s22;
	s19 =	sshrl.u32 s19, $0x3;
	[tilespmem:s18+$0x2040 ss:$0x81] =	vst.msk $0xffff, v60  }
0x17: {  	s15 =	sadd.s32 s4, s15;
	s16 =	sor.u32 s16, s30;
	s19 =	sand.u32 $0x7FF00, s19;
	[tilespmem:s18+$0x2850 ss:$0x81] =	vst.msk $0xffff, v61  }
0x18: {  	s14 =	sshll.u32 s31, $0x12;
	s16 =	sshrl.u32 s16, $0x3;
	[tilespmem:s18+$0x3060 ss:$0x81] =	vst.msk $0xffff, v62;
	s15 =	sadd.s32 s19, s15  }
0x19: {  	s14 =	sor.u32 $0x400, s14;
	[tilespmem:s18+$0x0 ss:$0x81] =	vst.msk $0xffff, v63;
	s15 =	sadd.s32 s16, s15  }
0x1a: {  	[hbm4b:s15+s14] =	stream.strided.scatter [tilespmem:s17], [sflag:$0x2], $0x4000, s9, s14, $0x20;
	[tilespmem:$0x10100] =	vst v63  }
.LBB1_5:
0x1b: {  	s17 =	sadd.s32 $0x80, s10  }
0x1c: {  	s14 =	sadd.s32 $0x200, s11;
	s18 =	smov.u32 s11;
	p2 =	sgt.s32 s17, $0x7FF  }
0x1d: {  	s18 =	smov.u32 @p2 s14  }
0x1e: {  	s20 =	smov.u32 s12;
	s14 =	sadd.s32 $0x8, s12;
	p3 =	sgt.s32 s18, $0x7FF  }
0x1f: {  	s20 =	smov.u32 @p3 s14  }
0x20: {  	s17 =	simm.s32 @p2 $0x0;
	p2 =	sgt.s32 s20, $0x7  }
0x21: {  	p1 =	slt.u32 s13, $0x2;
	s20 =	smov.u32 @p2 s5;
	p2 =	sne.s32 s13, s8  }
.Ltmp1:
0x22: {  	s19 =	simm.s32 @!p1 $0x2;
	(pc) =	sbr.rel @!p2 .LBB1_6-.Ltmp1, $4  }
0x23: {  	s16 =	smov.u32 s10;
	s15 =	smov.u32 s12;
	_ =	swait.ge @!p1 [sflag:s19], $0x4000  }
0x24: {  	p0 =	por !p0, !p0;
	[sflag:s19] =	ssyncset.done @!p1 $0x0;
	s10 =	smov.u32 s17  }
0x25: {  	s18 =	smov.u32 @p3 s2;
	s14 =	smov.u32 s11;
	[sflag:s19] =	ssyncadd.s32 @!p1 $0xFFFFC000  }
0x26: {  	s11 =	smov.u32 s18;
	s13 =	sadd.s32 $0x1, s13;
	s12 =	smov.u32 s20  }
.LBB1_1:
0x27: {  	p1 =	sge.u32 s13, s7;
	s31 =	sadd.s32 $0xFFFFFFFF, s13  }
0x28: {  	s17 =	sxor.u32 @!p1 $0xFFFFFFFF, s13;
	s18 =	sand.u32 @!p1 $0x78, s10;
	s19 =	sshll.u32 @!p1 s11, $0xB  }
0x29: {  	s20 =	sshll.u32 @!p1 s11, $0x7;
	s21 =	sshll.u32 @!p1 s10, $0x3;
	s17 =	sshll.u32 @!p1 s17, $0xE  }
0x2a: {  	s19 =	sand.u32 @!p1 $0x3FC000, s19;
	s20 =	sand.u32 @!p1 $0x380, s20;
	s17 =	sand.u32 @!p1 $0x4000, s17  }
0x2b: {  	s19 =	sadd.s32 @!p1 s19, s21;
	s21 =	sand.u32 @!p1 $0x400, s21;
	s18 =	sor.u32 @!p1 s20, s18  }
0x2c: {  	s20 =	sshll.u32 @!p1 s12, $0x13;
	s18 =	sor.u32 @!p1 s21, s18;
	s19 =	sshrl.u32 @!p1 s19, $0x3  }
0x2d: {  	s20 =	sadd.s32 @!p1 s3, s20;
	s21 =	sand.u32 @!p1 $0x7, s10;
	s19 =	sand.u32 @!p1 $0x7FF00, s19  }
0x2e: {  	s18 =	sshrl.u32 @!p1 s18, $0x3;
	s19 =	sadd.s32 @!p1 s19, s20;
	s20 =	sshll.u32 @!p1 s21, $0x12  }
0x2f: {  	s18 =	sadd.s32 @!p1 s18, s19;
	s19 =	sor.u32 @!p1 $0x400, s20;
	s20 =	simm.s32 @!p1 $0x4000  }
0x30: {  	[tilespmem:s17], [sflag:$0x1] =	stream.strided.gather @!p1 [hbm4b:s18+s19], $0x4000, s20, s19, $0x38;
	[tilespmem:$0x10100] =	vst v63  }
0x31: {  	p1 =	sge.u32 s31, s7  }
.Ltmp2:
0x32: {  	_ = 	snop;
	(pc) =	sbr.rel @p1 .LBB1_5-.Ltmp2, $1  }
0x33: {  	_ =	sdelay $0x3  }
0x34: {  	s17 =	simm.s32 $0x1  }
0x35: {  	_ =	swait.ge [sflag:s6], $0x4000;
	s17 =	simm.s32 @!p0 $0x0  }
0x36: {  	[sflag:s6] =	ssyncset.done $0x0;
	s18 =	sshll.u32 s17, $0xE  }
0x37: {  	[sflag:s6] =	ssyncadd.s32 $0xFFFFC000;
	s19 =	sor.u32 $0x40, s18  }
0x38: {  	s17 =	smul.u32 $0x10200, s17;
	v0 =	vld [tilespmem:s19+$0x30]  }
0x39: {  	v3 =	vld [tilespmem:s19+$0xFFFFFFD0]  }
0x3a: {  	s17 =	sshrl.u32 s17, $0x2;
	v4 =	vld [tilespmem:s19+$0xFFFFFFE0]  }
0x3b: {  	v5 =	vld [tilespmem:s19+$0xFFFFFFF0];
	s18 =	sor.u32 $0x8000, s17  }
0x3c: {  	s31 =	sand.u32 $0x1, s13;
	v1 =	vld [tilespmem:s19+$0x0];
	s20 =	sadd.s32 $0x0, s18  }
0x3d: {  	v2 =	vld [tilespmem:s19+$0x10];
	s17 =	smul.u32 $0x10200, s31;
	[tilespmem:s20+$0x3870 ss:$0x81] =	vst.msk $0xffff, v0  }
0x3e: {  	[tilespmem:s20+$0x810 ss:$0x81] =	vst.msk $0xffff, v3;
	v3 =	vld [tilespmem:s19+$0x20]  }
0x3f: {  	s17 =	sshrl.u32 s17, $0x2;
	v0 =	vld [tilespmem:s19+$0xFFFFFFC0];
	[tilespmem:s20+$0x1020 ss:$0x81] =	vst.msk $0xffff, v4;
	s19 =	sadd.s32 $0x80, s19  }
0x40: {  	s21 =	simm.s32 $0x4;
	s22 =	simm.s32 $0x8;
	s17 =	sor.u32 $0x8000, s17;
	[tilespmem:s20+$0x1830 ss:$0x81] =	vst.msk $0xffff, v5;
	v4 =	vld [tilespmem:s19+$0x30]  }
.LBB1_3:
0x41: {  	p1 =	sne.s32 s22, $0x1FC;
	v5 =	vld [tilespmem:s19+$0xFFFFFFD0];
	[tilespmem:s20+$0x2040 ss:$0x81] =	vst.msk $0xffff, v1  }
0x42: {  	v6 =	vld [tilespmem:s19+$0xFFFFFFE0];
	[tilespmem:s20+$0x2850 ss:$0x81] =	vst.msk $0xffff, v2  }
0x43: {  	s23 =	sshra.s32 s21, $0x2;
	s21 =	smov.u32 s22;
	v7 =	vld [tilespmem:s19+$0xFFFFFFF0];
	[tilespmem:s20+$0x3060 ss:$0x81] =	vst.msk $0xffff, v3  }
.Ltmp3:
0x44: {  	v1 =	vld [tilespmem:s19+$0x0];
	[tilespmem:s20+$0x0 ss:$0x81] =	vst.msk $0xffff, v0;
	s20 =	sadd.s32 s23, s18;
	(pc) =	sbr.rel @p1 .LBB1_3-.Ltmp3, $4  }
0x45: {  	v2 =	vld [tilespmem:s19+$0x10];
	[tilespmem:s20+$0x3870 ss:$0x81] =	vst.msk $0xffff, v4  }
0x46: {  	[tilespmem:s20+$0x810 ss:$0x81] =	vst.msk $0xffff, v5;
	v3 =	vld [tilespmem:s19+$0x20]  }
0x47: {  	v0 =	vld [tilespmem:s19+$0xFFFFFFC0];
	[tilespmem:s20+$0x1020 ss:$0x81] =	vst.msk $0xffff, v6;
	s19 =	sadd.s32 $0x80, s19  }
0x48: {  	s22 =	sadd.s32 $0x4, s22;
	v4 =	vld [tilespmem:s19+$0x30];
	[tilespmem:s20+$0x1830 ss:$0x81] =	vst.msk $0xffff, v7  }
.Ltmp4:
0x49: {  	_ = 	snop;
	(pc) =	sbr.rel .LBB1_4-.Ltmp4, $1  }
0x4a: {  	_ =	sdelay $0x3  }
.LBB1_6:
0x4b: {  	_ =	sfence.sel $0x180000  }
0x4c: {  	s2 =	simm.s32 $0x1;
	[bflag:$0x0] =	sbarrier.arrive $0xFFFF  }
0x4d: {  	s31 =	simm.s32 $0x2;
	[sflag:s2] =	ssyncpa.u1 $0x1  }
0x4e: {  	[sflag:s31] =	ssyncpa.u1 $0x1  }
0x4f: {  	p0 =	sne.s32 s0, $0x0;
	_ =	strace $0x9000004D  }
0x50: {  	s0 =	sadd.s32 @!p0 $0x100000, s1;
	[bflag:$0x2] =	sbarrier.arrive $0xFFFF  }
0x51: {  	[sflag:s0] =	ssyncadd.tile.s32 @!p0 $0x1;
	_ =	shalt  }
.Lfunc_end1:
_tile_overlayer_lowered:
.L_overlay_start_2:
0x52: {  	(tag) =	ssettag $0x2  }
0x53: {  	s0 =	rddreg [dreg:$0x0];
	s2 =	stileid.u32  }
0x54: {  	s1 =	rddreg [dreg:$0x1];
	p0 =	sne.s32 s2, $0x0  }
0x55: {  	s3 =	rddreg [dreg:$0x2];
	[bflag:$0x3] =	sbarrier.arrive $0xFFFF;
	s2 =	simm.s32 @!p0 $0x1C01  }
0x56: {  	[timem:s3], [sflag:s2] =	dma.local @!p0 [hbm:s0], s1  }
0x57: {  	s0 =	simm.s32 @!p0 $0x1  }
0x58: {  	_ =	swait.ge @!p0 [sflag:s0], s1  }
0x59: {  	s1 =	ssub.s32 @!p0 $0x0, s1;
	[sflag:s0] =	ssyncset.done @!p0 $0x0  }
0x5a: {  	[sflag:s0] =	ssyncadd.s32 @!p0 s1  }
0x5b: {  	[bflag:$0x3] =	sbarrier.arrive $0xFFFF  }
0x5c: {  	_ =	shalt  }

// kernel: sparse-core-data-format-call.2.cloned.1.call-start
scs
called_computation.2_lowered:
.L_overlay_start_0:
0x0: {  	s1 =	sld [smem:$0x3FD9]  }
0x1: {  	s2 =	sld [smem:$0x3FFE];
	_ =	sdelay $0x1  }
0x2: {  	s3 =	srdreg.scid  }
0x3: {  	s0 =	sand.u32 $0x1, s3  }
0x4: {  	s17 =	sshll.u32 s0, $0xA;
	s1 =	sadd.s32 s2, s1  }
0x5: {  	s1 =	sadd.s32 s1, s17  }
0x6: {  	[smem:$0x3F99] =	sst s1  }
0x7: {  	_ = 	snop  }
0x8: {  	(tm) =	ssettm $0x1  }
0x9: {  	s18 =	sld [smem:$0x3FFB];
	_ =	sdelay $0x3  }
0xa: {  	_ =	strace s18  }
0xb: {  	s1 =	sld [smem:$0x3FFC];
	_ =	sdelay $0x3  }
0xc: {  	_ =	strace s1  }
0xd: {  	s1 =	sld [smem:$0x3FFD];
	_ =	sdelay $0x3  }
0xe: {  	_ =	strace s1  }
0xf: {  	_ =	strace $0x8FFFFFFF  }
0x10: {  	s19 =	sld [smem:$0x3FDB];
	_ =	sdelay $0x1  }
0x11: {  	s20 =	simm.s32 $_scs_section_size  }
0x12: {  	s4 =	simm.s32 $_size__tile_overlayer_lowered;
	s5 =	simm.s32 $_tile_overlayer_lowered  }
0x13: {  	s23 =	simm.s32 $0x1BFF;
	s22 =	sshll.u32 s5, $0x1;
	s1 =	sadd.s32 s20, s19  }
0x14: {  	s6 =	simm.s32 $0x0;
	s21 =	sshll.u32 s4, $0x1;
	s4 =	sadd.s32 s22, s1  }
0x15: {  	[timem:s6], [sflag:s23] =	dma.local [hbm:s4], s21  }
0x16: {  	_ =	swait.ge [sflag:s23], s21  }
0x17: {  	s2 =	ssub.s32 $0x0, s21;
	[sflag:s23] =	ssyncset.done $0x0  }
0x18: {  	[sflag:s23] =	ssyncadd.s32 s2;
	_ =	sdelay $0x1  }
0x19: {  	s24 =	simm.s32 $0x1B8B  }
0x1a: {  	_ =	swait.ge [sflag:s24], $0x1  }
0x1b: {  	[sflag:s24] =	ssyncset.done $0x0  }
0x1c: {  	s26 =	simm.s32 $0x1B8E;
	s25 =	sld [smem:$0x3FFE];
	[sflag:s24] =	ssyncadd.s32 $0xFFFFFFFF  }
0x1d: {  	s27 =	simm.s32 $execute0_lowered;
	[smem:$0x3FD2] =	sst s26  }
0x1e: {  	s4 =	sshll.u32 s27, $0x1;
	_ =	strace $0x80000049;
	[dreg:$0x1] =	wrdreg $0xFFFFFFFF  }
0x1f: {  	s28 =	simm.s32 $_size_execute0_lowered;
	s1 =	sadd.s32 s1, s4;
	[dreg:$0x0] =	wrdreg $0x0  }
0x20: {  	s4 =	sshll.u32 s28, $0x1;
	[dreg:$0x2] =	wrdreg s1  }
0x21: {  	[dreg:$0x3] =	wrdreg s4  }
0x22: {  	[dreg:$0x4] =	wrdreg $0xC0  }
0x23: {  	_ =	task [dreg:s6], $0x5FFFF  }
0x24: {  	[dreg:$0x1] =	wrdreg $0xFFFFFFFF  }
0x25: {  	[dreg:$0x0] =	wrdreg $0x60  }
0x26: {  	[dreg:$0x2] =	wrdreg s25  }
0x27: {  	[dreg:$0x3] =	wrdreg $0x9  }
0x28: {  	_ =	task.clear_ibuf [dreg:s6], $0x4FFFF;
	_ =	strace $0x90000049  }
0x29: {  	s29 =	simm.s32 $0x9;
	_ =	strace $0x8000004B  }
0x2a: {  	_ =	swait.ge [sflag:s29], $0x1  }
0x2b: {  	[sflag:s29] =	ssyncadd.s32 $0xFFFFFFFF  }
0x2c: {  	_ =	strace $0x9000004B  }
0x2d: {  	_ =	sfence  }
0x2e: {  	s30 =	sld [smem:$0x0];
	_ =	sdelay $0x2  }
0x2f: {  	s31 =	sshll.u32 s3, $0xD;
	s3 =	sshrl.u32 s3, $0x2  }
0x30: {  	s2 =	sand.u32 $0x4000, s31;
	s1 =	sadd.s32 s3, s30  }
0x31: {  	s0 =	sor.u32 s2, s0;
	s1 =	sshll.u32 s1, $0x11  }
0x32: {  	s0 =	sor.u32 s1, s0  }
0x33: {  	s0 =	sadd.s32 $0x8F2B, s0  }
0x34: {  	[sflag:s0] =	ssyncadd.remote.s32 $0x1  }
0x35: {  	_ =	sfence.sel $0xFFFF  }
0x36: {  	[dreg:$0x0] =	wrdreg $0xFFFFFFFF;
	(pc) =	sbr.abs _section_cstart, $3  }
0x37: {  	[dreg:$0x1] =	wrdreg $0xFFFFFFFF  }
0x38: {  	_ =	task.clear_ibuf [dreg:s6], $0x2FFFF;
	_ =	strace $0x9FFFFFFF  }
0x39: {  	(tm) =	ssettm $0x7FFFFFFF  }
tec
execute0_lowered:
.L_overlay_start_1:
0x0: {  	(tag) =	ssettag $0x1  }
0x1: {  	s0 =	stileid.u32;
	s1 =	srdreg.scid  }
0x2: {  	s4 =	rddreg [dreg:$0x0];
	s7 =	simm.s32 $0x1;
	s31 =	simm.s32 $0x2  }
0x3: {  	s16 =	simm.s32 $0x0;
	s2 =	sshll.u32 s0, $0x4;
	s1 =	sshll.u32 s1, $0x8  }
0x4: {  	s9 =	simm.s32 $0x4000;
	s14 =	simm.s32 $0x0;
	s1 =	sor.u32 s2, s1  }
0x5: {  	s15 =	simm.s32 $0x0;
	s10 =	simm.s32 $0x0;
	s2 =	sand.u32 $0x180, s1  }
0x6: {  	s13 =	simm.s32 $0x0;
	s3 =	sadd.s32 $0x440000, s4;
	s5 =	ssub.s32 $0x800, s2  }
0x7: {  	s4 =	sadd.s32 $0x840000, s4;
	s1 =	rddreg [dreg:$0x1];
	s6 =	sand.u32 $0x180, s5  }
.Ltmp0:
0x8: {  	_ =	strace $0x8000004A;
	p0 =	sne.s32 s6, $0x0;
	(pc) =	sbr.rel .LBB1_1-.Ltmp0, $4  }
0x9: {  	s11 =	smov.u32 s2;
	s8 =	sshrl.u32 s5, $0x9;
	s7 =	simm.s32 @!p0 $0x0  }
0xa: {  	s5 =	sand.u32 $0x7, s0;
	s6 =	simm.s32 $0x1;
	s7 =	sadd.s32 s7, s8  }
0xb: {  	s12 =	smov.u32 s5;
	[sflag:s6] =	ssyncpa.u1 $0x0;
	s7 =	sshll.u32 s7, $0x4  }
0xc: {  	p0 =	por $0x0, $0x0;
	[sflag:s31] =	ssyncpa.u1 $0x0;
	s8 =	sor.u32 $0x1, s7  }
.LBB1_4:
0xd: {  	v5 =	vld [tilespmem:s19+$0xFFFFFFD0]  }
0xe: {  	[tilespmem:s20+$0x2040 ss:$0x81] =	vst.msk $0xffff, v1;
	v58 =	vld [tilespmem:s19+$0xFFFFFFE0]  }
0xf: {  	[tilespmem:s20+$0x2850 ss:$0x81] =	vst.msk $0xffff, v2;
	v59 =	vld [tilespmem:s19+$0xFFFFFFF0]  }
0x10: {  	s21 =	sshra.s32 s21, $0x2;
	[tilespmem:s20+$0x3060 ss:$0x81] =	vst.msk $0xffff, v3;
	v60 =	vld [tilespmem:s19+$0x0]  }
0x11: {  	[tilespmem:s20+$0x0 ss:$0x81] =	vst.msk $0xffff, v0;
	v61 =	vld [tilespmem:s19+$0x10];
	s18 =	sadd.s32 s21, s18  }
0x12: {  	s26 =	sshll.u32 s16, $0xB;
	v62 =	vld [tilespmem:s19+$0x20];
	[tilespmem:s18+$0x3870 ss:$0x81] =	vst.msk $0xffff, v4  }
0x13: {  	s27 =	sand.u32 $0x78, s14;
	s22 =	sshll.u32 s14, $0x3;
	v63 =	vld [tilespmem:s19+$0xFFFFFFC0];
	s29 =	sshll.u32 s16, $0x7;
	[tilespmem:s18+$0x810 ss:$0x81] =	vst.msk $0xffff, v5  }
0x14: {  	s15 =	sshll.u32 s15, $0x13;
	s20 =	sand.u32 $0x3FC000, s26;
	s28 =	sand.u32 $0x3FFC00, s22;
	[tilespmem:s18+$0x1020 ss:$0x81] =	vst.msk $0xffff, v58  }
0x15: {  	s31 =	sand.u32 $0x7, s14;
	s22 =	sand.u32 $0x400, s22;
	s19 =	sadd.s32 s28, s20;
	[tilespmem:s18+$0x1830 ss:$0x81] =	vst.msk $0xffff, v59  }
0x16: {  	s16 =	sand.u32 $0x380, s29;
	s30 =	sor.u32 s27, s22;
	s19 =	sshrl.u32 s19, $0x3;
	[tilespmem:s18+$0x2040 ss:$0x81] =	vst.msk $0xffff, v60  }
0x17: {  	s15 =	sadd.s32 s4, s15;
	s16 =	sor.u32 s16, s30;
	s19 =	sand.u32 $0x7FF00, s19;
	[tilespmem:s18+$0x2850 ss:$0x81] =	vst.msk $0xffff, v61  }
0x18: {  	s14 =	sshll.u32 s31, $0x12;
	s16 =	sshrl.u32 s16, $0x3;
	[tilespmem:s18+$0x3060 ss:$0x81] =	vst.msk $0xffff, v62;
	s15 =	sadd.s32 s19, s15  }
0x19: {  	s14 =	sor.u32 $0x400, s14;
	[tilespmem:s18+$0x0 ss:$0x81] =	vst.msk $0xffff, v63;
	s15 =	sadd.s32 s16, s15  }
0x1a: {  	[hbm4b:s15+s14] =	stream.strided.scatter [tilespmem:s17], [sflag:$0x2], $0x4000, s9, s14, $0x20;
	[tilespmem:$0x10100] =	vst v63  }
.LBB1_5:
0x1b: {  	s17 =	sadd.s32 $0x80, s10  }
0x1c: {  	s14 =	sadd.s32 $0x200, s11;
	s18 =	smov.u32 s11;
	p2 =	sgt.s32 s17, $0x7FF  }
0x1d: {  	s18 =	smov.u32 @p2 s14  }
0x1e: {  	s20 =	smov.u32 s12;
	s14 =	sadd.s32 $0x8, s12;
	p3 =	sgt.s32 s18, $0x7FF  }
0x1f: {  	s20 =	smov.u32 @p3 s14  }
0x20: {  	s17 =	simm.s32 @p2 $0x0;
	p2 =	sgt.s32 s20, $0x7  }
0x21: {  	p1 =	slt.u32 s13, $0x2;
	s20 =	smov.u32 @p2 s5;
	p2 =	sne.s32 s13, s8  }
.Ltmp1:
0x22: {  	s19 =	simm.s32 @!p1 $0x2;
	(pc) =	sbr.rel @!p2 .LBB1_6-.Ltmp1, $4  }
0x23: {  	s16 =	smov.u32 s10;
	s15 =	smov.u32 s12;
	_ =	swait.ge @!p1 [sflag:s19], $0x4000  }
0x24: {  	p0 =	por !p0, !p0;
	[sflag:s19] =	ssyncset.done @!p1 $0x0;
	s10 =	smov.u32 s17  }
0x25: {  	s18 =	smov.u32 @p3 s2;
	s14 =	smov.u32 s11;
	[sflag:s19] =	ssyncadd.s32 @!p1 $0xFFFFC000  }
0x26: {  	s11 =	smov.u32 s18;
	s13 =	sadd.s32 $0x1, s13;
	s12 =	smov.u32 s20  }
.LBB1_1:
0x27: {  	p1 =	sge.u32 s13, s7;
	s31 =	sadd.s32 $0xFFFFFFFF, s13  }
0x28: {  	s17 =	sxor.u32 @!p1 $0xFFFFFFFF, s13;
	s18 =	sand.u32 @!p1 $0x78, s10;
	s19 =	sshll.u32 @!p1 s11, $0xB  }
0x29: {  	s20 =	sshll.u32 @!p1 s11, $0x7;
	s21 =	sshll.u32 @!p1 s10, $0x3;
	s17 =	sshll.u32 @!p1 s17, $0xE  }
0x2a: {  	s19 =	sand.u32 @!p1 $0x3FC000, s19;
	s20 =	sand.u32 @!p1 $0x380, s20;
	s17 =	sand.u32 @!p1 $0x4000, s17  }
0x2b: {  	s19 =	sadd.s32 @!p1 s19, s21;
	s21 =	sand.u32 @!p1 $0x400, s21;
	s18 =	sor.u32 @!p1 s20, s18  }
0x2c: {  	s20 =	sshll.u32 @!p1 s12, $0x13;
	s18 =	sor.u32 @!p1 s21, s18;
	s19 =	sshrl.u32 @!p1 s19, $0x3  }
0x2d: {  	s20 =	sadd.s32 @!p1 s3, s20;
	s21 =	sand.u32 @!p1 $0x7, s10;
	s19 =	sand.u32 @!p1 $0x7FF00, s19  }
0x2e: {  	s18 =	sshrl.u32 @!p1 s18, $0x3;
	s19 =	sadd.s32 @!p1 s19, s20;
	s20 =	sshll.u32 @!p1 s21, $0x12  }
0x2f: {  	s18 =	sadd.s32 @!p1 s18, s19;
	s19 =	sor.u32 @!p1 $0x400, s20;
	s20 =	simm.s32 @!p1 $0x4000  }
0x30: {  	[tilespmem:s17], [sflag:$0x1] =	stream.strided.gather @!p1 [hbm4b:s18+s19], $0x4000, s20, s19, $0x38;
	[tilespmem:$0x10100] =	vst v63  }
0x31: {  	p1 =	sge.u32 s31, s7  }
.Ltmp2:
0x32: {  	_ = 	snop;
	(pc) =	sbr.rel @p1 .LBB1_5-.Ltmp2, $1  }
0x33: {  	_ =	sdelay $0x3  }
0x34: {  	s17 =	simm.s32 $0x1  }
0x35: {  	_ =	swait.ge [sflag:s6], $0x4000;
	s17 =	simm.s32 @!p0 $0x0  }
0x36: {  	[sflag:s6] =	ssyncset.done $0x0;
	s18 =	sshll.u32 s17, $0xE  }
0x37: {  	[sflag:s6] =	ssyncadd.s32 $0xFFFFC000;
	s19 =	sor.u32 $0x40, s18  }
0x38: {  	s17 =	smul.u32 $0x10200, s17;
	v0 =	vld [tilespmem:s19+$0x30]  }
0x39: {  	v3 =	vld [tilespmem:s19+$0xFFFFFFD0]  }
0x3a: {  	s17 =	sshrl.u32 s17, $0x2;
	v4 =	vld [tilespmem:s19+$0xFFFFFFE0]  }
0x3b: {  	v5 =	vld [tilespmem:s19+$0xFFFFFFF0];
	s18 =	sor.u32 $0x8000, s17  }
0x3c: {  	s31 =	sand.u32 $0x1, s13;
	v1 =	vld [tilespmem:s19+$0x0];
	s20 =	sadd.s32 $0x0, s18  }
0x3d: {  	v2 =	vld [tilespmem:s19+$0x10];
	s17 =	smul.u32 $0x10200, s31;
	[tilespmem:s20+$0x3870 ss:$0x81] =	vst.msk $0xffff, v0  }
0x3e: {  	[tilespmem:s20+$0x810 ss:$0x81] =	vst.msk $0xffff, v3;
	v3 =	vld [tilespmem:s19+$0x20]  }
0x3f: {  	s17 =	sshrl.u32 s17, $0x2;
	v0 =	vld [tilespmem:s19+$0xFFFFFFC0];
	[tilespmem:s20+$0x1020 ss:$0x81] =	vst.msk $0xffff, v4;
	s19 =	sadd.s32 $0x80, s19  }
0x40: {  	s21 =	simm.s32 $0x4;
	s22 =	simm.s32 $0x8;
	s17 =	sor.u32 $0x8000, s17;
	[tilespmem:s20+$0x1830 ss:$0x81] =	vst.msk $0xffff, v5;
	v4 =	vld [tilespmem:s19+$0x30]  }
.LBB1_3:
0x41: {  	p1 =	sne.s32 s22, $0x1FC;
	v5 =	vld [tilespmem:s19+$0xFFFFFFD0];
	[tilespmem:s20+$0x2040 ss:$0x81] =	vst.msk $0xffff, v1  }
0x42: {  	v6 =	vld [tilespmem:s19+$0xFFFFFFE0];
	[tilespmem:s20+$0x2850 ss:$0x81] =	vst.msk $0xffff, v2  }
0x43: {  	s23 =	sshra.s32 s21, $0x2;
	s21 =	smov.u32 s22;
	v7 =	vld [tilespmem:s19+$0xFFFFFFF0];
	[tilespmem:s20+$0x3060 ss:$0x81] =	vst.msk $0xffff, v3  }
.Ltmp3:
0x44: {  	v1 =	vld [tilespmem:s19+$0x0];
	[tilespmem:s20+$0x0 ss:$0x81] =	vst.msk $0xffff, v0;
	s20 =	sadd.s32 s23, s18;
	(pc) =	sbr.rel @p1 .LBB1_3-.Ltmp3, $4  }
0x45: {  	v2 =	vld [tilespmem:s19+$0x10];
	[tilespmem:s20+$0x3870 ss:$0x81] =	vst.msk $0xffff, v4  }
0x46: {  	[tilespmem:s20+$0x810 ss:$0x81] =	vst.msk $0xffff, v5;
	v3 =	vld [tilespmem:s19+$0x20]  }
0x47: {  	v0 =	vld [tilespmem:s19+$0xFFFFFFC0];
	[tilespmem:s20+$0x1020 ss:$0x81] =	vst.msk $0xffff, v6;
	s19 =	sadd.s32 $0x80, s19  }
0x48: {  	s22 =	sadd.s32 $0x4, s22;
	v4 =	vld [tilespmem:s19+$0x30];
	[tilespmem:s20+$0x1830 ss:$0x81] =	vst.msk $0xffff, v7  }
.Ltmp4:
0x49: {  	_ = 	snop;
	(pc) =	sbr.rel .LBB1_4-.Ltmp4, $1  }
0x4a: {  	_ =	sdelay $0x3  }
.LBB1_6:
0x4b: {  	_ =	sfence.sel $0x180000  }
0x4c: {  	s2 =	simm.s32 $0x1;
	[bflag:$0x0] =	sbarrier.arrive $0xFFFF  }
0x4d: {  	s31 =	simm.s32 $0x2;
	[sflag:s2] =	ssyncpa.u1 $0x1  }
0x4e: {  	[sflag:s31] =	ssyncpa.u1 $0x1  }
0x4f: {  	p0 =	sne.s32 s0, $0x0;
	_ =	strace $0x9000004A  }
0x50: {  	s0 =	sadd.s32 @!p0 $0x100000, s1;
	[bflag:$0x2] =	sbarrier.arrive $0xFFFF  }
0x51: {  	[sflag:s0] =	ssyncadd.tile.s32 @!p0 $0x1;
	_ =	shalt  }
.Lfunc_end1:
_tile_overlayer_lowered:
.L_overlay_start_2:
0x52: {  	(tag) =	ssettag $0x2  }
0x53: {  	s0 =	rddreg [dreg:$0x0];
	s2 =	stileid.u32  }
0x54: {  	s1 =	rddreg [dreg:$0x1];
	p0 =	sne.s32 s2, $0x0  }
0x55: {  	s3 =	rddreg [dreg:$0x2];
	[bflag:$0x3] =	sbarrier.arrive $0xFFFF;
	s2 =	simm.s32 @!p0 $0x1C01  }
0x56: {  	[timem:s3], [sflag:s2] =	dma.local @!p0 [hbm:s0], s1  }
0x57: {  	s0 =	simm.s32 @!p0 $0x1  }
0x58: {  	_ =	swait.ge @!p0 [sflag:s0], s1  }
0x59: {  	s1 =	ssub.s32 @!p0 $0x0, s1;
	[sflag:s0] =	ssyncset.done @!p0 $0x0  }
0x5a: {  	[sflag:s0] =	ssyncadd.s32 @!p0 s1  }
0x5b: {  	[bflag:$0x3] =	sbarrier.arrive $0xFFFF  }
0x5c: {  	_ =	shalt  }

// kernel: sparse-core-data-format-call.3.cloned.1.call-start
scs
called_computation.3_lowered:
.L_overlay_start_0:
0x0: {  	s1 =	sld [smem:$0x3FD9]  }
0x1: {  	s2 =	sld [smem:$0x3FFE];
	_ =	sdelay $0x1  }
0x2: {  	s3 =	srdreg.scid  }
0x3: {  	s0 =	sand.u32 $0x1, s3  }
0x4: {  	s17 =	sshll.u32 s0, $0xA;
	s1 =	sadd.s32 s2, s1  }
0x5: {  	s1 =	sadd.s32 s1, s17  }
0x6: {  	[smem:$0x3F99] =	sst s1  }
0x7: {  	_ = 	snop  }
0x8: {  	(tm) =	ssettm $0x1  }
0x9: {  	s18 =	sld [smem:$0x3FFB];
	_ =	sdelay $0x3  }
0xa: {  	_ =	strace s18  }
0xb: {  	s1 =	sld [smem:$0x3FFC];
	_ =	sdelay $0x3  }
0xc: {  	_ =	strace s1  }
0xd: {  	s1 =	sld [smem:$0x3FFD];
	_ =	sdelay $0x3  }
0xe: {  	_ =	strace s1  }
0xf: {  	_ =	strace $0x8FFFFFFF  }
0x10: {  	s19 =	sld [smem:$0x3FDB];
	_ =	sdelay $0x1  }
0x11: {  	s20 =	simm.s32 $_scs_section_size  }
0x12: {  	s4 =	simm.s32 $_size__tile_overlayer_lowered;
	s5 =	simm.s32 $_tile_overlayer_lowered  }
0x13: {  	s23 =	simm.s32 $0x1BFF;
	s22 =	sshll.u32 s5, $0x1;
	s1 =	sadd.s32 s20, s19  }
0x14: {  	s6 =	simm.s32 $0x0;
	s21 =	sshll.u32 s4, $0x1;
	s4 =	sadd.s32 s22, s1  }
0x15: {  	[timem:s6], [sflag:s23] =	dma.local [hbm:s4], s21  }
0x16: {  	_ =	swait.ge [sflag:s23], s21  }
0x17: {  	s2 =	ssub.s32 $0x0, s21;
	[sflag:s23] =	ssyncset.done $0x0  }
0x18: {  	[sflag:s23] =	ssyncadd.s32 s2;
	_ =	sdelay $0x1  }
0x19: {  	s24 =	simm.s32 $0x1B8B  }
0x1a: {  	_ =	swait.ge [sflag:s24], $0x1  }
0x1b: {  	[sflag:s24] =	ssyncset.done $0x0  }
0x1c: {  	s26 =	simm.s32 $0x1B8E;
	s25 =	sld [smem:$0x3FFE];
	[sflag:s24] =	ssyncadd.s32 $0xFFFFFFFF  }
0x1d: {  	s27 =	simm.s32 $execute0_lowered;
	[smem:$0x3FD2] =	sst s26  }
0x1e: {  	s4 =	sshll.u32 s27, $0x1;
	_ =	strace $0x80000046;
	[dreg:$0x1] =	wrdreg $0xFFFFFFFF  }
0x1f: {  	s28 =	simm.s32 $_size_execute0_lowered;
	s1 =	sadd.s32 s1, s4;
	[dreg:$0x0] =	wrdreg $0x0  }
0x20: {  	s4 =	sshll.u32 s28, $0x1;
	[dreg:$0x2] =	wrdreg s1  }
0x21: {  	[dreg:$0x3] =	wrdreg s4  }
0x22: {  	[dreg:$0x4] =	wrdreg $0xC0  }
0x23: {  	_ =	task [dreg:s6], $0x5FFFF  }
0x24: {  	[dreg:$0x1] =	wrdreg $0xFFFFFFFF  }
0x25: {  	[dreg:$0x0] =	wrdreg $0x60  }
0x26: {  	[dreg:$0x2] =	wrdreg s25  }
0x27: {  	[dreg:$0x3] =	wrdreg $0x9  }
0x28: {  	_ =	task.clear_ibuf [dreg:s6], $0x4FFFF;
	_ =	strace $0x90000046  }
0x29: {  	s29 =	simm.s32 $0x9;
	_ =	strace $0x80000048  }
0x2a: {  	_ =	swait.ge [sflag:s29], $0x1  }
0x2b: {  	[sflag:s29] =	ssyncadd.s32 $0xFFFFFFFF  }
0x2c: {  	_ =	strace $0x90000048  }
0x2d: {  	_ =	sfence  }
0x2e: {  	s30 =	sld [smem:$0x0];
	_ =	sdelay $0x2  }
0x2f: {  	s31 =	sshll.u32 s3, $0xD;
	s3 =	sshrl.u32 s3, $0x2  }
0x30: {  	s2 =	sand.u32 $0x4000, s31;
	s1 =	sadd.s32 s3, s30  }
0x31: {  	s0 =	sor.u32 s2, s0;
	s1 =	sshll.u32 s1, $0x11  }
0x32: {  	s0 =	sor.u32 s1, s0  }
0x33: {  	s0 =	sadd.s32 $0x8F2B, s0  }
0x34: {  	[sflag:s0] =	ssyncadd.remote.s32 $0x1  }
0x35: {  	_ =	sfence.sel $0xFFFF  }
0x36: {  	[dreg:$0x0] =	wrdreg $0xFFFFFFFF;
	(pc) =	sbr.abs _section_cstart, $3  }
0x37: {  	[dreg:$0x1] =	wrdreg $0xFFFFFFFF  }
0x38: {  	_ =	task.clear_ibuf [dreg:s6], $0x2FFFF;
	_ =	strace $0x9FFFFFFF  }
0x39: {  	(tm) =	ssettm $0x7FFFFFFF  }
tec
execute0_lowered:
.L_overlay_start_1:
0x0: {  	(tag) =	ssettag $0x1  }
0x1: {  	s0 =	stileid.u32;
	s1 =	srdreg.scid  }
0x2: {  	s4 =	rddreg [dreg:$0x0];
	s7 =	simm.s32 $0x1;
	s31 =	simm.s32 $0x2  }
0x3: {  	s16 =	simm.s32 $0x0;
	s2 =	sshll.u32 s0, $0x4;
	s1 =	sshll.u32 s1, $0x8  }
0x4: {  	s9 =	simm.s32 $0x4000;
	s14 =	simm.s32 $0x0;
	s1 =	sor.u32 s2, s1  }
0x5: {  	s15 =	simm.s32 $0x0;
	s10 =	simm.s32 $0x0;
	s2 =	sand.u32 $0x180, s1  }
0x6: {  	s13 =	simm.s32 $0x0;
	s3 =	sadd.s32 $0x40000, s4;
	s5 =	ssub.s32 $0x800, s2  }
0x7: {  	s4 =	sadd.s32 $0x440000, s4;
	s1 =	rddreg [dreg:$0x1];
	s6 =	sand.u32 $0x180, s5  }
.Ltmp0:
0x8: {  	_ =	strace $0x80000047;
	p0 =	sne.s32 s6, $0x0;
	(pc) =	sbr.rel .LBB1_1-.Ltmp0, $4  }
0x9: {  	s11 =	smov.u32 s2;
	s8 =	sshrl.u32 s5, $0x9;
	s7 =	simm.s32 @!p0 $0x0  }
0xa: {  	s5 =	sand.u32 $0x7, s0;
	s6 =	simm.s32 $0x1;
	s7 =	sadd.s32 s7, s8  }
0xb: {  	s12 =	smov.u32 s5;
	[sflag:s6] =	ssyncpa.u1 $0x0;
	s7 =	sshll.u32 s7, $0x4  }
0xc: {  	p0 =	por $0x0, $0x0;
	[sflag:s31] =	ssyncpa.u1 $0x0;
	s8 =	sor.u32 $0x1, s7  }
.LBB1_4:
0xd: {  	v5 =	vld [tilespmem:s19+$0xFFFFFFD0]  }
0xe: {  	[tilespmem:s20+$0x2040 ss:$0x81] =	vst.msk $0xffff, v1;
	v58 =	vld [tilespmem:s19+$0xFFFFFFE0]  }
0xf: {  	[tilespmem:s20+$0x2850 ss:$0x81] =	vst.msk $0xffff, v2;
	v59 =	vld [tilespmem:s19+$0xFFFFFFF0]  }
0x10: {  	s21 =	sshra.s32 s21, $0x2;
	[tilespmem:s20+$0x3060 ss:$0x81] =	vst.msk $0xffff, v3;
	v60 =	vld [tilespmem:s19+$0x0]  }
0x11: {  	[tilespmem:s20+$0x0 ss:$0x81] =	vst.msk $0xffff, v0;
	v61 =	vld [tilespmem:s19+$0x10];
	s18 =	sadd.s32 s21, s18  }
0x12: {  	s26 =	sshll.u32 s16, $0xB;
	v62 =	vld [tilespmem:s19+$0x20];
	[tilespmem:s18+$0x3870 ss:$0x81] =	vst.msk $0xffff, v4  }
0x13: {  	s27 =	sand.u32 $0x78, s14;
	s22 =	sshll.u32 s14, $0x3;
	v63 =	vld [tilespmem:s19+$0xFFFFFFC0];
	s29 =	sshll.u32 s16, $0x7;
	[tilespmem:s18+$0x810 ss:$0x81] =	vst.msk $0xffff, v5  }
0x14: {  	s15 =	sshll.u32 s15, $0x13;
	s20 =	sand.u32 $0x3FC000, s26;
	s28 =	sand.u32 $0x3FFC00, s22;
	[tilespmem:s18+$0x1020 ss:$0x81] =	vst.msk $0xffff, v58  }
0x15: {  	s31 =	sand.u32 $0x7, s14;
	s22 =	sand.u32 $0x400, s22;
	s19 =	sadd.s32 s28, s20;
	[tilespmem:s18+$0x1830 ss:$0x81] =	vst.msk $0xffff, v59  }
0x16: {  	s16 =	sand.u32 $0x380, s29;
	s30 =	sor.u32 s27, s22;
	s19 =	sshrl.u32 s19, $0x3;
	[tilespmem:s18+$0x2040 ss:$0x81] =	vst.msk $0xffff, v60  }
0x17: {  	s15 =	sadd.s32 s4, s15;
	s16 =	sor.u32 s16, s30;
	s19 =	sand.u32 $0x7FF00, s19;
	[tilespmem:s18+$0x2850 ss:$0x81] =	vst.msk $0xffff, v61  }
0x18: {  	s14 =	sshll.u32 s31, $0x12;
	s16 =	sshrl.u32 s16, $0x3;
	[tilespmem:s18+$0x3060 ss:$0x81] =	vst.msk $0xffff, v62;
	s15 =	sadd.s32 s19, s15  }
0x19: {  	s14 =	sor.u32 $0x400, s14;
	[tilespmem:s18+$0x0 ss:$0x81] =	vst.msk $0xffff, v63;
	s15 =	sadd.s32 s16, s15  }
0x1a: {  	[hbm4b:s15+s14] =	stream.strided.scatter [tilespmem:s17], [sflag:$0x2], $0x4000, s9, s14, $0x20;
	[tilespmem:$0x10100] =	vst v63  }
.LBB1_5:
0x1b: {  	s17 =	sadd.s32 $0x80, s10  }
0x1c: {  	s14 =	sadd.s32 $0x200, s11;
	s18 =	smov.u32 s11;
	p2 =	sgt.s32 s17, $0x7FF  }
0x1d: {  	s18 =	smov.u32 @p2 s14  }
0x1e: {  	s20 =	smov.u32 s12;
	s14 =	sadd.s32 $0x8, s12;
	p3 =	sgt.s32 s18, $0x7FF  }
0x1f: {  	s20 =	smov.u32 @p3 s14  }
0x20: {  	s17 =	simm.s32 @p2 $0x0;
	p2 =	sgt.s32 s20, $0x7  }
0x21: {  	p1 =	slt.u32 s13, $0x2;
	s20 =	smov.u32 @p2 s5;
	p2 =	sne.s32 s13, s8  }
.Ltmp1:
0x22: {  	s19 =	simm.s32 @!p1 $0x2;
	(pc) =	sbr.rel @!p2 .LBB1_6-.Ltmp1, $4  }
0x23: {  	s16 =	smov.u32 s10;
	s15 =	smov.u32 s12;
	_ =	swait.ge @!p1 [sflag:s19], $0x4000  }
0x24: {  	p0 =	por !p0, !p0;
	[sflag:s19] =	ssyncset.done @!p1 $0x0;
	s10 =	smov.u32 s17  }
0x25: {  	s18 =	smov.u32 @p3 s2;
	s14 =	smov.u32 s11;
	[sflag:s19] =	ssyncadd.s32 @!p1 $0xFFFFC000  }
0x26: {  	s11 =	smov.u32 s18;
	s13 =	sadd.s32 $0x1, s13;
	s12 =	smov.u32 s20  }
.LBB1_1:
0x27: {  	p1 =	sge.u32 s13, s7;
	s31 =	sadd.s32 $0xFFFFFFFF, s13  }
0x28: {  	s17 =	sxor.u32 @!p1 $0xFFFFFFFF, s13;
	s18 =	sand.u32 @!p1 $0x78, s10;
	s19 =	sshll.u32 @!p1 s11, $0xB  }
0x29: {  	s20 =	sshll.u32 @!p1 s11, $0x7;
	s21 =	sshll.u32 @!p1 s10, $0x3;
	s17 =	sshll.u32 @!p1 s17, $0xE  }
0x2a: {  	s19 =	sand.u32 @!p1 $0x3FC000, s19;
	s20 =	sand.u32 @!p1 $0x380, s20;
	s17 =	sand.u32 @!p1 $0x4000, s17  }
0x2b: {  	s19 =	sadd.s32 @!p1 s19, s21;
	s21 =	sand.u32 @!p1 $0x400, s21;
	s18 =	sor.u32 @!p1 s20, s18  }
0x2c: {  	s20 =	sshll.u32 @!p1 s12, $0x13;
	s18 =	sor.u32 @!p1 s21, s18;
	s19 =	sshrl.u32 @!p1 s19, $0x3  }
0x2d: {  	s20 =	sadd.s32 @!p1 s3, s20;
	s21 =	sand.u32 @!p1 $0x7, s10;
	s19 =	sand.u32 @!p1 $0x7FF00, s19  }
0x2e: {  	s18 =	sshrl.u32 @!p1 s18, $0x3;
	s19 =	sadd.s32 @!p1 s19, s20;
	s20 =	sshll.u32 @!p1 s21, $0x12  }
0x2f: {  	s18 =	sadd.s32 @!p1 s18, s19;
	s19 =	sor.u32 @!p1 $0x400, s20;
	s20 =	simm.s32 @!p1 $0x4000  }
0x30: {  	[tilespmem:s17], [sflag:$0x1] =	stream.strided.gather @!p1 [hbm4b:s18+s19], $0x4000, s20, s19, $0x38;
	[tilespmem:$0x10100] =	vst v63  }
0x31: {  	p1 =	sge.u32 s31, s7  }
.Ltmp2:
0x32: {  	_ = 	snop;
	(pc) =	sbr.rel @p1 .LBB1_5-.Ltmp2, $1  }
0x33: {  	_ =	sdelay $0x3  }
0x34: {  	s17 =	simm.s32 $0x1  }
0x35: {  	_ =	swait.ge [sflag:s6], $0x4000;
	s17 =	simm.s32 @!p0 $0x0  }
0x36: {  	[sflag:s6] =	ssyncset.done $0x0;
	s18 =	sshll.u32 s17, $0xE  }
0x37: {  	[sflag:s6] =	ssyncadd.s32 $0xFFFFC000;
	s19 =	sor.u32 $0x40, s18  }
0x38: {  	s17 =	smul.u32 $0x10200, s17;
	v0 =	vld [tilespmem:s19+$0x30]  }
0x39: {  	v3 =	vld [tilespmem:s19+$0xFFFFFFD0]  }
0x3a: {  	s17 =	sshrl.u32 s17, $0x2;
	v4 =	vld [tilespmem:s19+$0xFFFFFFE0]  }
0x3b: {  	v5 =	vld [tilespmem:s19+$0xFFFFFFF0];
	s18 =	sor.u32 $0x8000, s17  }
0x3c: {  	s31 =	sand.u32 $0x1, s13;
	v1 =	vld [tilespmem:s19+$0x0];
	s20 =	sadd.s32 $0x0, s18  }
0x3d: {  	v2 =	vld [tilespmem:s19+$0x10];
	s17 =	smul.u32 $0x10200, s31;
	[tilespmem:s20+$0x3870 ss:$0x81] =	vst.msk $0xffff, v0  }
0x3e: {  	[tilespmem:s20+$0x810 ss:$0x81] =	vst.msk $0xffff, v3;
	v3 =	vld [tilespmem:s19+$0x20]  }
0x3f: {  	s17 =	sshrl.u32 s17, $0x2;
	v0 =	vld [tilespmem:s19+$0xFFFFFFC0];
	[tilespmem:s20+$0x1020 ss:$0x81] =	vst.msk $0xffff, v4;
	s19 =	sadd.s32 $0x80, s19  }
0x40: {  	s21 =	simm.s32 $0x4;
	s22 =	simm.s32 $0x8;
	s17 =	sor.u32 $0x8000, s17;
	[tilespmem:s20+$0x1830 ss:$0x81] =	vst.msk $0xffff, v5;
	v4 =	vld [tilespmem:s19+$0x30]  }
.LBB1_3:
0x41: {  	p1 =	sne.s32 s22, $0x1FC;
	v5 =	vld [tilespmem:s19+$0xFFFFFFD0];
	[tilespmem:s20+$0x2040 ss:$0x81] =	vst.msk $0xffff, v1  }
0x42: {  	v6 =	vld [tilespmem:s19+$0xFFFFFFE0];
	[tilespmem:s20+$0x2850 ss:$0x81] =	vst.msk $0xffff, v2  }
0x43: {  	s23 =	sshra.s32 s21, $0x2;
	s21 =	smov.u32 s22;
	v7 =	vld [tilespmem:s19+$0xFFFFFFF0];
	[tilespmem:s20+$0x3060 ss:$0x81] =	vst.msk $0xffff, v3  }
.Ltmp3:
0x44: {  	v1 =	vld [tilespmem:s19+$0x0];
	[tilespmem:s20+$0x0 ss:$0x81] =	vst.msk $0xffff, v0;
	s20 =	sadd.s32 s23, s18;
	(pc) =	sbr.rel @p1 .LBB1_3-.Ltmp3, $4  }
0x45: {  	v2 =	vld [tilespmem:s19+$0x10];
	[tilespmem:s20+$0x3870 ss:$0x81] =	vst.msk $0xffff, v4  }
0x46: {  	[tilespmem:s20+$0x810 ss:$0x81] =	vst.msk $0xffff, v5;
	v3 =	vld [tilespmem:s19+$0x20]  }
0x47: {  	v0 =	vld [tilespmem:s19+$0xFFFFFFC0];
	[tilespmem:s20+$0x1020 ss:$0x81] =	vst.msk $0xffff, v6;
	s19 =	sadd.s32 $0x80, s19  }
0x48: {  	s22 =	sadd.s32 $0x4, s22;
	v4 =	vld [tilespmem:s19+$0x30];
	[tilespmem:s20+$0x1830 ss:$0x81] =	vst.msk $0xffff, v7  }
.Ltmp4:
0x49: {  	_ = 	snop;
	(pc) =	sbr.rel .LBB1_4-.Ltmp4, $1  }
0x4a: {  	_ =	sdelay $0x3  }
.LBB1_6:
0x4b: {  	_ =	sfence.sel $0x180000  }
0x4c: {  	s2 =	simm.s32 $0x1;
	[bflag:$0x0] =	sbarrier.arrive $0xFFFF  }
0x4d: {  	s31 =	simm.s32 $0x2;
	[sflag:s2] =	ssyncpa.u1 $0x1  }
0x4e: {  	[sflag:s31] =	ssyncpa.u1 $0x1  }
0x4f: {  	p0 =	sne.s32 s0, $0x0;
	_ =	strace $0x90000047  }
0x50: {  	s0 =	sadd.s32 @!p0 $0x100000, s1;
	[bflag:$0x2] =	sbarrier.arrive $0xFFFF  }
0x51: {  	[sflag:s0] =	ssyncadd.tile.s32 @!p0 $0x1;
	_ =	shalt  }
.Lfunc_end1:
_tile_overlayer_lowered:
.L_overlay_start_2:
0x52: {  	(tag) =	ssettag $0x2  }
0x53: {  	s0 =	rddreg [dreg:$0x0];
	s2 =	stileid.u32  }
0x54: {  	s1 =	rddreg [dreg:$0x1];
	p0 =	sne.s32 s2, $0x0  }
0x55: {  	s3 =	rddreg [dreg:$0x2];
	[bflag:$0x3] =	sbarrier.arrive $0xFFFF;
	s2 =	simm.s32 @!p0 $0x1C01  }
0x56: {  	[timem:s3], [sflag:s2] =	dma.local @!p0 [hbm:s0], s1  }
0x57: {  	s0 =	simm.s32 @!p0 $0x1  }
0x58: {  	_ =	swait.ge @!p0 [sflag:s0], s1  }
0x59: {  	s1 =	ssub.s32 @!p0 $0x0, s1;
	[sflag:s0] =	ssyncset.done @!p0 $0x0  }
0x5a: {  	[sflag:s0] =	ssyncadd.s32 @!p0 s1  }
0x5b: {  	[bflag:$0x3] =	sbarrier.arrive $0xFFFF  }
0x5c: {  	_ =	shalt  }

// kernel: sparse-core-data-format-call.cloned.1.call-start
scs
called_computation_lowered:
.L_overlay_start_0:
0x0: {  	s1 =	sld [smem:$0x3FD9]  }
0x1: {  	s2 =	sld [smem:$0x3FFE];
	_ =	sdelay $0x1  }
0x2: {  	s3 =	srdreg.scid  }
0x3: {  	s0 =	sand.u32 $0x1, s3  }
0x4: {  	s17 =	sshll.u32 s0, $0xA;
	s1 =	sadd.s32 s2, s1  }
0x5: {  	s1 =	sadd.s32 s1, s17  }
0x6: {  	[smem:$0x3F99] =	sst s1  }
0x7: {  	_ = 	snop  }
0x8: {  	(tm) =	ssettm $0x1  }
0x9: {  	s18 =	sld [smem:$0x3FFB];
	_ =	sdelay $0x3  }
0xa: {  	_ =	strace s18  }
0xb: {  	s1 =	sld [smem:$0x3FFC];
	_ =	sdelay $0x3  }
0xc: {  	_ =	strace s1  }
0xd: {  	s1 =	sld [smem:$0x3FFD];
	_ =	sdelay $0x3  }
0xe: {  	_ =	strace s1  }
0xf: {  	_ =	strace $0x8FFFFFFF  }
0x10: {  	s19 =	sld [smem:$0x3FDB];
	_ =	sdelay $0x1  }
0x11: {  	s20 =	simm.s32 $_scs_section_size  }
0x12: {  	s4 =	simm.s32 $_size__tile_overlayer_lowered;
	s5 =	simm.s32 $_tile_overlayer_lowered  }
0x13: {  	s23 =	simm.s32 $0x1BFF;
	s22 =	sshll.u32 s5, $0x1;
	s1 =	sadd.s32 s20, s19  }
0x14: {  	s6 =	simm.s32 $0x0;
	s21 =	sshll.u32 s4, $0x1;
	s4 =	sadd.s32 s22, s1  }
0x15: {  	[timem:s6], [sflag:s23] =	dma.local [hbm:s4], s21  }
0x16: {  	_ =	swait.ge [sflag:s23], s21  }
0x17: {  	s2 =	ssub.s32 $0x0, s21;
	[sflag:s23] =	ssyncset.done $0x0  }
0x18: {  	[sflag:s23] =	ssyncadd.s32 s2;
	_ =	sdelay $0x1  }
0x19: {  	s24 =	simm.s32 $0x1B8B  }
0x1a: {  	_ =	swait.ge [sflag:s24], $0x1  }
0x1b: {  	[sflag:s24] =	ssyncset.done $0x0  }
0x1c: {  	s26 =	simm.s32 $0x1B8E;
	s25 =	sld [smem:$0x3FFE];
	[sflag:s24] =	ssyncadd.s32 $0xFFFFFFFF  }
0x1d: {  	s27 =	simm.s32 $execute0_lowered;
	[smem:$0x3FD2] =	sst s26  }
0x1e: {  	s4 =	sshll.u32 s27, $0x1;
	_ =	strace $0x8000004F;
	[dreg:$0x1] =	wrdreg $0xFFFFFFFF  }
0x1f: {  	s28 =	simm.s32 $_size_execute0_lowered;
	s1 =	sadd.s32 s1, s4;
	[dreg:$0x0] =	wrdreg $0x0  }
0x20: {  	s4 =	sshll.u32 s28, $0x1;
	[dreg:$0x2] =	wrdreg s1  }
0x21: {  	[dreg:$0x3] =	wrdreg s4  }
0x22: {  	[dreg:$0x4] =	wrdreg $0xC0  }
0x23: {  	_ =	task [dreg:s6], $0x5FFFF  }
0x24: {  	[dreg:$0x1] =	wrdreg $0xFFFFFFFF  }
0x25: {  	[dreg:$0x0] =	wrdreg $0x60  }
0x26: {  	[dreg:$0x2] =	wrdreg s25  }
0x27: {  	[dreg:$0x3] =	wrdreg $0x9  }
0x28: {  	_ =	task.clear_ibuf [dreg:s6], $0x4FFFF;
	_ =	strace $0x9000004F  }
0x29: {  	s29 =	simm.s32 $0x9;
	_ =	strace $0x80000051  }
0x2a: {  	_ =	swait.ge [sflag:s29], $0x1  }
0x2b: {  	[sflag:s29] =	ssyncadd.s32 $0xFFFFFFFF  }
0x2c: {  	_ =	strace $0x90000051  }
0x2d: {  	_ =	sfence  }
0x2e: {  	s30 =	sld [smem:$0x0];
	_ =	sdelay $0x2  }
0x2f: {  	s31 =	sshll.u32 s3, $0xD;
	s3 =	sshrl.u32 s3, $0x2  }
0x30: {  	s2 =	sand.u32 $0x4000, s31;
	s1 =	sadd.s32 s3, s30  }
0x31: {  	s0 =	sor.u32 s2, s0;
	s1 =	sshll.u32 s1, $0x11  }
0x32: {  	s0 =	sor.u32 s1, s0  }
0x33: {  	s0 =	sadd.s32 $0x8F2B, s0  }
0x34: {  	[sflag:s0] =	ssyncadd.remote.s32 $0x1  }
0x35: {  	_ =	sfence.sel $0xFFFF  }
0x36: {  	[dreg:$0x0] =	wrdreg $0xFFFFFFFF;
	(pc) =	sbr.abs _section_cstart, $3  }
0x37: {  	[dreg:$0x1] =	wrdreg $0xFFFFFFFF  }
0x38: {  	_ =	task.clear_ibuf [dreg:s6], $0x2FFFF;
	_ =	strace $0x9FFFFFFF  }
0x39: {  	(tm) =	ssettm $0x7FFFFFFF  }
tec
execute0_lowered:
.L_overlay_start_1:
0x0: {  	(tag) =	ssettag $0x1  }
0x1: {  	s0 =	stileid.u32;
	s1 =	srdreg.scid  }
0x2: {  	s4 =	rddreg [dreg:$0x0];
	s7 =	simm.s32 $0x1;
	s31 =	simm.s32 $0x2  }
0x3: {  	s16 =	simm.s32 $0x0;
	s2 =	sshll.u32 s0, $0x4;
	s1 =	sshll.u32 s1, $0x8  }
0x4: {  	s9 =	simm.s32 $0x4000;
	s14 =	simm.s32 $0x0;
	s1 =	sor.u32 s2, s1  }
0x5: {  	s15 =	simm.s32 $0x0;
	s10 =	simm.s32 $0x0;
	s2 =	sand.u32 $0x180, s1  }
0x6: {  	s13 =	simm.s32 $0x0;
	s3 =	sadd.s32 $0x4C0000, s4;
	s5 =	ssub.s32 $0x800, s2  }
0x7: {  	s4 =	sadd.s32 $0x8C0000, s4;
	s1 =	rddreg [dreg:$0x1];
	s6 =	sand.u32 $0x180, s5  }
.Ltmp0:
0x8: {  	_ =	strace $0x80000050;
	p0 =	sne.s32 s6, $0x0;
	(pc) =	sbr.rel .LBB1_1-.Ltmp0, $4  }
0x9: {  	s11 =	smov.u32 s2;
	s8 =	sshrl.u32 s5, $0x9;
	s7 =	simm.s32 @!p0 $0x0  }
0xa: {  	s5 =	sand.u32 $0x7, s0;
	s6 =	simm.s32 $0x1;
	s7 =	sadd.s32 s7, s8  }
0xb: {  	s12 =	smov.u32 s5;
	[sflag:s6] =	ssyncpa.u1 $0x0;
	s7 =	sshll.u32 s7, $0x4  }
0xc: {  	p0 =	por $0x0, $0x0;
	[sflag:s31] =	ssyncpa.u1 $0x0;
	s8 =	sor.u32 $0x1, s7  }
.LBB1_4:
0xd: {  	v5 =	vld [tilespmem:s19+$0xFFFFFFD0]  }
0xe: {  	[tilespmem:s20+$0x2040 ss:$0x81] =	vst.msk $0xffff, v1;
	v58 =	vld [tilespmem:s19+$0xFFFFFFE0]  }
0xf: {  	[tilespmem:s20+$0x2850 ss:$0x81] =	vst.msk $0xffff, v2;
	v59 =	vld [tilespmem:s19+$0xFFFFFFF0]  }
0x10: {  	s21 =	sshra.s32 s21, $0x2;
	[tilespmem:s20+$0x3060 ss:$0x81] =	vst.msk $0xffff, v3;
	v60 =	vld [tilespmem:s19+$0x0]  }
0x11: {  	[tilespmem:s20+$0x0 ss:$0x81] =	vst.msk $0xffff, v0;
	v61 =	vld [tilespmem:s19+$0x10];
	s18 =	sadd.s32 s21, s18  }
0x12: {  	s26 =	sshll.u32 s16, $0xB;
	v62 =	vld [tilespmem:s19+$0x20];
	[tilespmem:s18+$0x3870 ss:$0x81] =	vst.msk $0xffff, v4  }
0x13: {  	s27 =	sand.u32 $0x78, s14;
	s22 =	sshll.u32 s14, $0x3;
	v63 =	vld [tilespmem:s19+$0xFFFFFFC0];
	s29 =	sshll.u32 s16, $0x7;
	[tilespmem:s18+$0x810 ss:$0x81] =	vst.msk $0xffff, v5  }
0x14: {  	s15 =	sshll.u32 s15, $0x13;
	s20 =	sand.u32 $0x3FC000, s26;
	s28 =	sand.u32 $0x3FFC00, s22;
	[tilespmem:s18+$0x1020 ss:$0x81] =	vst.msk $0xffff, v58  }
0x15: {  	s31 =	sand.u32 $0x7, s14;
	s22 =	sand.u32 $0x400, s22;
	s19 =	sadd.s32 s28, s20;
	[tilespmem:s18+$0x1830 ss:$0x81] =	vst.msk $0xffff, v59  }
0x16: {  	s16 =	sand.u32 $0x380, s29;
	s30 =	sor.u32 s27, s22;
	s19 =	sshrl.u32 s19, $0x3;
	[tilespmem:s18+$0x2040 ss:$0x81] =	vst.msk $0xffff, v60  }
0x17: {  	s15 =	sadd.s32 s4, s15;
	s16 =	sor.u32 s16, s30;
	s19 =	sand.u32 $0x7FF00, s19;
	[tilespmem:s18+$0x2850 ss:$0x81] =	vst.msk $0xffff, v61  }
0x18: {  	s14 =	sshll.u32 s31, $0x12;
	s16 =	sshrl.u32 s16, $0x3;
	[tilespmem:s18+$0x3060 ss:$0x81] =	vst.msk $0xffff, v62;
	s15 =	sadd.s32 s19, s15  }
0x19: {  	s14 =	sor.u32 $0x400, s14;
	[tilespmem:s18+$0x0 ss:$0x81] =	vst.msk $0xffff, v63;
	s15 =	sadd.s32 s16, s15  }
0x1a: {  	[hbm4b:s15+s14] =	stream.strided.scatter [tilespmem:s17], [sflag:$0x2], $0x4000, s9, s14, $0x20;
	[tilespmem:$0x10100] =	vst v63  }
.LBB1_5:
0x1b: {  	s17 =	sadd.s32 $0x80, s10  }
0x1c: {  	s14 =	sadd.s32 $0x200, s11;
	s18 =	smov.u32 s11;
	p2 =	sgt.s32 s17, $0x7FF  }
0x1d: {  	s18 =	smov.u32 @p2 s14  }
0x1e: {  	s20 =	smov.u32 s12;
	s14 =	sadd.s32 $0x8, s12;
	p3 =	sgt.s32 s18, $0x7FF  }
0x1f: {  	s20 =	smov.u32 @p3 s14  }
0x20: {  	s17 =	simm.s32 @p2 $0x0;
	p2 =	sgt.s32 s20, $0x7  }
0x21: {  	p1 =	slt.u32 s13, $0x2;
	s20 =	smov.u32 @p2 s5;
	p2 =	sne.s32 s13, s8  }
.Ltmp1:
0x22: {  	s19 =	simm.s32 @!p1 $0x2;
	(pc) =	sbr.rel @!p2 .LBB1_6-.Ltmp1, $4  }
0x23: {  	s16 =	smov.u32 s10;
	s15 =	smov.u32 s12;
	_ =	swait.ge @!p1 [sflag:s19], $0x4000  }
0x24: {  	p0 =	por !p0, !p0;
	[sflag:s19] =	ssyncset.done @!p1 $0x0;
	s10 =	smov.u32 s17  }
0x25: {  	s18 =	smov.u32 @p3 s2;
	s14 =	smov.u32 s11;
	[sflag:s19] =	ssyncadd.s32 @!p1 $0xFFFFC000  }
0x26: {  	s11 =	smov.u32 s18;
	s13 =	sadd.s32 $0x1, s13;
	s12 =	smov.u32 s20  }
.LBB1_1:
0x27: {  	p1 =	sge.u32 s13, s7;
	s31 =	sadd.s32 $0xFFFFFFFF, s13  }
0x28: {  	s17 =	sxor.u32 @!p1 $0xFFFFFFFF, s13;
	s18 =	sand.u32 @!p1 $0x78, s10;
	s19 =	sshll.u32 @!p1 s11, $0xB  }
0x29: {  	s20 =	sshll.u32 @!p1 s11, $0x7;
	s21 =	sshll.u32 @!p1 s10, $0x3;
	s17 =	sshll.u32 @!p1 s17, $0xE  }
0x2a: {  	s19 =	sand.u32 @!p1 $0x3FC000, s19;
	s20 =	sand.u32 @!p1 $0x380, s20;
	s17 =	sand.u32 @!p1 $0x4000, s17  }
0x2b: {  	s19 =	sadd.s32 @!p1 s19, s21;
	s21 =	sand.u32 @!p1 $0x400, s21;
	s18 =	sor.u32 @!p1 s20, s18  }
0x2c: {  	s20 =	sshll.u32 @!p1 s12, $0x13;
	s18 =	sor.u32 @!p1 s21, s18;
	s19 =	sshrl.u32 @!p1 s19, $0x3  }
0x2d: {  	s20 =	sadd.s32 @!p1 s3, s20;
	s21 =	sand.u32 @!p1 $0x7, s10;
	s19 =	sand.u32 @!p1 $0x7FF00, s19  }
0x2e: {  	s18 =	sshrl.u32 @!p1 s18, $0x3;
	s19 =	sadd.s32 @!p1 s19, s20;
	s20 =	sshll.u32 @!p1 s21, $0x12  }
0x2f: {  	s18 =	sadd.s32 @!p1 s18, s19;
	s19 =	sor.u32 @!p1 $0x400, s20;
	s20 =	simm.s32 @!p1 $0x4000  }
0x30: {  	[tilespmem:s17], [sflag:$0x1] =	stream.strided.gather @!p1 [hbm4b:s18+s19], $0x4000, s20, s19, $0x38;
	[tilespmem:$0x10100] =	vst v63  }
0x31: {  	p1 =	sge.u32 s31, s7  }
.Ltmp2:
0x32: {  	_ = 	snop;
	(pc) =	sbr.rel @p1 .LBB1_5-.Ltmp2, $1  }
0x33: {  	_ =	sdelay $0x3  }
0x34: {  	s17 =	simm.s32 $0x1  }
0x35: {  	_ =	swait.ge [sflag:s6], $0x4000;
	s17 =	simm.s32 @!p0 $0x0  }
0x36: {  	[sflag:s6] =	ssyncset.done $0x0;
	s18 =	sshll.u32 s17, $0xE  }
0x37: {  	[sflag:s6] =	ssyncadd.s32 $0xFFFFC000;
	s19 =	sor.u32 $0x40, s18  }
0x38: {  	s17 =	smul.u32 $0x10200, s17;
	v0 =	vld [tilespmem:s19+$0x30]  }
0x39: {  	v3 =	vld [tilespmem:s19+$0xFFFFFFD0]  }
0x3a: {  	s17 =	sshrl.u32 s17, $0x2;
	v4 =	vld [tilespmem:s19+$0xFFFFFFE0]  }
0x3b: {  	v5 =	vld [tilespmem:s19+$0xFFFFFFF0];
	s18 =	sor.u32 $0x8000, s17  }
0x3c: {  	s31 =	sand.u32 $0x1, s13;
	v1 =	vld [tilespmem:s19+$0x0];
	s20 =	sadd.s32 $0x0, s18  }
0x3d: {  	v2 =	vld [tilespmem:s19+$0x10];
	s17 =	smul.u32 $0x10200, s31;
	[tilespmem:s20+$0x3870 ss:$0x81] =	vst.msk $0xffff, v0  }
0x3e: {  	[tilespmem:s20+$0x810 ss:$0x81] =	vst.msk $0xffff, v3;
	v3 =	vld [tilespmem:s19+$0x20]  }
0x3f: {  	s17 =	sshrl.u32 s17, $0x2;
	v0 =	vld [tilespmem:s19+$0xFFFFFFC0];
	[tilespmem:s20+$0x1020 ss:$0x81] =	vst.msk $0xffff, v4;
	s19 =	sadd.s32 $0x80, s19  }
0x40: {  	s21 =	simm.s32 $0x4;
	s22 =	simm.s32 $0x8;
	s17 =	sor.u32 $0x8000, s17;
	[tilespmem:s20+$0x1830 ss:$0x81] =	vst.msk $0xffff, v5;
	v4 =	vld [tilespmem:s19+$0x30]  }
.LBB1_3:
0x41: {  	p1 =	sne.s32 s22, $0x1FC;
	v5 =	vld [tilespmem:s19+$0xFFFFFFD0];
	[tilespmem:s20+$0x2040 ss:$0x81] =	vst.msk $0xffff, v1  }
0x42: {  	v6 =	vld [tilespmem:s19+$0xFFFFFFE0];
	[tilespmem:s20+$0x2850 ss:$0x81] =	vst.msk $0xffff, v2  }
0x43: {  	s23 =	sshra.s32 s21, $0x2;
	s21 =	smov.u32 s22;
	v7 =	vld [tilespmem:s19+$0xFFFFFFF0];
	[tilespmem:s20+$0x3060 ss:$0x81] =	vst.msk $0xffff, v3  }
.Ltmp3:
0x44: {  	v1 =	vld [tilespmem:s19+$0x0];
	[tilespmem:s20+$0x0 ss:$0x81] =	vst.msk $0xffff, v0;
	s20 =	sadd.s32 s23, s18;
	(pc) =	sbr.rel @p1 .LBB1_3-.Ltmp3, $4  }
0x45: {  	v2 =	vld [tilespmem:s19+$0x10];
	[tilespmem:s20+$0x3870 ss:$0x81] =	vst.msk $0xffff, v4  }
0x46: {  	[tilespmem:s20+$0x810 ss:$0x81] =	vst.msk $0xffff, v5;
	v3 =	vld [tilespmem:s19+$0x20]  }
0x47: {  	v0 =	vld [tilespmem:s19+$0xFFFFFFC0];
	[tilespmem:s20+$0x1020 ss:$0x81] =	vst.msk $0xffff, v6;
	s19 =	sadd.s32 $0x80, s19  }
0x48: {  	s22 =	sadd.s32 $0x4, s22;
	v4 =	vld [tilespmem:s19+$0x30];
	[tilespmem:s20+$0x1830 ss:$0x81] =	vst.msk $0xffff, v7  }
.Ltmp4:
0x49: {  	_ = 	snop;
	(pc) =	sbr.rel .LBB1_4-.Ltmp4, $1  }
0x4a: {  	_ =	sdelay $0x3  }
.LBB1_6:
0x4b: {  	_ =	sfence.sel $0x180000  }
0x4c: {  	s2 =	simm.s32 $0x1;
	[bflag:$0x0] =	sbarrier.arrive $0xFFFF  }
0x4d: {  	s31 =	simm.s32 $0x2;
	[sflag:s2] =	ssyncpa.u1 $0x1  }
0x4e: {  	[sflag:s31] =	ssyncpa.u1 $0x1  }
0x4f: {  	p0 =	sne.s32 s0, $0x0;
	_ =	strace $0x90000050  }
0x50: {  	s0 =	sadd.s32 @!p0 $0x100000, s1;
	[bflag:$0x2] =	sbarrier.arrive $0xFFFF  }
0x51: {  	[sflag:s0] =	ssyncadd.tile.s32 @!p0 $0x1;
	_ =	shalt  }
.Lfunc_end1:
_tile_overlayer_lowered:
.L_overlay_start_2:
0x52: {  	(tag) =	ssettag $0x2  }
0x53: {  	s0 =	rddreg [dreg:$0x0];
	s2 =	stileid.u32  }
0x54: {  	s1 =	rddreg [dreg:$0x1];
	p0 =	sne.s32 s2, $0x0  }
0x55: {  	s3 =	rddreg [dreg:$0x2];
	[bflag:$0x3] =	sbarrier.arrive $0xFFFF;
	s2 =	simm.s32 @!p0 $0x1C01  }
0x56: {  	[timem:s3], [sflag:s2] =	dma.local @!p0 [hbm:s0], s1  }
0x57: {  	s0 =	simm.s32 @!p0 $0x1  }
0x58: {  	_ =	swait.ge @!p0 [sflag:s0], s1  }
0x59: {  	s1 =	ssub.s32 @!p0 $0x0, s1;
	[sflag:s0] =	ssyncset.done @!p0 $0x0  }
0x5a: {  	[sflag:s0] =	ssyncadd.s32 @!p0 s1  }
0x5b: {  	[bflag:$0x3] =	sbarrier.arrive $0xFFFF  }
0x5c: {  	_ =	shalt  }

</sc_bundles>
